<compile_context>
chip_gen: v7x
topology: tpu7x:2x2x1
jax: 0.10.2.dev20260603
libtpu: 0.0.44.dev20260713+nightly
codegen_flags: <defaults>
</compile_context>

<pallas_src>
import functools

import jax
import jax.numpy as jnp
from jax import lax
from jax.experimental import pallas as pl
from jax.experimental.pallas import tpu as pltpu
from jax.experimental.pallas import tpu_sc as plsc

B = 16384
M_DIM = 9
C = 32
NNZ = 90
SEG_LENS = (6, 8, 10, 12, 10, 12, 10, 12, 10)
L = 16
NH = C // L
NC, NS = 2, 16
NW = NC * NS
BPW = B // NW
NB = 128
NCHUNK = BPW // NB
NNZ_PAD = 96
NP = M_DIM * M_DIM


def _body(x1_hbm, x2_hbm, fp_hbm, cg_hbm, out_hbm,
          x1c, x2c, outc, pt, fpv, cgv):
    wid = lax.axis_index("s") * NC + lax.axis_index("c")
    base = wid * BPW

    pltpu.sync_copy(fp_hbm, fpv)
    pltpu.sync_copy(cg_hbm, cgv)

    nvec = NNZ_PAD // L
    fp_vecs = [fpv[pl.ds(j * L, L)] for j in range(nvec)]
    cg_vecs = [cgv[pl.ds(j * L, L)] for j in range(nvec)]
    fps = [fp_vecs[k // L][k % L] for k in range(NNZ)]
    cgs = [cg_vecs[k // L][k % L] for k in range(NNZ)]

    def chunk_body(ci, carry):
        b0 = base + ci * NB
        pltpu.sync_copy(x1_hbm.at[pl.ds(b0, NB)], x1c)
        pltpu.sync_copy(x2_hbm.at[pl.ds(b0, NB)], x2c)

        def batch_body(b, carry2):
            for h in range(NH):
                x2r = [x2c[b, j, pl.ds(h * L, L)] for j in range(M_DIM)]
                for i in range(M_DIM):
                    x1r = x1c[b, i, pl.ds(h * L, L)]
                    for j in range(M_DIM):
                        pt[(i * M_DIM + j) * NH + h, :] = x1r * x2r[j]
            for h in range(NH):
                k = 0
                for m in range(M_DIM):
                    acc = None
                    for _ in range(SEG_LENS[m]):
                        t = pt[fps[k] + h, :] * cgs[k]
                        acc = t if acc is None else acc + t
                        k += 1
                    outc[b, m, pl.ds(h * L, L)] = acc
            return carry2

        lax.fori_loop(0, NB, batch_body, 0)
        pltpu.sync_copy(outc, out_hbm.at[pl.ds(b0, NB)])
        return carry

    lax.fori_loop(0, NCHUNK, chunk_body, 0)


@jax.jit
def _run(x1, x2, fp, cg):
    mesh = plsc.VectorSubcoreMesh(
        core_axis_name="c", subcore_axis_name="s",
        num_cores=NC, num_subcores=NS)
    f = pl.kernel(
        _body,
        out_type=jax.ShapeDtypeStruct((B, M_DIM, C), jnp.float32),
        mesh=mesh,
        compiler_params=pltpu.CompilerParams(use_tc_tiling_on_sc=False),
        scratch_types=[
            pltpu.VMEM((NB, M_DIM, C), jnp.float32),
            pltpu.VMEM((NB, M_DIM, C), jnp.float32),
            pltpu.VMEM((NB, M_DIM, C), jnp.float32),
            pltpu.VMEM((NP * NH, L), jnp.float32),
            pltpu.VMEM((NNZ_PAD,), jnp.int32),
            pltpu.VMEM((NNZ_PAD,), jnp.float32),
        ],
    )
    return f(x1, x2, fp, cg)


def kernel(x1, x2, CG_vals, M1, M2, M_ptr):
    del M_ptr
    pad = NNZ_PAD - NNZ
    fp = jnp.pad((M1.astype(jnp.int32) * M_DIM + M2.astype(jnp.int32)) * NH,
                 (0, pad))
    cg = jnp.pad(CG_vals, (0, pad))
    return _run(x1, x2, fp, cg)

# --- scband reference (transcript-rebuilt; emitter-appended) ---
"""Pipeline reference for scband-tensor-product-13254269075605 (READ-ONLY COPY).

The authoritative reference and input builder live on the scoring server;
editing this copy changes nothing except your own understanding.
"""

import jax, jax.numpy as jnp
import numpy as np

B = 16384      # batch of nodes/samples
M_DIM = 9      # (L+1)^2 spherical components for L=(0,2)
C = 32         # channels
# Synthetic Clebsch-Gordan sparsity structure: per-output-component path counts.
SEG_LENS = np.array([6, 8, 10, 12, 10, 12, 10, 12, 10], dtype=np.int64)
NNZ = int(SEG_LENS.sum())  # 90 nonzero CG paths
M_PTR_NP = np.concatenate([np.zeros(1, dtype=np.int64), np.cumsum(SEG_LENS)]).astype(np.int32)


def setup_inputs(seed: int = 0) -> dict:
    key = jax.random.key(seed)
    k1, k2, k3, k4, k5 = jax.random.split(key, 5)
    x1 = jax.random.normal(k1, (B, M_DIM, C), dtype=jnp.float32)
    x2 = jax.random.normal(k2, (B, M_DIM, C), dtype=jnp.float32)
    # Buffers registered in __init__ (CG coo structure), materialized here:
    M1 = jax.random.randint(k3, (NNZ,), 0, M_DIM, dtype=jnp.int32)
    M2 = jax.random.randint(k4, (NNZ,), 0, M_DIM, dtype=jnp.int32)
    CG_vals = jax.random.normal(k5, (NNZ,), dtype=jnp.float32) * 0.5
    M_ptr = jnp.asarray(M_PTR_NP)
    return {"x1": x1, "x2": x2, "CG_vals": CG_vals, "M1": M1, "M2": M2, "M_ptr": M_ptr}


def reference(x1, x2, CG_vals, M1, M2, M_ptr):
    # x1: [B, M_dim, C], x2: [B, M_dim, C]
    g1 = jnp.take(x1, M1, axis=-2)            # [B, NNZ, C] gather
    g2 = jnp.take(x2, M2, axis=-2)            # [B, NNZ, C] gather
    inter = g2 * g1 * CG_vals[None, :, None]  # elementwise * CG coefficient
    # segment(inter, M_ptr): ptr-based segment sum over the NNZ axis -> M_out components
    seg_lens = M_ptr[1:] - M_ptr[:-1]
    num_segments = M_ptr.shape[0] - 1
    seg_ids = jnp.repeat(jnp.arange(num_segments, dtype=jnp.int32), seg_lens, total_repeat_length=NNZ)
    moved = jnp.swapaxes(inter, 0, 1)         # [NNZ, B, C]
    out = jax.ops.segment_sum(moved, seg_ids, num_segments=num_segments)  # [M_out, B, C]
    return jnp.swapaxes(out, 0, 1)            # [B, M_out, C]

if __name__ == "__main__":
    import jax
    _d = setup_inputs()
    print(jax.jit(kernel)(*tuple(_d.values())))

</pallas_src>

<mosaic_0001>
#map = affine_map<(d0, d1) -> (0, 0, 0)>
#map1 = affine_map<(d0, d1) -> (0)>
module attributes {stable_mosaic.version = 14 : i64} {
  func.func @_body(%arg0: i32, %arg1: i32, %arg2: memref<16384x9x32xf32, #tpu.memory_space<hbm>>, %arg3: memref<16384x9x32xf32, #tpu.memory_space<hbm>>, %arg4: memref<96xi32, #tpu.memory_space<hbm>>, %arg5: memref<96xf32, #tpu.memory_space<hbm>>, %arg6: memref<16384x9x32xf32, #tpu.memory_space<hbm>>, %arg7: memref<128x9x32xf32, #tpu.memory_space<vmem>>, %arg8: memref<128x9x32xf32, #tpu.memory_space<vmem>>, %arg9: memref<128x9x32xf32, #tpu.memory_space<vmem>>, %arg10: memref<162x16xf32, #tpu.memory_space<vmem>>, %arg11: memref<96xi32, #tpu.memory_space<vmem>>, %arg12: memref<96xf32, #tpu.memory_space<vmem>>) attributes {dimension_semantics = [#tpu.dimension_semantics<core_parallel>, #tpu.dimension_semantics<subcore_parallel>], iteration_bounds = array<i64: 2, 16>, scalar_prefetch = 0 : i64, scratch_operands = 6 : i64, tpu.core_type = #tpu.core_type<sc_vector_subcore>, window_params = [{transform_indices = #map}, {transform_indices = #map}, {transform_indices = #map1}, {transform_indices = #map1}, {transform_indices = #map}]} {
    %mul3A = arith.constant 2 : i32
    %mul3A_0 = arith.muli %arg1, %mul3A : i32
    %add3A = arith.addi %mul3A_0, %arg0 : i32
    %mul3A_1 = arith.constant 512 : i32
    %mul3A_2 = arith.muli %add3A, %mul3A_1 : i32
    "tpu.region"() ({
      %run_scoped3A = tpu.sem_alloc : memref<!tpu.dma_semaphore, #tpu.memory_space<semaphore_mem>>
      tpu.enqueue_dma source(%arg4 : memref<96xi32, #tpu.memory_space<hbm>>) target(%arg11 : memref<96xi32, #tpu.memory_space<vmem>>) target_semaphore(%run_scoped3A : memref<!tpu.dma_semaphore, #tpu.memory_space<semaphore_mem>>)
      tpu.wait_dma2 semaphore(%run_scoped3A : memref<!tpu.dma_semaphore, #tpu.memory_space<semaphore_mem>>) src(%arg4 : memref<96xi32, #tpu.memory_space<hbm>>) dst(%arg11 : memref<96xi32, #tpu.memory_space<vmem>>)
      tpu.yield
    }) : () -> ()
    "tpu.region"() ({
      %run_scoped3A = tpu.sem_alloc : memref<!tpu.dma_semaphore, #tpu.memory_space<semaphore_mem>>
      tpu.enqueue_dma source(%arg5 : memref<96xf32, #tpu.memory_space<hbm>>) target(%arg12 : memref<96xf32, #tpu.memory_space<vmem>>) target_semaphore(%run_scoped3A : memref<!tpu.dma_semaphore, #tpu.memory_space<semaphore_mem>>)
      tpu.wait_dma2 semaphore(%run_scoped3A : memref<!tpu.dma_semaphore, #tpu.memory_space<semaphore_mem>>) src(%arg5 : memref<96xf32, #tpu.memory_space<hbm>>) dst(%arg12 : memref<96xf32, #tpu.memory_space<vmem>>)
      tpu.yield
    }) : () -> ()
    %get3A = arith.constant 0 : index
    %get3A_3 = tpu.vector_load %arg11[%get3A] {strides = array<i32>} : memref<96xi32, #tpu.memory_space<vmem>>, vector<16xi32>,
    %get3A_4 = vector.shape_cast %get3A_3 : vector<16xi32> to vector<16xi32>
    %get3A_5 = arith.constant 16 : index
    %get3A_6 = tpu.vector_load %arg11[%get3A_5] {strides = array<i32>} : memref<96xi32, #tpu.memory_space<vmem>>, vector<16xi32>,
    %get3A_7 = vector.shape_cast %get3A_6 : vector<16xi32> to vector<16xi32>
    %get3A_8 = arith.constant 32 : index
    %get3A_9 = tpu.vector_load %arg11[%get3A_8] {strides = array<i32>} : memref<96xi32, #tpu.memory_space<vmem>>, vector<16xi32>,
    %get3A_10 = vector.shape_cast %get3A_9 : vector<16xi32> to vector<16xi32>
    %get3A_11 = arith.constant 48 : index
    %get3A_12 = tpu.vector_load %arg11[%get3A_11] {strides = array<i32>} : memref<96xi32, #tpu.memory_space<vmem>>, vector<16xi32>,
    %get3A_13 = vector.shape_cast %get3A_12 : vector<16xi32> to vector<16xi32>
    %get3A_14 = arith.constant 64 : index
    %get3A_15 = tpu.vector_load %arg11[%get3A_14] {strides = array<i32>} : memref<96xi32, #tpu.memory_space<vmem>>, vector<16xi32>,
    %get3A_16 = vector.shape_cast %get3A_15 : vector<16xi32> to vector<16xi32>
    %get3A_17 = arith.constant 80 : index
    %get3A_18 = tpu.vector_load %arg11[%get3A_17] {strides = array<i32>} : memref<96xi32, #tpu.memory_space<vmem>>, vector<16xi32>,
    %get3A_19 = vector.shape_cast %get3A_18 : vector<16xi32> to vector<16xi32>
    %get3A_20 = arith.constant 0 : index
    %get3A_21 = tpu.vector_load %arg12[%get3A_20] {strides = array<i32>} : memref<96xf32, #tpu.memory_space<vmem>>, vector<16xf32>,
    %get3A_22 = vector.shape_cast %get3A_21 : vector<16xf32> to vector<16xf32>
    %get3A_23 = arith.constant 16 : index
    %get3A_24 = tpu.vector_load %arg12[%get3A_23] {strides = array<i32>} : memref<96xf32, #tpu.memory_space<vmem>>, vector<16xf32>,
    %get3A_25 = vector.shape_cast %get3A_24 : vector<16xf32> to vector<16xf32>
    %get3A_26 = arith.constant 32 : index
    %get3A_27 = tpu.vector_load %arg12[%get3A_26] {strides = array<i32>} : memref<96xf32, #tpu.memory_space<vmem>>, vector<16xf32>,
    %get3A_28 = vector.shape_cast %get3A_27 : vector<16xf32> to vector<16xf32>
    %get3A_29 = arith.constant 48 : index
    %get3A_30 = tpu.vector_load %arg12[%get3A_29] {strides = array<i32>} : memref<96xf32, #tpu.memory_space<vmem>>, vector<16xf32>,
    %get3A_31 = vector.shape_cast %get3A_30 : vector<16xf32> to vector<16xf32>
    %get3A_32 = arith.constant 64 : index
    %get3A_33 = tpu.vector_load %arg12[%get3A_32] {strides = array<i32>} : memref<96xf32, #tpu.memory_space<vmem>>, vector<16xf32>,
    %get3A_34 = vector.shape_cast %get3A_33 : vector<16xf32> to vector<16xf32>
    %get3A_35 = arith.constant 80 : index
    %get3A_36 = tpu.vector_load %arg12[%get3A_35] {strides = array<i32>} : memref<96xf32, #tpu.memory_space<vmem>>, vector<16xf32>,
    %get3A_37 = vector.shape_cast %get3A_36 : vector<16xf32> to vector<16xf32>
    %slice3A = vector.extract_strided_slice %get3A_4 {offsets = [0], sizes = [1], strides = [1]} : vector<16xi32> to vector<1xi32>
    %squeeze3A = vector.extract %slice3A[0] : i32 from vector<1xi32>
    %slice3A_38 = vector.extract_strided_slice %get3A_4 {offsets = [1], sizes = [1], strides = [1]} : vector<16xi32> to vector<1xi32>
    %squeeze3A_39 = vector.extract %slice3A_38[0] : i32 from vector<1xi32>
    %slice3A_40 = vector.extract_strided_slice %get3A_4 {offsets = [2], sizes = [1], strides = [1]} : vector<16xi32> to vector<1xi32>
    %squeeze3A_41 = vector.extract %slice3A_40[0] : i32 from vector<1xi32>
    %slice3A_42 = vector.extract_strided_slice %get3A_4 {offsets = [3], sizes = [1], strides = [1]} : vector<16xi32> to vector<1xi32>
    %squeeze3A_43 = vector.extract %slice3A_42[0] : i32 from vector<1xi32>
    %slice3A_44 = vector.extract_strided_slice %get3A_4 {offsets = [4], sizes = [1], strides = [1]} : vector<16xi32> to vector<1xi32>
    %squeeze3A_45 = vector.extract %slice3A_44[0] : i32 from vector<1xi32>
    %slice3A_46 = vector.extract_strided_slice %get3A_4 {offsets = [5], sizes = [1], strides = [1]} : vector<16xi32> to vector<1xi32>
    %squeeze3A_47 = vector.extract %slice3A_46[0] : i32 from vector<1xi32>
    %slice3A_48 = vector.extract_strided_slice %get3A_4 {offsets = [6], sizes = [1], strides = [1]} : vector<16xi32> to vector<1xi32>
    %squeeze3A_49 = vector.extract %slice3A_48[0] : i32 from vector<1xi32>
    %slice3A_50 = vector.extract_strided_slice %get3A_4 {offsets = [7], sizes = [1], strides = [1]} : vector<16xi32> to vector<1xi32>
    %squeeze3A_51 = vector.extract %slice3A_50[0] : i32 from vector<1xi32>
    %slice3A_52 = vector.extract_strided_slice %get3A_4 {offsets = [8], sizes = [1], strides = [1]} : vector<16xi32> to vector<1xi32>
    %squeeze3A_53 = vector.extract %slice3A_52[0] : i32 from vector<1xi32>
    %slice3A_54 = vector.extract_strided_slice %get3A_4 {offsets = [9], sizes = [1], strides = [1]} : vector<16xi32> to vector<1xi32>
    %squeeze3A_55 = vector.extract %slice3A_54[0] : i32 from vector<1xi32>
    %slice3A_56 = vector.extract_strided_slice %get3A_4 {offsets = [10], sizes = [1], strides = [1]} : vector<16xi32> to vector<1xi32>
    %squeeze3A_57 = vector.extract %slice3A_56[0] : i32 from vector<1xi32>
    %slice3A_58 = vector.extract_strided_slice %get3A_4 {offsets = [11], sizes = [1], strides = [1]} : vector<16xi32> to vector<1xi32>
    %squeeze3A_59 = vector.extract %slice3A_58[0] : i32 from vector<1xi32>
    %slice3A_60 = vector.extract_strided_slice %get3A_4 {offsets = [12], sizes = [1], strides = [1]} : vector<16xi32> to vector<1xi32>
    %squeeze3A_61 = vector.extract %slice3A_60[0] : i32 from vector<1xi32>
    %slice3A_62 = vector.extract_strided_slice %get3A_4 {offsets = [13], sizes = [1], strides = [1]} : vector<16xi32> to vector<1xi32>
    %squeeze3A_63 = vector.extract %slice3A_62[0] : i32 from vector<1xi32>
    %slice3A_64 = vector.extract_strided_slice %get3A_4 {offsets = [14], sizes = [1], strides = [1]} : vector<16xi32> to vector<1xi32>
    %squeeze3A_65 = vector.extract %slice3A_64[0] : i32 from vector<1xi32>
    %slice3A_66 = vector.extract_strided_slice %get3A_4 {offsets = [15], sizes = [1], strides = [1]} : vector<16xi32> to vector<1xi32>
    %squeeze3A_67 = vector.extract %slice3A_66[0] : i32 from vector<1xi32>
    %slice3A_68 = vector.extract_strided_slice %get3A_7 {offsets = [0], sizes = [1], strides = [1]} : vector<16xi32> to vector<1xi32>
    %squeeze3A_69 = vector.extract %slice3A_68[0] : i32 from vector<1xi32>
    %slice3A_70 = vector.extract_strided_slice %get3A_7 {offsets = [1], sizes = [1], strides = [1]} : vector<16xi32> to vector<1xi32>
    %squeeze3A_71 = vector.extract %slice3A_70[0] : i32 from vector<1xi32>
    %slice3A_72 = vector.extract_strided_slice %get3A_7 {offsets = [2], sizes = [1], strides = [1]} : vector<16xi32> to vector<1xi32>
    %squeeze3A_73 = vector.extract %slice3A_72[0] : i32 from vector<1xi32>
    %slice3A_74 = vector.extract_strided_slice %get3A_7 {offsets = [3], sizes = [1], strides = [1]} : vector<16xi32> to vector<1xi32>
    %squeeze3A_75 = vector.extract %slice3A_74[0] : i32 from vector<1xi32>
    %slice3A_76 = vector.extract_strided_slice %get3A_7 {offsets = [4], sizes = [1], strides = [1]} : vector<16xi32> to vector<1xi32>
    %squeeze3A_77 = vector.extract %slice3A_76[0] : i32 from vector<1xi32>
    %slice3A_78 = vector.extract_strided_slice %get3A_7 {offsets = [5], sizes = [1], strides = [1]} : vector<16xi32> to vector<1xi32>
    %squeeze3A_79 = vector.extract %slice3A_78[0] : i32 from vector<1xi32>
    %slice3A_80 = vector.extract_strided_slice %get3A_7 {offsets = [6], sizes = [1], strides = [1]} : vector<16xi32> to vector<1xi32>
    %squeeze3A_81 = vector.extract %slice3A_80[0] : i32 from vector<1xi32>
    %slice3A_82 = vector.extract_strided_slice %get3A_7 {offsets = [7], sizes = [1], strides = [1]} : vector<16xi32> to vector<1xi32>
    %squeeze3A_83 = vector.extract %slice3A_82[0] : i32 from vector<1xi32>
    %slice3A_84 = vector.extract_strided_slice %get3A_7 {offsets = [8], sizes = [1], strides = [1]} : vector<16xi32> to vector<1xi32>
    %squeeze3A_85 = vector.extract %slice3A_84[0] : i32 from vector<1xi32>
    %slice3A_86 = vector.extract_strided_slice %get3A_7 {offsets = [9], sizes = [1], strides = [1]} : vector<16xi32> to vector<1xi32>
    %squeeze3A_87 = vector.extract %slice3A_86[0] : i32 from vector<1xi32>
    %slice3A_88 = vector.extract_strided_slice %get3A_7 {offsets = [10], sizes = [1], strides = [1]} : vector<16xi32> to vector<1xi32>
    %squeeze3A_89 = vector.extract %slice3A_88[0] : i32 from vector<1xi32>
    %slice3A_90 = vector.extract_strided_slice %get3A_7 {offsets = [11], sizes = [1], strides = [1]} : vector<16xi32> to vector<1xi32>
    %squeeze3A_91 = vector.extract %slice3A_90[0] : i32 from vector<1xi32>
    %slice3A_92 = vector.extract_strided_slice %get3A_7 {offsets = [12], sizes = [1], strides = [1]} : vector<16xi32> to vector<1xi32>
    %squeeze3A_93 = vector.extract %slice3A_92[0] : i32 from vector<1xi32>
    %slice3A_94 = vector.extract_strided_slice %get3A_7 {offsets = [13], sizes = [1], strides = [1]} : vector<16xi32> to vector<1xi32>
    %squeeze3A_95 = vector.extract %slice3A_94[0] : i32 from vector<1xi32>
    %slice3A_96 = vector.extract_strided_slice %get3A_7 {offsets = [14], sizes = [1], strides = [1]} : vector<16xi32> to vector<1xi32>
    %squeeze3A_97 = vector.extract %slice3A_96[0] : i32 from vector<1xi32>
    %slice3A_98 = vector.extract_strided_slice %get3A_7 {offsets = [15], sizes = [1], strides = [1]} : vector<16xi32> to vector<1xi32>
    %squeeze3A_99 = vector.extract %slice3A_98[0] : i32 from vector<1xi32>
    %slice3A_100 = vector.extract_strided_slice %get3A_10 {offsets = [0], sizes = [1], strides = [1]} : vector<16xi32> to vector<1xi32>
    %squeeze3A_101 = vector.extract %slice3A_100[0] : i32 from vector<1xi32>
    %slice3A_102 = vector.extract_strided_slice %get3A_10 {offsets = [1], sizes = [1], strides = [1]} : vector<16xi32> to vector<1xi32>
    %squeeze3A_103 = vector.extract %slice3A_102[0] : i32 from vector<1xi32>
    %slice3A_104 = vector.extract_strided_slice %get3A_10 {offsets = [2], sizes = [1], strides = [1]} : vector<16xi32> to vector<1xi32>
    %squeeze3A_105 = vector.extract %slice3A_104[0] : i32 from vector<1xi32>
    %slice3A_106 = vector.extract_strided_slice %get3A_10 {offsets = [3], sizes = [1], strides = [1]} : vector<16xi32> to vector<1xi32>
    %squeeze3A_107 = vector.extract %slice3A_106[0] : i32 from vector<1xi32>
    %slice3A_108 = vector.extract_strided_slice %get3A_10 {offsets = [4], sizes = [1], strides = [1]} : vector<16xi32> to vector<1xi32>
    %squeeze3A_109 = vector.extract %slice3A_108[0] : i32 from vector<1xi32>
    %slice3A_110 = vector.extract_strided_slice %get3A_10 {offsets = [5], sizes = [1], strides = [1]} : vector<16xi32> to vector<1xi32>
    %squeeze3A_111 = vector.extract %slice3A_110[0] : i32 from vector<1xi32>
    %slice3A_112 = vector.extract_strided_slice %get3A_10 {offsets = [6], sizes = [1], strides = [1]} : vector<16xi32> to vector<1xi32>
    %squeeze3A_113 = vector.extract %slice3A_112[0] : i32 from vector<1xi32>
    %slice3A_114 = vector.extract_strided_slice %get3A_10 {offsets = [7], sizes = [1], strides = [1]} : vector<16xi32> to vector<1xi32>
    %squeeze3A_115 = vector.extract %slice3A_114[0] : i32 from vector<1xi32>
    %slice3A_116 = vector.extract_strided_slice %get3A_10 {offsets = [8], sizes = [1], strides = [1]} : vector<16xi32> to vector<1xi32>
    %squeeze3A_117 = vector.extract %slice3A_116[0] : i32 from vector<1xi32>
    %slice3A_118 = vector.extract_strided_slice %get3A_10 {offsets = [9], sizes = [1], strides = [1]} : vector<16xi32> to vector<1xi32>
    %squeeze3A_119 = vector.extract %slice3A_118[0] : i32 from vector<1xi32>
    %slice3A_120 = vector.extract_strided_slice %get3A_10 {offsets = [10], sizes = [1], strides = [1]} : vector<16xi32> to vector<1xi32>
    %squeeze3A_121 = vector.extract %slice3A_120[0] : i32 from vector<1xi32>
    %slice3A_122 = vector.extract_strided_slice %get3A_10 {offsets = [11], sizes = [1], strides = [1]} : vector<16xi32> to vector<1xi32>
    %squeeze3A_123 = vector.extract %slice3A_122[0] : i32 from vector<1xi32>
    %slice3A_124 = vector.extract_strided_slice %get3A_10 {offsets = [12], sizes = [1], strides = [1]} : vector<16xi32> to vector<1xi32>
    %squeeze3A_125 = vector.extract %slice3A_124[0] : i32 from vector<1xi32>
    %slice3A_126 = vector.extract_strided_slice %get3A_10 {offsets = [13], sizes = [1], strides = [1]} : vector<16xi32> to vector<1xi32>
    %squeeze3A_127 = vector.extract %slice3A_126[0] : i32 from vector<1xi32>
    %slice3A_128 = vector.extract_strided_slice %get3A_10 {offsets = [14], sizes = [1], strides = [1]} : vector<16xi32> to vector<1xi32>
    %squeeze3A_129 = vector.extract %slice3A_128[0] : i32 from vector<1xi32>
    %slice3A_130 = vector.extract_strided_slice %get3A_10 {offsets = [15], sizes = [1], strides = [1]} : vector<16xi32> to vector<1xi32>
    %squeeze3A_131 = vector.extract %slice3A_130[0] : i32 from vector<1xi32>
    %slice3A_132 = vector.extract_strided_slice %get3A_13 {offsets = [0], sizes = [1], strides = [1]} : vector<16xi32> to vector<1xi32>
    %squeeze3A_133 = vector.extract %slice3A_132[0] : i32 from vector<1xi32>
    %slice3A_134 = vector.extract_strided_slice %get3A_13 {offsets = [1], sizes = [1], strides = [1]} : vector<16xi32> to vector<1xi32>
    %squeeze3A_135 = vector.extract %slice3A_134[0] : i32 from vector<1xi32>
    %slice3A_136 = vector.extract_strided_slice %get3A_13 {offsets = [2], sizes = [1], strides = [1]} : vector<16xi32> to vector<1xi32>
    %squeeze3A_137 = vector.extract %slice3A_136[0] : i32 from vector<1xi32>
    %slice3A_138 = vector.extract_strided_slice %get3A_13 {offsets = [3], sizes = [1], strides = [1]} : vector<16xi32> to vector<1xi32>
    %squeeze3A_139 = vector.extract %slice3A_138[0] : i32 from vector<1xi32>
    %slice3A_140 = vector.extract_strided_slice %get3A_13 {offsets = [4], sizes = [1], strides = [1]} : vector<16xi32> to vector<1xi32>
    %squeeze3A_141 = vector.extract %slice3A_140[0] : i32 from vector<1xi32>
    %slice3A_142 = vector.extract_strided_slice %get3A_13 {offsets = [5], sizes = [1], strides = [1]} : vector<16xi32> to vector<1xi32>
    %squeeze3A_143 = vector.extract %slice3A_142[0] : i32 from vector<1xi32>
    %slice3A_144 = vector.extract_strided_slice %get3A_13 {offsets = [6], sizes = [1], strides = [1]} : vector<16xi32> to vector<1xi32>
    %squeeze3A_145 = vector.extract %slice3A_144[0] : i32 from vector<1xi32>
    %slice3A_146 = vector.extract_strided_slice %get3A_13 {offsets = [7], sizes = [1], strides = [1]} : vector<16xi32> to vector<1xi32>
    %squeeze3A_147 = vector.extract %slice3A_146[0] : i32 from vector<1xi32>
    %slice3A_148 = vector.extract_strided_slice %get3A_13 {offsets = [8], sizes = [1], strides = [1]} : vector<16xi32> to vector<1xi32>
    %squeeze3A_149 = vector.extract %slice3A_148[0] : i32 from vector<1xi32>
    %slice3A_150 = vector.extract_strided_slice %get3A_13 {offsets = [9], sizes = [1], strides = [1]} : vector<16xi32> to vector<1xi32>
    %squeeze3A_151 = vector.extract %slice3A_150[0] : i32 from vector<1xi32>
    %slice3A_152 = vector.extract_strided_slice %get3A_13 {offsets = [10], sizes = [1], strides = [1]} : vector<16xi32> to vector<1xi32>
    %squeeze3A_153 = vector.extract %slice3A_152[0] : i32 from vector<1xi32>
    %slice3A_154 = vector.extract_strided_slice %get3A_13 {offsets = [11], sizes = [1], strides = [1]} : vector<16xi32> to vector<1xi32>
    %squeeze3A_155 = vector.extract %slice3A_154[0] : i32 from vector<1xi32>
    %slice3A_156 = vector.extract_strided_slice %get3A_13 {offsets = [12], sizes = [1], strides = [1]} : vector<16xi32> to vector<1xi32>
    %squeeze3A_157 = vector.extract %slice3A_156[0] : i32 from vector<1xi32>
    %slice3A_158 = vector.extract_strided_slice %get3A_13 {offsets = [13], sizes = [1], strides = [1]} : vector<16xi32> to vector<1xi32>
    %squeeze3A_159 = vector.extract %slice3A_158[0] : i32 from vector<1xi32>
    %slice3A_160 = vector.extract_strided_slice %get3A_13 {offsets = [14], sizes = [1], strides = [1]} : vector<16xi32> to vector<1xi32>
    %squeeze3A_161 = vector.extract %slice3A_160[0] : i32 from vector<1xi32>
    %slice3A_162 = vector.extract_strided_slice %get3A_13 {offsets = [15], sizes = [1], strides = [1]} : vector<16xi32> to vector<1xi32>
    %squeeze3A_163 = vector.extract %slice3A_162[0] : i32 from vector<1xi32>
    %slice3A_164 = vector.extract_strided_slice %get3A_16 {offsets = [0], sizes = [1], strides = [1]} : vector<16xi32> to vector<1xi32>
    %squeeze3A_165 = vector.extract %slice3A_164[0] : i32 from vector<1xi32>
    %slice3A_166 = vector.extract_strided_slice %get3A_16 {offsets = [1], sizes = [1], strides = [1]} : vector<16xi32> to vector<1xi32>
    %squeeze3A_167 = vector.extract %slice3A_166[0] : i32 from vector<1xi32>
    %slice3A_168 = vector.extract_strided_slice %get3A_16 {offsets = [2], sizes = [1], strides = [1]} : vector<16xi32> to vector<1xi32>
    %squeeze3A_169 = vector.extract %slice3A_168[0] : i32 from vector<1xi32>
    %slice3A_170 = vector.extract_strided_slice %get3A_16 {offsets = [3], sizes = [1], strides = [1]} : vector<16xi32> to vector<1xi32>
    %squeeze3A_171 = vector.extract %slice3A_170[0] : i32 from vector<1xi32>
    %slice3A_172 = vector.extract_strided_slice %get3A_16 {offsets = [4], sizes = [1], strides = [1]} : vector<16xi32> to vector<1xi32>
    %squeeze3A_173 = vector.extract %slice3A_172[0] : i32 from vector<1xi32>
    %slice3A_174 = vector.extract_strided_slice %get3A_16 {offsets = [5], sizes = [1], strides = [1]} : vector<16xi32> to vector<1xi32>
    %squeeze3A_175 = vector.extract %slice3A_174[0] : i32 from vector<1xi32>
    %slice3A_176 = vector.extract_strided_slice %get3A_16 {offsets = [6], sizes = [1], strides = [1]} : vector<16xi32> to vector<1xi32>
    %squeeze3A_177 = vector.extract %slice3A_176[0] : i32 from vector<1xi32>
    %slice3A_178 = vector.extract_strided_slice %get3A_16 {offsets = [7], sizes = [1], strides = [1]} : vector<16xi32> to vector<1xi32>
    %squeeze3A_179 = vector.extract %slice3A_178[0] : i32 from vector<1xi32>
    %slice3A_180 = vector.extract_strided_slice %get3A_16 {offsets = [8], sizes = [1], strides = [1]} : vector<16xi32> to vector<1xi32>
    %squeeze3A_181 = vector.extract %slice3A_180[0] : i32 from vector<1xi32>
    %slice3A_182 = vector.extract_strided_slice %get3A_16 {offsets = [9], sizes = [1], strides = [1]} : vector<16xi32> to vector<1xi32>
    %squeeze3A_183 = vector.extract %slice3A_182[0] : i32 from vector<1xi32>
    %slice3A_184 = vector.extract_strided_slice %get3A_16 {offsets = [10], sizes = [1], strides = [1]} : vector<16xi32> to vector<1xi32>
    %squeeze3A_185 = vector.extract %slice3A_184[0] : i32 from vector<1xi32>
    %slice3A_186 = vector.extract_strided_slice %get3A_16 {offsets = [11], sizes = [1], strides = [1]} : vector<16xi32> to vector<1xi32>
    %squeeze3A_187 = vector.extract %slice3A_186[0] : i32 from vector<1xi32>
    %slice3A_188 = vector.extract_strided_slice %get3A_16 {offsets = [12], sizes = [1], strides = [1]} : vector<16xi32> to vector<1xi32>
    %squeeze3A_189 = vector.extract %slice3A_188[0] : i32 from vector<1xi32>
    %slice3A_190 = vector.extract_strided_slice %get3A_16 {offsets = [13], sizes = [1], strides = [1]} : vector<16xi32> to vector<1xi32>
    %squeeze3A_191 = vector.extract %slice3A_190[0] : i32 from vector<1xi32>
    %slice3A_192 = vector.extract_strided_slice %get3A_16 {offsets = [14], sizes = [1], strides = [1]} : vector<16xi32> to vector<1xi32>
    %squeeze3A_193 = vector.extract %slice3A_192[0] : i32 from vector<1xi32>
    %slice3A_194 = vector.extract_strided_slice %get3A_16 {offsets = [15], sizes = [1], strides = [1]} : vector<16xi32> to vector<1xi32>
    %squeeze3A_195 = vector.extract %slice3A_194[0] : i32 from vector<1xi32>
    %slice3A_196 = vector.extract_strided_slice %get3A_19 {offsets = [0], sizes = [1], strides = [1]} : vector<16xi32> to vector<1xi32>
    %squeeze3A_197 = vector.extract %slice3A_196[0] : i32 from vector<1xi32>
    %slice3A_198 = vector.extract_strided_slice %get3A_19 {offsets = [1], sizes = [1], strides = [1]} : vector<16xi32> to vector<1xi32>
    %squeeze3A_199 = vector.extract %slice3A_198[0] : i32 from vector<1xi32>
    %slice3A_200 = vector.extract_strided_slice %get3A_19 {offsets = [2], sizes = [1], strides = [1]} : vector<16xi32> to vector<1xi32>
    %squeeze3A_201 = vector.extract %slice3A_200[0] : i32 from vector<1xi32>
    %slice3A_202 = vector.extract_strided_slice %get3A_19 {offsets = [3], sizes = [1], strides = [1]} : vector<16xi32> to vector<1xi32>
    %squeeze3A_203 = vector.extract %slice3A_202[0] : i32 from vector<1xi32>
    %slice3A_204 = vector.extract_strided_slice %get3A_19 {offsets = [4], sizes = [1], strides = [1]} : vector<16xi32> to vector<1xi32>
    %squeeze3A_205 = vector.extract %slice3A_204[0] : i32 from vector<1xi32>
    %slice3A_206 = vector.extract_strided_slice %get3A_19 {offsets = [5], sizes = [1], strides = [1]} : vector<16xi32> to vector<1xi32>
    %squeeze3A_207 = vector.extract %slice3A_206[0] : i32 from vector<1xi32>
    %slice3A_208 = vector.extract_strided_slice %get3A_19 {offsets = [6], sizes = [1], strides = [1]} : vector<16xi32> to vector<1xi32>
    %squeeze3A_209 = vector.extract %slice3A_208[0] : i32 from vector<1xi32>
    %slice3A_210 = vector.extract_strided_slice %get3A_19 {offsets = [7], sizes = [1], strides = [1]} : vector<16xi32> to vector<1xi32>
    %squeeze3A_211 = vector.extract %slice3A_210[0] : i32 from vector<1xi32>
    %slice3A_212 = vector.extract_strided_slice %get3A_19 {offsets = [8], sizes = [1], strides = [1]} : vector<16xi32> to vector<1xi32>
    %squeeze3A_213 = vector.extract %slice3A_212[0] : i32 from vector<1xi32>
    %slice3A_214 = vector.extract_strided_slice %get3A_19 {offsets = [9], sizes = [1], strides = [1]} : vector<16xi32> to vector<1xi32>
    %squeeze3A_215 = vector.extract %slice3A_214[0] : i32 from vector<1xi32>
    %slice3A_216 = vector.extract_strided_slice %get3A_22 {offsets = [0], sizes = [1], strides = [1]} : vector<16xf32> to vector<1xf32>
    %squeeze3A_217 = vector.extract %slice3A_216[0] : f32 from vector<1xf32>
    %slice3A_218 = vector.extract_strided_slice %get3A_22 {offsets = [1], sizes = [1], strides = [1]} : vector<16xf32> to vector<1xf32>
    %squeeze3A_219 = vector.extract %slice3A_218[0] : f32 from vector<1xf32>
    %slice3A_220 = vector.extract_strided_slice %get3A_22 {offsets = [2], sizes = [1], strides = [1]} : vector<16xf32> to vector<1xf32>
    %squeeze3A_221 = vector.extract %slice3A_220[0] : f32 from vector<1xf32>
    %slice3A_222 = vector.extract_strided_slice %get3A_22 {offsets = [3], sizes = [1], strides = [1]} : vector<16xf32> to vector<1xf32>
    %squeeze3A_223 = vector.extract %slice3A_222[0] : f32 from vector<1xf32>
    %slice3A_224 = vector.extract_strided_slice %get3A_22 {offsets = [4], sizes = [1], strides = [1]} : vector<16xf32> to vector<1xf32>
    %squeeze3A_225 = vector.extract %slice3A_224[0] : f32 from vector<1xf32>
    %slice3A_226 = vector.extract_strided_slice %get3A_22 {offsets = [5], sizes = [1], strides = [1]} : vector<16xf32> to vector<1xf32>
    %squeeze3A_227 = vector.extract %slice3A_226[0] : f32 from vector<1xf32>
    %slice3A_228 = vector.extract_strided_slice %get3A_22 {offsets = [6], sizes = [1], strides = [1]} : vector<16xf32> to vector<1xf32>
    %squeeze3A_229 = vector.extract %slice3A_228[0] : f32 from vector<1xf32>
    %slice3A_230 = vector.extract_strided_slice %get3A_22 {offsets = [7], sizes = [1], strides = [1]} : vector<16xf32> to vector<1xf32>
    %squeeze3A_231 = vector.extract %slice3A_230[0] : f32 from vector<1xf32>
    %slice3A_232 = vector.extract_strided_slice %get3A_22 {offsets = [8], sizes = [1], strides = [1]} : vector<16xf32> to vector<1xf32>
    %squeeze3A_233 = vector.extract %slice3A_232[0] : f32 from vector<1xf32>
    %slice3A_234 = vector.extract_strided_slice %get3A_22 {offsets = [9], sizes = [1], strides = [1]} : vector<16xf32> to vector<1xf32>
    %squeeze3A_235 = vector.extract %slice3A_234[0] : f32 from vector<1xf32>
    %slice3A_236 = vector.extract_strided_slice %get3A_22 {offsets = [10], sizes = [1], strides = [1]} : vector<16xf32> to vector<1xf32>
    %squeeze3A_237 = vector.extract %slice3A_236[0] : f32 from vector<1xf32>
    %slice3A_238 = vector.extract_strided_slice %get3A_22 {offsets = [11], sizes = [1], strides = [1]} : vector<16xf32> to vector<1xf32>
    %squeeze3A_239 = vector.extract %slice3A_238[0] : f32 from vector<1xf32>
    %slice3A_240 = vector.extract_strided_slice %get3A_22 {offsets = [12], sizes = [1], strides = [1]} : vector<16xf32> to vector<1xf32>
    %squeeze3A_241 = vector.extract %slice3A_240[0] : f32 from vector<1xf32>
    %slice3A_242 = vector.extract_strided_slice %get3A_22 {offsets = [13], sizes = [1], strides = [1]} : vector<16xf32> to vector<1xf32>
    %squeeze3A_243 = vector.extract %slice3A_242[0] : f32 from vector<1xf32>
    %slice3A_244 = vector.extract_strided_slice %get3A_22 {offsets = [14], sizes = [1], strides = [1]} : vector<16xf32> to vector<1xf32>
    %squeeze3A_245 = vector.extract %slice3A_244[0] : f32 from vector<1xf32>
    %slice3A_246 = vector.extract_strided_slice %get3A_22 {offsets = [15], sizes = [1], strides = [1]} : vector<16xf32> to vector<1xf32>
    %squeeze3A_247 = vector.extract %slice3A_246[0] : f32 from vector<1xf32>
    %slice3A_248 = vector.extract_strided_slice %get3A_25 {offsets = [0], sizes = [1], strides = [1]} : vector<16xf32> to vector<1xf32>
    %squeeze3A_249 = vector.extract %slice3A_248[0] : f32 from vector<1xf32>
    %slice3A_250 = vector.extract_strided_slice %get3A_25 {offsets = [1], sizes = [1], strides = [1]} : vector<16xf32> to vector<1xf32>
    %squeeze3A_251 = vector.extract %slice3A_250[0] : f32 from vector<1xf32>
    %slice3A_252 = vector.extract_strided_slice %get3A_25 {offsets = [2], sizes = [1], strides = [1]} : vector<16xf32> to vector<1xf32>
    %squeeze3A_253 = vector.extract %slice3A_252[0] : f32 from vector<1xf32>
    %slice3A_254 = vector.extract_strided_slice %get3A_25 {offsets = [3], sizes = [1], strides = [1]} : vector<16xf32> to vector<1xf32>
    %squeeze3A_255 = vector.extract %slice3A_254[0] : f32 from vector<1xf32>
    %slice3A_256 = vector.extract_strided_slice %get3A_25 {offsets = [4], sizes = [1], strides = [1]} : vector<16xf32> to vector<1xf32>
    %squeeze3A_257 = vector.extract %slice3A_256[0] : f32 from vector<1xf32>
    %slice3A_258 = vector.extract_strided_slice %get3A_25 {offsets = [5], sizes = [1], strides = [1]} : vector<16xf32> to vector<1xf32>
    %squeeze3A_259 = vector.extract %slice3A_258[0] : f32 from vector<1xf32>
    %slice3A_260 = vector.extract_strided_slice %get3A_25 {offsets = [6], sizes = [1], strides = [1]} : vector<16xf32> to vector<1xf32>
    %squeeze3A_261 = vector.extract %slice3A_260[0] : f32 from vector<1xf32>
    %slice3A_262 = vector.extract_strided_slice %get3A_25 {offsets = [7], sizes = [1], strides = [1]} : vector<16xf32> to vector<1xf32>
    %squeeze3A_263 = vector.extract %slice3A_262[0] : f32 from vector<1xf32>
    %slice3A_264 = vector.extract_strided_slice %get3A_25 {offsets = [8], sizes = [1], strides = [1]} : vector<16xf32> to vector<1xf32>
    %squeeze3A_265 = vector.extract %slice3A_264[0] : f32 from vector<1xf32>
    %slice3A_266 = vector.extract_strided_slice %get3A_25 {offsets = [9], sizes = [1], strides = [1]} : vector<16xf32> to vector<1xf32>
    %squeeze3A_267 = vector.extract %slice3A_266[0] : f32 from vector<1xf32>
    %slice3A_268 = vector.extract_strided_slice %get3A_25 {offsets = [10], sizes = [1], strides = [1]} : vector<16xf32> to vector<1xf32>
    %squeeze3A_269 = vector.extract %slice3A_268[0] : f32 from vector<1xf32>
    %slice3A_270 = vector.extract_strided_slice %get3A_25 {offsets = [11], sizes = [1], strides = [1]} : vector<16xf32> to vector<1xf32>
    %squeeze3A_271 = vector.extract %slice3A_270[0] : f32 from vector<1xf32>
    %slice3A_272 = vector.extract_strided_slice %get3A_25 {offsets = [12], sizes = [1], strides = [1]} : vector<16xf32> to vector<1xf32>
    %squeeze3A_273 = vector.extract %slice3A_272[0] : f32 from vector<1xf32>
    %slice3A_274 = vector.extract_strided_slice %get3A_25 {offsets = [13], sizes = [1], strides = [1]} : vector<16xf32> to vector<1xf32>
    %squeeze3A_275 = vector.extract %slice3A_274[0] : f32 from vector<1xf32>
    %slice3A_276 = vector.extract_strided_slice %get3A_25 {offsets = [14], sizes = [1], strides = [1]} : vector<16xf32> to vector<1xf32>
    %squeeze3A_277 = vector.extract %slice3A_276[0] : f32 from vector<1xf32>
    %slice3A_278 = vector.extract_strided_slice %get3A_25 {offsets = [15], sizes = [1], strides = [1]} : vector<16xf32> to vector<1xf32>
    %squeeze3A_279 = vector.extract %slice3A_278[0] : f32 from vector<1xf32>
    %slice3A_280 = vector.extract_strided_slice %get3A_28 {offsets = [0], sizes = [1], strides = [1]} : vector<16xf32> to vector<1xf32>
    %squeeze3A_281 = vector.extract %slice3A_280[0] : f32 from vector<1xf32>
    %slice3A_282 = vector.extract_strided_slice %get3A_28 {offsets = [1], sizes = [1], strides = [1]} : vector<16xf32> to vector<1xf32>
    %squeeze3A_283 = vector.extract %slice3A_282[0] : f32 from vector<1xf32>
    %slice3A_284 = vector.extract_strided_slice %get3A_28 {offsets = [2], sizes = [1], strides = [1]} : vector<16xf32> to vector<1xf32>
    %squeeze3A_285 = vector.extract %slice3A_284[0] : f32 from vector<1xf32>
    %slice3A_286 = vector.extract_strided_slice %get3A_28 {offsets = [3], sizes = [1], strides = [1]} : vector<16xf32> to vector<1xf32>
    %squeeze3A_287 = vector.extract %slice3A_286[0] : f32 from vector<1xf32>
    %slice3A_288 = vector.extract_strided_slice %get3A_28 {offsets = [4], sizes = [1], strides = [1]} : vector<16xf32> to vector<1xf32>
    %squeeze3A_289 = vector.extract %slice3A_288[0] : f32 from vector<1xf32>
    %slice3A_290 = vector.extract_strided_slice %get3A_28 {offsets = [5], sizes = [1], strides = [1]} : vector<16xf32> to vector<1xf32>
    %squeeze3A_291 = vector.extract %slice3A_290[0] : f32 from vector<1xf32>
    %slice3A_292 = vector.extract_strided_slice %get3A_28 {offsets = [6], sizes = [1], strides = [1]} : vector<16xf32> to vector<1xf32>
    %squeeze3A_293 = vector.extract %slice3A_292[0] : f32 from vector<1xf32>
    %slice3A_294 = vector.extract_strided_slice %get3A_28 {offsets = [7], sizes = [1], strides = [1]} : vector<16xf32> to vector<1xf32>
    %squeeze3A_295 = vector.extract %slice3A_294[0] : f32 from vector<1xf32>
    %slice3A_296 = vector.extract_strided_slice %get3A_28 {offsets = [8], sizes = [1], strides = [1]} : vector<16xf32> to vector<1xf32>
    %squeeze3A_297 = vector.extract %slice3A_296[0] : f32 from vector<1xf32>
    %slice3A_298 = vector.extract_strided_slice %get3A_28 {offsets = [9], sizes = [1], strides = [1]} : vector<16xf32> to vector<1xf32>
    %squeeze3A_299 = vector.extract %slice3A_298[0] : f32 from vector<1xf32>
    %slice3A_300 = vector.extract_strided_slice %get3A_28 {offsets = [10], sizes = [1], strides = [1]} : vector<16xf32> to vector<1xf32>
    %squeeze3A_301 = vector.extract %slice3A_300[0] : f32 from vector<1xf32>
    %slice3A_302 = vector.extract_strided_slice %get3A_28 {offsets = [11], sizes = [1], strides = [1]} : vector<16xf32> to vector<1xf32>
    %squeeze3A_303 = vector.extract %slice3A_302[0] : f32 from vector<1xf32>
    %slice3A_304 = vector.extract_strided_slice %get3A_28 {offsets = [12], sizes = [1], strides = [1]} : vector<16xf32> to vector<1xf32>
    %squeeze3A_305 = vector.extract %slice3A_304[0] : f32 from vector<1xf32>
    %slice3A_306 = vector.extract_strided_slice %get3A_28 {offsets = [13], sizes = [1], strides = [1]} : vector<16xf32> to vector<1xf32>
    %squeeze3A_307 = vector.extract %slice3A_306[0] : f32 from vector<1xf32>
    %slice3A_308 = vector.extract_strided_slice %get3A_28 {offsets = [14], sizes = [1], strides = [1]} : vector<16xf32> to vector<1xf32>
    %squeeze3A_309 = vector.extract %slice3A_308[0] : f32 from vector<1xf32>
    %slice3A_310 = vector.extract_strided_slice %get3A_28 {offsets = [15], sizes = [1], strides = [1]} : vector<16xf32> to vector<1xf32>
    %squeeze3A_311 = vector.extract %slice3A_310[0] : f32 from vector<1xf32>
    %slice3A_312 = vector.extract_strided_slice %get3A_31 {offsets = [0], sizes = [1], strides = [1]} : vector<16xf32> to vector<1xf32>
    %squeeze3A_313 = vector.extract %slice3A_312[0] : f32 from vector<1xf32>
    %slice3A_314 = vector.extract_strided_slice %get3A_31 {offsets = [1], sizes = [1], strides = [1]} : vector<16xf32> to vector<1xf32>
    %squeeze3A_315 = vector.extract %slice3A_314[0] : f32 from vector<1xf32>
    %slice3A_316 = vector.extract_strided_slice %get3A_31 {offsets = [2], sizes = [1], strides = [1]} : vector<16xf32> to vector<1xf32>
    %squeeze3A_317 = vector.extract %slice3A_316[0] : f32 from vector<1xf32>
    %slice3A_318 = vector.extract_strided_slice %get3A_31 {offsets = [3], sizes = [1], strides = [1]} : vector<16xf32> to vector<1xf32>
    %squeeze3A_319 = vector.extract %slice3A_318[0] : f32 from vector<1xf32>
    %slice3A_320 = vector.extract_strided_slice %get3A_31 {offsets = [4], sizes = [1], strides = [1]} : vector<16xf32> to vector<1xf32>
    %squeeze3A_321 = vector.extract %slice3A_320[0] : f32 from vector<1xf32>
    %slice3A_322 = vector.extract_strided_slice %get3A_31 {offsets = [5], sizes = [1], strides = [1]} : vector<16xf32> to vector<1xf32>
    %squeeze3A_323 = vector.extract %slice3A_322[0] : f32 from vector<1xf32>
    %slice3A_324 = vector.extract_strided_slice %get3A_31 {offsets = [6], sizes = [1], strides = [1]} : vector<16xf32> to vector<1xf32>
    %squeeze3A_325 = vector.extract %slice3A_324[0] : f32 from vector<1xf32>
    %slice3A_326 = vector.extract_strided_slice %get3A_31 {offsets = [7], sizes = [1], strides = [1]} : vector<16xf32> to vector<1xf32>
    %squeeze3A_327 = vector.extract %slice3A_326[0] : f32 from vector<1xf32>
    %slice3A_328 = vector.extract_strided_slice %get3A_31 {offsets = [8], sizes = [1], strides = [1]} : vector<16xf32> to vector<1xf32>
    %squeeze3A_329 = vector.extract %slice3A_328[0] : f32 from vector<1xf32>
    %slice3A_330 = vector.extract_strided_slice %get3A_31 {offsets = [9], sizes = [1], strides = [1]} : vector<16xf32> to vector<1xf32>
    %squeeze3A_331 = vector.extract %slice3A_330[0] : f32 from vector<1xf32>
    %slice3A_332 = vector.extract_strided_slice %get3A_31 {offsets = [10], sizes = [1], strides = [1]} : vector<16xf32> to vector<1xf32>
    %squeeze3A_333 = vector.extract %slice3A_332[0] : f32 from vector<1xf32>
    %slice3A_334 = vector.extract_strided_slice %get3A_31 {offsets = [11], sizes = [1], strides = [1]} : vector<16xf32> to vector<1xf32>
    %squeeze3A_335 = vector.extract %slice3A_334[0] : f32 from vector<1xf32>
    %slice3A_336 = vector.extract_strided_slice %get3A_31 {offsets = [12], sizes = [1], strides = [1]} : vector<16xf32> to vector<1xf32>
    %squeeze3A_337 = vector.extract %slice3A_336[0] : f32 from vector<1xf32>
    %slice3A_338 = vector.extract_strided_slice %get3A_31 {offsets = [13], sizes = [1], strides = [1]} : vector<16xf32> to vector<1xf32>
    %squeeze3A_339 = vector.extract %slice3A_338[0] : f32 from vector<1xf32>
    %slice3A_340 = vector.extract_strided_slice %get3A_31 {offsets = [14], sizes = [1], strides = [1]} : vector<16xf32> to vector<1xf32>
    %squeeze3A_341 = vector.extract %slice3A_340[0] : f32 from vector<1xf32>
    %slice3A_342 = vector.extract_strided_slice %get3A_31 {offsets = [15], sizes = [1], strides = [1]} : vector<16xf32> to vector<1xf32>
    %squeeze3A_343 = vector.extract %slice3A_342[0] : f32 from vector<1xf32>
    %slice3A_344 = vector.extract_strided_slice %get3A_34 {offsets = [0], sizes = [1], strides = [1]} : vector<16xf32> to vector<1xf32>
    %squeeze3A_345 = vector.extract %slice3A_344[0] : f32 from vector<1xf32>
    %slice3A_346 = vector.extract_strided_slice %get3A_34 {offsets = [1], sizes = [1], strides = [1]} : vector<16xf32> to vector<1xf32>
    %squeeze3A_347 = vector.extract %slice3A_346[0] : f32 from vector<1xf32>
    %slice3A_348 = vector.extract_strided_slice %get3A_34 {offsets = [2], sizes = [1], strides = [1]} : vector<16xf32> to vector<1xf32>
    %squeeze3A_349 = vector.extract %slice3A_348[0] : f32 from vector<1xf32>
    %slice3A_350 = vector.extract_strided_slice %get3A_34 {offsets = [3], sizes = [1], strides = [1]} : vector<16xf32> to vector<1xf32>
    %squeeze3A_351 = vector.extract %slice3A_350[0] : f32 from vector<1xf32>
    %slice3A_352 = vector.extract_strided_slice %get3A_34 {offsets = [4], sizes = [1], strides = [1]} : vector<16xf32> to vector<1xf32>
    %squeeze3A_353 = vector.extract %slice3A_352[0] : f32 from vector<1xf32>
    %slice3A_354 = vector.extract_strided_slice %get3A_34 {offsets = [5], sizes = [1], strides = [1]} : vector<16xf32> to vector<1xf32>
    %squeeze3A_355 = vector.extract %slice3A_354[0] : f32 from vector<1xf32>
    %slice3A_356 = vector.extract_strided_slice %get3A_34 {offsets = [6], sizes = [1], strides = [1]} : vector<16xf32> to vector<1xf32>
    %squeeze3A_357 = vector.extract %slice3A_356[0] : f32 from vector<1xf32>
    %slice3A_358 = vector.extract_strided_slice %get3A_34 {offsets = [7], sizes = [1], strides = [1]} : vector<16xf32> to vector<1xf32>
    %squeeze3A_359 = vector.extract %slice3A_358[0] : f32 from vector<1xf32>
    %slice3A_360 = vector.extract_strided_slice %get3A_34 {offsets = [8], sizes = [1], strides = [1]} : vector<16xf32> to vector<1xf32>
    %squeeze3A_361 = vector.extract %slice3A_360[0] : f32 from vector<1xf32>
    %slice3A_362 = vector.extract_strided_slice %get3A_34 {offsets = [9], sizes = [1], strides = [1]} : vector<16xf32> to vector<1xf32>
    %squeeze3A_363 = vector.extract %slice3A_362[0] : f32 from vector<1xf32>
    %slice3A_364 = vector.extract_strided_slice %get3A_34 {offsets = [10], sizes = [1], strides = [1]} : vector<16xf32> to vector<1xf32>
    %squeeze3A_365 = vector.extract %slice3A_364[0] : f32 from vector<1xf32>
    %slice3A_366 = vector.extract_strided_slice %get3A_34 {offsets = [11], sizes = [1], strides = [1]} : vector<16xf32> to vector<1xf32>
    %squeeze3A_367 = vector.extract %slice3A_366[0] : f32 from vector<1xf32>
    %slice3A_368 = vector.extract_strided_slice %get3A_34 {offsets = [12], sizes = [1], strides = [1]} : vector<16xf32> to vector<1xf32>
    %squeeze3A_369 = vector.extract %slice3A_368[0] : f32 from vector<1xf32>
    %slice3A_370 = vector.extract_strided_slice %get3A_34 {offsets = [13], sizes = [1], strides = [1]} : vector<16xf32> to vector<1xf32>
    %squeeze3A_371 = vector.extract %slice3A_370[0] : f32 from vector<1xf32>
    %slice3A_372 = vector.extract_strided_slice %get3A_34 {offsets = [14], sizes = [1], strides = [1]} : vector<16xf32> to vector<1xf32>
    %squeeze3A_373 = vector.extract %slice3A_372[0] : f32 from vector<1xf32>
    %slice3A_374 = vector.extract_strided_slice %get3A_34 {offsets = [15], sizes = [1], strides = [1]} : vector<16xf32> to vector<1xf32>
    %squeeze3A_375 = vector.extract %slice3A_374[0] : f32 from vector<1xf32>
    %slice3A_376 = vector.extract_strided_slice %get3A_37 {offsets = [0], sizes = [1], strides = [1]} : vector<16xf32> to vector<1xf32>
    %squeeze3A_377 = vector.extract %slice3A_376[0] : f32 from vector<1xf32>
    %slice3A_378 = vector.extract_strided_slice %get3A_37 {offsets = [1], sizes = [1], strides = [1]} : vector<16xf32> to vector<1xf32>
    %squeeze3A_379 = vector.extract %slice3A_378[0] : f32 from vector<1xf32>
    %slice3A_380 = vector.extract_strided_slice %get3A_37 {offsets = [2], sizes = [1], strides = [1]} : vector<16xf32> to vector<1xf32>
    %squeeze3A_381 = vector.extract %slice3A_380[0] : f32 from vector<1xf32>
    %slice3A_382 = vector.extract_strided_slice %get3A_37 {offsets = [3], sizes = [1], strides = [1]} : vector<16xf32> to vector<1xf32>
    %squeeze3A_383 = vector.extract %slice3A_382[0] : f32 from vector<1xf32>
    %slice3A_384 = vector.extract_strided_slice %get3A_37 {offsets = [4], sizes = [1], strides = [1]} : vector<16xf32> to vector<1xf32>
    %squeeze3A_385 = vector.extract %slice3A_384[0] : f32 from vector<1xf32>
    %slice3A_386 = vector.extract_strided_slice %get3A_37 {offsets = [5], sizes = [1], strides = [1]} : vector<16xf32> to vector<1xf32>
    %squeeze3A_387 = vector.extract %slice3A_386[0] : f32 from vector<1xf32>
    %slice3A_388 = vector.extract_strided_slice %get3A_37 {offsets = [6], sizes = [1], strides = [1]} : vector<16xf32> to vector<1xf32>
    %squeeze3A_389 = vector.extract %slice3A_388[0] : f32 from vector<1xf32>
    %slice3A_390 = vector.extract_strided_slice %get3A_37 {offsets = [7], sizes = [1], strides = [1]} : vector<16xf32> to vector<1xf32>
    %squeeze3A_391 = vector.extract %slice3A_390[0] : f32 from vector<1xf32>
    %slice3A_392 = vector.extract_strided_slice %get3A_37 {offsets = [8], sizes = [1], strides = [1]} : vector<16xf32> to vector<1xf32>
    %squeeze3A_393 = vector.extract %slice3A_392[0] : f32 from vector<1xf32>
    %slice3A_394 = vector.extract_strided_slice %get3A_37 {offsets = [9], sizes = [1], strides = [1]} : vector<16xf32> to vector<1xf32>
    %squeeze3A_395 = vector.extract %slice3A_394[0] : f32 from vector<1xf32>
    %scan3A = arith.constant 0 : i32
    %scan3A_396 = arith.constant 0 : i32
    %scan3A_397 = arith.constant 4 : i32
    %scan3A_398 = arith.addi %scan3A_396, %scan3A_397 : i32
    %scan3A_399 = arith.constant 1 : i32
    scf.for %scan3A_401 = %scan3A_396 to %scan3A_398 step %scan3A_399  : i32 {
      %mul3A_402 = arith.constant 128 : i32
      %mul3A_403 = arith.muli %scan3A_401, %mul3A_402 : i32
      %add3A_404 = arith.addi %mul3A_2, %mul3A_403 : i32
      "tpu.region"() ({
        %run_scoped3A = tpu.sem_alloc : memref<!tpu.dma_semaphore, #tpu.memory_space<semaphore_mem>>
        %dma_start3A = arith.constant 0 : i32
        %dma_start3A_411 = arith.constant 0 : i32
        %dma_start3A_412 = tpu.memref_slice %arg2[%add3A_404, %dma_start3A, %dma_start3A_411] : memref<16384x9x32xf32, #tpu.memory_space<hbm>> -> memref<128x9x32xf32, #tpu.memory_space<hbm>>
        %dma_start3A_413 = arith.constant 0 : i32
        %dma_start3A_414 = arith.constant 0 : i32
        %dma_start3A_415 = tpu.memref_slice %arg2[%add3A_404, %dma_start3A_413, %dma_start3A_414] : memref<16384x9x32xf32, #tpu.memory_space<hbm>> -> memref<128x9x32xf32, #tpu.memory_space<hbm>>
        tpu.enqueue_dma source(%dma_start3A_415 : memref<128x9x32xf32, #tpu.memory_space<hbm>>) target(%arg7 : memref<128x9x32xf32, #tpu.memory_space<vmem>>) target_semaphore(%run_scoped3A : memref<!tpu.dma_semaphore, #tpu.memory_space<semaphore_mem>>)
        %dma_wait3A = arith.constant 0 : i32
        %dma_wait3A_416 = arith.constant 0 : i32
        %dma_wait3A_417 = tpu.memref_slice %arg2[%add3A_404, %dma_wait3A, %dma_wait3A_416] : memref<16384x9x32xf32, #tpu.memory_space<hbm>> -> memref<128x9x32xf32, #tpu.memory_space<hbm>>
        %dma_wait3A_418 = arith.constant 0 : i32
        %dma_wait3A_419 = arith.constant 0 : i32
        %dma_wait3A_420 = tpu.memref_slice %arg2[%add3A_404, %dma_wait3A_418, %dma_wait3A_419] : memref<16384x9x32xf32, #tpu.memory_space<hbm>> -> memref<128x9x32xf32, #tpu.memory_space<hbm>>
        tpu.wait_dma2 semaphore(%run_scoped3A : memref<!tpu.dma_semaphore, #tpu.memory_space<semaphore_mem>>) src(%dma_wait3A_420 : memref<128x9x32xf32, #tpu.memory_space<hbm>>) dst(%arg7 : memref<128x9x32xf32, #tpu.memory_space<vmem>>)
        tpu.yield
      }) : () -> ()
      "tpu.region"() ({
        %run_scoped3A = tpu.sem_alloc : memref<!tpu.dma_semaphore, #tpu.memory_space<semaphore_mem>>
        %dma_start3A = arith.constant 0 : i32
        %dma_start3A_411 = arith.constant 0 : i32
        %dma_start3A_412 = tpu.memref_slice %arg3[%add3A_404, %dma_start3A, %dma_start3A_411] : memref<16384x9x32xf32, #tpu.memory_space<hbm>> -> memref<128x9x32xf32, #tpu.memory_space<hbm>>
        %dma_start3A_413 = arith.constant 0 : i32
        %dma_start3A_414 = arith.constant 0 : i32
        %dma_start3A_415 = tpu.memref_slice %arg3[%add3A_404, %dma_start3A_413, %dma_start3A_414] : memref<16384x9x32xf32, #tpu.memory_space<hbm>> -> memref<128x9x32xf32, #tpu.memory_space<hbm>>
        tpu.enqueue_dma source(%dma_start3A_415 : memref<128x9x32xf32, #tpu.memory_space<hbm>>) target(%arg8 : memref<128x9x32xf32, #tpu.memory_space<vmem>>) target_semaphore(%run_scoped3A : memref<!tpu.dma_semaphore, #tpu.memory_space<semaphore_mem>>)
        %dma_wait3A = arith.constant 0 : i32
        %dma_wait3A_416 = arith.constant 0 : i32
        %dma_wait3A_417 = tpu.memref_slice %arg3[%add3A_404, %dma_wait3A, %dma_wait3A_416] : memref<16384x9x32xf32, #tpu.memory_space<hbm>> -> memref<128x9x32xf32, #tpu.memory_space<hbm>>
        %dma_wait3A_418 = arith.constant 0 : i32
        %dma_wait3A_419 = arith.constant 0 : i32
        %dma_wait3A_420 = tpu.memref_slice %arg3[%add3A_404, %dma_wait3A_418, %dma_wait3A_419] : memref<16384x9x32xf32, #tpu.memory_space<hbm>> -> memref<128x9x32xf32, #tpu.memory_space<hbm>>
        tpu.wait_dma2 semaphore(%run_scoped3A : memref<!tpu.dma_semaphore, #tpu.memory_space<semaphore_mem>>) src(%dma_wait3A_420 : memref<128x9x32xf32, #tpu.memory_space<hbm>>) dst(%arg8 : memref<128x9x32xf32, #tpu.memory_space<vmem>>)
        tpu.yield
      }) : () -> ()
      %scan3A_405 = arith.constant 0 : i32
      %scan3A_406 = arith.constant 0 : i32
      %scan3A_407 = arith.constant 128 : i32
      %scan3A_408 = arith.addi %scan3A_406, %scan3A_407 : i32
      %scan3A_409 = arith.constant 1 : i32
      scf.for %scan3A_411 = %scan3A_406 to %scan3A_408 step %scan3A_409  : i32 {
        %get3A_412 = arith.constant 0 : i32
        %get3A_413 = arith.index_cast %scan3A_411 : i32 to index
        %get3A_414 = arith.index_cast %get3A_412 : i32 to index
        %get3A_415 = arith.constant 0 : index
        %get3A_416 = tpu.vector_load %arg8[%get3A_413, %get3A_414, %get3A_415] {strides = array<i32>} : memref<128x9x32xf32, #tpu.memory_space<vmem>>, vector<1x1x16xf32>,
        %get3A_417 = vector.shape_cast %get3A_416 : vector<1x1x16xf32> to vector<16xf32>
        %get3A_418 = arith.constant 1 : i32
        %get3A_419 = arith.index_cast %scan3A_411 : i32 to index
        %get3A_420 = arith.index_cast %get3A_418 : i32 to index
        %get3A_421 = arith.constant 0 : index
        %get3A_422 = tpu.vector_load %arg8[%get3A_419, %get3A_420, %get3A_421] {strides = array<i32>} : memref<128x9x32xf32, #tpu.memory_space<vmem>>, vector<1x1x16xf32>,
        %get3A_423 = vector.shape_cast %get3A_422 : vector<1x1x16xf32> to vector<16xf32>
        %get3A_424 = arith.constant 2 : i32
        %get3A_425 = arith.index_cast %scan3A_411 : i32 to index
        %get3A_426 = arith.index_cast %get3A_424 : i32 to index
        %get3A_427 = arith.constant 0 : index
        %get3A_428 = tpu.vector_load %arg8[%get3A_425, %get3A_426, %get3A_427] {strides = array<i32>} : memref<128x9x32xf32, #tpu.memory_space<vmem>>, vector<1x1x16xf32>,
        %get3A_429 = vector.shape_cast %get3A_428 : vector<1x1x16xf32> to vector<16xf32>
        %get3A_430 = arith.constant 3 : i32
        %get3A_431 = arith.index_cast %scan3A_411 : i32 to index
        %get3A_432 = arith.index_cast %get3A_430 : i32 to index
        %get3A_433 = arith.constant 0 : index
        %get3A_434 = tpu.vector_load %arg8[%get3A_431, %get3A_432, %get3A_433] {strides = array<i32>} : memref<128x9x32xf32, #tpu.memory_space<vmem>>, vector<1x1x16xf32>,
        %get3A_435 = vector.shape_cast %get3A_434 : vector<1x1x16xf32> to vector<16xf32>
        %get3A_436 = arith.constant 4 : i32
        %get3A_437 = arith.index_cast %scan3A_411 : i32 to index
        %get3A_438 = arith.index_cast %get3A_436 : i32 to index
        %get3A_439 = arith.constant 0 : index
        %get3A_440 = tpu.vector_load %arg8[%get3A_437, %get3A_438, %get3A_439] {strides = array<i32>} : memref<128x9x32xf32, #tpu.memory_space<vmem>>, vector<1x1x16xf32>,
        %get3A_441 = vector.shape_cast %get3A_440 : vector<1x1x16xf32> to vector<16xf32>
        %get3A_442 = arith.constant 5 : i32
        %get3A_443 = arith.index_cast %scan3A_411 : i32 to index
        %get3A_444 = arith.index_cast %get3A_442 : i32 to index
        %get3A_445 = arith.constant 0 : index
        %get3A_446 = tpu.vector_load %arg8[%get3A_443, %get3A_444, %get3A_445] {strides = array<i32>} : memref<128x9x32xf32, #tpu.memory_space<vmem>>, vector<1x1x16xf32>,
        %get3A_447 = vector.shape_cast %get3A_446 : vector<1x1x16xf32> to vector<16xf32>
        %get3A_448 = arith.constant 6 : i32
        %get3A_449 = arith.index_cast %scan3A_411 : i32 to index
        %get3A_450 = arith.index_cast %get3A_448 : i32 to index
        %get3A_451 = arith.constant 0 : index
        %get3A_452 = tpu.vector_load %arg8[%get3A_449, %get3A_450, %get3A_451] {strides = array<i32>} : memref<128x9x32xf32, #tpu.memory_space<vmem>>, vector<1x1x16xf32>,
        %get3A_453 = vector.shape_cast %get3A_452 : vector<1x1x16xf32> to vector<16xf32>
        %get3A_454 = arith.constant 7 : i32
        %get3A_455 = arith.index_cast %scan3A_411 : i32 to index
        %get3A_456 = arith.index_cast %get3A_454 : i32 to index
        %get3A_457 = arith.constant 0 : index
        %get3A_458 = tpu.vector_load %arg8[%get3A_455, %get3A_456, %get3A_457] {strides = array<i32>} : memref<128x9x32xf32, #tpu.memory_space<vmem>>, vector<1x1x16xf32>,
        %get3A_459 = vector.shape_cast %get3A_458 : vector<1x1x16xf32> to vector<16xf32>
        %get3A_460 = arith.constant 8 : i32
        %get3A_461 = arith.index_cast %scan3A_411 : i32 to index
        %get3A_462 = arith.index_cast %get3A_460 : i32 to index
        %get3A_463 = arith.constant 0 : index
        %get3A_464 = tpu.vector_load %arg8[%get3A_461, %get3A_462, %get3A_463] {strides = array<i32>} : memref<128x9x32xf32, #tpu.memory_space<vmem>>, vector<1x1x16xf32>,
        %get3A_465 = vector.shape_cast %get3A_464 : vector<1x1x16xf32> to vector<16xf32>
        %get3A_466 = arith.constant 0 : i32
        %get3A_467 = arith.index_cast %scan3A_411 : i32 to index
        %get3A_468 = arith.index_cast %get3A_466 : i32 to index
        %get3A_469 = arith.constant 0 : index
        %get3A_470 = tpu.vector_load %arg7[%get3A_467, %get3A_468, %get3A_469] {strides = array<i32>} : memref<128x9x32xf32, #tpu.memory_space<vmem>>, vector<1x1x16xf32>,
        %get3A_471 = vector.shape_cast %get3A_470 : vector<1x1x16xf32> to vector<16xf32>
        %mul3A_472 = arith.mulf %get3A_471, %get3A_417 : vector<16xf32>
        %swap3A = arith.constant 0 : i32
        %swap3A_473 = arith.index_cast %swap3A : i32 to index
        %swap3A_474 = arith.constant 0 : index
        %swap3A_475 = tpu.vector_load %arg10[%swap3A_473, %swap3A_474] {strides = array<i32>} : memref<162x16xf32, #tpu.memory_space<vmem>>, vector<1x16xf32>,
        %swap3A_476 = vector.shape_cast %swap3A_475 : vector<1x16xf32> to vector<16xf32>
        %swap3A_477 = vector.shape_cast %mul3A_472 : vector<16xf32> to vector<1x16xf32>
        tpu.vector_store %arg10[%swap3A_473, %swap3A_474], %swap3A_477 {strides = array<i32>} : memref<162x16xf32, #tpu.memory_space<vmem>>, vector<1x16xf32>,
        %mul3A_478 = arith.mulf %get3A_471, %get3A_423 : vector<16xf32>
        %swap3A_479 = arith.constant 2 : i32
        %swap3A_480 = arith.index_cast %swap3A_479 : i32 to index
        %swap3A_481 = arith.constant 0 : index
        %swap3A_482 = tpu.vector_load %arg10[%swap3A_480, %swap3A_481] {strides = array<i32>} : memref<162x16xf32, #tpu.memory_space<vmem>>, vector<1x16xf32>,
        %swap3A_483 = vector.shape_cast %swap3A_482 : vector<1x16xf32> to vector<16xf32>
        %swap3A_484 = vector.shape_cast %mul3A_478 : vector<16xf32> to vector<1x16xf32>
        tpu.vector_store %arg10[%swap3A_480, %swap3A_481], %swap3A_484 {strides = array<i32>} : memref<162x16xf32, #tpu.memory_space<vmem>>, vector<1x16xf32>,
        %mul3A_485 = arith.mulf %get3A_471, %get3A_429 : vector<16xf32>
        %swap3A_486 = arith.constant 4 : i32
        %swap3A_487 = arith.index_cast %swap3A_486 : i32 to index
        %swap3A_488 = arith.constant 0 : index
        %swap3A_489 = tpu.vector_load %arg10[%swap3A_487, %swap3A_488] {strides = array<i32>} : memref<162x16xf32, #tpu.memory_space<vmem>>, vector<1x16xf32>,
        %swap3A_490 = vector.shape_cast %swap3A_489 : vector<1x16xf32> to vector<16xf32>
        %swap3A_491 = vector.shape_cast %mul3A_485 : vector<16xf32> to vector<1x16xf32>
        tpu.vector_store %arg10[%swap3A_487, %swap3A_488], %swap3A_491 {strides = array<i32>} : memref<162x16xf32, #tpu.memory_space<vmem>>, vector<1x16xf32>,
        %mul3A_492 = arith.mulf %get3A_471, %get3A_435 : vector<16xf32>
        %swap3A_493 = arith.constant 6 : i32
        %swap3A_494 = arith.index_cast %swap3A_493 : i32 to index
        %swap3A_495 = arith.constant 0 : index
        %swap3A_496 = tpu.vector_load %arg10[%swap3A_494, %swap3A_495] {strides = array<i32>} : memref<162x16xf32, #tpu.memory_space<vmem>>, vector<1x16xf32>,
        %swap3A_497 = vector.shape_cast %swap3A_496 : vector<1x16xf32> to vector<16xf32>
        %swap3A_498 = vector.shape_cast %mul3A_492 : vector<16xf32> to vector<1x16xf32>
        tpu.vector_store %arg10[%swap3A_494, %swap3A_495], %swap3A_498 {strides = array<i32>} : memref<162x16xf32, #tpu.memory_space<vmem>>, vector<1x16xf32>,
        %mul3A_499 = arith.mulf %get3A_471, %get3A_441 : vector<16xf32>
        %swap3A_500 = arith.constant 8 : i32
        %swap3A_501 = arith.index_cast %swap3A_500 : i32 to index
        %swap3A_502 = arith.constant 0 : index
        %swap3A_503 = tpu.vector_load %arg10[%swap3A_501, %swap3A_502] {strides = array<i32>} : memref<162x16xf32, #tpu.memory_space<vmem>>, vector<1x16xf32>,
        %swap3A_504 = vector.shape_cast %swap3A_503 : vector<1x16xf32> to vector<16xf32>
        %swap3A_505 = vector.shape_cast %mul3A_499 : vector<16xf32> to vector<1x16xf32>
        tpu.vector_store %arg10[%swap3A_501, %swap3A_502], %swap3A_505 {strides = array<i32>} : memref<162x16xf32, #tpu.memory_space<vmem>>, vector<1x16xf32>,
        %mul3A_506 = arith.mulf %get3A_471, %get3A_447 : vector<16xf32>
        %swap3A_507 = arith.constant 10 : i32
        %swap3A_508 = arith.index_cast %swap3A_507 : i32 to index
        %swap3A_509 = arith.constant 0 : index
        %swap3A_510 = tpu.vector_load %arg10[%swap3A_508, %swap3A_509] {strides = array<i32>} : memref<162x16xf32, #tpu.memory_space<vmem>>, vector<1x16xf32>,
        %swap3A_511 = vector.shape_cast %swap3A_510 : vector<1x16xf32> to vector<16xf32>
        %swap3A_512 = vector.shape_cast %mul3A_506 : vector<16xf32> to vector<1x16xf32>
        tpu.vector_store %arg10[%swap3A_508, %swap3A_509], %swap3A_512 {strides = array<i32>} : memref<162x16xf32, #tpu.memory_space<vmem>>, vector<1x16xf32>,
        %mul3A_513 = arith.mulf %get3A_471, %get3A_453 : vector<16xf32>
        %swap3A_514 = arith.constant 12 : i32
        %swap3A_515 = arith.index_cast %swap3A_514 : i32 to index
        %swap3A_516 = arith.constant 0 : index
        %swap3A_517 = tpu.vector_load %arg10[%swap3A_515, %swap3A_516] {strides = array<i32>} : memref<162x16xf32, #tpu.memory_space<vmem>>, vector<1x16xf32>,
        %swap3A_518 = vector.shape_cast %swap3A_517 : vector<1x16xf32> to vector<16xf32>
        %swap3A_519 = vector.shape_cast %mul3A_513 : vector<16xf32> to vector<1x16xf32>
        tpu.vector_store %arg10[%swap3A_515, %swap3A_516], %swap3A_519 {strides = array<i32>} : memref<162x16xf32, #tpu.memory_space<vmem>>, vector<1x16xf32>,
        %mul3A_520 = arith.mulf %get3A_471, %get3A_459 : vector<16xf32>
        %swap3A_521 = arith.constant 14 : i32
        %swap3A_522 = arith.index_cast %swap3A_521 : i32 to index
        %swap3A_523 = arith.constant 0 : index
        %swap3A_524 = tpu.vector_load %arg10[%swap3A_522, %swap3A_523] {strides = array<i32>} : memref<162x16xf32, #tpu.memory_space<vmem>>, vector<1x16xf32>,
        %swap3A_525 = vector.shape_cast %swap3A_524 : vector<1x16xf32> to vector<16xf32>
        %swap3A_526 = vector.shape_cast %mul3A_520 : vector<16xf32> to vector<1x16xf32>
        tpu.vector_store %arg10[%swap3A_522, %swap3A_523], %swap3A_526 {strides = array<i32>} : memref<162x16xf32, #tpu.memory_space<vmem>>, vector<1x16xf32>,
        %mul3A_527 = arith.mulf %get3A_471, %get3A_465 : vector<16xf32>
        %swap3A_528 = arith.constant 16 : i32
        %swap3A_529 = arith.index_cast %swap3A_528 : i32 to index
        %swap3A_530 = arith.constant 0 : index
        %swap3A_531 = tpu.vector_load %arg10[%swap3A_529, %swap3A_530] {strides = array<i32>} : memref<162x16xf32, #tpu.memory_space<vmem>>, vector<1x16xf32>,
        %swap3A_532 = vector.shape_cast %swap3A_531 : vector<1x16xf32> to vector<16xf32>
        %swap3A_533 = vector.shape_cast %mul3A_527 : vector<16xf32> to vector<1x16xf32>
        tpu.vector_store %arg10[%swap3A_529, %swap3A_530], %swap3A_533 {strides = array<i32>} : memref<162x16xf32, #tpu.memory_space<vmem>>, vector<1x16xf32>,
        %get3A_534 = arith.constant 1 : i32
        %get3A_535 = arith.index_cast %scan3A_411 : i32 to index
        %get3A_536 = arith.index_cast %get3A_534 : i32 to index
        %get3A_537 = arith.constant 0 : index
        %get3A_538 = tpu.vector_load %arg7[%get3A_535, %get3A_536, %get3A_537] {strides = array<i32>} : memref<128x9x32xf32, #tpu.memory_space<vmem>>, vector<1x1x16xf32>,
        %get3A_539 = vector.shape_cast %get3A_538 : vector<1x1x16xf32> to vector<16xf32>
        %mul3A_540 = arith.mulf %get3A_539, %get3A_417 : vector<16xf32>
        %swap3A_541 = arith.constant 18 : i32
        %swap3A_542 = arith.index_cast %swap3A_541 : i32 to index
        %swap3A_543 = arith.constant 0 : index
        %swap3A_544 = tpu.vector_load %arg10[%swap3A_542, %swap3A_543] {strides = array<i32>} : memref<162x16xf32, #tpu.memory_space<vmem>>, vector<1x16xf32>,
        %swap3A_545 = vector.shape_cast %swap3A_544 : vector<1x16xf32> to vector<16xf32>
        %swap3A_546 = vector.shape_cast %mul3A_540 : vector<16xf32> to vector<1x16xf32>
        tpu.vector_store %arg10[%swap3A_542, %swap3A_543], %swap3A_546 {strides = array<i32>} : memref<162x16xf32, #tpu.memory_space<vmem>>, vector<1x16xf32>,
        %mul3A_547 = arith.mulf %get3A_539, %get3A_423 : vector<16xf32>
        %swap3A_548 = arith.constant 20 : i32
        %swap3A_549 = arith.index_cast %swap3A_548 : i32 to index
        %swap3A_550 = arith.constant 0 : index
        %swap3A_551 = tpu.vector_load %arg10[%swap3A_549, %swap3A_550] {strides = array<i32>} : memref<162x16xf32, #tpu.memory_space<vmem>>, vector<1x16xf32>,
        %swap3A_552 = vector.shape_cast %swap3A_551 : vector<1x16xf32> to vector<16xf32>
        %swap3A_553 = vector.shape_cast %mul3A_547 : vector<16xf32> to vector<1x16xf32>
        tpu.vector_store %arg10[%swap3A_549, %swap3A_550], %swap3A_553 {strides = array<i32>} : memref<162x16xf32, #tpu.memory_space<vmem>>, vector<1x16xf32>,
        %mul3A_554 = arith.mulf %get3A_539, %get3A_429 : vector<16xf32>
        %swap3A_555 = arith.constant 22 : i32
        %swap3A_556 = arith.index_cast %swap3A_555 : i32 to index
        %swap3A_557 = arith.constant 0 : index
        %swap3A_558 = tpu.vector_load %arg10[%swap3A_556, %swap3A_557] {strides = array<i32>} : memref<162x16xf32, #tpu.memory_space<vmem>>, vector<1x16xf32>,
        %swap3A_559 = vector.shape_cast %swap3A_558 : vector<1x16xf32> to vector<16xf32>
        %swap3A_560 = vector.shape_cast %mul3A_554 : vector<16xf32> to vector<1x16xf32>
        tpu.vector_store %arg10[%swap3A_556, %swap3A_557], %swap3A_560 {strides = array<i32>} : memref<162x16xf32, #tpu.memory_space<vmem>>, vector<1x16xf32>,
        %mul3A_561 = arith.mulf %get3A_539, %get3A_435 : vector<16xf32>
        %swap3A_562 = arith.constant 24 : i32
        %swap3A_563 = arith.index_cast %swap3A_562 : i32 to index
        %swap3A_564 = arith.constant 0 : index
        %swap3A_565 = tpu.vector_load %arg10[%swap3A_563, %swap3A_564] {strides = array<i32>} : memref<162x16xf32, #tpu.memory_space<vmem>>, vector<1x16xf32>,
        %swap3A_566 = vector.shape_cast %swap3A_565 : vector<1x16xf32> to vector<16xf32>
        %swap3A_567 = vector.shape_cast %mul3A_561 : vector<16xf32> to vector<1x16xf32>
        tpu.vector_store %arg10[%swap3A_563, %swap3A_564], %swap3A_567 {strides = array<i32>} : memref<162x16xf32, #tpu.memory_space<vmem>>, vector<1x16xf32>,
        %mul3A_568 = arith.mulf %get3A_539, %get3A_441 : vector<16xf32>
        %swap3A_569 = arith.constant 26 : i32
        %swap3A_570 = arith.index_cast %swap3A_569 : i32 to index
        %swap3A_571 = arith.constant 0 : index
        %swap3A_572 = tpu.vector_load %arg10[%swap3A_570, %swap3A_571] {strides = array<i32>} : memref<162x16xf32, #tpu.memory_space<vmem>>, vector<1x16xf32>,
        %swap3A_573 = vector.shape_cast %swap3A_572 : vector<1x16xf32> to vector<16xf32>
        %swap3A_574 = vector.shape_cast %mul3A_568 : vector<16xf32> to vector<1x16xf32>
        tpu.vector_store %arg10[%swap3A_570, %swap3A_571], %swap3A_574 {strides = array<i32>} : memref<162x16xf32, #tpu.memory_space<vmem>>, vector<1x16xf32>,
        %mul3A_575 = arith.mulf %get3A_539, %get3A_447 : vector<16xf32>
        %swap3A_576 = arith.constant 28 : i32
        %swap3A_577 = arith.index_cast %swap3A_576 : i32 to index
        %swap3A_578 = arith.constant 0 : index
        %swap3A_579 = tpu.vector_load %arg10[%swap3A_577, %swap3A_578] {strides = array<i32>} : memref<162x16xf32, #tpu.memory_space<vmem>>, vector<1x16xf32>,
        %swap3A_580 = vector.shape_cast %swap3A_579 : vector<1x16xf32> to vector<16xf32>
        %swap3A_581 = vector.shape_cast %mul3A_575 : vector<16xf32> to vector<1x16xf32>
        tpu.vector_store %arg10[%swap3A_577, %swap3A_578], %swap3A_581 {strides = array<i32>} : memref<162x16xf32, #tpu.memory_space<vmem>>, vector<1x16xf32>,
        %mul3A_582 = arith.mulf %get3A_539, %get3A_453 : vector<16xf32>
        %swap3A_583 = arith.constant 30 : i32
        %swap3A_584 = arith.index_cast %swap3A_583 : i32 to index
        %swap3A_585 = arith.constant 0 : index
        %swap3A_586 = tpu.vector_load %arg10[%swap3A_584, %swap3A_585] {strides = array<i32>} : memref<162x16xf32, #tpu.memory_space<vmem>>, vector<1x16xf32>,
        %swap3A_587 = vector.shape_cast %swap3A_586 : vector<1x16xf32> to vector<16xf32>
        %swap3A_588 = vector.shape_cast %mul3A_582 : vector<16xf32> to vector<1x16xf32>
        tpu.vector_store %arg10[%swap3A_584, %swap3A_585], %swap3A_588 {strides = array<i32>} : memref<162x16xf32, #tpu.memory_space<vmem>>, vector<1x16xf32>,
        %mul3A_589 = arith.mulf %get3A_539, %get3A_459 : vector<16xf32>
        %swap3A_590 = arith.constant 32 : i32
        %swap3A_591 = arith.index_cast %swap3A_590 : i32 to index
        %swap3A_592 = arith.constant 0 : index
        %swap3A_593 = tpu.vector_load %arg10[%swap3A_591, %swap3A_592] {strides = array<i32>} : memref<162x16xf32, #tpu.memory_space<vmem>>, vector<1x16xf32>,
        %swap3A_594 = vector.shape_cast %swap3A_593 : vector<1x16xf32> to vector<16xf32>
        %swap3A_595 = vector.shape_cast %mul3A_589 : vector<16xf32> to vector<1x16xf32>
        tpu.vector_store %arg10[%swap3A_591, %swap3A_592], %swap3A_595 {strides = array<i32>} : memref<162x16xf32, #tpu.memory_space<vmem>>, vector<1x16xf32>,
        %mul3A_596 = arith.mulf %get3A_539, %get3A_465 : vector<16xf32>
        %swap3A_597 = arith.constant 34 : i32
        %swap3A_598 = arith.index_cast %swap3A_597 : i32 to index
        %swap3A_599 = arith.constant 0 : index
        %swap3A_600 = tpu.vector_load %arg10[%swap3A_598, %swap3A_599] {strides = array<i32>} : memref<162x16xf32, #tpu.memory_space<vmem>>, vector<1x16xf32>,
        %swap3A_601 = vector.shape_cast %swap3A_600 : vector<1x16xf32> to vector<16xf32>
        %swap3A_602 = vector.shape_cast %mul3A_596 : vector<16xf32> to vector<1x16xf32>
        tpu.vector_store %arg10[%swap3A_598, %swap3A_599], %swap3A_602 {strides = array<i32>} : memref<162x16xf32, #tpu.memory_space<vmem>>, vector<1x16xf32>,
        %get3A_603 = arith.constant 2 : i32
        %get3A_604 = arith.index_cast %scan3A_411 : i32 to index
        %get3A_605 = arith.index_cast %get3A_603 : i32 to index
        %get3A_606 = arith.constant 0 : index
        %get3A_607 = tpu.vector_load %arg7[%get3A_604, %get3A_605, %get3A_606] {strides = array<i32>} : memref<128x9x32xf32, #tpu.memory_space<vmem>>, vector<1x1x16xf32>,
        %get3A_608 = vector.shape_cast %get3A_607 : vector<1x1x16xf32> to vector<16xf32>
        %mul3A_609 = arith.mulf %get3A_608, %get3A_417 : vector<16xf32>
        %swap3A_610 = arith.constant 36 : i32
        %swap3A_611 = arith.index_cast %swap3A_610 : i32 to index
        %swap3A_612 = arith.constant 0 : index
        %swap3A_613 = tpu.vector_load %arg10[%swap3A_611, %swap3A_612] {strides = array<i32>} : memref<162x16xf32, #tpu.memory_space<vmem>>, vector<1x16xf32>,
        %swap3A_614 = vector.shape_cast %swap3A_613 : vector<1x16xf32> to vector<16xf32>
        %swap3A_615 = vector.shape_cast %mul3A_609 : vector<16xf32> to vector<1x16xf32>
        tpu.vector_store %arg10[%swap3A_611, %swap3A_612], %swap3A_615 {strides = array<i32>} : memref<162x16xf32, #tpu.memory_space<vmem>>, vector<1x16xf32>,
        %mul3A_616 = arith.mulf %get3A_608, %get3A_423 : vector<16xf32>
        %swap3A_617 = arith.constant 38 : i32
        %swap3A_618 = arith.index_cast %swap3A_617 : i32 to index
        %swap3A_619 = arith.constant 0 : index
        %swap3A_620 = tpu.vector_load %arg10[%swap3A_618, %swap3A_619] {strides = array<i32>} : memref<162x16xf32, #tpu.memory_space<vmem>>, vector<1x16xf32>,
        %swap3A_621 = vector.shape_cast %swap3A_620 : vector<1x16xf32> to vector<16xf32>
        %swap3A_622 = vector.shape_cast %mul3A_616 : vector<16xf32> to vector<1x16xf32>
        tpu.vector_store %arg10[%swap3A_618, %swap3A_619], %swap3A_622 {strides = array<i32>} : memref<162x16xf32, #tpu.memory_space<vmem>>, vector<1x16xf32>,
        %mul3A_623 = arith.mulf %get3A_608, %get3A_429 : vector<16xf32>
        %swap3A_624 = arith.constant 40 : i32
        %swap3A_625 = arith.index_cast %swap3A_624 : i32 to index
        %swap3A_626 = arith.constant 0 : index
        %swap3A_627 = tpu.vector_load %arg10[%swap3A_625, %swap3A_626] {strides = array<i32>} : memref<162x16xf32, #tpu.memory_space<vmem>>, vector<1x16xf32>,
        %swap3A_628 = vector.shape_cast %swap3A_627 : vector<1x16xf32> to vector<16xf32>
        %swap3A_629 = vector.shape_cast %mul3A_623 : vector<16xf32> to vector<1x16xf32>
        tpu.vector_store %arg10[%swap3A_625, %swap3A_626], %swap3A_629 {strides = array<i32>} : memref<162x16xf32, #tpu.memory_space<vmem>>, vector<1x16xf32>,
        %mul3A_630 = arith.mulf %get3A_608, %get3A_435 : vector<16xf32>
        %swap3A_631 = arith.constant 42 : i32
        %swap3A_632 = arith.index_cast %swap3A_631 : i32 to index
        %swap3A_633 = arith.constant 0 : index
        %swap3A_634 = tpu.vector_load %arg10[%swap3A_632, %swap3A_633] {strides = array<i32>} : memref<162x16xf32, #tpu.memory_space<vmem>>, vector<1x16xf32>,
        %swap3A_635 = vector.shape_cast %swap3A_634 : vector<1x16xf32> to vector<16xf32>
        %swap3A_636 = vector.shape_cast %mul3A_630 : vector<16xf32> to vector<1x16xf32>
        tpu.vector_store %arg10[%swap3A_632, %swap3A_633], %swap3A_636 {strides = array<i32>} : memref<162x16xf32, #tpu.memory_space<vmem>>, vector<1x16xf32>,
        %mul3A_637 = arith.mulf %get3A_608, %get3A_441 : vector<16xf32>
        %swap3A_638 = arith.constant 44 : i32
        %swap3A_639 = arith.index_cast %swap3A_638 : i32 to index
        %swap3A_640 = arith.constant 0 : index
        %swap3A_641 = tpu.vector_load %arg10[%swap3A_639, %swap3A_640] {strides = array<i32>} : memref<162x16xf32, #tpu.memory_space<vmem>>, vector<1x16xf32>,
        %swap3A_642 = vector.shape_cast %swap3A_641 : vector<1x16xf32> to vector<16xf32>
        %swap3A_643 = vector.shape_cast %mul3A_637 : vector<16xf32> to vector<1x16xf32>
        tpu.vector_store %arg10[%swap3A_639, %swap3A_640], %swap3A_643 {strides = array<i32>} : memref<162x16xf32, #tpu.memory_space<vmem>>, vector<1x16xf32>,
        %mul3A_644 = arith.mulf %get3A_608, %get3A_447 : vector<16xf32>
        %swap3A_645 = arith.constant 46 : i32
        %swap3A_646 = arith.index_cast %swap3A_645 : i32 to index
        %swap3A_647 = arith.constant 0 : index
        %swap3A_648 = tpu.vector_load %arg10[%swap3A_646, %swap3A_647] {strides = array<i32>} : memref<162x16xf32, #tpu.memory_space<vmem>>, vector<1x16xf32>,
        %swap3A_649 = vector.shape_cast %swap3A_648 : vector<1x16xf32> to vector<16xf32>
        %swap3A_650 = vector.shape_cast %mul3A_644 : vector<16xf32> to vector<1x16xf32>
        tpu.vector_store %arg10[%swap3A_646, %swap3A_647], %swap3A_650 {strides = array<i32>} : memref<162x16xf32, #tpu.memory_space<vmem>>, vector<1x16xf32>,
        %mul3A_651 = arith.mulf %get3A_608, %get3A_453 : vector<16xf32>
        %swap3A_652 = arith.constant 48 : i32
        %swap3A_653 = arith.index_cast %swap3A_652 : i32 to index
        %swap3A_654 = arith.constant 0 : index
        %swap3A_655 = tpu.vector_load %arg10[%swap3A_653, %swap3A_654] {strides = array<i32>} : memref<162x16xf32, #tpu.memory_space<vmem>>, vector<1x16xf32>,
        %swap3A_656 = vector.shape_cast %swap3A_655 : vector<1x16xf32> to vector<16xf32>
        %swap3A_657 = vector.shape_cast %mul3A_651 : vector<16xf32> to vector<1x16xf32>
        tpu.vector_store %arg10[%swap3A_653, %swap3A_654], %swap3A_657 {strides = array<i32>} : memref<162x16xf32, #tpu.memory_space<vmem>>, vector<1x16xf32>,
        %mul3A_658 = arith.mulf %get3A_608, %get3A_459 : vector<16xf32>
        %swap3A_659 = arith.constant 50 : i32
        %swap3A_660 = arith.index_cast %swap3A_659 : i32 to index
        %swap3A_661 = arith.constant 0 : index
        %swap3A_662 = tpu.vector_load %arg10[%swap3A_660, %swap3A_661] {strides = array<i32>} : memref<162x16xf32, #tpu.memory_space<vmem>>, vector<1x16xf32>,
        %swap3A_663 = vector.shape_cast %swap3A_662 : vector<1x16xf32> to vector<16xf32>
        %swap3A_664 = vector.shape_cast %mul3A_658 : vector<16xf32> to vector<1x16xf32>
        tpu.vector_store %arg10[%swap3A_660, %swap3A_661], %swap3A_664 {strides = array<i32>} : memref<162x16xf32, #tpu.memory_space<vmem>>, vector<1x16xf32>,
        %mul3A_665 = arith.mulf %get3A_608, %get3A_465 : vector<16xf32>
        %swap3A_666 = arith.constant 52 : i32
        %swap3A_667 = arith.index_cast %swap3A_666 : i32 to index
        %swap3A_668 = arith.constant 0 : index
        %swap3A_669 = tpu.vector_load %arg10[%swap3A_667, %swap3A_668] {strides = array<i32>} : memref<162x16xf32, #tpu.memory_space<vmem>>, vector<1x16xf32>,
        %swap3A_670 = vector.shape_cast %swap3A_669 : vector<1x16xf32> to vector<16xf32>
        %swap3A_671 = vector.shape_cast %mul3A_665 : vector<16xf32> to vector<1x16xf32>
        tpu.vector_store %arg10[%swap3A_667, %swap3A_668], %swap3A_671 {strides = array<i32>} : memref<162x16xf32, #tpu.memory_space<vmem>>, vector<1x16xf32>,
        %get3A_672 = arith.constant 3 : i32
        %get3A_673 = arith.index_cast %scan3A_411 : i32 to index
        %get3A_674 = arith.index_cast %get3A_672 : i32 to index
        %get3A_675 = arith.constant 0 : index
        %get3A_676 = tpu.vector_load %arg7[%get3A_673, %get3A_674, %get3A_675] {strides = array<i32>} : memref<128x9x32xf32, #tpu.memory_space<vmem>>, vector<1x1x16xf32>,
        %get3A_677 = vector.shape_cast %get3A_676 : vector<1x1x16xf32> to vector<16xf32>
        %mul3A_678 = arith.mulf %get3A_677, %get3A_417 : vector<16xf32>
        %swap3A_679 = arith.constant 54 : i32
        %swap3A_680 = arith.index_cast %swap3A_679 : i32 to index
        %swap3A_681 = arith.constant 0 : index
        %swap3A_682 = tpu.vector_load %arg10[%swap3A_680, %swap3A_681] {strides = array<i32>} : memref<162x16xf32, #tpu.memory_space<vmem>>, vector<1x16xf32>,
        %swap3A_683 = vector.shape_cast %swap3A_682 : vector<1x16xf32> to vector<16xf32>
        %swap3A_684 = vector.shape_cast %mul3A_678 : vector<16xf32> to vector<1x16xf32>
        tpu.vector_store %arg10[%swap3A_680, %swap3A_681], %swap3A_684 {strides = array<i32>} : memref<162x16xf32, #tpu.memory_space<vmem>>, vector<1x16xf32>,
        %mul3A_685 = arith.mulf %get3A_677, %get3A_423 : vector<16xf32>
        %swap3A_686 = arith.constant 56 : i32
        %swap3A_687 = arith.index_cast %swap3A_686 : i32 to index
        %swap3A_688 = arith.constant 0 : index
        %swap3A_689 = tpu.vector_load %arg10[%swap3A_687, %swap3A_688] {strides = array<i32>} : memref<162x16xf32, #tpu.memory_space<vmem>>, vector<1x16xf32>,
        %swap3A_690 = vector.shape_cast %swap3A_689 : vector<1x16xf32> to vector<16xf32>
        %swap3A_691 = vector.shape_cast %mul3A_685 : vector<16xf32> to vector<1x16xf32>
        tpu.vector_store %arg10[%swap3A_687, %swap3A_688], %swap3A_691 {strides = array<i32>} : memref<162x16xf32, #tpu.memory_space<vmem>>, vector<1x16xf32>,
        %mul3A_692 = arith.mulf %get3A_677, %get3A_429 : vector<16xf32>
        %swap3A_693 = arith.constant 58 : i32
        %swap3A_694 = arith.index_cast %swap3A_693 : i32 to index
        %swap3A_695 = arith.constant 0 : index
        %swap3A_696 = tpu.vector_load %arg10[%swap3A_694, %swap3A_695] {strides = array<i32>} : memref<162x16xf32, #tpu.memory_space<vmem>>, vector<1x16xf32>,
        %swap3A_697 = vector.shape_cast %swap3A_696 : vector<1x16xf32> to vector<16xf32>
        %swap3A_698 = vector.shape_cast %mul3A_692 : vector<16xf32> to vector<1x16xf32>
        tpu.vector_store %arg10[%swap3A_694, %swap3A_695], %swap3A_698 {strides = array<i32>} : memref<162x16xf32, #tpu.memory_space<vmem>>, vector<1x16xf32>,
        %mul3A_699 = arith.mulf %get3A_677, %get3A_435 : vector<16xf32>
        %swap3A_700 = arith.constant 60 : i32
        %swap3A_701 = arith.index_cast %swap3A_700 : i32 to index
        %swap3A_702 = arith.constant 0 : index
        %swap3A_703 = tpu.vector_load %arg10[%swap3A_701, %swap3A_702] {strides = array<i32>} : memref<162x16xf32, #tpu.memory_space<vmem>>, vector<1x16xf32>,
        %swap3A_704 = vector.shape_cast %swap3A_703 : vector<1x16xf32> to vector<16xf32>
        %swap3A_705 = vector.shape_cast %mul3A_699 : vector<16xf32> to vector<1x16xf32>
        tpu.vector_store %arg10[%swap3A_701, %swap3A_702], %swap3A_705 {strides = array<i32>} : memref<162x16xf32, #tpu.memory_space<vmem>>, vector<1x16xf32>,
        %mul3A_706 = arith.mulf %get3A_677, %get3A_441 : vector<16xf32>
        %swap3A_707 = arith.constant 62 : i32
        %swap3A_708 = arith.index_cast %swap3A_707 : i32 to index
        %swap3A_709 = arith.constant 0 : index
        %swap3A_710 = tpu.vector_load %arg10[%swap3A_708, %swap3A_709] {strides = array<i32>} : memref<162x16xf32, #tpu.memory_space<vmem>>, vector<1x16xf32>,
        %swap3A_711 = vector.shape_cast %swap3A_710 : vector<1x16xf32> to vector<16xf32>
        %swap3A_712 = vector.shape_cast %mul3A_706 : vector<16xf32> to vector<1x16xf32>
        tpu.vector_store %arg10[%swap3A_708, %swap3A_709], %swap3A_712 {strides = array<i32>} : memref<162x16xf32, #tpu.memory_space<vmem>>, vector<1x16xf32>,
        %mul3A_713 = arith.mulf %get3A_677, %get3A_447 : vector<16xf32>
        %swap3A_714 = arith.constant 64 : i32
        %swap3A_715 = arith.index_cast %swap3A_714 : i32 to index
        %swap3A_716 = arith.constant 0 : index
        %swap3A_717 = tpu.vector_load %arg10[%swap3A_715, %swap3A_716] {strides = array<i32>} : memref<162x16xf32, #tpu.memory_space<vmem>>, vector<1x16xf32>,
        %swap3A_718 = vector.shape_cast %swap3A_717 : vector<1x16xf32> to vector<16xf32>
        %swap3A_719 = vector.shape_cast %mul3A_713 : vector<16xf32> to vector<1x16xf32>
        tpu.vector_store %arg10[%swap3A_715, %swap3A_716], %swap3A_719 {strides = array<i32>} : memref<162x16xf32, #tpu.memory_space<vmem>>, vector<1x16xf32>,
        %mul3A_720 = arith.mulf %get3A_677, %get3A_453 : vector<16xf32>
        %swap3A_721 = arith.constant 66 : i32
        %swap3A_722 = arith.index_cast %swap3A_721 : i32 to index
        %swap3A_723 = arith.constant 0 : index
        %swap3A_724 = tpu.vector_load %arg10[%swap3A_722, %swap3A_723] {strides = array<i32>} : memref<162x16xf32, #tpu.memory_space<vmem>>, vector<1x16xf32>,
        %swap3A_725 = vector.shape_cast %swap3A_724 : vector<1x16xf32> to vector<16xf32>
        %swap3A_726 = vector.shape_cast %mul3A_720 : vector<16xf32> to vector<1x16xf32>
        tpu.vector_store %arg10[%swap3A_722, %swap3A_723], %swap3A_726 {strides = array<i32>} : memref<162x16xf32, #tpu.memory_space<vmem>>, vector<1x16xf32>,
        %mul3A_727 = arith.mulf %get3A_677, %get3A_459 : vector<16xf32>
        %swap3A_728 = arith.constant 68 : i32
        %swap3A_729 = arith.index_cast %swap3A_728 : i32 to index
        %swap3A_730 = arith.constant 0 : index
        %swap3A_731 = tpu.vector_load %arg10[%swap3A_729, %swap3A_730] {strides = array<i32>} : memref<162x16xf32, #tpu.memory_space<vmem>>, vector<1x16xf32>,
        %swap3A_732 = vector.shape_cast %swap3A_731 : vector<1x16xf32> to vector<16xf32>
        %swap3A_733 = vector.shape_cast %mul3A_727 : vector<16xf32> to vector<1x16xf32>
        tpu.vector_store %arg10[%swap3A_729, %swap3A_730], %swap3A_733 {strides = array<i32>} : memref<162x16xf32, #tpu.memory_space<vmem>>, vector<1x16xf32>,
        %mul3A_734 = arith.mulf %get3A_677, %get3A_465 : vector<16xf32>
        %swap3A_735 = arith.constant 70 : i32
        %swap3A_736 = arith.index_cast %swap3A_735 : i32 to index
        %swap3A_737 = arith.constant 0 : index
        %swap3A_738 = tpu.vector_load %arg10[%swap3A_736, %swap3A_737] {strides = array<i32>} : memref<162x16xf32, #tpu.memory_space<vmem>>, vector<1x16xf32>,
        %swap3A_739 = vector.shape_cast %swap3A_738 : vector<1x16xf32> to vector<16xf32>
        %swap3A_740 = vector.shape_cast %mul3A_734 : vector<16xf32> to vector<1x16xf32>
        tpu.vector_store %arg10[%swap3A_736, %swap3A_737], %swap3A_740 {strides = array<i32>} : memref<162x16xf32, #tpu.memory_space<vmem>>, vector<1x16xf32>,
        %get3A_741 = arith.constant 4 : i32
        %get3A_742 = arith.index_cast %scan3A_411 : i32 to index
        %get3A_743 = arith.index_cast %get3A_741 : i32 to index
        %get3A_744 = arith.constant 0 : index
        %get3A_745 = tpu.vector_load %arg7[%get3A_742, %get3A_743, %get3A_744] {strides = array<i32>} : memref<128x9x32xf32, #tpu.memory_space<vmem>>, vector<1x1x16xf32>,
        %get3A_746 = vector.shape_cast %get3A_745 : vector<1x1x16xf32> to vector<16xf32>
        %mul3A_747 = arith.mulf %get3A_746, %get3A_417 : vector<16xf32>
        %swap3A_748 = arith.constant 72 : i32
        %swap3A_749 = arith.index_cast %swap3A_748 : i32 to index
        %swap3A_750 = arith.constant 0 : index
        %swap3A_751 = tpu.vector_load %arg10[%swap3A_749, %swap3A_750] {strides = array<i32>} : memref<162x16xf32, #tpu.memory_space<vmem>>, vector<1x16xf32>,
        %swap3A_752 = vector.shape_cast %swap3A_751 : vector<1x16xf32> to vector<16xf32>
        %swap3A_753 = vector.shape_cast %mul3A_747 : vector<16xf32> to vector<1x16xf32>
        tpu.vector_store %arg10[%swap3A_749, %swap3A_750], %swap3A_753 {strides = array<i32>} : memref<162x16xf32, #tpu.memory_space<vmem>>, vector<1x16xf32>,
        %mul3A_754 = arith.mulf %get3A_746, %get3A_423 : vector<16xf32>
        %swap3A_755 = arith.constant 74 : i32
        %swap3A_756 = arith.index_cast %swap3A_755 : i32 to index
        %swap3A_757 = arith.constant 0 : index
        %swap3A_758 = tpu.vector_load %arg10[%swap3A_756, %swap3A_757] {strides = array<i32>} : memref<162x16xf32, #tpu.memory_space<vmem>>, vector<1x16xf32>,
        %swap3A_759 = vector.shape_cast %swap3A_758 : vector<1x16xf32> to vector<16xf32>
        %swap3A_760 = vector.shape_cast %mul3A_754 : vector<16xf32> to vector<1x16xf32>
        tpu.vector_store %arg10[%swap3A_756, %swap3A_757], %swap3A_760 {strides = array<i32>} : memref<162x16xf32, #tpu.memory_space<vmem>>, vector<1x16xf32>,
        %mul3A_761 = arith.mulf %get3A_746, %get3A_429 : vector<16xf32>
        %swap3A_762 = arith.constant 76 : i32
        %swap3A_763 = arith.index_cast %swap3A_762 : i32 to index
        %swap3A_764 = arith.constant 0 : index
        %swap3A_765 = tpu.vector_load %arg10[%swap3A_763, %swap3A_764] {strides = array<i32>} : memref<162x16xf32, #tpu.memory_space<vmem>>, vector<1x16xf32>,
        %swap3A_766 = vector.shape_cast %swap3A_765 : vector<1x16xf32> to vector<16xf32>
        %swap3A_767 = vector.shape_cast %mul3A_761 : vector<16xf32> to vector<1x16xf32>
        tpu.vector_store %arg10[%swap3A_763, %swap3A_764], %swap3A_767 {strides = array<i32>} : memref<162x16xf32, #tpu.memory_space<vmem>>, vector<1x16xf32>,
        %mul3A_768 = arith.mulf %get3A_746, %get3A_435 : vector<16xf32>
        %swap3A_769 = arith.constant 78 : i32
        %swap3A_770 = arith.index_cast %swap3A_769 : i32 to index
        %swap3A_771 = arith.constant 0 : index
        %swap3A_772 = tpu.vector_load %arg10[%swap3A_770, %swap3A_771] {strides = array<i32>} : memref<162x16xf32, #tpu.memory_space<vmem>>, vector<1x16xf32>,
        %swap3A_773 = vector.shape_cast %swap3A_772 : vector<1x16xf32> to vector<16xf32>
        %swap3A_774 = vector.shape_cast %mul3A_768 : vector<16xf32> to vector<1x16xf32>
        tpu.vector_store %arg10[%swap3A_770, %swap3A_771], %swap3A_774 {strides = array<i32>} : memref<162x16xf32, #tpu.memory_space<vmem>>, vector<1x16xf32>,
        %mul3A_775 = arith.mulf %get3A_746, %get3A_441 : vector<16xf32>
        %swap3A_776 = arith.constant 80 : i32
        %swap3A_777 = arith.index_cast %swap3A_776 : i32 to index
        %swap3A_778 = arith.constant 0 : index
        %swap3A_779 = tpu.vector_load %arg10[%swap3A_777, %swap3A_778] {strides = array<i32>} : memref<162x16xf32, #tpu.memory_space<vmem>>, vector<1x16xf32>,
        %swap3A_780 = vector.shape_cast %swap3A_779 : vector<1x16xf32> to vector<16xf32>
        %swap3A_781 = vector.shape_cast %mul3A_775 : vector<16xf32> to vector<1x16xf32>
        tpu.vector_store %arg10[%swap3A_777, %swap3A_778], %swap3A_781 {strides = array<i32>} : memref<162x16xf32, #tpu.memory_space<vmem>>, vector<1x16xf32>,
        %mul3A_782 = arith.mulf %get3A_746, %get3A_447 : vector<16xf32>
        %swap3A_783 = arith.constant 82 : i32
        %swap3A_784 = arith.index_cast %swap3A_783 : i32 to index
        %swap3A_785 = arith.constant 0 : index
        %swap3A_786 = tpu.vector_load %arg10[%swap3A_784, %swap3A_785] {strides = array<i32>} : memref<162x16xf32, #tpu.memory_space<vmem>>, vector<1x16xf32>,
        %swap3A_787 = vector.shape_cast %swap3A_786 : vector<1x16xf32> to vector<16xf32>
        %swap3A_788 = vector.shape_cast %mul3A_782 : vector<16xf32> to vector<1x16xf32>
        tpu.vector_store %arg10[%swap3A_784, %swap3A_785], %swap3A_788 {strides = array<i32>} : memref<162x16xf32, #tpu.memory_space<vmem>>, vector<1x16xf32>,
        %mul3A_789 = arith.mulf %get3A_746, %get3A_453 : vector<16xf32>
        %swap3A_790 = arith.constant 84 : i32
        %swap3A_791 = arith.index_cast %swap3A_790 : i32 to index
        %swap3A_792 = arith.constant 0 : index
        %swap3A_793 = tpu.vector_load %arg10[%swap3A_791, %swap3A_792] {strides = array<i32>} : memref<162x16xf32, #tpu.memory_space<vmem>>, vector<1x16xf32>,
        %swap3A_794 = vector.shape_cast %swap3A_793 : vector<1x16xf32> to vector<16xf32>
        %swap3A_795 = vector.shape_cast %mul3A_789 : vector<16xf32> to vector<1x16xf32>
        tpu.vector_store %arg10[%swap3A_791, %swap3A_792], %swap3A_795 {strides = array<i32>} : memref<162x16xf32, #tpu.memory_space<vmem>>, vector<1x16xf32>,
        %mul3A_796 = arith.mulf %get3A_746, %get3A_459 : vector<16xf32>
        %swap3A_797 = arith.constant 86 : i32
        %swap3A_798 = arith.index_cast %swap3A_797 : i32 to index
        %swap3A_799 = arith.constant 0 : index
        %swap3A_800 = tpu.vector_load %arg10[%swap3A_798, %swap3A_799] {strides = array<i32>} : memref<162x16xf32, #tpu.memory_space<vmem>>, vector<1x16xf32>,
        %swap3A_801 = vector.shape_cast %swap3A_800 : vector<1x16xf32> to vector<16xf32>
        %swap3A_802 = vector.shape_cast %mul3A_796 : vector<16xf32> to vector<1x16xf32>
        tpu.vector_store %arg10[%swap3A_798, %swap3A_799], %swap3A_802 {strides = array<i32>} : memref<162x16xf32, #tpu.memory_space<vmem>>, vector<1x16xf32>,
        %mul3A_803 = arith.mulf %get3A_746, %get3A_465 : vector<16xf32>
        %swap3A_804 = arith.constant 88 : i32
        %swap3A_805 = arith.index_cast %swap3A_804 : i32 to index
        %swap3A_806 = arith.constant 0 : index
        %swap3A_807 = tpu.vector_load %arg10[%swap3A_805, %swap3A_806] {strides = array<i32>} : memref<162x16xf32, #tpu.memory_space<vmem>>, vector<1x16xf32>,
        %swap3A_808 = vector.shape_cast %swap3A_807 : vector<1x16xf32> to vector<16xf32>
        %swap3A_809 = vector.shape_cast %mul3A_803 : vector<16xf32> to vector<1x16xf32>
        tpu.vector_store %arg10[%swap3A_805, %swap3A_806], %swap3A_809 {strides = array<i32>} : memref<162x16xf32, #tpu.memory_space<vmem>>, vector<1x16xf32>,
        %get3A_810 = arith.constant 5 : i32
        %get3A_811 = arith.index_cast %scan3A_411 : i32 to index
        %get3A_812 = arith.index_cast %get3A_810 : i32 to index
        %get3A_813 = arith.constant 0 : index
        %get3A_814 = tpu.vector_load %arg7[%get3A_811, %get3A_812, %get3A_813] {strides = array<i32>} : memref<128x9x32xf32, #tpu.memory_space<vmem>>, vector<1x1x16xf32>,
        %get3A_815 = vector.shape_cast %get3A_814 : vector<1x1x16xf32> to vector<16xf32>
        %mul3A_816 = arith.mulf %get3A_815, %get3A_417 : vector<16xf32>
        %swap3A_817 = arith.constant 90 : i32
        %swap3A_818 = arith.index_cast %swap3A_817 : i32 to index
        %swap3A_819 = arith.constant 0 : index
        %swap3A_820 = tpu.vector_load %arg10[%swap3A_818, %swap3A_819] {strides = array<i32>} : memref<162x16xf32, #tpu.memory_space<vmem>>, vector<1x16xf32>,
        %swap3A_821 = vector.shape_cast %swap3A_820 : vector<1x16xf32> to vector<16xf32>
        %swap3A_822 = vector.shape_cast %mul3A_816 : vector<16xf32> to vector<1x16xf32>
        tpu.vector_store %arg10[%swap3A_818, %swap3A_819], %swap3A_822 {strides = array<i32>} : memref<162x16xf32, #tpu.memory_space<vmem>>, vector<1x16xf32>,
        %mul3A_823 = arith.mulf %get3A_815, %get3A_423 : vector<16xf32>
        %swap3A_824 = arith.constant 92 : i32
        %swap3A_825 = arith.index_cast %swap3A_824 : i32 to index
        %swap3A_826 = arith.constant 0 : index
        %swap3A_827 = tpu.vector_load %arg10[%swap3A_825, %swap3A_826] {strides = array<i32>} : memref<162x16xf32, #tpu.memory_space<vmem>>, vector<1x16xf32>,
        %swap3A_828 = vector.shape_cast %swap3A_827 : vector<1x16xf32> to vector<16xf32>
        %swap3A_829 = vector.shape_cast %mul3A_823 : vector<16xf32> to vector<1x16xf32>
        tpu.vector_store %arg10[%swap3A_825, %swap3A_826], %swap3A_829 {strides = array<i32>} : memref<162x16xf32, #tpu.memory_space<vmem>>, vector<1x16xf32>,
        %mul3A_830 = arith.mulf %get3A_815, %get3A_429 : vector<16xf32>
        %swap3A_831 = arith.constant 94 : i32
        %swap3A_832 = arith.index_cast %swap3A_831 : i32 to index
        %swap3A_833 = arith.constant 0 : index
        %swap3A_834 = tpu.vector_load %arg10[%swap3A_832, %swap3A_833] {strides = array<i32>} : memref<162x16xf32, #tpu.memory_space<vmem>>, vector<1x16xf32>,
        %swap3A_835 = vector.shape_cast %swap3A_834 : vector<1x16xf32> to vector<16xf32>
        %swap3A_836 = vector.shape_cast %mul3A_830 : vector<16xf32> to vector<1x16xf32>
        tpu.vector_store %arg10[%swap3A_832, %swap3A_833], %swap3A_836 {strides = array<i32>} : memref<162x16xf32, #tpu.memory_space<vmem>>, vector<1x16xf32>,
        %mul3A_837 = arith.mulf %get3A_815, %get3A_435 : vector<16xf32>
        %swap3A_838 = arith.constant 96 : i32
        %swap3A_839 = arith.index_cast %swap3A_838 : i32 to index
        %swap3A_840 = arith.constant 0 : index
        %swap3A_841 = tpu.vector_load %arg10[%swap3A_839, %swap3A_840] {strides = array<i32>} : memref<162x16xf32, #tpu.memory_space<vmem>>, vector<1x16xf32>,
        %swap3A_842 = vector.shape_cast %swap3A_841 : vector<1x16xf32> to vector<16xf32>
        %swap3A_843 = vector.shape_cast %mul3A_837 : vector<16xf32> to vector<1x16xf32>
        tpu.vector_store %arg10[%swap3A_839, %swap3A_840], %swap3A_843 {strides = array<i32>} : memref<162x16xf32, #tpu.memory_space<vmem>>, vector<1x16xf32>,
        %mul3A_844 = arith.mulf %get3A_815, %get3A_441 : vector<16xf32>
        %swap3A_845 = arith.constant 98 : i32
        %swap3A_846 = arith.index_cast %swap3A_845 : i32 to index
        %swap3A_847 = arith.constant 0 : index
        %swap3A_848 = tpu.vector_load %arg10[%swap3A_846, %swap3A_847] {strides = array<i32>} : memref<162x16xf32, #tpu.memory_space<vmem>>, vector<1x16xf32>,
        %swap3A_849 = vector.shape_cast %swap3A_848 : vector<1x16xf32> to vector<16xf32>
        %swap3A_850 = vector.shape_cast %mul3A_844 : vector<16xf32> to vector<1x16xf32>
        tpu.vector_store %arg10[%swap3A_846, %swap3A_847], %swap3A_850 {strides = array<i32>} : memref<162x16xf32, #tpu.memory_space<vmem>>, vector<1x16xf32>,
        %mul3A_851 = arith.mulf %get3A_815, %get3A_447 : vector<16xf32>
        %swap3A_852 = arith.constant 100 : i32
        %swap3A_853 = arith.index_cast %swap3A_852 : i32 to index
        %swap3A_854 = arith.constant 0 : index
        %swap3A_855 = tpu.vector_load %arg10[%swap3A_853, %swap3A_854] {strides = array<i32>} : memref<162x16xf32, #tpu.memory_space<vmem>>, vector<1x16xf32>,
        %swap3A_856 = vector.shape_cast %swap3A_855 : vector<1x16xf32> to vector<16xf32>
        %swap3A_857 = vector.shape_cast %mul3A_851 : vector<16xf32> to vector<1x16xf32>
        tpu.vector_store %arg10[%swap3A_853, %swap3A_854], %swap3A_857 {strides = array<i32>} : memref<162x16xf32, #tpu.memory_space<vmem>>, vector<1x16xf32>,
        %mul3A_858 = arith.mulf %get3A_815, %get3A_453 : vector<16xf32>
        %swap3A_859 = arith.constant 102 : i32
        %swap3A_860 = arith.index_cast %swap3A_859 : i32 to index
        %swap3A_861 = arith.constant 0 : index
        %swap3A_862 = tpu.vector_load %arg10[%swap3A_860, %swap3A_861] {strides = array<i32>} : memref<162x16xf32, #tpu.memory_space<vmem>>, vector<1x16xf32>,
        %swap3A_863 = vector.shape_cast %swap3A_862 : vector<1x16xf32> to vector<16xf32>
        %swap3A_864 = vector.shape_cast %mul3A_858 : vector<16xf32> to vector<1x16xf32>
        tpu.vector_store %arg10[%swap3A_860, %swap3A_861], %swap3A_864 {strides = array<i32>} : memref<162x16xf32, #tpu.memory_space<vmem>>, vector<1x16xf32>,
        %mul3A_865 = arith.mulf %get3A_815, %get3A_459 : vector<16xf32>
        %swap3A_866 = arith.constant 104 : i32
        %swap3A_867 = arith.index_cast %swap3A_866 : i32 to index
        %swap3A_868 = arith.constant 0 : index
        %swap3A_869 = tpu.vector_load %arg10[%swap3A_867, %swap3A_868] {strides = array<i32>} : memref<162x16xf32, #tpu.memory_space<vmem>>, vector<1x16xf32>,
        %swap3A_870 = vector.shape_cast %swap3A_869 : vector<1x16xf32> to vector<16xf32>
        %swap3A_871 = vector.shape_cast %mul3A_865 : vector<16xf32> to vector<1x16xf32>
        tpu.vector_store %arg10[%swap3A_867, %swap3A_868], %swap3A_871 {strides = array<i32>} : memref<162x16xf32, #tpu.memory_space<vmem>>, vector<1x16xf32>,
        %mul3A_872 = arith.mulf %get3A_815, %get3A_465 : vector<16xf32>
        %swap3A_873 = arith.constant 106 : i32
        %swap3A_874 = arith.index_cast %swap3A_873 : i32 to index
        %swap3A_875 = arith.constant 0 : index
        %swap3A_876 = tpu.vector_load %arg10[%swap3A_874, %swap3A_875] {strides = array<i32>} : memref<162x16xf32, #tpu.memory_space<vmem>>, vector<1x16xf32>,
        %swap3A_877 = vector.shape_cast %swap3A_876 : vector<1x16xf32> to vector<16xf32>
        %swap3A_878 = vector.shape_cast %mul3A_872 : vector<16xf32> to vector<1x16xf32>
        tpu.vector_store %arg10[%swap3A_874, %swap3A_875], %swap3A_878 {strides = array<i32>} : memref<162x16xf32, #tpu.memory_space<vmem>>, vector<1x16xf32>,
        %get3A_879 = arith.constant 6 : i32
        %get3A_880 = arith.index_cast %scan3A_411 : i32 to index
        %get3A_881 = arith.index_cast %get3A_879 : i32 to index
        %get3A_882 = arith.constant 0 : index
        %get3A_883 = tpu.vector_load %arg7[%get3A_880, %get3A_881, %get3A_882] {strides = array<i32>} : memref<128x9x32xf32, #tpu.memory_space<vmem>>, vector<1x1x16xf32>,
        %get3A_884 = vector.shape_cast %get3A_883 : vector<1x1x16xf32> to vector<16xf32>
        %mul3A_885 = arith.mulf %get3A_884, %get3A_417 : vector<16xf32>
        %swap3A_886 = arith.constant 108 : i32
        %swap3A_887 = arith.index_cast %swap3A_886 : i32 to index
        %swap3A_888 = arith.constant 0 : index
        %swap3A_889 = tpu.vector_load %arg10[%swap3A_887, %swap3A_888] {strides = array<i32>} : memref<162x16xf32, #tpu.memory_space<vmem>>, vector<1x16xf32>,
        %swap3A_890 = vector.shape_cast %swap3A_889 : vector<1x16xf32> to vector<16xf32>
        %swap3A_891 = vector.shape_cast %mul3A_885 : vector<16xf32> to vector<1x16xf32>
        tpu.vector_store %arg10[%swap3A_887, %swap3A_888], %swap3A_891 {strides = array<i32>} : memref<162x16xf32, #tpu.memory_space<vmem>>, vector<1x16xf32>,
        %mul3A_892 = arith.mulf %get3A_884, %get3A_423 : vector<16xf32>
        %swap3A_893 = arith.constant 110 : i32
        %swap3A_894 = arith.index_cast %swap3A_893 : i32 to index
        %swap3A_895 = arith.constant 0 : index
        %swap3A_896 = tpu.vector_load %arg10[%swap3A_894, %swap3A_895] {strides = array<i32>} : memref<162x16xf32, #tpu.memory_space<vmem>>, vector<1x16xf32>,
        %swap3A_897 = vector.shape_cast %swap3A_896 : vector<1x16xf32> to vector<16xf32>
        %swap3A_898 = vector.shape_cast %mul3A_892 : vector<16xf32> to vector<1x16xf32>
        tpu.vector_store %arg10[%swap3A_894, %swap3A_895], %swap3A_898 {strides = array<i32>} : memref<162x16xf32, #tpu.memory_space<vmem>>, vector<1x16xf32>,
        %mul3A_899 = arith.mulf %get3A_884, %get3A_429 : vector<16xf32>
        %swap3A_900 = arith.constant 112 : i32
        %swap3A_901 = arith.index_cast %swap3A_900 : i32 to index
        %swap3A_902 = arith.constant 0 : index
        %swap3A_903 = tpu.vector_load %arg10[%swap3A_901, %swap3A_902] {strides = array<i32>} : memref<162x16xf32, #tpu.memory_space<vmem>>, vector<1x16xf32>,
        %swap3A_904 = vector.shape_cast %swap3A_903 : vector<1x16xf32> to vector<16xf32>
        %swap3A_905 = vector.shape_cast %mul3A_899 : vector<16xf32> to vector<1x16xf32>
        tpu.vector_store %arg10[%swap3A_901, %swap3A_902], %swap3A_905 {strides = array<i32>} : memref<162x16xf32, #tpu.memory_space<vmem>>, vector<1x16xf32>,
        %mul3A_906 = arith.mulf %get3A_884, %get3A_435 : vector<16xf32>
        %swap3A_907 = arith.constant 114 : i32
        %swap3A_908 = arith.index_cast %swap3A_907 : i32 to index
        %swap3A_909 = arith.constant 0 : index
        %swap3A_910 = tpu.vector_load %arg10[%swap3A_908, %swap3A_909] {strides = array<i32>} : memref<162x16xf32, #tpu.memory_space<vmem>>, vector<1x16xf32>,
        %swap3A_911 = vector.shape_cast %swap3A_910 : vector<1x16xf32> to vector<16xf32>
        %swap3A_912 = vector.shape_cast %mul3A_906 : vector<16xf32> to vector<1x16xf32>
        tpu.vector_store %arg10[%swap3A_908, %swap3A_909], %swap3A_912 {strides = array<i32>} : memref<162x16xf32, #tpu.memory_space<vmem>>, vector<1x16xf32>,
        %mul3A_913 = arith.mulf %get3A_884, %get3A_441 : vector<16xf32>
        %swap3A_914 = arith.constant 116 : i32
        %swap3A_915 = arith.index_cast %swap3A_914 : i32 to index
        %swap3A_916 = arith.constant 0 : index
        %swap3A_917 = tpu.vector_load %arg10[%swap3A_915, %swap3A_916] {strides = array<i32>} : memref<162x16xf32, #tpu.memory_space<vmem>>, vector<1x16xf32>,
        %swap3A_918 = vector.shape_cast %swap3A_917 : vector<1x16xf32> to vector<16xf32>
        %swap3A_919 = vector.shape_cast %mul3A_913 : vector<16xf32> to vector<1x16xf32>
        tpu.vector_store %arg10[%swap3A_915, %swap3A_916], %swap3A_919 {strides = array<i32>} : memref<162x16xf32, #tpu.memory_space<vmem>>, vector<1x16xf32>,
        %mul3A_920 = arith.mulf %get3A_884, %get3A_447 : vector<16xf32>
        %swap3A_921 = arith.constant 118 : i32
        %swap3A_922 = arith.index_cast %swap3A_921 : i32 to index
        %swap3A_923 = arith.constant 0 : index
        %swap3A_924 = tpu.vector_load %arg10[%swap3A_922, %swap3A_923] {strides = array<i32>} : memref<162x16xf32, #tpu.memory_space<vmem>>, vector<1x16xf32>,
        %swap3A_925 = vector.shape_cast %swap3A_924 : vector<1x16xf32> to vector<16xf32>
        %swap3A_926 = vector.shape_cast %mul3A_920 : vector<16xf32> to vector<1x16xf32>
        tpu.vector_store %arg10[%swap3A_922, %swap3A_923], %swap3A_926 {strides = array<i32>} : memref<162x16xf32, #tpu.memory_space<vmem>>, vector<1x16xf32>,
        %mul3A_927 = arith.mulf %get3A_884, %get3A_453 : vector<16xf32>
        %swap3A_928 = arith.constant 120 : i32
        %swap3A_929 = arith.index_cast %swap3A_928 : i32 to index
        %swap3A_930 = arith.constant 0 : index
        %swap3A_931 = tpu.vector_load %arg10[%swap3A_929, %swap3A_930] {strides = array<i32>} : memref<162x16xf32, #tpu.memory_space<vmem>>, vector<1x16xf32>,
        %swap3A_932 = vector.shape_cast %swap3A_931 : vector<1x16xf32> to vector<16xf32>
        %swap3A_933 = vector.shape_cast %mul3A_927 : vector<16xf32> to vector<1x16xf32>
        tpu.vector_store %arg10[%swap3A_929, %swap3A_930], %swap3A_933 {strides = array<i32>} : memref<162x16xf32, #tpu.memory_space<vmem>>, vector<1x16xf32>,
        %mul3A_934 = arith.mulf %get3A_884, %get3A_459 : vector<16xf32>
        %swap3A_935 = arith.constant 122 : i32
        %swap3A_936 = arith.index_cast %swap3A_935 : i32 to index
        %swap3A_937 = arith.constant 0 : index
        %swap3A_938 = tpu.vector_load %arg10[%swap3A_936, %swap3A_937] {strides = array<i32>} : memref<162x16xf32, #tpu.memory_space<vmem>>, vector<1x16xf32>,
        %swap3A_939 = vector.shape_cast %swap3A_938 : vector<1x16xf32> to vector<16xf32>
        %swap3A_940 = vector.shape_cast %mul3A_934 : vector<16xf32> to vector<1x16xf32>
        tpu.vector_store %arg10[%swap3A_936, %swap3A_937], %swap3A_940 {strides = array<i32>} : memref<162x16xf32, #tpu.memory_space<vmem>>, vector<1x16xf32>,
        %mul3A_941 = arith.mulf %get3A_884, %get3A_465 : vector<16xf32>
        %swap3A_942 = arith.constant 124 : i32
        %swap3A_943 = arith.index_cast %swap3A_942 : i32 to index
        %swap3A_944 = arith.constant 0 : index
        %swap3A_945 = tpu.vector_load %arg10[%swap3A_943, %swap3A_944] {strides = array<i32>} : memref<162x16xf32, #tpu.memory_space<vmem>>, vector<1x16xf32>,
        %swap3A_946 = vector.shape_cast %swap3A_945 : vector<1x16xf32> to vector<16xf32>
        %swap3A_947 = vector.shape_cast %mul3A_941 : vector<16xf32> to vector<1x16xf32>
        tpu.vector_store %arg10[%swap3A_943, %swap3A_944], %swap3A_947 {strides = array<i32>} : memref<162x16xf32, #tpu.memory_space<vmem>>, vector<1x16xf32>,
        %get3A_948 = arith.constant 7 : i32
        %get3A_949 = arith.index_cast %scan3A_411 : i32 to index
        %get3A_950 = arith.index_cast %get3A_948 : i32 to index
        %get3A_951 = arith.constant 0 : index
        %get3A_952 = tpu.vector_load %arg7[%get3A_949, %get3A_950, %get3A_951] {strides = array<i32>} : memref<128x9x32xf32, #tpu.memory_space<vmem>>, vector<1x1x16xf32>,
        %get3A_953 = vector.shape_cast %get3A_952 : vector<1x1x16xf32> to vector<16xf32>
        %mul3A_954 = arith.mulf %get3A_953, %get3A_417 : vector<16xf32>
        %swap3A_955 = arith.constant 126 : i32
        %swap3A_956 = arith.index_cast %swap3A_955 : i32 to index
        %swap3A_957 = arith.constant 0 : index
        %swap3A_958 = tpu.vector_load %arg10[%swap3A_956, %swap3A_957] {strides = array<i32>} : memref<162x16xf32, #tpu.memory_space<vmem>>, vector<1x16xf32>,
        %swap3A_959 = vector.shape_cast %swap3A_958 : vector<1x16xf32> to vector<16xf32>
        %swap3A_960 = vector.shape_cast %mul3A_954 : vector<16xf32> to vector<1x16xf32>
        tpu.vector_store %arg10[%swap3A_956, %swap3A_957], %swap3A_960 {strides = array<i32>} : memref<162x16xf32, #tpu.memory_space<vmem>>, vector<1x16xf32>,
        %mul3A_961 = arith.mulf %get3A_953, %get3A_423 : vector<16xf32>
        %swap3A_962 = arith.constant 128 : i32
        %swap3A_963 = arith.index_cast %swap3A_962 : i32 to index
        %swap3A_964 = arith.constant 0 : index
        %swap3A_965 = tpu.vector_load %arg10[%swap3A_963, %swap3A_964] {strides = array<i32>} : memref<162x16xf32, #tpu.memory_space<vmem>>, vector<1x16xf32>,
        %swap3A_966 = vector.shape_cast %swap3A_965 : vector<1x16xf32> to vector<16xf32>
        %swap3A_967 = vector.shape_cast %mul3A_961 : vector<16xf32> to vector<1x16xf32>
        tpu.vector_store %arg10[%swap3A_963, %swap3A_964], %swap3A_967 {strides = array<i32>} : memref<162x16xf32, #tpu.memory_space<vmem>>, vector<1x16xf32>,
        %mul3A_968 = arith.mulf %get3A_953, %get3A_429 : vector<16xf32>
        %swap3A_969 = arith.constant 130 : i32
        %swap3A_970 = arith.index_cast %swap3A_969 : i32 to index
        %swap3A_971 = arith.constant 0 : index
        %swap3A_972 = tpu.vector_load %arg10[%swap3A_970, %swap3A_971] {strides = array<i32>} : memref<162x16xf32, #tpu.memory_space<vmem>>, vector<1x16xf32>,
        %swap3A_973 = vector.shape_cast %swap3A_972 : vector<1x16xf32> to vector<16xf32>
        %swap3A_974 = vector.shape_cast %mul3A_968 : vector<16xf32> to vector<1x16xf32>
        tpu.vector_store %arg10[%swap3A_970, %swap3A_971], %swap3A_974 {strides = array<i32>} : memref<162x16xf32, #tpu.memory_space<vmem>>, vector<1x16xf32>,
        %mul3A_975 = arith.mulf %get3A_953, %get3A_435 : vector<16xf32>
        %swap3A_976 = arith.constant 132 : i32
        %swap3A_977 = arith.index_cast %swap3A_976 : i32 to index
        %swap3A_978 = arith.constant 0 : index
        %swap3A_979 = tpu.vector_load %arg10[%swap3A_977, %swap3A_978] {strides = array<i32>} : memref<162x16xf32, #tpu.memory_space<vmem>>, vector<1x16xf32>,
        %swap3A_980 = vector.shape_cast %swap3A_979 : vector<1x16xf32> to vector<16xf32>
        %swap3A_981 = vector.shape_cast %mul3A_975 : vector<16xf32> to vector<1x16xf32>
        tpu.vector_store %arg10[%swap3A_977, %swap3A_978], %swap3A_981 {strides = array<i32>} : memref<162x16xf32, #tpu.memory_space<vmem>>, vector<1x16xf32>,
        %mul3A_982 = arith.mulf %get3A_953, %get3A_441 : vector<16xf32>
        %swap3A_983 = arith.constant 134 : i32
        %swap3A_984 = arith.index_cast %swap3A_983 : i32 to index
        %swap3A_985 = arith.constant 0 : index
        %swap3A_986 = tpu.vector_load %arg10[%swap3A_984, %swap3A_985] {strides = array<i32>} : memref<162x16xf32, #tpu.memory_space<vmem>>, vector<1x16xf32>,
        %swap3A_987 = vector.shape_cast %swap3A_986 : vector<1x16xf32> to vector<16xf32>
        %swap3A_988 = vector.shape_cast %mul3A_982 : vector<16xf32> to vector<1x16xf32>
        tpu.vector_store %arg10[%swap3A_984, %swap3A_985], %swap3A_988 {strides = array<i32>} : memref<162x16xf32, #tpu.memory_space<vmem>>, vector<1x16xf32>,
        %mul3A_989 = arith.mulf %get3A_953, %get3A_447 : vector<16xf32>
        %swap3A_990 = arith.constant 136 : i32
        %swap3A_991 = arith.index_cast %swap3A_990 : i32 to index
        %swap3A_992 = arith.constant 0 : index
        %swap3A_993 = tpu.vector_load %arg10[%swap3A_991, %swap3A_992] {strides = array<i32>} : memref<162x16xf32, #tpu.memory_space<vmem>>, vector<1x16xf32>,
        %swap3A_994 = vector.shape_cast %swap3A_993 : vector<1x16xf32> to vector<16xf32>
        %swap3A_995 = vector.shape_cast %mul3A_989 : vector<16xf32> to vector<1x16xf32>
        tpu.vector_store %arg10[%swap3A_991, %swap3A_992], %swap3A_995 {strides = array<i32>} : memref<162x16xf32, #tpu.memory_space<vmem>>, vector<1x16xf32>,
        %mul3A_996 = arith.mulf %get3A_953, %get3A_453 : vector<16xf32>
        %swap3A_997 = arith.constant 138 : i32
        %swap3A_998 = arith.index_cast %swap3A_997 : i32 to index
        %swap3A_999 = arith.constant 0 : index
        %swap3A_1000 = tpu.vector_load %arg10[%swap3A_998, %swap3A_999] {strides = array<i32>} : memref<162x16xf32, #tpu.memory_space<vmem>>, vector<1x16xf32>,
        %swap3A_1001 = vector.shape_cast %swap3A_1000 : vector<1x16xf32> to vector<16xf32>
        %swap3A_1002 = vector.shape_cast %mul3A_996 : vector<16xf32> to vector<1x16xf32>
        tpu.vector_store %arg10[%swap3A_998, %swap3A_999], %swap3A_1002 {strides = array<i32>} : memref<162x16xf32, #tpu.memory_space<vmem>>, vector<1x16xf32>,
        %mul3A_1003 = arith.mulf %get3A_953, %get3A_459 : vector<16xf32>
        %swap3A_1004 = arith.constant 140 : i32
        %swap3A_1005 = arith.index_cast %swap3A_1004 : i32 to index
        %swap3A_1006 = arith.constant 0 : index
        %swap3A_1007 = tpu.vector_load %arg10[%swap3A_1005, %swap3A_1006] {strides = array<i32>} : memref<162x16xf32, #tpu.memory_space<vmem>>, vector<1x16xf32>,
        %swap3A_1008 = vector.shape_cast %swap3A_1007 : vector<1x16xf32> to vector<16xf32>
        %swap3A_1009 = vector.shape_cast %mul3A_1003 : vector<16xf32> to vector<1x16xf32>
        tpu.vector_store %arg10[%swap3A_1005, %swap3A_1006], %swap3A_1009 {strides = array<i32>} : memref<162x16xf32, #tpu.memory_space<vmem>>, vector<1x16xf32>,
        %mul3A_1010 = arith.mulf %get3A_953, %get3A_465 : vector<16xf32>
        %swap3A_1011 = arith.constant 142 : i32
        %swap3A_1012 = arith.index_cast %swap3A_1011 : i32 to index
        %swap3A_1013 = arith.constant 0 : index
        %swap3A_1014 = tpu.vector_load %arg10[%swap3A_1012, %swap3A_1013] {strides = array<i32>} : memref<162x16xf32, #tpu.memory_space<vmem>>, vector<1x16xf32>,
        %swap3A_1015 = vector.shape_cast %swap3A_1014 : vector<1x16xf32> to vector<16xf32>
        %swap3A_1016 = vector.shape_cast %mul3A_1010 : vector<16xf32> to vector<1x16xf32>
        tpu.vector_store %arg10[%swap3A_1012, %swap3A_1013], %swap3A_1016 {strides = array<i32>} : memref<162x16xf32, #tpu.memory_space<vmem>>, vector<1x16xf32>,
        %get3A_1017 = arith.constant 8 : i32
        %get3A_1018 = arith.index_cast %scan3A_411 : i32 to index
        %get3A_1019 = arith.index_cast %get3A_1017 : i32 to index
        %get3A_1020 = arith.constant 0 : index
        %get3A_1021 = tpu.vector_load %arg7[%get3A_1018, %get3A_1019, %get3A_1020] {strides = array<i32>} : memref<128x9x32xf32, #tpu.memory_space<vmem>>, vector<1x1x16xf32>,
        %get3A_1022 = vector.shape_cast %get3A_1021 : vector<1x1x16xf32> to vector<16xf32>
        %mul3A_1023 = arith.mulf %get3A_1022, %get3A_417 : vector<16xf32>
        %swap3A_1024 = arith.constant 144 : i32
        %swap3A_1025 = arith.index_cast %swap3A_1024 : i32 to index
        %swap3A_1026 = arith.constant 0 : index
        %swap3A_1027 = tpu.vector_load %arg10[%swap3A_1025, %swap3A_1026] {strides = array<i32>} : memref<162x16xf32, #tpu.memory_space<vmem>>, vector<1x16xf32>,
        %swap3A_1028 = vector.shape_cast %swap3A_1027 : vector<1x16xf32> to vector<16xf32>
        %swap3A_1029 = vector.shape_cast %mul3A_1023 : vector<16xf32> to vector<1x16xf32>
        tpu.vector_store %arg10[%swap3A_1025, %swap3A_1026], %swap3A_1029 {strides = array<i32>} : memref<162x16xf32, #tpu.memory_space<vmem>>, vector<1x16xf32>,
        %mul3A_1030 = arith.mulf %get3A_1022, %get3A_423 : vector<16xf32>
        %swap3A_1031 = arith.constant 146 : i32
        %swap3A_1032 = arith.index_cast %swap3A_1031 : i32 to index
        %swap3A_1033 = arith.constant 0 : index
        %swap3A_1034 = tpu.vector_load %arg10[%swap3A_1032, %swap3A_1033] {strides = array<i32>} : memref<162x16xf32, #tpu.memory_space<vmem>>, vector<1x16xf32>,
        %swap3A_1035 = vector.shape_cast %swap3A_1034 : vector<1x16xf32> to vector<16xf32>
        %swap3A_1036 = vector.shape_cast %mul3A_1030 : vector<16xf32> to vector<1x16xf32>
        tpu.vector_store %arg10[%swap3A_1032, %swap3A_1033], %swap3A_1036 {strides = array<i32>} : memref<162x16xf32, #tpu.memory_space<vmem>>, vector<1x16xf32>,
        %mul3A_1037 = arith.mulf %get3A_1022, %get3A_429 : vector<16xf32>
        %swap3A_1038 = arith.constant 148 : i32
        %swap3A_1039 = arith.index_cast %swap3A_1038 : i32 to index
        %swap3A_1040 = arith.constant 0 : index
        %swap3A_1041 = tpu.vector_load %arg10[%swap3A_1039, %swap3A_1040] {strides = array<i32>} : memref<162x16xf32, #tpu.memory_space<vmem>>, vector<1x16xf32>,
        %swap3A_1042 = vector.shape_cast %swap3A_1041 : vector<1x16xf32> to vector<16xf32>
        %swap3A_1043 = vector.shape_cast %mul3A_1037 : vector<16xf32> to vector<1x16xf32>
        tpu.vector_store %arg10[%swap3A_1039, %swap3A_1040], %swap3A_1043 {strides = array<i32>} : memref<162x16xf32, #tpu.memory_space<vmem>>, vector<1x16xf32>,
        %mul3A_1044 = arith.mulf %get3A_1022, %get3A_435 : vector<16xf32>
        %swap3A_1045 = arith.constant 150 : i32
        %swap3A_1046 = arith.index_cast %swap3A_1045 : i32 to index
        %swap3A_1047 = arith.constant 0 : index
        %swap3A_1048 = tpu.vector_load %arg10[%swap3A_1046, %swap3A_1047] {strides = array<i32>} : memref<162x16xf32, #tpu.memory_space<vmem>>, vector<1x16xf32>,
        %swap3A_1049 = vector.shape_cast %swap3A_1048 : vector<1x16xf32> to vector<16xf32>
        %swap3A_1050 = vector.shape_cast %mul3A_1044 : vector<16xf32> to vector<1x16xf32>
        tpu.vector_store %arg10[%swap3A_1046, %swap3A_1047], %swap3A_1050 {strides = array<i32>} : memref<162x16xf32, #tpu.memory_space<vmem>>, vector<1x16xf32>,
        %mul3A_1051 = arith.mulf %get3A_1022, %get3A_441 : vector<16xf32>
        %swap3A_1052 = arith.constant 152 : i32
        %swap3A_1053 = arith.index_cast %swap3A_1052 : i32 to index
        %swap3A_1054 = arith.constant 0 : index
        %swap3A_1055 = tpu.vector_load %arg10[%swap3A_1053, %swap3A_1054] {strides = array<i32>} : memref<162x16xf32, #tpu.memory_space<vmem>>, vector<1x16xf32>,
        %swap3A_1056 = vector.shape_cast %swap3A_1055 : vector<1x16xf32> to vector<16xf32>
        %swap3A_1057 = vector.shape_cast %mul3A_1051 : vector<16xf32> to vector<1x16xf32>
        tpu.vector_store %arg10[%swap3A_1053, %swap3A_1054], %swap3A_1057 {strides = array<i32>} : memref<162x16xf32, #tpu.memory_space<vmem>>, vector<1x16xf32>,
        %mul3A_1058 = arith.mulf %get3A_1022, %get3A_447 : vector<16xf32>
        %swap3A_1059 = arith.constant 154 : i32
        %swap3A_1060 = arith.index_cast %swap3A_1059 : i32 to index
        %swap3A_1061 = arith.constant 0 : index
        %swap3A_1062 = tpu.vector_load %arg10[%swap3A_1060, %swap3A_1061] {strides = array<i32>} : memref<162x16xf32, #tpu.memory_space<vmem>>, vector<1x16xf32>,
        %swap3A_1063 = vector.shape_cast %swap3A_1062 : vector<1x16xf32> to vector<16xf32>
        %swap3A_1064 = vector.shape_cast %mul3A_1058 : vector<16xf32> to vector<1x16xf32>
        tpu.vector_store %arg10[%swap3A_1060, %swap3A_1061], %swap3A_1064 {strides = array<i32>} : memref<162x16xf32, #tpu.memory_space<vmem>>, vector<1x16xf32>,
        %mul3A_1065 = arith.mulf %get3A_1022, %get3A_453 : vector<16xf32>
        %swap3A_1066 = arith.constant 156 : i32
        %swap3A_1067 = arith.index_cast %swap3A_1066 : i32 to index
        %swap3A_1068 = arith.constant 0 : index
        %swap3A_1069 = tpu.vector_load %arg10[%swap3A_1067, %swap3A_1068] {strides = array<i32>} : memref<162x16xf32, #tpu.memory_space<vmem>>, vector<1x16xf32>,
        %swap3A_1070 = vector.shape_cast %swap3A_1069 : vector<1x16xf32> to vector<16xf32>
        %swap3A_1071 = vector.shape_cast %mul3A_1065 : vector<16xf32> to vector<1x16xf32>
        tpu.vector_store %arg10[%swap3A_1067, %swap3A_1068], %swap3A_1071 {strides = array<i32>} : memref<162x16xf32, #tpu.memory_space<vmem>>, vector<1x16xf32>,
        %mul3A_1072 = arith.mulf %get3A_1022, %get3A_459 : vector<16xf32>
        %swap3A_1073 = arith.constant 158 : i32
        %swap3A_1074 = arith.index_cast %swap3A_1073 : i32 to index
        %swap3A_1075 = arith.constant 0 : index
        %swap3A_1076 = tpu.vector_load %arg10[%swap3A_1074, %swap3A_1075] {strides = array<i32>} : memref<162x16xf32, #tpu.memory_space<vmem>>, vector<1x16xf32>,
        %swap3A_1077 = vector.shape_cast %swap3A_1076 : vector<1x16xf32> to vector<16xf32>
        %swap3A_1078 = vector.shape_cast %mul3A_1072 : vector<16xf32> to vector<1x16xf32>
        tpu.vector_store %arg10[%swap3A_1074, %swap3A_1075], %swap3A_1078 {strides = array<i32>} : memref<162x16xf32, #tpu.memory_space<vmem>>, vector<1x16xf32>,
        %mul3A_1079 = arith.mulf %get3A_1022, %get3A_465 : vector<16xf32>
        %swap3A_1080 = arith.constant 160 : i32
        %swap3A_1081 = arith.index_cast %swap3A_1080 : i32 to index
        %swap3A_1082 = arith.constant 0 : index
        %swap3A_1083 = tpu.vector_load %arg10[%swap3A_1081, %swap3A_1082] {strides = array<i32>} : memref<162x16xf32, #tpu.memory_space<vmem>>, vector<1x16xf32>,
        %swap3A_1084 = vector.shape_cast %swap3A_1083 : vector<1x16xf32> to vector<16xf32>
        %swap3A_1085 = vector.shape_cast %mul3A_1079 : vector<16xf32> to vector<1x16xf32>
        tpu.vector_store %arg10[%swap3A_1081, %swap3A_1082], %swap3A_1085 {strides = array<i32>} : memref<162x16xf32, #tpu.memory_space<vmem>>, vector<1x16xf32>,
        %get3A_1086 = arith.constant 0 : i32
        %get3A_1087 = arith.index_cast %scan3A_411 : i32 to index
        %get3A_1088 = arith.index_cast %get3A_1086 : i32 to index
        %get3A_1089 = arith.constant 16 : index
        %get3A_1090 = tpu.vector_load %arg8[%get3A_1087, %get3A_1088, %get3A_1089] {strides = array<i32>} : memref<128x9x32xf32, #tpu.memory_space<vmem>>, vector<1x1x16xf32>,
        %get3A_1091 = vector.shape_cast %get3A_1090 : vector<1x1x16xf32> to vector<16xf32>
        %get3A_1092 = arith.constant 1 : i32
        %get3A_1093 = arith.index_cast %scan3A_411 : i32 to index
        %get3A_1094 = arith.index_cast %get3A_1092 : i32 to index
        %get3A_1095 = arith.constant 16 : index
        %get3A_1096 = tpu.vector_load %arg8[%get3A_1093, %get3A_1094, %get3A_1095] {strides = array<i32>} : memref<128x9x32xf32, #tpu.memory_space<vmem>>, vector<1x1x16xf32>,
        %get3A_1097 = vector.shape_cast %get3A_1096 : vector<1x1x16xf32> to vector<16xf32>
        %get3A_1098 = arith.constant 2 : i32
        %get3A_1099 = arith.index_cast %scan3A_411 : i32 to index
        %get3A_1100 = arith.index_cast %get3A_1098 : i32 to index
        %get3A_1101 = arith.constant 16 : index
        %get3A_1102 = tpu.vector_load %arg8[%get3A_1099, %get3A_1100, %get3A_1101] {strides = array<i32>} : memref<128x9x32xf32, #tpu.memory_space<vmem>>, vector<1x1x16xf32>,
        %get3A_1103 = vector.shape_cast %get3A_1102 : vector<1x1x16xf32> to vector<16xf32>
        %get3A_1104 = arith.constant 3 : i32
        %get3A_1105 = arith.index_cast %scan3A_411 : i32 to index
        %get3A_1106 = arith.index_cast %get3A_1104 : i32 to index
        %get3A_1107 = arith.constant 16 : index
        %get3A_1108 = tpu.vector_load %arg8[%get3A_1105, %get3A_1106, %get3A_1107] {strides = array<i32>} : memref<128x9x32xf32, #tpu.memory_space<vmem>>, vector<1x1x16xf32>,
        %get3A_1109 = vector.shape_cast %get3A_1108 : vector<1x1x16xf32> to vector<16xf32>
        %get3A_1110 = arith.constant 4 : i32
        %get3A_1111 = arith.index_cast %scan3A_411 : i32 to index
        %get3A_1112 = arith.index_cast %get3A_1110 : i32 to index
        %get3A_1113 = arith.constant 16 : index
        %get3A_1114 = tpu.vector_load %arg8[%get3A_1111, %get3A_1112, %get3A_1113] {strides = array<i32>} : memref<128x9x32xf32, #tpu.memory_space<vmem>>, vector<1x1x16xf32>,
        %get3A_1115 = vector.shape_cast %get3A_1114 : vector<1x1x16xf32> to vector<16xf32>
        %get3A_1116 = arith.constant 5 : i32
        %get3A_1117 = arith.index_cast %scan3A_411 : i32 to index
        %get3A_1118 = arith.index_cast %get3A_1116 : i32 to index
        %get3A_1119 = arith.constant 16 : index
        %get3A_1120 = tpu.vector_load %arg8[%get3A_1117, %get3A_1118, %get3A_1119] {strides = array<i32>} : memref<128x9x32xf32, #tpu.memory_space<vmem>>, vector<1x1x16xf32>,
        %get3A_1121 = vector.shape_cast %get3A_1120 : vector<1x1x16xf32> to vector<16xf32>
        %get3A_1122 = arith.constant 6 : i32
        %get3A_1123 = arith.index_cast %scan3A_411 : i32 to index
        %get3A_1124 = arith.index_cast %get3A_1122 : i32 to index
        %get3A_1125 = arith.constant 16 : index
        %get3A_1126 = tpu.vector_load %arg8[%get3A_1123, %get3A_1124, %get3A_1125] {strides = array<i32>} : memref<128x9x32xf32, #tpu.memory_space<vmem>>, vector<1x1x16xf32>,
        %get3A_1127 = vector.shape_cast %get3A_1126 : vector<1x1x16xf32> to vector<16xf32>
        %get3A_1128 = arith.constant 7 : i32
        %get3A_1129 = arith.index_cast %scan3A_411 : i32 to index
        %get3A_1130 = arith.index_cast %get3A_1128 : i32 to index
        %get3A_1131 = arith.constant 16 : index
        %get3A_1132 = tpu.vector_load %arg8[%get3A_1129, %get3A_1130, %get3A_1131] {strides = array<i32>} : memref<128x9x32xf32, #tpu.memory_space<vmem>>, vector<1x1x16xf32>,
        %get3A_1133 = vector.shape_cast %get3A_1132 : vector<1x1x16xf32> to vector<16xf32>
        %get3A_1134 = arith.constant 8 : i32
        %get3A_1135 = arith.index_cast %scan3A_411 : i32 to index
        %get3A_1136 = arith.index_cast %get3A_1134 : i32 to index
        %get3A_1137 = arith.constant 16 : index
        %get3A_1138 = tpu.vector_load %arg8[%get3A_1135, %get3A_1136, %get3A_1137] {strides = array<i32>} : memref<128x9x32xf32, #tpu.memory_space<vmem>>, vector<1x1x16xf32>,
        %get3A_1139 = vector.shape_cast %get3A_1138 : vector<1x1x16xf32> to vector<16xf32>
        %get3A_1140 = arith.constant 0 : i32
        %get3A_1141 = arith.index_cast %scan3A_411 : i32 to index
        %get3A_1142 = arith.index_cast %get3A_1140 : i32 to index
        %get3A_1143 = arith.constant 16 : index
        %get3A_1144 = tpu.vector_load %arg7[%get3A_1141, %get3A_1142, %get3A_1143] {strides = array<i32>} : memref<128x9x32xf32, #tpu.memory_space<vmem>>, vector<1x1x16xf32>,
        %get3A_1145 = vector.shape_cast %get3A_1144 : vector<1x1x16xf32> to vector<16xf32>
        %mul3A_1146 = arith.mulf %get3A_1145, %get3A_1091 : vector<16xf32>
        %swap3A_1147 = arith.constant 1 : i32
        %swap3A_1148 = arith.index_cast %swap3A_1147 : i32 to index
        %swap3A_1149 = arith.constant 0 : index
        %swap3A_1150 = tpu.vector_load %arg10[%swap3A_1148, %swap3A_1149] {strides = array<i32>} : memref<162x16xf32, #tpu.memory_space<vmem>>, vector<1x16xf32>,
        %swap3A_1151 = vector.shape_cast %swap3A_1150 : vector<1x16xf32> to vector<16xf32>
        %swap3A_1152 = vector.shape_cast %mul3A_1146 : vector<16xf32> to vector<1x16xf32>
        tpu.vector_store %arg10[%swap3A_1148, %swap3A_1149], %swap3A_1152 {strides = array<i32>} : memref<162x16xf32, #tpu.memory_space<vmem>>, vector<1x16xf32>,
        %mul3A_1153 = arith.mulf %get3A_1145, %get3A_1097 : vector<16xf32>
        %swap3A_1154 = arith.constant 3 : i32
        %swap3A_1155 = arith.index_cast %swap3A_1154 : i32 to index
        %swap3A_1156 = arith.constant 0 : index
        %swap3A_1157 = tpu.vector_load %arg10[%swap3A_1155, %swap3A_1156] {strides = array<i32>} : memref<162x16xf32, #tpu.memory_space<vmem>>, vector<1x16xf32>,
        %swap3A_1158 = vector.shape_cast %swap3A_1157 : vector<1x16xf32> to vector<16xf32>
        %swap3A_1159 = vector.shape_cast %mul3A_1153 : vector<16xf32> to vector<1x16xf32>
        tpu.vector_store %arg10[%swap3A_1155, %swap3A_1156], %swap3A_1159 {strides = array<i32>} : memref<162x16xf32, #tpu.memory_space<vmem>>, vector<1x16xf32>,
        %mul3A_1160 = arith.mulf %get3A_1145, %get3A_1103 : vector<16xf32>
        %swap3A_1161 = arith.constant 5 : i32
        %swap3A_1162 = arith.index_cast %swap3A_1161 : i32 to index
        %swap3A_1163 = arith.constant 0 : index
        %swap3A_1164 = tpu.vector_load %arg10[%swap3A_1162, %swap3A_1163] {strides = array<i32>} : memref<162x16xf32, #tpu.memory_space<vmem>>, vector<1x16xf32>,
        %swap3A_1165 = vector.shape_cast %swap3A_1164 : vector<1x16xf32> to vector<16xf32>
        %swap3A_1166 = vector.shape_cast %mul3A_1160 : vector<16xf32> to vector<1x16xf32>
        tpu.vector_store %arg10[%swap3A_1162, %swap3A_1163], %swap3A_1166 {strides = array<i32>} : memref<162x16xf32, #tpu.memory_space<vmem>>, vector<1x16xf32>,
        %mul3A_1167 = arith.mulf %get3A_1145, %get3A_1109 : vector<16xf32>
        %swap3A_1168 = arith.constant 7 : i32
        %swap3A_1169 = arith.index_cast %swap3A_1168 : i32 to index
        %swap3A_1170 = arith.constant 0 : index
        %swap3A_1171 = tpu.vector_load %arg10[%swap3A_1169, %swap3A_1170] {strides = array<i32>} : memref<162x16xf32, #tpu.memory_space<vmem>>, vector<1x16xf32>,
        %swap3A_1172 = vector.shape_cast %swap3A_1171 : vector<1x16xf32> to vector<16xf32>
        %swap3A_1173 = vector.shape_cast %mul3A_1167 : vector<16xf32> to vector<1x16xf32>
        tpu.vector_store %arg10[%swap3A_1169, %swap3A_1170], %swap3A_1173 {strides = array<i32>} : memref<162x16xf32, #tpu.memory_space<vmem>>, vector<1x16xf32>,
        %mul3A_1174 = arith.mulf %get3A_1145, %get3A_1115 : vector<16xf32>
        %swap3A_1175 = arith.constant 9 : i32
        %swap3A_1176 = arith.index_cast %swap3A_1175 : i32 to index
        %swap3A_1177 = arith.constant 0 : index
        %swap3A_1178 = tpu.vector_load %arg10[%swap3A_1176, %swap3A_1177] {strides = array<i32>} : memref<162x16xf32, #tpu.memory_space<vmem>>, vector<1x16xf32>,
        %swap3A_1179 = vector.shape_cast %swap3A_1178 : vector<1x16xf32> to vector<16xf32>
        %swap3A_1180 = vector.shape_cast %mul3A_1174 : vector<16xf32> to vector<1x16xf32>
        tpu.vector_store %arg10[%swap3A_1176, %swap3A_1177], %swap3A_1180 {strides = array<i32>} : memref<162x16xf32, #tpu.memory_space<vmem>>, vector<1x16xf32>,
        %mul3A_1181 = arith.mulf %get3A_1145, %get3A_1121 : vector<16xf32>
        %swap3A_1182 = arith.constant 11 : i32
        %swap3A_1183 = arith.index_cast %swap3A_1182 : i32 to index
        %swap3A_1184 = arith.constant 0 : index
        %swap3A_1185 = tpu.vector_load %arg10[%swap3A_1183, %swap3A_1184] {strides = array<i32>} : memref<162x16xf32, #tpu.memory_space<vmem>>, vector<1x16xf32>,
        %swap3A_1186 = vector.shape_cast %swap3A_1185 : vector<1x16xf32> to vector<16xf32>
        %swap3A_1187 = vector.shape_cast %mul3A_1181 : vector<16xf32> to vector<1x16xf32>
        tpu.vector_store %arg10[%swap3A_1183, %swap3A_1184], %swap3A_1187 {strides = array<i32>} : memref<162x16xf32, #tpu.memory_space<vmem>>, vector<1x16xf32>,
        %mul3A_1188 = arith.mulf %get3A_1145, %get3A_1127 : vector<16xf32>
        %swap3A_1189 = arith.constant 13 : i32
        %swap3A_1190 = arith.index_cast %swap3A_1189 : i32 to index
        %swap3A_1191 = arith.constant 0 : index
        %swap3A_1192 = tpu.vector_load %arg10[%swap3A_1190, %swap3A_1191] {strides = array<i32>} : memref<162x16xf32, #tpu.memory_space<vmem>>, vector<1x16xf32>,
        %swap3A_1193 = vector.shape_cast %swap3A_1192 : vector<1x16xf32> to vector<16xf32>
        %swap3A_1194 = vector.shape_cast %mul3A_1188 : vector<16xf32> to vector<1x16xf32>
        tpu.vector_store %arg10[%swap3A_1190, %swap3A_1191], %swap3A_1194 {strides = array<i32>} : memref<162x16xf32, #tpu.memory_space<vmem>>, vector<1x16xf32>,
        %mul3A_1195 = arith.mulf %get3A_1145, %get3A_1133 : vector<16xf32>
        %swap3A_1196 = arith.constant 15 : i32
        %swap3A_1197 = arith.index_cast %swap3A_1196 : i32 to index
        %swap3A_1198 = arith.constant 0 : index
        %swap3A_1199 = tpu.vector_load %arg10[%swap3A_1197, %swap3A_1198] {strides = array<i32>} : memref<162x16xf32, #tpu.memory_space<vmem>>, vector<1x16xf32>,
        %swap3A_1200 = vector.shape_cast %swap3A_1199 : vector<1x16xf32> to vector<16xf32>
        %swap3A_1201 = vector.shape_cast %mul3A_1195 : vector<16xf32> to vector<1x16xf32>
        tpu.vector_store %arg10[%swap3A_1197, %swap3A_1198], %swap3A_1201 {strides = array<i32>} : memref<162x16xf32, #tpu.memory_space<vmem>>, vector<1x16xf32>,
        %mul3A_1202 = arith.mulf %get3A_1145, %get3A_1139 : vector<16xf32>
        %swap3A_1203 = arith.constant 17 : i32
        %swap3A_1204 = arith.index_cast %swap3A_1203 : i32 to index
        %swap3A_1205 = arith.constant 0 : index
        %swap3A_1206 = tpu.vector_load %arg10[%swap3A_1204, %swap3A_1205] {strides = array<i32>} : memref<162x16xf32, #tpu.memory_space<vmem>>, vector<1x16xf32>,
        %swap3A_1207 = vector.shape_cast %swap3A_1206 : vector<1x16xf32> to vector<16xf32>
        %swap3A_1208 = vector.shape_cast %mul3A_1202 : vector<16xf32> to vector<1x16xf32>
        tpu.vector_store %arg10[%swap3A_1204, %swap3A_1205], %swap3A_1208 {strides = array<i32>} : memref<162x16xf32, #tpu.memory_space<vmem>>, vector<1x16xf32>,
        %get3A_1209 = arith.constant 1 : i32
        %get3A_1210 = arith.index_cast %scan3A_411 : i32 to index
        %get3A_1211 = arith.index_cast %get3A_1209 : i32 to index
        %get3A_1212 = arith.constant 16 : index
        %get3A_1213 = tpu.vector_load %arg7[%get3A_1210, %get3A_1211, %get3A_1212] {strides = array<i32>} : memref<128x9x32xf32, #tpu.memory_space<vmem>>, vector<1x1x16xf32>,
        %get3A_1214 = vector.shape_cast %get3A_1213 : vector<1x1x16xf32> to vector<16xf32>
        %mul3A_1215 = arith.mulf %get3A_1214, %get3A_1091 : vector<16xf32>
        %swap3A_1216 = arith.constant 19 : i32
        %swap3A_1217 = arith.index_cast %swap3A_1216 : i32 to index
        %swap3A_1218 = arith.constant 0 : index
        %swap3A_1219 = tpu.vector_load %arg10[%swap3A_1217, %swap3A_1218] {strides = array<i32>} : memref<162x16xf32, #tpu.memory_space<vmem>>, vector<1x16xf32>,
        %swap3A_1220 = vector.shape_cast %swap3A_1219 : vector<1x16xf32> to vector<16xf32>
        %swap3A_1221 = vector.shape_cast %mul3A_1215 : vector<16xf32> to vector<1x16xf32>
        tpu.vector_store %arg10[%swap3A_1217, %swap3A_1218], %swap3A_1221 {strides = array<i32>} : memref<162x16xf32, #tpu.memory_space<vmem>>, vector<1x16xf32>,
        %mul3A_1222 = arith.mulf %get3A_1214, %get3A_1097 : vector<16xf32>
        %swap3A_1223 = arith.constant 21 : i32
        %swap3A_1224 = arith.index_cast %swap3A_1223 : i32 to index
        %swap3A_1225 = arith.constant 0 : index
        %swap3A_1226 = tpu.vector_load %arg10[%swap3A_1224, %swap3A_1225] {strides = array<i32>} : memref<162x16xf32, #tpu.memory_space<vmem>>, vector<1x16xf32>,
        %swap3A_1227 = vector.shape_cast %swap3A_1226 : vector<1x16xf32> to vector<16xf32>
        %swap3A_1228 = vector.shape_cast %mul3A_1222 : vector<16xf32> to vector<1x16xf32>
        tpu.vector_store %arg10[%swap3A_1224, %swap3A_1225], %swap3A_1228 {strides = array<i32>} : memref<162x16xf32, #tpu.memory_space<vmem>>, vector<1x16xf32>,
        %mul3A_1229 = arith.mulf %get3A_1214, %get3A_1103 : vector<16xf32>
        %swap3A_1230 = arith.constant 23 : i32
        %swap3A_1231 = arith.index_cast %swap3A_1230 : i32 to index
        %swap3A_1232 = arith.constant 0 : index
        %swap3A_1233 = tpu.vector_load %arg10[%swap3A_1231, %swap3A_1232] {strides = array<i32>} : memref<162x16xf32, #tpu.memory_space<vmem>>, vector<1x16xf32>,
        %swap3A_1234 = vector.shape_cast %swap3A_1233 : vector<1x16xf32> to vector<16xf32>
        %swap3A_1235 = vector.shape_cast %mul3A_1229 : vector<16xf32> to vector<1x16xf32>
        tpu.vector_store %arg10[%swap3A_1231, %swap3A_1232], %swap3A_1235 {strides = array<i32>} : memref<162x16xf32, #tpu.memory_space<vmem>>, vector<1x16xf32>,
        %mul3A_1236 = arith.mulf %get3A_1214, %get3A_1109 : vector<16xf32>
        %swap3A_1237 = arith.constant 25 : i32
        %swap3A_1238 = arith.index_cast %swap3A_1237 : i32 to index
        %swap3A_1239 = arith.constant 0 : index
        %swap3A_1240 = tpu.vector_load %arg10[%swap3A_1238, %swap3A_1239] {strides = array<i32>} : memref<162x16xf32, #tpu.memory_space<vmem>>, vector<1x16xf32>,
        %swap3A_1241 = vector.shape_cast %swap3A_1240 : vector<1x16xf32> to vector<16xf32>
        %swap3A_1242 = vector.shape_cast %mul3A_1236 : vector<16xf32> to vector<1x16xf32>
        tpu.vector_store %arg10[%swap3A_1238, %swap3A_1239], %swap3A_1242 {strides = array<i32>} : memref<162x16xf32, #tpu.memory_space<vmem>>, vector<1x16xf32>,
        %mul3A_1243 = arith.mulf %get3A_1214, %get3A_1115 : vector<16xf32>
        %swap3A_1244 = arith.constant 27 : i32
        %swap3A_1245 = arith.index_cast %swap3A_1244 : i32 to index
        %swap3A_1246 = arith.constant 0 : index
        %swap3A_1247 = tpu.vector_load %arg10[%swap3A_1245, %swap3A_1246] {strides = array<i32>} : memref<162x16xf32, #tpu.memory_space<vmem>>, vector<1x16xf32>,
        %swap3A_1248 = vector.shape_cast %swap3A_1247 : vector<1x16xf32> to vector<16xf32>
        %swap3A_1249 = vector.shape_cast %mul3A_1243 : vector<16xf32> to vector<1x16xf32>
        tpu.vector_store %arg10[%swap3A_1245, %swap3A_1246], %swap3A_1249 {strides = array<i32>} : memref<162x16xf32, #tpu.memory_space<vmem>>, vector<1x16xf32>,
        %mul3A_1250 = arith.mulf %get3A_1214, %get3A_1121 : vector<16xf32>
        %swap3A_1251 = arith.constant 29 : i32
        %swap3A_1252 = arith.index_cast %swap3A_1251 : i32 to index
        %swap3A_1253 = arith.constant 0 : index
        %swap3A_1254 = tpu.vector_load %arg10[%swap3A_1252, %swap3A_1253] {strides = array<i32>} : memref<162x16xf32, #tpu.memory_space<vmem>>, vector<1x16xf32>,
        %swap3A_1255 = vector.shape_cast %swap3A_1254 : vector<1x16xf32> to vector<16xf32>
        %swap3A_1256 = vector.shape_cast %mul3A_1250 : vector<16xf32> to vector<1x16xf32>
        tpu.vector_store %arg10[%swap3A_1252, %swap3A_1253], %swap3A_1256 {strides = array<i32>} : memref<162x16xf32, #tpu.memory_space<vmem>>, vector<1x16xf32>,
        %mul3A_1257 = arith.mulf %get3A_1214, %get3A_1127 : vector<16xf32>
        %swap3A_1258 = arith.constant 31 : i32
        %swap3A_1259 = arith.index_cast %swap3A_1258 : i32 to index
        %swap3A_1260 = arith.constant 0 : index
        %swap3A_1261 = tpu.vector_load %arg10[%swap3A_1259, %swap3A_1260] {strides = array<i32>} : memref<162x16xf32, #tpu.memory_space<vmem>>, vector<1x16xf32>,
        %swap3A_1262 = vector.shape_cast %swap3A_1261 : vector<1x16xf32> to vector<16xf32>
        %swap3A_1263 = vector.shape_cast %mul3A_1257 : vector<16xf32> to vector<1x16xf32>
        tpu.vector_store %arg10[%swap3A_1259, %swap3A_1260], %swap3A_1263 {strides = array<i32>} : memref<162x16xf32, #tpu.memory_space<vmem>>, vector<1x16xf32>,
        %mul3A_1264 = arith.mulf %get3A_1214, %get3A_1133 : vector<16xf32>
        %swap3A_1265 = arith.constant 33 : i32
        %swap3A_1266 = arith.index_cast %swap3A_1265 : i32 to index
        %swap3A_1267 = arith.constant 0 : index
        %swap3A_1268 = tpu.vector_load %arg10[%swap3A_1266, %swap3A_1267] {strides = array<i32>} : memref<162x16xf32, #tpu.memory_space<vmem>>, vector<1x16xf32>,
        %swap3A_1269 = vector.shape_cast %swap3A_1268 : vector<1x16xf32> to vector<16xf32>
        %swap3A_1270 = vector.shape_cast %mul3A_1264 : vector<16xf32> to vector<1x16xf32>
        tpu.vector_store %arg10[%swap3A_1266, %swap3A_1267], %swap3A_1270 {strides = array<i32>} : memref<162x16xf32, #tpu.memory_space<vmem>>, vector<1x16xf32>,
        %mul3A_1271 = arith.mulf %get3A_1214, %get3A_1139 : vector<16xf32>
        %swap3A_1272 = arith.constant 35 : i32
        %swap3A_1273 = arith.index_cast %swap3A_1272 : i32 to index
        %swap3A_1274 = arith.constant 0 : index
        %swap3A_1275 = tpu.vector_load %arg10[%swap3A_1273, %swap3A_1274] {strides = array<i32>} : memref<162x16xf32, #tpu.memory_space<vmem>>, vector<1x16xf32>,
        %swap3A_1276 = vector.shape_cast %swap3A_1275 : vector<1x16xf32> to vector<16xf32>
        %swap3A_1277 = vector.shape_cast %mul3A_1271 : vector<16xf32> to vector<1x16xf32>
        tpu.vector_store %arg10[%swap3A_1273, %swap3A_1274], %swap3A_1277 {strides = array<i32>} : memref<162x16xf32, #tpu.memory_space<vmem>>, vector<1x16xf32>,
        %get3A_1278 = arith.constant 2 : i32
        %get3A_1279 = arith.index_cast %scan3A_411 : i32 to index
        %get3A_1280 = arith.index_cast %get3A_1278 : i32 to index
        %get3A_1281 = arith.constant 16 : index
        %get3A_1282 = tpu.vector_load %arg7[%get3A_1279, %get3A_1280, %get3A_1281] {strides = array<i32>} : memref<128x9x32xf32, #tpu.memory_space<vmem>>, vector<1x1x16xf32>,
        %get3A_1283 = vector.shape_cast %get3A_1282 : vector<1x1x16xf32> to vector<16xf32>
        %mul3A_1284 = arith.mulf %get3A_1283, %get3A_1091 : vector<16xf32>
        %swap3A_1285 = arith.constant 37 : i32
        %swap3A_1286 = arith.index_cast %swap3A_1285 : i32 to index
        %swap3A_1287 = arith.constant 0 : index
        %swap3A_1288 = tpu.vector_load %arg10[%swap3A_1286, %swap3A_1287] {strides = array<i32>} : memref<162x16xf32, #tpu.memory_space<vmem>>, vector<1x16xf32>,
        %swap3A_1289 = vector.shape_cast %swap3A_1288 : vector<1x16xf32> to vector<16xf32>
        %swap3A_1290 = vector.shape_cast %mul3A_1284 : vector<16xf32> to vector<1x16xf32>
        tpu.vector_store %arg10[%swap3A_1286, %swap3A_1287], %swap3A_1290 {strides = array<i32>} : memref<162x16xf32, #tpu.memory_space<vmem>>, vector<1x16xf32>,
        %mul3A_1291 = arith.mulf %get3A_1283, %get3A_1097 : vector<16xf32>
        %swap3A_1292 = arith.constant 39 : i32
        %swap3A_1293 = arith.index_cast %swap3A_1292 : i32 to index
        %swap3A_1294 = arith.constant 0 : index
        %swap3A_1295 = tpu.vector_load %arg10[%swap3A_1293, %swap3A_1294] {strides = array<i32>} : memref<162x16xf32, #tpu.memory_space<vmem>>, vector<1x16xf32>,
        %swap3A_1296 = vector.shape_cast %swap3A_1295 : vector<1x16xf32> to vector<16xf32>
        %swap3A_1297 = vector.shape_cast %mul3A_1291 : vector<16xf32> to vector<1x16xf32>
        tpu.vector_store %arg10[%swap3A_1293, %swap3A_1294], %swap3A_1297 {strides = array<i32>} : memref<162x16xf32, #tpu.memory_space<vmem>>, vector<1x16xf32>,
        %mul3A_1298 = arith.mulf %get3A_1283, %get3A_1103 : vector<16xf32>
        %swap3A_1299 = arith.constant 41 : i32
        %swap3A_1300 = arith.index_cast %swap3A_1299 : i32 to index
        %swap3A_1301 = arith.constant 0 : index
        %swap3A_1302 = tpu.vector_load %arg10[%swap3A_1300, %swap3A_1301] {strides = array<i32>} : memref<162x16xf32, #tpu.memory_space<vmem>>, vector<1x16xf32>,
        %swap3A_1303 = vector.shape_cast %swap3A_1302 : vector<1x16xf32> to vector<16xf32>
        %swap3A_1304 = vector.shape_cast %mul3A_1298 : vector<16xf32> to vector<1x16xf32>
        tpu.vector_store %arg10[%swap3A_1300, %swap3A_1301], %swap3A_1304 {strides = array<i32>} : memref<162x16xf32, #tpu.memory_space<vmem>>, vector<1x16xf32>,
        %mul3A_1305 = arith.mulf %get3A_1283, %get3A_1109 : vector<16xf32>
        %swap3A_1306 = arith.constant 43 : i32
        %swap3A_1307 = arith.index_cast %swap3A_1306 : i32 to index
        %swap3A_1308 = arith.constant 0 : index
        %swap3A_1309 = tpu.vector_load %arg10[%swap3A_1307, %swap3A_1308] {strides = array<i32>} : memref<162x16xf32, #tpu.memory_space<vmem>>, vector<1x16xf32>,
        %swap3A_1310 = vector.shape_cast %swap3A_1309 : vector<1x16xf32> to vector<16xf32>
        %swap3A_1311 = vector.shape_cast %mul3A_1305 : vector<16xf32> to vector<1x16xf32>
        tpu.vector_store %arg10[%swap3A_1307, %swap3A_1308], %swap3A_1311 {strides = array<i32>} : memref<162x16xf32, #tpu.memory_space<vmem>>, vector<1x16xf32>,
        %mul3A_1312 = arith.mulf %get3A_1283, %get3A_1115 : vector<16xf32>
        %swap3A_1313 = arith.constant 45 : i32
        %swap3A_1314 = arith.index_cast %swap3A_1313 : i32 to index
        %swap3A_1315 = arith.constant 0 : index
        %swap3A_1316 = tpu.vector_load %arg10[%swap3A_1314, %swap3A_1315] {strides = array<i32>} : memref<162x16xf32, #tpu.memory_space<vmem>>, vector<1x16xf32>,
        %swap3A_1317 = vector.shape_cast %swap3A_1316 : vector<1x16xf32> to vector<16xf32>
        %swap3A_1318 = vector.shape_cast %mul3A_1312 : vector<16xf32> to vector<1x16xf32>
        tpu.vector_store %arg10[%swap3A_1314, %swap3A_1315], %swap3A_1318 {strides = array<i32>} : memref<162x16xf32, #tpu.memory_space<vmem>>, vector<1x16xf32>,
        %mul3A_1319 = arith.mulf %get3A_1283, %get3A_1121 : vector<16xf32>
        %swap3A_1320 = arith.constant 47 : i32
        %swap3A_1321 = arith.index_cast %swap3A_1320 : i32 to index
        %swap3A_1322 = arith.constant 0 : index
        %swap3A_1323 = tpu.vector_load %arg10[%swap3A_1321, %swap3A_1322] {strides = array<i32>} : memref<162x16xf32, #tpu.memory_space<vmem>>, vector<1x16xf32>,
        %swap3A_1324 = vector.shape_cast %swap3A_1323 : vector<1x16xf32> to vector<16xf32>
        %swap3A_1325 = vector.shape_cast %mul3A_1319 : vector<16xf32> to vector<1x16xf32>
        tpu.vector_store %arg10[%swap3A_1321, %swap3A_1322], %swap3A_1325 {strides = array<i32>} : memref<162x16xf32, #tpu.memory_space<vmem>>, vector<1x16xf32>,
        %mul3A_1326 = arith.mulf %get3A_1283, %get3A_1127 : vector<16xf32>
        %swap3A_1327 = arith.constant 49 : i32
        %swap3A_1328 = arith.index_cast %swap3A_1327 : i32 to index
        %swap3A_1329 = arith.constant 0 : index
        %swap3A_1330 = tpu.vector_load %arg10[%swap3A_1328, %swap3A_1329] {strides = array<i32>} : memref<162x16xf32, #tpu.memory_space<vmem>>, vector<1x16xf32>,
        %swap3A_1331 = vector.shape_cast %swap3A_1330 : vector<1x16xf32> to vector<16xf32>
        %swap3A_1332 = vector.shape_cast %mul3A_1326 : vector<16xf32> to vector<1x16xf32>
        tpu.vector_store %arg10[%swap3A_1328, %swap3A_1329], %swap3A_1332 {strides = array<i32>} : memref<162x16xf32, #tpu.memory_space<vmem>>, vector<1x16xf32>,
        %mul3A_1333 = arith.mulf %get3A_1283, %get3A_1133 : vector<16xf32>
        %swap3A_1334 = arith.constant 51 : i32
        %swap3A_1335 = arith.index_cast %swap3A_1334 : i32 to index
        %swap3A_1336 = arith.constant 0 : index
        %swap3A_1337 = tpu.vector_load %arg10[%swap3A_1335, %swap3A_1336] {strides = array<i32>} : memref<162x16xf32, #tpu.memory_space<vmem>>, vector<1x16xf32>,
        %swap3A_1338 = vector.shape_cast %swap3A_1337 : vector<1x16xf32> to vector<16xf32>
        %swap3A_1339 = vector.shape_cast %mul3A_1333 : vector<16xf32> to vector<1x16xf32>
        tpu.vector_store %arg10[%swap3A_1335, %swap3A_1336], %swap3A_1339 {strides = array<i32>} : memref<162x16xf32, #tpu.memory_space<vmem>>, vector<1x16xf32>,
        %mul3A_1340 = arith.mulf %get3A_1283, %get3A_1139 : vector<16xf32>
        %swap3A_1341 = arith.constant 53 : i32
        %swap3A_1342 = arith.index_cast %swap3A_1341 : i32 to index
        %swap3A_1343 = arith.constant 0 : index
        %swap3A_1344 = tpu.vector_load %arg10[%swap3A_1342, %swap3A_1343] {strides = array<i32>} : memref<162x16xf32, #tpu.memory_space<vmem>>, vector<1x16xf32>,
        %swap3A_1345 = vector.shape_cast %swap3A_1344 : vector<1x16xf32> to vector<16xf32>
        %swap3A_1346 = vector.shape_cast %mul3A_1340 : vector<16xf32> to vector<1x16xf32>
        tpu.vector_store %arg10[%swap3A_1342, %swap3A_1343], %swap3A_1346 {strides = array<i32>} : memref<162x16xf32, #tpu.memory_space<vmem>>, vector<1x16xf32>,
        %get3A_1347 = arith.constant 3 : i32
        %get3A_1348 = arith.index_cast %scan3A_411 : i32 to index
        %get3A_1349 = arith.index_cast %get3A_1347 : i32 to index
        %get3A_1350 = arith.constant 16 : index
        %get3A_1351 = tpu.vector_load %arg7[%get3A_1348, %get3A_1349, %get3A_1350] {strides = array<i32>} : memref<128x9x32xf32, #tpu.memory_space<vmem>>, vector<1x1x16xf32>,
        %get3A_1352 = vector.shape_cast %get3A_1351 : vector<1x1x16xf32> to vector<16xf32>
        %mul3A_1353 = arith.mulf %get3A_1352, %get3A_1091 : vector<16xf32>
        %swap3A_1354 = arith.constant 55 : i32
        %swap3A_1355 = arith.index_cast %swap3A_1354 : i32 to index
        %swap3A_1356 = arith.constant 0 : index
        %swap3A_1357 = tpu.vector_load %arg10[%swap3A_1355, %swap3A_1356] {strides = array<i32>} : memref<162x16xf32, #tpu.memory_space<vmem>>, vector<1x16xf32>,
        %swap3A_1358 = vector.shape_cast %swap3A_1357 : vector<1x16xf32> to vector<16xf32>
        %swap3A_1359 = vector.shape_cast %mul3A_1353 : vector<16xf32> to vector<1x16xf32>
        tpu.vector_store %arg10[%swap3A_1355, %swap3A_1356], %swap3A_1359 {strides = array<i32>} : memref<162x16xf32, #tpu.memory_space<vmem>>, vector<1x16xf32>,
        %mul3A_1360 = arith.mulf %get3A_1352, %get3A_1097 : vector<16xf32>
        %swap3A_1361 = arith.constant 57 : i32
        %swap3A_1362 = arith.index_cast %swap3A_1361 : i32 to index
        %swap3A_1363 = arith.constant 0 : index
        %swap3A_1364 = tpu.vector_load %arg10[%swap3A_1362, %swap3A_1363] {strides = array<i32>} : memref<162x16xf32, #tpu.memory_space<vmem>>, vector<1x16xf32>,
        %swap3A_1365 = vector.shape_cast %swap3A_1364 : vector<1x16xf32> to vector<16xf32>
        %swap3A_1366 = vector.shape_cast %mul3A_1360 : vector<16xf32> to vector<1x16xf32>
        tpu.vector_store %arg10[%swap3A_1362, %swap3A_1363], %swap3A_1366 {strides = array<i32>} : memref<162x16xf32, #tpu.memory_space<vmem>>, vector<1x16xf32>,
        %mul3A_1367 = arith.mulf %get3A_1352, %get3A_1103 : vector<16xf32>
        %swap3A_1368 = arith.constant 59 : i32
        %swap3A_1369 = arith.index_cast %swap3A_1368 : i32 to index
        %swap3A_1370 = arith.constant 0 : index
        %swap3A_1371 = tpu.vector_load %arg10[%swap3A_1369, %swap3A_1370] {strides = array<i32>} : memref<162x16xf32, #tpu.memory_space<vmem>>, vector<1x16xf32>,
        %swap3A_1372 = vector.shape_cast %swap3A_1371 : vector<1x16xf32> to vector<16xf32>
        %swap3A_1373 = vector.shape_cast %mul3A_1367 : vector<16xf32> to vector<1x16xf32>
        tpu.vector_store %arg10[%swap3A_1369, %swap3A_1370], %swap3A_1373 {strides = array<i32>} : memref<162x16xf32, #tpu.memory_space<vmem>>, vector<1x16xf32>,
        %mul3A_1374 = arith.mulf %get3A_1352, %get3A_1109 : vector<16xf32>
        %swap3A_1375 = arith.constant 61 : i32
        %swap3A_1376 = arith.index_cast %swap3A_1375 : i32 to index
        %swap3A_1377 = arith.constant 0 : index
        %swap3A_1378 = tpu.vector_load %arg10[%swap3A_1376, %swap3A_1377] {strides = array<i32>} : memref<162x16xf32, #tpu.memory_space<vmem>>, vector<1x16xf32>,
        %swap3A_1379 = vector.shape_cast %swap3A_1378 : vector<1x16xf32> to vector<16xf32>
        %swap3A_1380 = vector.shape_cast %mul3A_1374 : vector<16xf32> to vector<1x16xf32>
        tpu.vector_store %arg10[%swap3A_1376, %swap3A_1377], %swap3A_1380 {strides = array<i32>} : memref<162x16xf32, #tpu.memory_space<vmem>>, vector<1x16xf32>,
        %mul3A_1381 = arith.mulf %get3A_1352, %get3A_1115 : vector<16xf32>
        %swap3A_1382 = arith.constant 63 : i32
        %swap3A_1383 = arith.index_cast %swap3A_1382 : i32 to index
        %swap3A_1384 = arith.constant 0 : index
        %swap3A_1385 = tpu.vector_load %arg10[%swap3A_1383, %swap3A_1384] {strides = array<i32>} : memref<162x16xf32, #tpu.memory_space<vmem>>, vector<1x16xf32>,
        %swap3A_1386 = vector.shape_cast %swap3A_1385 : vector<1x16xf32> to vector<16xf32>
        %swap3A_1387 = vector.shape_cast %mul3A_1381 : vector<16xf32> to vector<1x16xf32>
        tpu.vector_store %arg10[%swap3A_1383, %swap3A_1384], %swap3A_1387 {strides = array<i32>} : memref<162x16xf32, #tpu.memory_space<vmem>>, vector<1x16xf32>,
        %mul3A_1388 = arith.mulf %get3A_1352, %get3A_1121 : vector<16xf32>
        %swap3A_1389 = arith.constant 65 : i32
        %swap3A_1390 = arith.index_cast %swap3A_1389 : i32 to index
        %swap3A_1391 = arith.constant 0 : index
        %swap3A_1392 = tpu.vector_load %arg10[%swap3A_1390, %swap3A_1391] {strides = array<i32>} : memref<162x16xf32, #tpu.memory_space<vmem>>, vector<1x16xf32>,
        %swap3A_1393 = vector.shape_cast %swap3A_1392 : vector<1x16xf32> to vector<16xf32>
        %swap3A_1394 = vector.shape_cast %mul3A_1388 : vector<16xf32> to vector<1x16xf32>
        tpu.vector_store %arg10[%swap3A_1390, %swap3A_1391], %swap3A_1394 {strides = array<i32>} : memref<162x16xf32, #tpu.memory_space<vmem>>, vector<1x16xf32>,
        %mul3A_1395 = arith.mulf %get3A_1352, %get3A_1127 : vector<16xf32>
        %swap3A_1396 = arith.constant 67 : i32
        %swap3A_1397 = arith.index_cast %swap3A_1396 : i32 to index
        %swap3A_1398 = arith.constant 0 : index
        %swap3A_1399 = tpu.vector_load %arg10[%swap3A_1397, %swap3A_1398] {strides = array<i32>} : memref<162x16xf32, #tpu.memory_space<vmem>>, vector<1x16xf32>,
        %swap3A_1400 = vector.shape_cast %swap3A_1399 : vector<1x16xf32> to vector<16xf32>
        %swap3A_1401 = vector.shape_cast %mul3A_1395 : vector<16xf32> to vector<1x16xf32>
        tpu.vector_store %arg10[%swap3A_1397, %swap3A_1398], %swap3A_1401 {strides = array<i32>} : memref<162x16xf32, #tpu.memory_space<vmem>>, vector<1x16xf32>,
        %mul3A_1402 = arith.mulf %get3A_1352, %get3A_1133 : vector<16xf32>
        %swap3A_1403 = arith.constant 69 : i32
        %swap3A_1404 = arith.index_cast %swap3A_1403 : i32 to index
        %swap3A_1405 = arith.constant 0 : index
        %swap3A_1406 = tpu.vector_load %arg10[%swap3A_1404, %swap3A_1405] {strides = array<i32>} : memref<162x16xf32, #tpu.memory_space<vmem>>, vector<1x16xf32>,
        %swap3A_1407 = vector.shape_cast %swap3A_1406 : vector<1x16xf32> to vector<16xf32>
        %swap3A_1408 = vector.shape_cast %mul3A_1402 : vector<16xf32> to vector<1x16xf32>
        tpu.vector_store %arg10[%swap3A_1404, %swap3A_1405], %swap3A_1408 {strides = array<i32>} : memref<162x16xf32, #tpu.memory_space<vmem>>, vector<1x16xf32>,
        %mul3A_1409 = arith.mulf %get3A_1352, %get3A_1139 : vector<16xf32>
        %swap3A_1410 = arith.constant 71 : i32
        %swap3A_1411 = arith.index_cast %swap3A_1410 : i32 to index
        %swap3A_1412 = arith.constant 0 : index
        %swap3A_1413 = tpu.vector_load %arg10[%swap3A_1411, %swap3A_1412] {strides = array<i32>} : memref<162x16xf32, #tpu.memory_space<vmem>>, vector<1x16xf32>,
        %swap3A_1414 = vector.shape_cast %swap3A_1413 : vector<1x16xf32> to vector<16xf32>
        %swap3A_1415 = vector.shape_cast %mul3A_1409 : vector<16xf32> to vector<1x16xf32>
        tpu.vector_store %arg10[%swap3A_1411, %swap3A_1412], %swap3A_1415 {strides = array<i32>} : memref<162x16xf32, #tpu.memory_space<vmem>>, vector<1x16xf32>,
        %get3A_1416 = arith.constant 4 : i32
        %get3A_1417 = arith.index_cast %scan3A_411 : i32 to index
        %get3A_1418 = arith.index_cast %get3A_1416 : i32 to index
        %get3A_1419 = arith.constant 16 : index
        %get3A_1420 = tpu.vector_load %arg7[%get3A_1417, %get3A_1418, %get3A_1419] {strides = array<i32>} : memref<128x9x32xf32, #tpu.memory_space<vmem>>, vector<1x1x16xf32>,
        %get3A_1421 = vector.shape_cast %get3A_1420 : vector<1x1x16xf32> to vector<16xf32>
        %mul3A_1422 = arith.mulf %get3A_1421, %get3A_1091 : vector<16xf32>
        %swap3A_1423 = arith.constant 73 : i32
        %swap3A_1424 = arith.index_cast %swap3A_1423 : i32 to index
        %swap3A_1425 = arith.constant 0 : index
        %swap3A_1426 = tpu.vector_load %arg10[%swap3A_1424, %swap3A_1425] {strides = array<i32>} : memref<162x16xf32, #tpu.memory_space<vmem>>, vector<1x16xf32>,
        %swap3A_1427 = vector.shape_cast %swap3A_1426 : vector<1x16xf32> to vector<16xf32>
        %swap3A_1428 = vector.shape_cast %mul3A_1422 : vector<16xf32> to vector<1x16xf32>
        tpu.vector_store %arg10[%swap3A_1424, %swap3A_1425], %swap3A_1428 {strides = array<i32>} : memref<162x16xf32, #tpu.memory_space<vmem>>, vector<1x16xf32>,
        %mul3A_1429 = arith.mulf %get3A_1421, %get3A_1097 : vector<16xf32>
        %swap3A_1430 = arith.constant 75 : i32
        %swap3A_1431 = arith.index_cast %swap3A_1430 : i32 to index
        %swap3A_1432 = arith.constant 0 : index
        %swap3A_1433 = tpu.vector_load %arg10[%swap3A_1431, %swap3A_1432] {strides = array<i32>} : memref<162x16xf32, #tpu.memory_space<vmem>>, vector<1x16xf32>,
        %swap3A_1434 = vector.shape_cast %swap3A_1433 : vector<1x16xf32> to vector<16xf32>
        %swap3A_1435 = vector.shape_cast %mul3A_1429 : vector<16xf32> to vector<1x16xf32>
        tpu.vector_store %arg10[%swap3A_1431, %swap3A_1432], %swap3A_1435 {strides = array<i32>} : memref<162x16xf32, #tpu.memory_space<vmem>>, vector<1x16xf32>,
        %mul3A_1436 = arith.mulf %get3A_1421, %get3A_1103 : vector<16xf32>
        %swap3A_1437 = arith.constant 77 : i32
        %swap3A_1438 = arith.index_cast %swap3A_1437 : i32 to index
        %swap3A_1439 = arith.constant 0 : index
        %swap3A_1440 = tpu.vector_load %arg10[%swap3A_1438, %swap3A_1439] {strides = array<i32>} : memref<162x16xf32, #tpu.memory_space<vmem>>, vector<1x16xf32>,
        %swap3A_1441 = vector.shape_cast %swap3A_1440 : vector<1x16xf32> to vector<16xf32>
        %swap3A_1442 = vector.shape_cast %mul3A_1436 : vector<16xf32> to vector<1x16xf32>
        tpu.vector_store %arg10[%swap3A_1438, %swap3A_1439], %swap3A_1442 {strides = array<i32>} : memref<162x16xf32, #tpu.memory_space<vmem>>, vector<1x16xf32>,
        %mul3A_1443 = arith.mulf %get3A_1421, %get3A_1109 : vector<16xf32>
        %swap3A_1444 = arith.constant 79 : i32
        %swap3A_1445 = arith.index_cast %swap3A_1444 : i32 to index
        %swap3A_1446 = arith.constant 0 : index
        %swap3A_1447 = tpu.vector_load %arg10[%swap3A_1445, %swap3A_1446] {strides = array<i32>} : memref<162x16xf32, #tpu.memory_space<vmem>>, vector<1x16xf32>,
        %swap3A_1448 = vector.shape_cast %swap3A_1447 : vector<1x16xf32> to vector<16xf32>
        %swap3A_1449 = vector.shape_cast %mul3A_1443 : vector<16xf32> to vector<1x16xf32>
        tpu.vector_store %arg10[%swap3A_1445, %swap3A_1446], %swap3A_1449 {strides = array<i32>} : memref<162x16xf32, #tpu.memory_space<vmem>>, vector<1x16xf32>,
        %mul3A_1450 = arith.mulf %get3A_1421, %get3A_1115 : vector<16xf32>
        %swap3A_1451 = arith.constant 81 : i32
        %swap3A_1452 = arith.index_cast %swap3A_1451 : i32 to index
        %swap3A_1453 = arith.constant 0 : index
        %swap3A_1454 = tpu.vector_load %arg10[%swap3A_1452, %swap3A_1453] {strides = array<i32>} : memref<162x16xf32, #tpu.memory_space<vmem>>, vector<1x16xf32>,
        %swap3A_1455 = vector.shape_cast %swap3A_1454 : vector<1x16xf32> to vector<16xf32>
        %swap3A_1456 = vector.shape_cast %mul3A_1450 : vector<16xf32> to vector<1x16xf32>
        tpu.vector_store %arg10[%swap3A_1452, %swap3A_1453], %swap3A_1456 {strides = array<i32>} : memref<162x16xf32, #tpu.memory_space<vmem>>, vector<1x16xf32>,
        %mul3A_1457 = arith.mulf %get3A_1421, %get3A_1121 : vector<16xf32>
        %swap3A_1458 = arith.constant 83 : i32
        %swap3A_1459 = arith.index_cast %swap3A_1458 : i32 to index
        %swap3A_1460 = arith.constant 0 : index
        %swap3A_1461 = tpu.vector_load %arg10[%swap3A_1459, %swap3A_1460] {strides = array<i32>} : memref<162x16xf32, #tpu.memory_space<vmem>>, vector<1x16xf32>,
        %swap3A_1462 = vector.shape_cast %swap3A_1461 : vector<1x16xf32> to vector<16xf32>
        %swap3A_1463 = vector.shape_cast %mul3A_1457 : vector<16xf32> to vector<1x16xf32>
        tpu.vector_store %arg10[%swap3A_1459, %swap3A_1460], %swap3A_1463 {strides = array<i32>} : memref<162x16xf32, #tpu.memory_space<vmem>>, vector<1x16xf32>,
        %mul3A_1464 = arith.mulf %get3A_1421, %get3A_1127 : vector<16xf32>
        %swap3A_1465 = arith.constant 85 : i32
        %swap3A_1466 = arith.index_cast %swap3A_1465 : i32 to index
        %swap3A_1467 = arith.constant 0 : index
        %swap3A_1468 = tpu.vector_load %arg10[%swap3A_1466, %swap3A_1467] {strides = array<i32>} : memref<162x16xf32, #tpu.memory_space<vmem>>, vector<1x16xf32>,
        %swap3A_1469 = vector.shape_cast %swap3A_1468 : vector<1x16xf32> to vector<16xf32>
        %swap3A_1470 = vector.shape_cast %mul3A_1464 : vector<16xf32> to vector<1x16xf32>
        tpu.vector_store %arg10[%swap3A_1466, %swap3A_1467], %swap3A_1470 {strides = array<i32>} : memref<162x16xf32, #tpu.memory_space<vmem>>, vector<1x16xf32>,
        %mul3A_1471 = arith.mulf %get3A_1421, %get3A_1133 : vector<16xf32>
        %swap3A_1472 = arith.constant 87 : i32
        %swap3A_1473 = arith.index_cast %swap3A_1472 : i32 to index
        %swap3A_1474 = arith.constant 0 : index
        %swap3A_1475 = tpu.vector_load %arg10[%swap3A_1473, %swap3A_1474] {strides = array<i32>} : memref<162x16xf32, #tpu.memory_space<vmem>>, vector<1x16xf32>,
        %swap3A_1476 = vector.shape_cast %swap3A_1475 : vector<1x16xf32> to vector<16xf32>
        %swap3A_1477 = vector.shape_cast %mul3A_1471 : vector<16xf32> to vector<1x16xf32>
        tpu.vector_store %arg10[%swap3A_1473, %swap3A_1474], %swap3A_1477 {strides = array<i32>} : memref<162x16xf32, #tpu.memory_space<vmem>>, vector<1x16xf32>,
        %mul3A_1478 = arith.mulf %get3A_1421, %get3A_1139 : vector<16xf32>
        %swap3A_1479 = arith.constant 89 : i32
        %swap3A_1480 = arith.index_cast %swap3A_1479 : i32 to index
        %swap3A_1481 = arith.constant 0 : index
        %swap3A_1482 = tpu.vector_load %arg10[%swap3A_1480, %swap3A_1481] {strides = array<i32>} : memref<162x16xf32, #tpu.memory_space<vmem>>, vector<1x16xf32>,
        %swap3A_1483 = vector.shape_cast %swap3A_1482 : vector<1x16xf32> to vector<16xf32>
        %swap3A_1484 = vector.shape_cast %mul3A_1478 : vector<16xf32> to vector<1x16xf32>
        tpu.vector_store %arg10[%swap3A_1480, %swap3A_1481], %swap3A_1484 {strides = array<i32>} : memref<162x16xf32, #tpu.memory_space<vmem>>, vector<1x16xf32>,
        %get3A_1485 = arith.constant 5 : i32
        %get3A_1486 = arith.index_cast %scan3A_411 : i32 to index
        %get3A_1487 = arith.index_cast %get3A_1485 : i32 to index
        %get3A_1488 = arith.constant 16 : index
        %get3A_1489 = tpu.vector_load %arg7[%get3A_1486, %get3A_1487, %get3A_1488] {strides = array<i32>} : memref<128x9x32xf32, #tpu.memory_space<vmem>>, vector<1x1x16xf32>,
        %get3A_1490 = vector.shape_cast %get3A_1489 : vector<1x1x16xf32> to vector<16xf32>
        %mul3A_1491 = arith.mulf %get3A_1490, %get3A_1091 : vector<16xf32>
        %swap3A_1492 = arith.constant 91 : i32
        %swap3A_1493 = arith.index_cast %swap3A_1492 : i32 to index
        %swap3A_1494 = arith.constant 0 : index
        %swap3A_1495 = tpu.vector_load %arg10[%swap3A_1493, %swap3A_1494] {strides = array<i32>} : memref<162x16xf32, #tpu.memory_space<vmem>>, vector<1x16xf32>,
        %swap3A_1496 = vector.shape_cast %swap3A_1495 : vector<1x16xf32> to vector<16xf32>
        %swap3A_1497 = vector.shape_cast %mul3A_1491 : vector<16xf32> to vector<1x16xf32>
        tpu.vector_store %arg10[%swap3A_1493, %swap3A_1494], %swap3A_1497 {strides = array<i32>} : memref<162x16xf32, #tpu.memory_space<vmem>>, vector<1x16xf32>,
        %mul3A_1498 = arith.mulf %get3A_1490, %get3A_1097 : vector<16xf32>
        %swap3A_1499 = arith.constant 93 : i32
        %swap3A_1500 = arith.index_cast %swap3A_1499 : i32 to index
        %swap3A_1501 = arith.constant 0 : index
        %swap3A_1502 = tpu.vector_load %arg10[%swap3A_1500, %swap3A_1501] {strides = array<i32>} : memref<162x16xf32, #tpu.memory_space<vmem>>, vector<1x16xf32>,
        %swap3A_1503 = vector.shape_cast %swap3A_1502 : vector<1x16xf32> to vector<16xf32>
        %swap3A_1504 = vector.shape_cast %mul3A_1498 : vector<16xf32> to vector<1x16xf32>
        tpu.vector_store %arg10[%swap3A_1500, %swap3A_1501], %swap3A_1504 {strides = array<i32>} : memref<162x16xf32, #tpu.memory_space<vmem>>, vector<1x16xf32>,
        %mul3A_1505 = arith.mulf %get3A_1490, %get3A_1103 : vector<16xf32>
        %swap3A_1506 = arith.constant 95 : i32
        %swap3A_1507 = arith.index_cast %swap3A_1506 : i32 to index
        %swap3A_1508 = arith.constant 0 : index
        %swap3A_1509 = tpu.vector_load %arg10[%swap3A_1507, %swap3A_1508] {strides = array<i32>} : memref<162x16xf32, #tpu.memory_space<vmem>>, vector<1x16xf32>,
        %swap3A_1510 = vector.shape_cast %swap3A_1509 : vector<1x16xf32> to vector<16xf32>
        %swap3A_1511 = vector.shape_cast %mul3A_1505 : vector<16xf32> to vector<1x16xf32>
        tpu.vector_store %arg10[%swap3A_1507, %swap3A_1508], %swap3A_1511 {strides = array<i32>} : memref<162x16xf32, #tpu.memory_space<vmem>>, vector<1x16xf32>,
        %mul3A_1512 = arith.mulf %get3A_1490, %get3A_1109 : vector<16xf32>
        %swap3A_1513 = arith.constant 97 : i32
        %swap3A_1514 = arith.index_cast %swap3A_1513 : i32 to index
        %swap3A_1515 = arith.constant 0 : index
        %swap3A_1516 = tpu.vector_load %arg10[%swap3A_1514, %swap3A_1515] {strides = array<i32>} : memref<162x16xf32, #tpu.memory_space<vmem>>, vector<1x16xf32>,
        %swap3A_1517 = vector.shape_cast %swap3A_1516 : vector<1x16xf32> to vector<16xf32>
        %swap3A_1518 = vector.shape_cast %mul3A_1512 : vector<16xf32> to vector<1x16xf32>
        tpu.vector_store %arg10[%swap3A_1514, %swap3A_1515], %swap3A_1518 {strides = array<i32>} : memref<162x16xf32, #tpu.memory_space<vmem>>, vector<1x16xf32>,
        %mul3A_1519 = arith.mulf %get3A_1490, %get3A_1115 : vector<16xf32>
        %swap3A_1520 = arith.constant 99 : i32
        %swap3A_1521 = arith.index_cast %swap3A_1520 : i32 to index
        %swap3A_1522 = arith.constant 0 : index
        %swap3A_1523 = tpu.vector_load %arg10[%swap3A_1521, %swap3A_1522] {strides = array<i32>} : memref<162x16xf32, #tpu.memory_space<vmem>>, vector<1x16xf32>,
        %swap3A_1524 = vector.shape_cast %swap3A_1523 : vector<1x16xf32> to vector<16xf32>
        %swap3A_1525 = vector.shape_cast %mul3A_1519 : vector<16xf32> to vector<1x16xf32>
        tpu.vector_store %arg10[%swap3A_1521, %swap3A_1522], %swap3A_1525 {strides = array<i32>} : memref<162x16xf32, #tpu.memory_space<vmem>>, vector<1x16xf32>,
        %mul3A_1526 = arith.mulf %get3A_1490, %get3A_1121 : vector<16xf32>
        %swap3A_1527 = arith.constant 101 : i32
        %swap3A_1528 = arith.index_cast %swap3A_1527 : i32 to index
        %swap3A_1529 = arith.constant 0 : index
        %swap3A_1530 = tpu.vector_load %arg10[%swap3A_1528, %swap3A_1529] {strides = array<i32>} : memref<162x16xf32, #tpu.memory_space<vmem>>, vector<1x16xf32>,
        %swap3A_1531 = vector.shape_cast %swap3A_1530 : vector<1x16xf32> to vector<16xf32>
        %swap3A_1532 = vector.shape_cast %mul3A_1526 : vector<16xf32> to vector<1x16xf32>
        tpu.vector_store %arg10[%swap3A_1528, %swap3A_1529], %swap3A_1532 {strides = array<i32>} : memref<162x16xf32, #tpu.memory_space<vmem>>, vector<1x16xf32>,
        %mul3A_1533 = arith.mulf %get3A_1490, %get3A_1127 : vector<16xf32>
        %swap3A_1534 = arith.constant 103 : i32
        %swap3A_1535 = arith.index_cast %swap3A_1534 : i32 to index
        %swap3A_1536 = arith.constant 0 : index
        %swap3A_1537 = tpu.vector_load %arg10[%swap3A_1535, %swap3A_1536] {strides = array<i32>} : memref<162x16xf32, #tpu.memory_space<vmem>>, vector<1x16xf32>,
        %swap3A_1538 = vector.shape_cast %swap3A_1537 : vector<1x16xf32> to vector<16xf32>
        %swap3A_1539 = vector.shape_cast %mul3A_1533 : vector<16xf32> to vector<1x16xf32>
        tpu.vector_store %arg10[%swap3A_1535, %swap3A_1536], %swap3A_1539 {strides = array<i32>} : memref<162x16xf32, #tpu.memory_space<vmem>>, vector<1x16xf32>,
        %mul3A_1540 = arith.mulf %get3A_1490, %get3A_1133 : vector<16xf32>
        %swap3A_1541 = arith.constant 105 : i32
        %swap3A_1542 = arith.index_cast %swap3A_1541 : i32 to index
        %swap3A_1543 = arith.constant 0 : index
        %swap3A_1544 = tpu.vector_load %arg10[%swap3A_1542, %swap3A_1543] {strides = array<i32>} : memref<162x16xf32, #tpu.memory_space<vmem>>, vector<1x16xf32>,
        %swap3A_1545 = vector.shape_cast %swap3A_1544 : vector<1x16xf32> to vector<16xf32>
        %swap3A_1546 = vector.shape_cast %mul3A_1540 : vector<16xf32> to vector<1x16xf32>
        tpu.vector_store %arg10[%swap3A_1542, %swap3A_1543], %swap3A_1546 {strides = array<i32>} : memref<162x16xf32, #tpu.memory_space<vmem>>, vector<1x16xf32>,
        %mul3A_1547 = arith.mulf %get3A_1490, %get3A_1139 : vector<16xf32>
        %swap3A_1548 = arith.constant 107 : i32
        %swap3A_1549 = arith.index_cast %swap3A_1548 : i32 to index
        %swap3A_1550 = arith.constant 0 : index
        %swap3A_1551 = tpu.vector_load %arg10[%swap3A_1549, %swap3A_1550] {strides = array<i32>} : memref<162x16xf32, #tpu.memory_space<vmem>>, vector<1x16xf32>,
        %swap3A_1552 = vector.shape_cast %swap3A_1551 : vector<1x16xf32> to vector<16xf32>
        %swap3A_1553 = vector.shape_cast %mul3A_1547 : vector<16xf32> to vector<1x16xf32>
        tpu.vector_store %arg10[%swap3A_1549, %swap3A_1550], %swap3A_1553 {strides = array<i32>} : memref<162x16xf32, #tpu.memory_space<vmem>>, vector<1x16xf32>,
        %get3A_1554 = arith.constant 6 : i32
        %get3A_1555 = arith.index_cast %scan3A_411 : i32 to index
        %get3A_1556 = arith.index_cast %get3A_1554 : i32 to index
        %get3A_1557 = arith.constant 16 : index
        %get3A_1558 = tpu.vector_load %arg7[%get3A_1555, %get3A_1556, %get3A_1557] {strides = array<i32>} : memref<128x9x32xf32, #tpu.memory_space<vmem>>, vector<1x1x16xf32>,
        %get3A_1559 = vector.shape_cast %get3A_1558 : vector<1x1x16xf32> to vector<16xf32>
        %mul3A_1560 = arith.mulf %get3A_1559, %get3A_1091 : vector<16xf32>
        %swap3A_1561 = arith.constant 109 : i32
        %swap3A_1562 = arith.index_cast %swap3A_1561 : i32 to index
        %swap3A_1563 = arith.constant 0 : index
        %swap3A_1564 = tpu.vector_load %arg10[%swap3A_1562, %swap3A_1563] {strides = array<i32>} : memref<162x16xf32, #tpu.memory_space<vmem>>, vector<1x16xf32>,
        %swap3A_1565 = vector.shape_cast %swap3A_1564 : vector<1x16xf32> to vector<16xf32>
        %swap3A_1566 = vector.shape_cast %mul3A_1560 : vector<16xf32> to vector<1x16xf32>
        tpu.vector_store %arg10[%swap3A_1562, %swap3A_1563], %swap3A_1566 {strides = array<i32>} : memref<162x16xf32, #tpu.memory_space<vmem>>, vector<1x16xf32>,
        %mul3A_1567 = arith.mulf %get3A_1559, %get3A_1097 : vector<16xf32>
        %swap3A_1568 = arith.constant 111 : i32
        %swap3A_1569 = arith.index_cast %swap3A_1568 : i32 to index
        %swap3A_1570 = arith.constant 0 : index
        %swap3A_1571 = tpu.vector_load %arg10[%swap3A_1569, %swap3A_1570] {strides = array<i32>} : memref<162x16xf32, #tpu.memory_space<vmem>>, vector<1x16xf32>,
        %swap3A_1572 = vector.shape_cast %swap3A_1571 : vector<1x16xf32> to vector<16xf32>
        %swap3A_1573 = vector.shape_cast %mul3A_1567 : vector<16xf32> to vector<1x16xf32>
        tpu.vector_store %arg10[%swap3A_1569, %swap3A_1570], %swap3A_1573 {strides = array<i32>} : memref<162x16xf32, #tpu.memory_space<vmem>>, vector<1x16xf32>,
        %mul3A_1574 = arith.mulf %get3A_1559, %get3A_1103 : vector<16xf32>
        %swap3A_1575 = arith.constant 113 : i32
        %swap3A_1576 = arith.index_cast %swap3A_1575 : i32 to index
        %swap3A_1577 = arith.constant 0 : index
        %swap3A_1578 = tpu.vector_load %arg10[%swap3A_1576, %swap3A_1577] {strides = array<i32>} : memref<162x16xf32, #tpu.memory_space<vmem>>, vector<1x16xf32>,
        %swap3A_1579 = vector.shape_cast %swap3A_1578 : vector<1x16xf32> to vector<16xf32>
        %swap3A_1580 = vector.shape_cast %mul3A_1574 : vector<16xf32> to vector<1x16xf32>
        tpu.vector_store %arg10[%swap3A_1576, %swap3A_1577], %swap3A_1580 {strides = array<i32>} : memref<162x16xf32, #tpu.memory_space<vmem>>, vector<1x16xf32>,
        %mul3A_1581 = arith.mulf %get3A_1559, %get3A_1109 : vector<16xf32>
        %swap3A_1582 = arith.constant 115 : i32
        %swap3A_1583 = arith.index_cast %swap3A_1582 : i32 to index
        %swap3A_1584 = arith.constant 0 : index
        %swap3A_1585 = tpu.vector_load %arg10[%swap3A_1583, %swap3A_1584] {strides = array<i32>} : memref<162x16xf32, #tpu.memory_space<vmem>>, vector<1x16xf32>,
        %swap3A_1586 = vector.shape_cast %swap3A_1585 : vector<1x16xf32> to vector<16xf32>
        %swap3A_1587 = vector.shape_cast %mul3A_1581 : vector<16xf32> to vector<1x16xf32>
        tpu.vector_store %arg10[%swap3A_1583, %swap3A_1584], %swap3A_1587 {strides = array<i32>} : memref<162x16xf32, #tpu.memory_space<vmem>>, vector<1x16xf32>,
        %mul3A_1588 = arith.mulf %get3A_1559, %get3A_1115 : vector<16xf32>
        %swap3A_1589 = arith.constant 117 : i32
        %swap3A_1590 = arith.index_cast %swap3A_1589 : i32 to index
        %swap3A_1591 = arith.constant 0 : index
        %swap3A_1592 = tpu.vector_load %arg10[%swap3A_1590, %swap3A_1591] {strides = array<i32>} : memref<162x16xf32, #tpu.memory_space<vmem>>, vector<1x16xf32>,
        %swap3A_1593 = vector.shape_cast %swap3A_1592 : vector<1x16xf32> to vector<16xf32>
        %swap3A_1594 = vector.shape_cast %mul3A_1588 : vector<16xf32> to vector<1x16xf32>
        tpu.vector_store %arg10[%swap3A_1590, %swap3A_1591], %swap3A_1594 {strides = array<i32>} : memref<162x16xf32, #tpu.memory_space<vmem>>, vector<1x16xf32>,
        %mul3A_1595 = arith.mulf %get3A_1559, %get3A_1121 : vector<16xf32>
        %swap3A_1596 = arith.constant 119 : i32
        %swap3A_1597 = arith.index_cast %swap3A_1596 : i32 to index
        %swap3A_1598 = arith.constant 0 : index
        %swap3A_1599 = tpu.vector_load %arg10[%swap3A_1597, %swap3A_1598] {strides = array<i32>} : memref<162x16xf32, #tpu.memory_space<vmem>>, vector<1x16xf32>,
        %swap3A_1600 = vector.shape_cast %swap3A_1599 : vector<1x16xf32> to vector<16xf32>
        %swap3A_1601 = vector.shape_cast %mul3A_1595 : vector<16xf32> to vector<1x16xf32>
        tpu.vector_store %arg10[%swap3A_1597, %swap3A_1598], %swap3A_1601 {strides = array<i32>} : memref<162x16xf32, #tpu.memory_space<vmem>>, vector<1x16xf32>,
        %mul3A_1602 = arith.mulf %get3A_1559, %get3A_1127 : vector<16xf32>
        %swap3A_1603 = arith.constant 121 : i32
        %swap3A_1604 = arith.index_cast %swap3A_1603 : i32 to index
        %swap3A_1605 = arith.constant 0 : index
        %swap3A_1606 = tpu.vector_load %arg10[%swap3A_1604, %swap3A_1605] {strides = array<i32>} : memref<162x16xf32, #tpu.memory_space<vmem>>, vector<1x16xf32>,
        %swap3A_1607 = vector.shape_cast %swap3A_1606 : vector<1x16xf32> to vector<16xf32>
        %swap3A_1608 = vector.shape_cast %mul3A_1602 : vector<16xf32> to vector<1x16xf32>
        tpu.vector_store %arg10[%swap3A_1604, %swap3A_1605], %swap3A_1608 {strides = array<i32>} : memref<162x16xf32, #tpu.memory_space<vmem>>, vector<1x16xf32>,
        %mul3A_1609 = arith.mulf %get3A_1559, %get3A_1133 : vector<16xf32>
        %swap3A_1610 = arith.constant 123 : i32
        %swap3A_1611 = arith.index_cast %swap3A_1610 : i32 to index
        %swap3A_1612 = arith.constant 0 : index
        %swap3A_1613 = tpu.vector_load %arg10[%swap3A_1611, %swap3A_1612] {strides = array<i32>} : memref<162x16xf32, #tpu.memory_space<vmem>>, vector<1x16xf32>,
        %swap3A_1614 = vector.shape_cast %swap3A_1613 : vector<1x16xf32> to vector<16xf32>
        %swap3A_1615 = vector.shape_cast %mul3A_1609 : vector<16xf32> to vector<1x16xf32>
        tpu.vector_store %arg10[%swap3A_1611, %swap3A_1612], %swap3A_1615 {strides = array<i32>} : memref<162x16xf32, #tpu.memory_space<vmem>>, vector<1x16xf32>,
        %mul3A_1616 = arith.mulf %get3A_1559, %get3A_1139 : vector<16xf32>
        %swap3A_1617 = arith.constant 125 : i32
        %swap3A_1618 = arith.index_cast %swap3A_1617 : i32 to index
        %swap3A_1619 = arith.constant 0 : index
        %swap3A_1620 = tpu.vector_load %arg10[%swap3A_1618, %swap3A_1619] {strides = array<i32>} : memref<162x16xf32, #tpu.memory_space<vmem>>, vector<1x16xf32>,
        %swap3A_1621 = vector.shape_cast %swap3A_1620 : vector<1x16xf32> to vector<16xf32>
        %swap3A_1622 = vector.shape_cast %mul3A_1616 : vector<16xf32> to vector<1x16xf32>
        tpu.vector_store %arg10[%swap3A_1618, %swap3A_1619], %swap3A_1622 {strides = array<i32>} : memref<162x16xf32, #tpu.memory_space<vmem>>, vector<1x16xf32>,
        %get3A_1623 = arith.constant 7 : i32
        %get3A_1624 = arith.index_cast %scan3A_411 : i32 to index
        %get3A_1625 = arith.index_cast %get3A_1623 : i32 to index
        %get3A_1626 = arith.constant 16 : index
        %get3A_1627 = tpu.vector_load %arg7[%get3A_1624, %get3A_1625, %get3A_1626] {strides = array<i32>} : memref<128x9x32xf32, #tpu.memory_space<vmem>>, vector<1x1x16xf32>,
        %get3A_1628 = vector.shape_cast %get3A_1627 : vector<1x1x16xf32> to vector<16xf32>
        %mul3A_1629 = arith.mulf %get3A_1628, %get3A_1091 : vector<16xf32>
        %swap3A_1630 = arith.constant 127 : i32
        %swap3A_1631 = arith.index_cast %swap3A_1630 : i32 to index
        %swap3A_1632 = arith.constant 0 : index
        %swap3A_1633 = tpu.vector_load %arg10[%swap3A_1631, %swap3A_1632] {strides = array<i32>} : memref<162x16xf32, #tpu.memory_space<vmem>>, vector<1x16xf32>,
        %swap3A_1634 = vector.shape_cast %swap3A_1633 : vector<1x16xf32> to vector<16xf32>
        %swap3A_1635 = vector.shape_cast %mul3A_1629 : vector<16xf32> to vector<1x16xf32>
        tpu.vector_store %arg10[%swap3A_1631, %swap3A_1632], %swap3A_1635 {strides = array<i32>} : memref<162x16xf32, #tpu.memory_space<vmem>>, vector<1x16xf32>,
        %mul3A_1636 = arith.mulf %get3A_1628, %get3A_1097 : vector<16xf32>
        %swap3A_1637 = arith.constant 129 : i32
        %swap3A_1638 = arith.index_cast %swap3A_1637 : i32 to index
        %swap3A_1639 = arith.constant 0 : index
        %swap3A_1640 = tpu.vector_load %arg10[%swap3A_1638, %swap3A_1639] {strides = array<i32>} : memref<162x16xf32, #tpu.memory_space<vmem>>, vector<1x16xf32>,
        %swap3A_1641 = vector.shape_cast %swap3A_1640 : vector<1x16xf32> to vector<16xf32>
        %swap3A_1642 = vector.shape_cast %mul3A_1636 : vector<16xf32> to vector<1x16xf32>
        tpu.vector_store %arg10[%swap3A_1638, %swap3A_1639], %swap3A_1642 {strides = array<i32>} : memref<162x16xf32, #tpu.memory_space<vmem>>, vector<1x16xf32>,
        %mul3A_1643 = arith.mulf %get3A_1628, %get3A_1103 : vector<16xf32>
        %swap3A_1644 = arith.constant 131 : i32
        %swap3A_1645 = arith.index_cast %swap3A_1644 : i32 to index
        %swap3A_1646 = arith.constant 0 : index
        %swap3A_1647 = tpu.vector_load %arg10[%swap3A_1645, %swap3A_1646] {strides = array<i32>} : memref<162x16xf32, #tpu.memory_space<vmem>>, vector<1x16xf32>,
        %swap3A_1648 = vector.shape_cast %swap3A_1647 : vector<1x16xf32> to vector<16xf32>
        %swap3A_1649 = vector.shape_cast %mul3A_1643 : vector<16xf32> to vector<1x16xf32>
        tpu.vector_store %arg10[%swap3A_1645, %swap3A_1646], %swap3A_1649 {strides = array<i32>} : memref<162x16xf32, #tpu.memory_space<vmem>>, vector<1x16xf32>,
        %mul3A_1650 = arith.mulf %get3A_1628, %get3A_1109 : vector<16xf32>
        %swap3A_1651 = arith.constant 133 : i32
        %swap3A_1652 = arith.index_cast %swap3A_1651 : i32 to index
        %swap3A_1653 = arith.constant 0 : index
        %swap3A_1654 = tpu.vector_load %arg10[%swap3A_1652, %swap3A_1653] {strides = array<i32>} : memref<162x16xf32, #tpu.memory_space<vmem>>, vector<1x16xf32>,
        %swap3A_1655 = vector.shape_cast %swap3A_1654 : vector<1x16xf32> to vector<16xf32>
        %swap3A_1656 = vector.shape_cast %mul3A_1650 : vector<16xf32> to vector<1x16xf32>
        tpu.vector_store %arg10[%swap3A_1652, %swap3A_1653], %swap3A_1656 {strides = array<i32>} : memref<162x16xf32, #tpu.memory_space<vmem>>, vector<1x16xf32>,
        %mul3A_1657 = arith.mulf %get3A_1628, %get3A_1115 : vector<16xf32>
        %swap3A_1658 = arith.constant 135 : i32
        %swap3A_1659 = arith.index_cast %swap3A_1658 : i32 to index
        %swap3A_1660 = arith.constant 0 : index
        %swap3A_1661 = tpu.vector_load %arg10[%swap3A_1659, %swap3A_1660] {strides = array<i32>} : memref<162x16xf32, #tpu.memory_space<vmem>>, vector<1x16xf32>,
        %swap3A_1662 = vector.shape_cast %swap3A_1661 : vector<1x16xf32> to vector<16xf32>
        %swap3A_1663 = vector.shape_cast %mul3A_1657 : vector<16xf32> to vector<1x16xf32>
        tpu.vector_store %arg10[%swap3A_1659, %swap3A_1660], %swap3A_1663 {strides = array<i32>} : memref<162x16xf32, #tpu.memory_space<vmem>>, vector<1x16xf32>,
        %mul3A_1664 = arith.mulf %get3A_1628, %get3A_1121 : vector<16xf32>
        %swap3A_1665 = arith.constant 137 : i32
        %swap3A_1666 = arith.index_cast %swap3A_1665 : i32 to index
        %swap3A_1667 = arith.constant 0 : index
        %swap3A_1668 = tpu.vector_load %arg10[%swap3A_1666, %swap3A_1667] {strides = array<i32>} : memref<162x16xf32, #tpu.memory_space<vmem>>, vector<1x16xf32>,
        %swap3A_1669 = vector.shape_cast %swap3A_1668 : vector<1x16xf32> to vector<16xf32>
        %swap3A_1670 = vector.shape_cast %mul3A_1664 : vector<16xf32> to vector<1x16xf32>
        tpu.vector_store %arg10[%swap3A_1666, %swap3A_1667], %swap3A_1670 {strides = array<i32>} : memref<162x16xf32, #tpu.memory_space<vmem>>, vector<1x16xf32>,
        %mul3A_1671 = arith.mulf %get3A_1628, %get3A_1127 : vector<16xf32>
        %swap3A_1672 = arith.constant 139 : i32
        %swap3A_1673 = arith.index_cast %swap3A_1672 : i32 to index
        %swap3A_1674 = arith.constant 0 : index
        %swap3A_1675 = tpu.vector_load %arg10[%swap3A_1673, %swap3A_1674] {strides = array<i32>} : memref<162x16xf32, #tpu.memory_space<vmem>>, vector<1x16xf32>,
        %swap3A_1676 = vector.shape_cast %swap3A_1675 : vector<1x16xf32> to vector<16xf32>
        %swap3A_1677 = vector.shape_cast %mul3A_1671 : vector<16xf32> to vector<1x16xf32>
        tpu.vector_store %arg10[%swap3A_1673, %swap3A_1674], %swap3A_1677 {strides = array<i32>} : memref<162x16xf32, #tpu.memory_space<vmem>>, vector<1x16xf32>,
        %mul3A_1678 = arith.mulf %get3A_1628, %get3A_1133 : vector<16xf32>
        %swap3A_1679 = arith.constant 141 : i32
        %swap3A_1680 = arith.index_cast %swap3A_1679 : i32 to index
        %swap3A_1681 = arith.constant 0 : index
        %swap3A_1682 = tpu.vector_load %arg10[%swap3A_1680, %swap3A_1681] {strides = array<i32>} : memref<162x16xf32, #tpu.memory_space<vmem>>, vector<1x16xf32>,
        %swap3A_1683 = vector.shape_cast %swap3A_1682 : vector<1x16xf32> to vector<16xf32>
        %swap3A_1684 = vector.shape_cast %mul3A_1678 : vector<16xf32> to vector<1x16xf32>
        tpu.vector_store %arg10[%swap3A_1680, %swap3A_1681], %swap3A_1684 {strides = array<i32>} : memref<162x16xf32, #tpu.memory_space<vmem>>, vector<1x16xf32>,
        %mul3A_1685 = arith.mulf %get3A_1628, %get3A_1139 : vector<16xf32>
        %swap3A_1686 = arith.constant 143 : i32
        %swap3A_1687 = arith.index_cast %swap3A_1686 : i32 to index
        %swap3A_1688 = arith.constant 0 : index
        %swap3A_1689 = tpu.vector_load %arg10[%swap3A_1687, %swap3A_1688] {strides = array<i32>} : memref<162x16xf32, #tpu.memory_space<vmem>>, vector<1x16xf32>,
        %swap3A_1690 = vector.shape_cast %swap3A_1689 : vector<1x16xf32> to vector<16xf32>
        %swap3A_1691 = vector.shape_cast %mul3A_1685 : vector<16xf32> to vector<1x16xf32>
        tpu.vector_store %arg10[%swap3A_1687, %swap3A_1688], %swap3A_1691 {strides = array<i32>} : memref<162x16xf32, #tpu.memory_space<vmem>>, vector<1x16xf32>,
        %get3A_1692 = arith.constant 8 : i32
        %get3A_1693 = arith.index_cast %scan3A_411 : i32 to index
        %get3A_1694 = arith.index_cast %get3A_1692 : i32 to index
        %get3A_1695 = arith.constant 16 : index
        %get3A_1696 = tpu.vector_load %arg7[%get3A_1693, %get3A_1694, %get3A_1695] {strides = array<i32>} : memref<128x9x32xf32, #tpu.memory_space<vmem>>, vector<1x1x16xf32>,
        %get3A_1697 = vector.shape_cast %get3A_1696 : vector<1x1x16xf32> to vector<16xf32>
        %mul3A_1698 = arith.mulf %get3A_1697, %get3A_1091 : vector<16xf32>
        %swap3A_1699 = arith.constant 145 : i32
        %swap3A_1700 = arith.index_cast %swap3A_1699 : i32 to index
        %swap3A_1701 = arith.constant 0 : index
        %swap3A_1702 = tpu.vector_load %arg10[%swap3A_1700, %swap3A_1701] {strides = array<i32>} : memref<162x16xf32, #tpu.memory_space<vmem>>, vector<1x16xf32>,
        %swap3A_1703 = vector.shape_cast %swap3A_1702 : vector<1x16xf32> to vector<16xf32>
        %swap3A_1704 = vector.shape_cast %mul3A_1698 : vector<16xf32> to vector<1x16xf32>
        tpu.vector_store %arg10[%swap3A_1700, %swap3A_1701], %swap3A_1704 {strides = array<i32>} : memref<162x16xf32, #tpu.memory_space<vmem>>, vector<1x16xf32>,
        %mul3A_1705 = arith.mulf %get3A_1697, %get3A_1097 : vector<16xf32>
        %swap3A_1706 = arith.constant 147 : i32
        %swap3A_1707 = arith.index_cast %swap3A_1706 : i32 to index
        %swap3A_1708 = arith.constant 0 : index
        %swap3A_1709 = tpu.vector_load %arg10[%swap3A_1707, %swap3A_1708] {strides = array<i32>} : memref<162x16xf32, #tpu.memory_space<vmem>>, vector<1x16xf32>,
        %swap3A_1710 = vector.shape_cast %swap3A_1709 : vector<1x16xf32> to vector<16xf32>
        %swap3A_1711 = vector.shape_cast %mul3A_1705 : vector<16xf32> to vector<1x16xf32>
        tpu.vector_store %arg10[%swap3A_1707, %swap3A_1708], %swap3A_1711 {strides = array<i32>} : memref<162x16xf32, #tpu.memory_space<vmem>>, vector<1x16xf32>,
        %mul3A_1712 = arith.mulf %get3A_1697, %get3A_1103 : vector<16xf32>
        %swap3A_1713 = arith.constant 149 : i32
        %swap3A_1714 = arith.index_cast %swap3A_1713 : i32 to index
        %swap3A_1715 = arith.constant 0 : index
        %swap3A_1716 = tpu.vector_load %arg10[%swap3A_1714, %swap3A_1715] {strides = array<i32>} : memref<162x16xf32, #tpu.memory_space<vmem>>, vector<1x16xf32>,
        %swap3A_1717 = vector.shape_cast %swap3A_1716 : vector<1x16xf32> to vector<16xf32>
        %swap3A_1718 = vector.shape_cast %mul3A_1712 : vector<16xf32> to vector<1x16xf32>
        tpu.vector_store %arg10[%swap3A_1714, %swap3A_1715], %swap3A_1718 {strides = array<i32>} : memref<162x16xf32, #tpu.memory_space<vmem>>, vector<1x16xf32>,
        %mul3A_1719 = arith.mulf %get3A_1697, %get3A_1109 : vector<16xf32>
        %swap3A_1720 = arith.constant 151 : i32
        %swap3A_1721 = arith.index_cast %swap3A_1720 : i32 to index
        %swap3A_1722 = arith.constant 0 : index
        %swap3A_1723 = tpu.vector_load %arg10[%swap3A_1721, %swap3A_1722] {strides = array<i32>} : memref<162x16xf32, #tpu.memory_space<vmem>>, vector<1x16xf32>,
        %swap3A_1724 = vector.shape_cast %swap3A_1723 : vector<1x16xf32> to vector<16xf32>
        %swap3A_1725 = vector.shape_cast %mul3A_1719 : vector<16xf32> to vector<1x16xf32>
        tpu.vector_store %arg10[%swap3A_1721, %swap3A_1722], %swap3A_1725 {strides = array<i32>} : memref<162x16xf32, #tpu.memory_space<vmem>>, vector<1x16xf32>,
        %mul3A_1726 = arith.mulf %get3A_1697, %get3A_1115 : vector<16xf32>
        %swap3A_1727 = arith.constant 153 : i32
        %swap3A_1728 = arith.index_cast %swap3A_1727 : i32 to index
        %swap3A_1729 = arith.constant 0 : index
        %swap3A_1730 = tpu.vector_load %arg10[%swap3A_1728, %swap3A_1729] {strides = array<i32>} : memref<162x16xf32, #tpu.memory_space<vmem>>, vector<1x16xf32>,
        %swap3A_1731 = vector.shape_cast %swap3A_1730 : vector<1x16xf32> to vector<16xf32>
        %swap3A_1732 = vector.shape_cast %mul3A_1726 : vector<16xf32> to vector<1x16xf32>
        tpu.vector_store %arg10[%swap3A_1728, %swap3A_1729], %swap3A_1732 {strides = array<i32>} : memref<162x16xf32, #tpu.memory_space<vmem>>, vector<1x16xf32>,
        %mul3A_1733 = arith.mulf %get3A_1697, %get3A_1121 : vector<16xf32>
        %swap3A_1734 = arith.constant 155 : i32
        %swap3A_1735 = arith.index_cast %swap3A_1734 : i32 to index
        %swap3A_1736 = arith.constant 0 : index
        %swap3A_1737 = tpu.vector_load %arg10[%swap3A_1735, %swap3A_1736] {strides = array<i32>} : memref<162x16xf32, #tpu.memory_space<vmem>>, vector<1x16xf32>,
        %swap3A_1738 = vector.shape_cast %swap3A_1737 : vector<1x16xf32> to vector<16xf32>
        %swap3A_1739 = vector.shape_cast %mul3A_1733 : vector<16xf32> to vector<1x16xf32>
        tpu.vector_store %arg10[%swap3A_1735, %swap3A_1736], %swap3A_1739 {strides = array<i32>} : memref<162x16xf32, #tpu.memory_space<vmem>>, vector<1x16xf32>,
        %mul3A_1740 = arith.mulf %get3A_1697, %get3A_1127 : vector<16xf32>
        %swap3A_1741 = arith.constant 157 : i32
        %swap3A_1742 = arith.index_cast %swap3A_1741 : i32 to index
        %swap3A_1743 = arith.constant 0 : index
        %swap3A_1744 = tpu.vector_load %arg10[%swap3A_1742, %swap3A_1743] {strides = array<i32>} : memref<162x16xf32, #tpu.memory_space<vmem>>, vector<1x16xf32>,
        %swap3A_1745 = vector.shape_cast %swap3A_1744 : vector<1x16xf32> to vector<16xf32>
        %swap3A_1746 = vector.shape_cast %mul3A_1740 : vector<16xf32> to vector<1x16xf32>
        tpu.vector_store %arg10[%swap3A_1742, %swap3A_1743], %swap3A_1746 {strides = array<i32>} : memref<162x16xf32, #tpu.memory_space<vmem>>, vector<1x16xf32>,
        %mul3A_1747 = arith.mulf %get3A_1697, %get3A_1133 : vector<16xf32>
        %swap3A_1748 = arith.constant 159 : i32
        %swap3A_1749 = arith.index_cast %swap3A_1748 : i32 to index
        %swap3A_1750 = arith.constant 0 : index
        %swap3A_1751 = tpu.vector_load %arg10[%swap3A_1749, %swap3A_1750] {strides = array<i32>} : memref<162x16xf32, #tpu.memory_space<vmem>>, vector<1x16xf32>,
        %swap3A_1752 = vector.shape_cast %swap3A_1751 : vector<1x16xf32> to vector<16xf32>
        %swap3A_1753 = vector.shape_cast %mul3A_1747 : vector<16xf32> to vector<1x16xf32>
        tpu.vector_store %arg10[%swap3A_1749, %swap3A_1750], %swap3A_1753 {strides = array<i32>} : memref<162x16xf32, #tpu.memory_space<vmem>>, vector<1x16xf32>,
        %mul3A_1754 = arith.mulf %get3A_1697, %get3A_1139 : vector<16xf32>
        %swap3A_1755 = arith.constant 161 : i32
        %swap3A_1756 = arith.index_cast %swap3A_1755 : i32 to index
        %swap3A_1757 = arith.constant 0 : index
        %swap3A_1758 = tpu.vector_load %arg10[%swap3A_1756, %swap3A_1757] {strides = array<i32>} : memref<162x16xf32, #tpu.memory_space<vmem>>, vector<1x16xf32>,
        %swap3A_1759 = vector.shape_cast %swap3A_1758 : vector<1x16xf32> to vector<16xf32>
        %swap3A_1760 = vector.shape_cast %mul3A_1754 : vector<16xf32> to vector<1x16xf32>
        tpu.vector_store %arg10[%swap3A_1756, %swap3A_1757], %swap3A_1760 {strides = array<i32>} : memref<162x16xf32, #tpu.memory_space<vmem>>, vector<1x16xf32>,
        %add3A_1761 = arith.constant 0 : i32
        %add3A_1762 = arith.addi %squeeze3A, %add3A_1761 : i32
        %get3A_1763 = arith.index_cast %add3A_1762 : i32 to index
        %get3A_1764 = arith.constant 0 : index
        %get3A_1765 = tpu.vector_load %arg10[%get3A_1763, %get3A_1764] {strides = array<i32>} : memref<162x16xf32, #tpu.memory_space<vmem>>, vector<1x16xf32>,
        %get3A_1766 = vector.shape_cast %get3A_1765 : vector<1x16xf32> to vector<16xf32>
        %mul3A_1767 = vector.broadcast %squeeze3A_217 : f32 to vector<16xf32>
        %mul3A_1768 = arith.mulf %get3A_1766, %mul3A_1767 : vector<16xf32>
        %add3A_1769 = arith.constant 0 : i32
        %add3A_1770 = arith.addi %squeeze3A_39, %add3A_1769 : i32
        %get3A_1771 = arith.index_cast %add3A_1770 : i32 to index
        %get3A_1772 = arith.constant 0 : index
        %get3A_1773 = tpu.vector_load %arg10[%get3A_1771, %get3A_1772] {strides = array<i32>} : memref<162x16xf32, #tpu.memory_space<vmem>>, vector<1x16xf32>,
        %get3A_1774 = vector.shape_cast %get3A_1773 : vector<1x16xf32> to vector<16xf32>
        %mul3A_1775 = vector.broadcast %squeeze3A_219 : f32 to vector<16xf32>
        %mul3A_1776 = arith.mulf %get3A_1774, %mul3A_1775 : vector<16xf32>
        %add3A_1777 = arith.addf %mul3A_1768, %mul3A_1776 : vector<16xf32>
        %add3A_1778 = arith.constant 0 : i32
        %add3A_1779 = arith.addi %squeeze3A_41, %add3A_1778 : i32
        %get3A_1780 = arith.index_cast %add3A_1779 : i32 to index
        %get3A_1781 = arith.constant 0 : index
        %get3A_1782 = tpu.vector_load %arg10[%get3A_1780, %get3A_1781] {strides = array<i32>} : memref<162x16xf32, #tpu.memory_space<vmem>>, vector<1x16xf32>,
        %get3A_1783 = vector.shape_cast %get3A_1782 : vector<1x16xf32> to vector<16xf32>
        %mul3A_1784 = vector.broadcast %squeeze3A_221 : f32 to vector<16xf32>
        %mul3A_1785 = arith.mulf %get3A_1783, %mul3A_1784 : vector<16xf32>
        %add3A_1786 = arith.addf %add3A_1777, %mul3A_1785 : vector<16xf32>
        %add3A_1787 = arith.constant 0 : i32
        %add3A_1788 = arith.addi %squeeze3A_43, %add3A_1787 : i32
        %get3A_1789 = arith.index_cast %add3A_1788 : i32 to index
        %get3A_1790 = arith.constant 0 : index
        %get3A_1791 = tpu.vector_load %arg10[%get3A_1789, %get3A_1790] {strides = array<i32>} : memref<162x16xf32, #tpu.memory_space<vmem>>, vector<1x16xf32>,
        %get3A_1792 = vector.shape_cast %get3A_1791 : vector<1x16xf32> to vector<16xf32>
        %mul3A_1793 = vector.broadcast %squeeze3A_223 : f32 to vector<16xf32>
        %mul3A_1794 = arith.mulf %get3A_1792, %mul3A_1793 : vector<16xf32>
        %add3A_1795 = arith.addf %add3A_1786, %mul3A_1794 : vector<16xf32>
        %add3A_1796 = arith.constant 0 : i32
        %add3A_1797 = arith.addi %squeeze3A_45, %add3A_1796 : i32
        %get3A_1798 = arith.index_cast %add3A_1797 : i32 to index
        %get3A_1799 = arith.constant 0 : index
        %get3A_1800 = tpu.vector_load %arg10[%get3A_1798, %get3A_1799] {strides = array<i32>} : memref<162x16xf32, #tpu.memory_space<vmem>>, vector<1x16xf32>,
        %get3A_1801 = vector.shape_cast %get3A_1800 : vector<1x16xf32> to vector<16xf32>
        %mul3A_1802 = vector.broadcast %squeeze3A_225 : f32 to vector<16xf32>
        %mul3A_1803 = arith.mulf %get3A_1801, %mul3A_1802 : vector<16xf32>
        %add3A_1804 = arith.addf %add3A_1795, %mul3A_1803 : vector<16xf32>
        %add3A_1805 = arith.constant 0 : i32
        %add3A_1806 = arith.addi %squeeze3A_47, %add3A_1805 : i32
        %get3A_1807 = arith.index_cast %add3A_1806 : i32 to index
        %get3A_1808 = arith.constant 0 : index
        %get3A_1809 = tpu.vector_load %arg10[%get3A_1807, %get3A_1808] {strides = array<i32>} : memref<162x16xf32, #tpu.memory_space<vmem>>, vector<1x16xf32>,
        %get3A_1810 = vector.shape_cast %get3A_1809 : vector<1x16xf32> to vector<16xf32>
        %mul3A_1811 = vector.broadcast %squeeze3A_227 : f32 to vector<16xf32>
        %mul3A_1812 = arith.mulf %get3A_1810, %mul3A_1811 : vector<16xf32>
        %add3A_1813 = arith.addf %add3A_1804, %mul3A_1812 : vector<16xf32>
        %swap3A_1814 = arith.constant 0 : i32
        %swap3A_1815 = arith.index_cast %scan3A_411 : i32 to index
        %swap3A_1816 = arith.index_cast %swap3A_1814 : i32 to index
        %swap3A_1817 = arith.constant 0 : index
        %swap3A_1818 = tpu.vector_load %arg9[%swap3A_1815, %swap3A_1816, %swap3A_1817] {strides = array<i32>} : memref<128x9x32xf32, #tpu.memory_space<vmem>>, vector<1x1x16xf32>,
        %swap3A_1819 = vector.shape_cast %swap3A_1818 : vector<1x1x16xf32> to vector<16xf32>
        %swap3A_1820 = vector.shape_cast %add3A_1813 : vector<16xf32> to vector<1x1x16xf32>
        tpu.vector_store %arg9[%swap3A_1815, %swap3A_1816, %swap3A_1817], %swap3A_1820 {strides = array<i32>} : memref<128x9x32xf32, #tpu.memory_space<vmem>>, vector<1x1x16xf32>,
        %add3A_1821 = arith.constant 0 : i32
        %add3A_1822 = arith.addi %squeeze3A_49, %add3A_1821 : i32
        %get3A_1823 = arith.index_cast %add3A_1822 : i32 to index
        %get3A_1824 = arith.constant 0 : index
        %get3A_1825 = tpu.vector_load %arg10[%get3A_1823, %get3A_1824] {strides = array<i32>} : memref<162x16xf32, #tpu.memory_space<vmem>>, vector<1x16xf32>,
        %get3A_1826 = vector.shape_cast %get3A_1825 : vector<1x16xf32> to vector<16xf32>
        %mul3A_1827 = vector.broadcast %squeeze3A_229 : f32 to vector<16xf32>
        %mul3A_1828 = arith.mulf %get3A_1826, %mul3A_1827 : vector<16xf32>
        %add3A_1829 = arith.constant 0 : i32
        %add3A_1830 = arith.addi %squeeze3A_51, %add3A_1829 : i32
        %get3A_1831 = arith.index_cast %add3A_1830 : i32 to index
        %get3A_1832 = arith.constant 0 : index
        %get3A_1833 = tpu.vector_load %arg10[%get3A_1831, %get3A_1832] {strides = array<i32>} : memref<162x16xf32, #tpu.memory_space<vmem>>, vector<1x16xf32>,
        %get3A_1834 = vector.shape_cast %get3A_1833 : vector<1x16xf32> to vector<16xf32>
        %mul3A_1835 = vector.broadcast %squeeze3A_231 : f32 to vector<16xf32>
        %mul3A_1836 = arith.mulf %get3A_1834, %mul3A_1835 : vector<16xf32>
        %add3A_1837 = arith.addf %mul3A_1828, %mul3A_1836 : vector<16xf32>
        %add3A_1838 = arith.constant 0 : i32
        %add3A_1839 = arith.addi %squeeze3A_53, %add3A_1838 : i32
        %get3A_1840 = arith.index_cast %add3A_1839 : i32 to index
        %get3A_1841 = arith.constant 0 : index
        %get3A_1842 = tpu.vector_load %arg10[%get3A_1840, %get3A_1841] {strides = array<i32>} : memref<162x16xf32, #tpu.memory_space<vmem>>, vector<1x16xf32>,
        %get3A_1843 = vector.shape_cast %get3A_1842 : vector<1x16xf32> to vector<16xf32>
        %mul3A_1844 = vector.broadcast %squeeze3A_233 : f32 to vector<16xf32>
        %mul3A_1845 = arith.mulf %get3A_1843, %mul3A_1844 : vector<16xf32>
        %add3A_1846 = arith.addf %add3A_1837, %mul3A_1845 : vector<16xf32>
        %add3A_1847 = arith.constant 0 : i32
        %add3A_1848 = arith.addi %squeeze3A_55, %add3A_1847 : i32
        %get3A_1849 = arith.index_cast %add3A_1848 : i32 to index
        %get3A_1850 = arith.constant 0 : index
        %get3A_1851 = tpu.vector_load %arg10[%get3A_1849, %get3A_1850] {strides = array<i32>} : memref<162x16xf32, #tpu.memory_space<vmem>>, vector<1x16xf32>,
        %get3A_1852 = vector.shape_cast %get3A_1851 : vector<1x16xf32> to vector<16xf32>
        %mul3A_1853 = vector.broadcast %squeeze3A_235 : f32 to vector<16xf32>
        %mul3A_1854 = arith.mulf %get3A_1852, %mul3A_1853 : vector<16xf32>
        %add3A_1855 = arith.addf %add3A_1846, %mul3A_1854 : vector<16xf32>
        %add3A_1856 = arith.constant 0 : i32
        %add3A_1857 = arith.addi %squeeze3A_57, %add3A_1856 : i32
        %get3A_1858 = arith.index_cast %add3A_1857 : i32 to index
        %get3A_1859 = arith.constant 0 : index
        %get3A_1860 = tpu.vector_load %arg10[%get3A_1858, %get3A_1859] {strides = array<i32>} : memref<162x16xf32, #tpu.memory_space<vmem>>, vector<1x16xf32>,
        %get3A_1861 = vector.shape_cast %get3A_1860 : vector<1x16xf32> to vector<16xf32>
        %mul3A_1862 = vector.broadcast %squeeze3A_237 : f32 to vector<16xf32>
        %mul3A_1863 = arith.mulf %get3A_1861, %mul3A_1862 : vector<16xf32>
        %add3A_1864 = arith.addf %add3A_1855, %mul3A_1863 : vector<16xf32>
        %add3A_1865 = arith.constant 0 : i32
        %add3A_1866 = arith.addi %squeeze3A_59, %add3A_1865 : i32
        %get3A_1867 = arith.index_cast %add3A_1866 : i32 to index
        %get3A_1868 = arith.constant 0 : index
        %get3A_1869 = tpu.vector_load %arg10[%get3A_1867, %get3A_1868] {strides = array<i32>} : memref<162x16xf32, #tpu.memory_space<vmem>>, vector<1x16xf32>,
        %get3A_1870 = vector.shape_cast %get3A_1869 : vector<1x16xf32> to vector<16xf32>
        %mul3A_1871 = vector.broadcast %squeeze3A_239 : f32 to vector<16xf32>
        %mul3A_1872 = arith.mulf %get3A_1870, %mul3A_1871 : vector<16xf32>
        %add3A_1873 = arith.addf %add3A_1864, %mul3A_1872 : vector<16xf32>
        %add3A_1874 = arith.constant 0 : i32
        %add3A_1875 = arith.addi %squeeze3A_61, %add3A_1874 : i32
        %get3A_1876 = arith.index_cast %add3A_1875 : i32 to index
        %get3A_1877 = arith.constant 0 : index
        %get3A_1878 = tpu.vector_load %arg10[%get3A_1876, %get3A_1877] {strides = array<i32>} : memref<162x16xf32, #tpu.memory_space<vmem>>, vector<1x16xf32>,
        %get3A_1879 = vector.shape_cast %get3A_1878 : vector<1x16xf32> to vector<16xf32>
        %mul3A_1880 = vector.broadcast %squeeze3A_241 : f32 to vector<16xf32>
        %mul3A_1881 = arith.mulf %get3A_1879, %mul3A_1880 : vector<16xf32>
        %add3A_1882 = arith.addf %add3A_1873, %mul3A_1881 : vector<16xf32>
        %add3A_1883 = arith.constant 0 : i32
        %add3A_1884 = arith.addi %squeeze3A_63, %add3A_1883 : i32
        %get3A_1885 = arith.index_cast %add3A_1884 : i32 to index
        %get3A_1886 = arith.constant 0 : index
        %get3A_1887 = tpu.vector_load %arg10[%get3A_1885, %get3A_1886] {strides = array<i32>} : memref<162x16xf32, #tpu.memory_space<vmem>>, vector<1x16xf32>,
        %get3A_1888 = vector.shape_cast %get3A_1887 : vector<1x16xf32> to vector<16xf32>
        %mul3A_1889 = vector.broadcast %squeeze3A_243 : f32 to vector<16xf32>
        %mul3A_1890 = arith.mulf %get3A_1888, %mul3A_1889 : vector<16xf32>
        %add3A_1891 = arith.addf %add3A_1882, %mul3A_1890 : vector<16xf32>
        %swap3A_1892 = arith.constant 1 : i32
        %swap3A_1893 = arith.index_cast %scan3A_411 : i32 to index
        %swap3A_1894 = arith.index_cast %swap3A_1892 : i32 to index
        %swap3A_1895 = arith.constant 0 : index
        %swap3A_1896 = tpu.vector_load %arg9[%swap3A_1893, %swap3A_1894, %swap3A_1895] {strides = array<i32>} : memref<128x9x32xf32, #tpu.memory_space<vmem>>, vector<1x1x16xf32>,
        %swap3A_1897 = vector.shape_cast %swap3A_1896 : vector<1x1x16xf32> to vector<16xf32>
        %swap3A_1898 = vector.shape_cast %add3A_1891 : vector<16xf32> to vector<1x1x16xf32>
        tpu.vector_store %arg9[%swap3A_1893, %swap3A_1894, %swap3A_1895], %swap3A_1898 {strides = array<i32>} : memref<128x9x32xf32, #tpu.memory_space<vmem>>, vector<1x1x16xf32>,
        %add3A_1899 = arith.constant 0 : i32
        %add3A_1900 = arith.addi %squeeze3A_65, %add3A_1899 : i32
        %get3A_1901 = arith.index_cast %add3A_1900 : i32 to index
        %get3A_1902 = arith.constant 0 : index
        %get3A_1903 = tpu.vector_load %arg10[%get3A_1901, %get3A_1902] {strides = array<i32>} : memref<162x16xf32, #tpu.memory_space<vmem>>, vector<1x16xf32>,
        %get3A_1904 = vector.shape_cast %get3A_1903 : vector<1x16xf32> to vector<16xf32>
        %mul3A_1905 = vector.broadcast %squeeze3A_245 : f32 to vector<16xf32>
        %mul3A_1906 = arith.mulf %get3A_1904, %mul3A_1905 : vector<16xf32>
        %add3A_1907 = arith.constant 0 : i32
        %add3A_1908 = arith.addi %squeeze3A_67, %add3A_1907 : i32
        %get3A_1909 = arith.index_cast %add3A_1908 : i32 to index
        %get3A_1910 = arith.constant 0 : index
        %get3A_1911 = tpu.vector_load %arg10[%get3A_1909, %get3A_1910] {strides = array<i32>} : memref<162x16xf32, #tpu.memory_space<vmem>>, vector<1x16xf32>,
        %get3A_1912 = vector.shape_cast %get3A_1911 : vector<1x16xf32> to vector<16xf32>
        %mul3A_1913 = vector.broadcast %squeeze3A_247 : f32 to vector<16xf32>
        %mul3A_1914 = arith.mulf %get3A_1912, %mul3A_1913 : vector<16xf32>
        %add3A_1915 = arith.addf %mul3A_1906, %mul3A_1914 : vector<16xf32>
        %add3A_1916 = arith.constant 0 : i32
        %add3A_1917 = arith.addi %squeeze3A_69, %add3A_1916 : i32
        %get3A_1918 = arith.index_cast %add3A_1917 : i32 to index
        %get3A_1919 = arith.constant 0 : index
        %get3A_1920 = tpu.vector_load %arg10[%get3A_1918, %get3A_1919] {strides = array<i32>} : memref<162x16xf32, #tpu.memory_space<vmem>>, vector<1x16xf32>,
        %get3A_1921 = vector.shape_cast %get3A_1920 : vector<1x16xf32> to vector<16xf32>
        %mul3A_1922 = vector.broadcast %squeeze3A_249 : f32 to vector<16xf32>
        %mul3A_1923 = arith.mulf %get3A_1921, %mul3A_1922 : vector<16xf32>
        %add3A_1924 = arith.addf %add3A_1915, %mul3A_1923 : vector<16xf32>
        %add3A_1925 = arith.constant 0 : i32
        %add3A_1926 = arith.addi %squeeze3A_71, %add3A_1925 : i32
        %get3A_1927 = arith.index_cast %add3A_1926 : i32 to index
        %get3A_1928 = arith.constant 0 : index
        %get3A_1929 = tpu.vector_load %arg10[%get3A_1927, %get3A_1928] {strides = array<i32>} : memref<162x16xf32, #tpu.memory_space<vmem>>, vector<1x16xf32>,
        %get3A_1930 = vector.shape_cast %get3A_1929 : vector<1x16xf32> to vector<16xf32>
        %mul3A_1931 = vector.broadcast %squeeze3A_251 : f32 to vector<16xf32>
        %mul3A_1932 = arith.mulf %get3A_1930, %mul3A_1931 : vector<16xf32>
        %add3A_1933 = arith.addf %add3A_1924, %mul3A_1932 : vector<16xf32>
        %add3A_1934 = arith.constant 0 : i32
        %add3A_1935 = arith.addi %squeeze3A_73, %add3A_1934 : i32
        %get3A_1936 = arith.index_cast %add3A_1935 : i32 to index
        %get3A_1937 = arith.constant 0 : index
        %get3A_1938 = tpu.vector_load %arg10[%get3A_1936, %get3A_1937] {strides = array<i32>} : memref<162x16xf32, #tpu.memory_space<vmem>>, vector<1x16xf32>,
        %get3A_1939 = vector.shape_cast %get3A_1938 : vector<1x16xf32> to vector<16xf32>
        %mul3A_1940 = vector.broadcast %squeeze3A_253 : f32 to vector<16xf32>
        %mul3A_1941 = arith.mulf %get3A_1939, %mul3A_1940 : vector<16xf32>
        %add3A_1942 = arith.addf %add3A_1933, %mul3A_1941 : vector<16xf32>
        %add3A_1943 = arith.constant 0 : i32
        %add3A_1944 = arith.addi %squeeze3A_75, %add3A_1943 : i32
        %get3A_1945 = arith.index_cast %add3A_1944 : i32 to index
        %get3A_1946 = arith.constant 0 : index
        %get3A_1947 = tpu.vector_load %arg10[%get3A_1945, %get3A_1946] {strides = array<i32>} : memref<162x16xf32, #tpu.memory_space<vmem>>, vector<1x16xf32>,
        %get3A_1948 = vector.shape_cast %get3A_1947 : vector<1x16xf32> to vector<16xf32>
        %mul3A_1949 = vector.broadcast %squeeze3A_255 : f32 to vector<16xf32>
        %mul3A_1950 = arith.mulf %get3A_1948, %mul3A_1949 : vector<16xf32>
        %add3A_1951 = arith.addf %add3A_1942, %mul3A_1950 : vector<16xf32>
        %add3A_1952 = arith.constant 0 : i32
        %add3A_1953 = arith.addi %squeeze3A_77, %add3A_1952 : i32
        %get3A_1954 = arith.index_cast %add3A_1953 : i32 to index
        %get3A_1955 = arith.constant 0 : index
        %get3A_1956 = tpu.vector_load %arg10[%get3A_1954, %get3A_1955] {strides = array<i32>} : memref<162x16xf32, #tpu.memory_space<vmem>>, vector<1x16xf32>,
        %get3A_1957 = vector.shape_cast %get3A_1956 : vector<1x16xf32> to vector<16xf32>
        %mul3A_1958 = vector.broadcast %squeeze3A_257 : f32 to vector<16xf32>
        %mul3A_1959 = arith.mulf %get3A_1957, %mul3A_1958 : vector<16xf32>
        %add3A_1960 = arith.addf %add3A_1951, %mul3A_1959 : vector<16xf32>
        %add3A_1961 = arith.constant 0 : i32
        %add3A_1962 = arith.addi %squeeze3A_79, %add3A_1961 : i32
        %get3A_1963 = arith.index_cast %add3A_1962 : i32 to index
        %get3A_1964 = arith.constant 0 : index
        %get3A_1965 = tpu.vector_load %arg10[%get3A_1963, %get3A_1964] {strides = array<i32>} : memref<162x16xf32, #tpu.memory_space<vmem>>, vector<1x16xf32>,
        %get3A_1966 = vector.shape_cast %get3A_1965 : vector<1x16xf32> to vector<16xf32>
        %mul3A_1967 = vector.broadcast %squeeze3A_259 : f32 to vector<16xf32>
        %mul3A_1968 = arith.mulf %get3A_1966, %mul3A_1967 : vector<16xf32>
        %add3A_1969 = arith.addf %add3A_1960, %mul3A_1968 : vector<16xf32>
        %add3A_1970 = arith.constant 0 : i32
        %add3A_1971 = arith.addi %squeeze3A_81, %add3A_1970 : i32
        %get3A_1972 = arith.index_cast %add3A_1971 : i32 to index
        %get3A_1973 = arith.constant 0 : index
        %get3A_1974 = tpu.vector_load %arg10[%get3A_1972, %get3A_1973] {strides = array<i32>} : memref<162x16xf32, #tpu.memory_space<vmem>>, vector<1x16xf32>,
        %get3A_1975 = vector.shape_cast %get3A_1974 : vector<1x16xf32> to vector<16xf32>
        %mul3A_1976 = vector.broadcast %squeeze3A_261 : f32 to vector<16xf32>
        %mul3A_1977 = arith.mulf %get3A_1975, %mul3A_1976 : vector<16xf32>
        %add3A_1978 = arith.addf %add3A_1969, %mul3A_1977 : vector<16xf32>
        %add3A_1979 = arith.constant 0 : i32
        %add3A_1980 = arith.addi %squeeze3A_83, %add3A_1979 : i32
        %get3A_1981 = arith.index_cast %add3A_1980 : i32 to index
        %get3A_1982 = arith.constant 0 : index
        %get3A_1983 = tpu.vector_load %arg10[%get3A_1981, %get3A_1982] {strides = array<i32>} : memref<162x16xf32, #tpu.memory_space<vmem>>, vector<1x16xf32>,
        %get3A_1984 = vector.shape_cast %get3A_1983 : vector<1x16xf32> to vector<16xf32>
        %mul3A_1985 = vector.broadcast %squeeze3A_263 : f32 to vector<16xf32>
        %mul3A_1986 = arith.mulf %get3A_1984, %mul3A_1985 : vector<16xf32>
        %add3A_1987 = arith.addf %add3A_1978, %mul3A_1986 : vector<16xf32>
        %swap3A_1988 = arith.constant 2 : i32
        %swap3A_1989 = arith.index_cast %scan3A_411 : i32 to index
        %swap3A_1990 = arith.index_cast %swap3A_1988 : i32 to index
        %swap3A_1991 = arith.constant 0 : index
        %swap3A_1992 = tpu.vector_load %arg9[%swap3A_1989, %swap3A_1990, %swap3A_1991] {strides = array<i32>} : memref<128x9x32xf32, #tpu.memory_space<vmem>>, vector<1x1x16xf32>,
        %swap3A_1993 = vector.shape_cast %swap3A_1992 : vector<1x1x16xf32> to vector<16xf32>
        %swap3A_1994 = vector.shape_cast %add3A_1987 : vector<16xf32> to vector<1x1x16xf32>
        tpu.vector_store %arg9[%swap3A_1989, %swap3A_1990, %swap3A_1991], %swap3A_1994 {strides = array<i32>} : memref<128x9x32xf32, #tpu.memory_space<vmem>>, vector<1x1x16xf32>,
        %add3A_1995 = arith.constant 0 : i32
        %add3A_1996 = arith.addi %squeeze3A_85, %add3A_1995 : i32
        %get3A_1997 = arith.index_cast %add3A_1996 : i32 to index
        %get3A_1998 = arith.constant 0 : index
        %get3A_1999 = tpu.vector_load %arg10[%get3A_1997, %get3A_1998] {strides = array<i32>} : memref<162x16xf32, #tpu.memory_space<vmem>>, vector<1x16xf32>,
        %get3A_2000 = vector.shape_cast %get3A_1999 : vector<1x16xf32> to vector<16xf32>
        %mul3A_2001 = vector.broadcast %squeeze3A_265 : f32 to vector<16xf32>
        %mul3A_2002 = arith.mulf %get3A_2000, %mul3A_2001 : vector<16xf32>
        %add3A_2003 = arith.constant 0 : i32
        %add3A_2004 = arith.addi %squeeze3A_87, %add3A_2003 : i32
        %get3A_2005 = arith.index_cast %add3A_2004 : i32 to index
        %get3A_2006 = arith.constant 0 : index
        %get3A_2007 = tpu.vector_load %arg10[%get3A_2005, %get3A_2006] {strides = array<i32>} : memref<162x16xf32, #tpu.memory_space<vmem>>, vector<1x16xf32>,
        %get3A_2008 = vector.shape_cast %get3A_2007 : vector<1x16xf32> to vector<16xf32>
        %mul3A_2009 = vector.broadcast %squeeze3A_267 : f32 to vector<16xf32>
        %mul3A_2010 = arith.mulf %get3A_2008, %mul3A_2009 : vector<16xf32>
        %add3A_2011 = arith.addf %mul3A_2002, %mul3A_2010 : vector<16xf32>
        %add3A_2012 = arith.constant 0 : i32
        %add3A_2013 = arith.addi %squeeze3A_89, %add3A_2012 : i32
        %get3A_2014 = arith.index_cast %add3A_2013 : i32 to index
        %get3A_2015 = arith.constant 0 : index
        %get3A_2016 = tpu.vector_load %arg10[%get3A_2014, %get3A_2015] {strides = array<i32>} : memref<162x16xf32, #tpu.memory_space<vmem>>, vector<1x16xf32>,
        %get3A_2017 = vector.shape_cast %get3A_2016 : vector<1x16xf32> to vector<16xf32>
        %mul3A_2018 = vector.broadcast %squeeze3A_269 : f32 to vector<16xf32>
        %mul3A_2019 = arith.mulf %get3A_2017, %mul3A_2018 : vector<16xf32>
        %add3A_2020 = arith.addf %add3A_2011, %mul3A_2019 : vector<16xf32>
        %add3A_2021 = arith.constant 0 : i32
        %add3A_2022 = arith.addi %squeeze3A_91, %add3A_2021 : i32
        %get3A_2023 = arith.index_cast %add3A_2022 : i32 to index
        %get3A_2024 = arith.constant 0 : index
        %get3A_2025 = tpu.vector_load %arg10[%get3A_2023, %get3A_2024] {strides = array<i32>} : memref<162x16xf32, #tpu.memory_space<vmem>>, vector<1x16xf32>,
        %get3A_2026 = vector.shape_cast %get3A_2025 : vector<1x16xf32> to vector<16xf32>
        %mul3A_2027 = vector.broadcast %squeeze3A_271 : f32 to vector<16xf32>
        %mul3A_2028 = arith.mulf %get3A_2026, %mul3A_2027 : vector<16xf32>
        %add3A_2029 = arith.addf %add3A_2020, %mul3A_2028 : vector<16xf32>
        %add3A_2030 = arith.constant 0 : i32
        %add3A_2031 = arith.addi %squeeze3A_93, %add3A_2030 : i32
        %get3A_2032 = arith.index_cast %add3A_2031 : i32 to index
        %get3A_2033 = arith.constant 0 : index
        %get3A_2034 = tpu.vector_load %arg10[%get3A_2032, %get3A_2033] {strides = array<i32>} : memref<162x16xf32, #tpu.memory_space<vmem>>, vector<1x16xf32>,
        %get3A_2035 = vector.shape_cast %get3A_2034 : vector<1x16xf32> to vector<16xf32>
        %mul3A_2036 = vector.broadcast %squeeze3A_273 : f32 to vector<16xf32>
        %mul3A_2037 = arith.mulf %get3A_2035, %mul3A_2036 : vector<16xf32>
        %add3A_2038 = arith.addf %add3A_2029, %mul3A_2037 : vector<16xf32>
        %add3A_2039 = arith.constant 0 : i32
        %add3A_2040 = arith.addi %squeeze3A_95, %add3A_2039 : i32
        %get3A_2041 = arith.index_cast %add3A_2040 : i32 to index
        %get3A_2042 = arith.constant 0 : index
        %get3A_2043 = tpu.vector_load %arg10[%get3A_2041, %get3A_2042] {strides = array<i32>} : memref<162x16xf32, #tpu.memory_space<vmem>>, vector<1x16xf32>,
        %get3A_2044 = vector.shape_cast %get3A_2043 : vector<1x16xf32> to vector<16xf32>
        %mul3A_2045 = vector.broadcast %squeeze3A_275 : f32 to vector<16xf32>
        %mul3A_2046 = arith.mulf %get3A_2044, %mul3A_2045 : vector<16xf32>
        %add3A_2047 = arith.addf %add3A_2038, %mul3A_2046 : vector<16xf32>
        %add3A_2048 = arith.constant 0 : i32
        %add3A_2049 = arith.addi %squeeze3A_97, %add3A_2048 : i32
        %get3A_2050 = arith.index_cast %add3A_2049 : i32 to index
        %get3A_2051 = arith.constant 0 : index
        %get3A_2052 = tpu.vector_load %arg10[%get3A_2050, %get3A_2051] {strides = array<i32>} : memref<162x16xf32, #tpu.memory_space<vmem>>, vector<1x16xf32>,
        %get3A_2053 = vector.shape_cast %get3A_2052 : vector<1x16xf32> to vector<16xf32>
        %mul3A_2054 = vector.broadcast %squeeze3A_277 : f32 to vector<16xf32>
        %mul3A_2055 = arith.mulf %get3A_2053, %mul3A_2054 : vector<16xf32>
        %add3A_2056 = arith.addf %add3A_2047, %mul3A_2055 : vector<16xf32>
        %add3A_2057 = arith.constant 0 : i32
        %add3A_2058 = arith.addi %squeeze3A_99, %add3A_2057 : i32
        %get3A_2059 = arith.index_cast %add3A_2058 : i32 to index
        %get3A_2060 = arith.constant 0 : index
        %get3A_2061 = tpu.vector_load %arg10[%get3A_2059, %get3A_2060] {strides = array<i32>} : memref<162x16xf32, #tpu.memory_space<vmem>>, vector<1x16xf32>,
        %get3A_2062 = vector.shape_cast %get3A_2061 : vector<1x16xf32> to vector<16xf32>
        %mul3A_2063 = vector.broadcast %squeeze3A_279 : f32 to vector<16xf32>
        %mul3A_2064 = arith.mulf %get3A_2062, %mul3A_2063 : vector<16xf32>
        %add3A_2065 = arith.addf %add3A_2056, %mul3A_2064 : vector<16xf32>
        %add3A_2066 = arith.constant 0 : i32
        %add3A_2067 = arith.addi %squeeze3A_101, %add3A_2066 : i32
        %get3A_2068 = arith.index_cast %add3A_2067 : i32 to index
        %get3A_2069 = arith.constant 0 : index
        %get3A_2070 = tpu.vector_load %arg10[%get3A_2068, %get3A_2069] {strides = array<i32>} : memref<162x16xf32, #tpu.memory_space<vmem>>, vector<1x16xf32>,
        %get3A_2071 = vector.shape_cast %get3A_2070 : vector<1x16xf32> to vector<16xf32>
        %mul3A_2072 = vector.broadcast %squeeze3A_281 : f32 to vector<16xf32>
        %mul3A_2073 = arith.mulf %get3A_2071, %mul3A_2072 : vector<16xf32>
        %add3A_2074 = arith.addf %add3A_2065, %mul3A_2073 : vector<16xf32>
        %add3A_2075 = arith.constant 0 : i32
        %add3A_2076 = arith.addi %squeeze3A_103, %add3A_2075 : i32
        %get3A_2077 = arith.index_cast %add3A_2076 : i32 to index
        %get3A_2078 = arith.constant 0 : index
        %get3A_2079 = tpu.vector_load %arg10[%get3A_2077, %get3A_2078] {strides = array<i32>} : memref<162x16xf32, #tpu.memory_space<vmem>>, vector<1x16xf32>,
        %get3A_2080 = vector.shape_cast %get3A_2079 : vector<1x16xf32> to vector<16xf32>
        %mul3A_2081 = vector.broadcast %squeeze3A_283 : f32 to vector<16xf32>
        %mul3A_2082 = arith.mulf %get3A_2080, %mul3A_2081 : vector<16xf32>
        %add3A_2083 = arith.addf %add3A_2074, %mul3A_2082 : vector<16xf32>
        %add3A_2084 = arith.constant 0 : i32
        %add3A_2085 = arith.addi %squeeze3A_105, %add3A_2084 : i32
        %get3A_2086 = arith.index_cast %add3A_2085 : i32 to index
        %get3A_2087 = arith.constant 0 : index
        %get3A_2088 = tpu.vector_load %arg10[%get3A_2086, %get3A_2087] {strides = array<i32>} : memref<162x16xf32, #tpu.memory_space<vmem>>, vector<1x16xf32>,
        %get3A_2089 = vector.shape_cast %get3A_2088 : vector<1x16xf32> to vector<16xf32>
        %mul3A_2090 = vector.broadcast %squeeze3A_285 : f32 to vector<16xf32>
        %mul3A_2091 = arith.mulf %get3A_2089, %mul3A_2090 : vector<16xf32>
        %add3A_2092 = arith.addf %add3A_2083, %mul3A_2091 : vector<16xf32>
        %add3A_2093 = arith.constant 0 : i32
        %add3A_2094 = arith.addi %squeeze3A_107, %add3A_2093 : i32
        %get3A_2095 = arith.index_cast %add3A_2094 : i32 to index
        %get3A_2096 = arith.constant 0 : index
        %get3A_2097 = tpu.vector_load %arg10[%get3A_2095, %get3A_2096] {strides = array<i32>} : memref<162x16xf32, #tpu.memory_space<vmem>>, vector<1x16xf32>,
        %get3A_2098 = vector.shape_cast %get3A_2097 : vector<1x16xf32> to vector<16xf32>
        %mul3A_2099 = vector.broadcast %squeeze3A_287 : f32 to vector<16xf32>
        %mul3A_2100 = arith.mulf %get3A_2098, %mul3A_2099 : vector<16xf32>
        %add3A_2101 = arith.addf %add3A_2092, %mul3A_2100 : vector<16xf32>
        %swap3A_2102 = arith.constant 3 : i32
        %swap3A_2103 = arith.index_cast %scan3A_411 : i32 to index
        %swap3A_2104 = arith.index_cast %swap3A_2102 : i32 to index
        %swap3A_2105 = arith.constant 0 : index
        %swap3A_2106 = tpu.vector_load %arg9[%swap3A_2103, %swap3A_2104, %swap3A_2105] {strides = array<i32>} : memref<128x9x32xf32, #tpu.memory_space<vmem>>, vector<1x1x16xf32>,
        %swap3A_2107 = vector.shape_cast %swap3A_2106 : vector<1x1x16xf32> to vector<16xf32>
        %swap3A_2108 = vector.shape_cast %add3A_2101 : vector<16xf32> to vector<1x1x16xf32>
        tpu.vector_store %arg9[%swap3A_2103, %swap3A_2104, %swap3A_2105], %swap3A_2108 {strides = array<i32>} : memref<128x9x32xf32, #tpu.memory_space<vmem>>, vector<1x1x16xf32>,
        %add3A_2109 = arith.constant 0 : i32
        %add3A_2110 = arith.addi %squeeze3A_109, %add3A_2109 : i32
        %get3A_2111 = arith.index_cast %add3A_2110 : i32 to index
        %get3A_2112 = arith.constant 0 : index
        %get3A_2113 = tpu.vector_load %arg10[%get3A_2111, %get3A_2112] {strides = array<i32>} : memref<162x16xf32, #tpu.memory_space<vmem>>, vector<1x16xf32>,
        %get3A_2114 = vector.shape_cast %get3A_2113 : vector<1x16xf32> to vector<16xf32>
        %mul3A_2115 = vector.broadcast %squeeze3A_289 : f32 to vector<16xf32>
        %mul3A_2116 = arith.mulf %get3A_2114, %mul3A_2115 : vector<16xf32>
        %add3A_2117 = arith.constant 0 : i32
        %add3A_2118 = arith.addi %squeeze3A_111, %add3A_2117 : i32
        %get3A_2119 = arith.index_cast %add3A_2118 : i32 to index
        %get3A_2120 = arith.constant 0 : index
        %get3A_2121 = tpu.vector_load %arg10[%get3A_2119, %get3A_2120] {strides = array<i32>} : memref<162x16xf32, #tpu.memory_space<vmem>>, vector<1x16xf32>,
        %get3A_2122 = vector.shape_cast %get3A_2121 : vector<1x16xf32> to vector<16xf32>
        %mul3A_2123 = vector.broadcast %squeeze3A_291 : f32 to vector<16xf32>
        %mul3A_2124 = arith.mulf %get3A_2122, %mul3A_2123 : vector<16xf32>
        %add3A_2125 = arith.addf %mul3A_2116, %mul3A_2124 : vector<16xf32>
        %add3A_2126 = arith.constant 0 : i32
        %add3A_2127 = arith.addi %squeeze3A_113, %add3A_2126 : i32
        %get3A_2128 = arith.index_cast %add3A_2127 : i32 to index
        %get3A_2129 = arith.constant 0 : index
        %get3A_2130 = tpu.vector_load %arg10[%get3A_2128, %get3A_2129] {strides = array<i32>} : memref<162x16xf32, #tpu.memory_space<vmem>>, vector<1x16xf32>,
        %get3A_2131 = vector.shape_cast %get3A_2130 : vector<1x16xf32> to vector<16xf32>
        %mul3A_2132 = vector.broadcast %squeeze3A_293 : f32 to vector<16xf32>
        %mul3A_2133 = arith.mulf %get3A_2131, %mul3A_2132 : vector<16xf32>
        %add3A_2134 = arith.addf %add3A_2125, %mul3A_2133 : vector<16xf32>
        %add3A_2135 = arith.constant 0 : i32
        %add3A_2136 = arith.addi %squeeze3A_115, %add3A_2135 : i32
        %get3A_2137 = arith.index_cast %add3A_2136 : i32 to index
        %get3A_2138 = arith.constant 0 : index
        %get3A_2139 = tpu.vector_load %arg10[%get3A_2137, %get3A_2138] {strides = array<i32>} : memref<162x16xf32, #tpu.memory_space<vmem>>, vector<1x16xf32>,
        %get3A_2140 = vector.shape_cast %get3A_2139 : vector<1x16xf32> to vector<16xf32>
        %mul3A_2141 = vector.broadcast %squeeze3A_295 : f32 to vector<16xf32>
        %mul3A_2142 = arith.mulf %get3A_2140, %mul3A_2141 : vector<16xf32>
        %add3A_2143 = arith.addf %add3A_2134, %mul3A_2142 : vector<16xf32>
        %add3A_2144 = arith.constant 0 : i32
        %add3A_2145 = arith.addi %squeeze3A_117, %add3A_2144 : i32
        %get3A_2146 = arith.index_cast %add3A_2145 : i32 to index
        %get3A_2147 = arith.constant 0 : index
        %get3A_2148 = tpu.vector_load %arg10[%get3A_2146, %get3A_2147] {strides = array<i32>} : memref<162x16xf32, #tpu.memory_space<vmem>>, vector<1x16xf32>,
        %get3A_2149 = vector.shape_cast %get3A_2148 : vector<1x16xf32> to vector<16xf32>
        %mul3A_2150 = vector.broadcast %squeeze3A_297 : f32 to vector<16xf32>
        %mul3A_2151 = arith.mulf %get3A_2149, %mul3A_2150 : vector<16xf32>
        %add3A_2152 = arith.addf %add3A_2143, %mul3A_2151 : vector<16xf32>
        %add3A_2153 = arith.constant 0 : i32
        %add3A_2154 = arith.addi %squeeze3A_119, %add3A_2153 : i32
        %get3A_2155 = arith.index_cast %add3A_2154 : i32 to index
        %get3A_2156 = arith.constant 0 : index
        %get3A_2157 = tpu.vector_load %arg10[%get3A_2155, %get3A_2156] {strides = array<i32>} : memref<162x16xf32, #tpu.memory_space<vmem>>, vector<1x16xf32>,
        %get3A_2158 = vector.shape_cast %get3A_2157 : vector<1x16xf32> to vector<16xf32>
        %mul3A_2159 = vector.broadcast %squeeze3A_299 : f32 to vector<16xf32>
        %mul3A_2160 = arith.mulf %get3A_2158, %mul3A_2159 : vector<16xf32>
        %add3A_2161 = arith.addf %add3A_2152, %mul3A_2160 : vector<16xf32>
        %add3A_2162 = arith.constant 0 : i32
        %add3A_2163 = arith.addi %squeeze3A_121, %add3A_2162 : i32
        %get3A_2164 = arith.index_cast %add3A_2163 : i32 to index
        %get3A_2165 = arith.constant 0 : index
        %get3A_2166 = tpu.vector_load %arg10[%get3A_2164, %get3A_2165] {strides = array<i32>} : memref<162x16xf32, #tpu.memory_space<vmem>>, vector<1x16xf32>,
        %get3A_2167 = vector.shape_cast %get3A_2166 : vector<1x16xf32> to vector<16xf32>
        %mul3A_2168 = vector.broadcast %squeeze3A_301 : f32 to vector<16xf32>
        %mul3A_2169 = arith.mulf %get3A_2167, %mul3A_2168 : vector<16xf32>
        %add3A_2170 = arith.addf %add3A_2161, %mul3A_2169 : vector<16xf32>
        %add3A_2171 = arith.constant 0 : i32
        %add3A_2172 = arith.addi %squeeze3A_123, %add3A_2171 : i32
        %get3A_2173 = arith.index_cast %add3A_2172 : i32 to index
        %get3A_2174 = arith.constant 0 : index
        %get3A_2175 = tpu.vector_load %arg10[%get3A_2173, %get3A_2174] {strides = array<i32>} : memref<162x16xf32, #tpu.memory_space<vmem>>, vector<1x16xf32>,
        %get3A_2176 = vector.shape_cast %get3A_2175 : vector<1x16xf32> to vector<16xf32>
        %mul3A_2177 = vector.broadcast %squeeze3A_303 : f32 to vector<16xf32>
        %mul3A_2178 = arith.mulf %get3A_2176, %mul3A_2177 : vector<16xf32>
        %add3A_2179 = arith.addf %add3A_2170, %mul3A_2178 : vector<16xf32>
        %add3A_2180 = arith.constant 0 : i32
        %add3A_2181 = arith.addi %squeeze3A_125, %add3A_2180 : i32
        %get3A_2182 = arith.index_cast %add3A_2181 : i32 to index
        %get3A_2183 = arith.constant 0 : index
        %get3A_2184 = tpu.vector_load %arg10[%get3A_2182, %get3A_2183] {strides = array<i32>} : memref<162x16xf32, #tpu.memory_space<vmem>>, vector<1x16xf32>,
        %get3A_2185 = vector.shape_cast %get3A_2184 : vector<1x16xf32> to vector<16xf32>
        %mul3A_2186 = vector.broadcast %squeeze3A_305 : f32 to vector<16xf32>
        %mul3A_2187 = arith.mulf %get3A_2185, %mul3A_2186 : vector<16xf32>
        %add3A_2188 = arith.addf %add3A_2179, %mul3A_2187 : vector<16xf32>
        %add3A_2189 = arith.constant 0 : i32
        %add3A_2190 = arith.addi %squeeze3A_127, %add3A_2189 : i32
        %get3A_2191 = arith.index_cast %add3A_2190 : i32 to index
        %get3A_2192 = arith.constant 0 : index
        %get3A_2193 = tpu.vector_load %arg10[%get3A_2191, %get3A_2192] {strides = array<i32>} : memref<162x16xf32, #tpu.memory_space<vmem>>, vector<1x16xf32>,
        %get3A_2194 = vector.shape_cast %get3A_2193 : vector<1x16xf32> to vector<16xf32>
        %mul3A_2195 = vector.broadcast %squeeze3A_307 : f32 to vector<16xf32>
        %mul3A_2196 = arith.mulf %get3A_2194, %mul3A_2195 : vector<16xf32>
        %add3A_2197 = arith.addf %add3A_2188, %mul3A_2196 : vector<16xf32>
        %swap3A_2198 = arith.constant 4 : i32
        %swap3A_2199 = arith.index_cast %scan3A_411 : i32 to index
        %swap3A_2200 = arith.index_cast %swap3A_2198 : i32 to index
        %swap3A_2201 = arith.constant 0 : index
        %swap3A_2202 = tpu.vector_load %arg9[%swap3A_2199, %swap3A_2200, %swap3A_2201] {strides = array<i32>} : memref<128x9x32xf32, #tpu.memory_space<vmem>>, vector<1x1x16xf32>,
        %swap3A_2203 = vector.shape_cast %swap3A_2202 : vector<1x1x16xf32> to vector<16xf32>
        %swap3A_2204 = vector.shape_cast %add3A_2197 : vector<16xf32> to vector<1x1x16xf32>
        tpu.vector_store %arg9[%swap3A_2199, %swap3A_2200, %swap3A_2201], %swap3A_2204 {strides = array<i32>} : memref<128x9x32xf32, #tpu.memory_space<vmem>>, vector<1x1x16xf32>,
        %add3A_2205 = arith.constant 0 : i32
        %add3A_2206 = arith.addi %squeeze3A_129, %add3A_2205 : i32
        %get3A_2207 = arith.index_cast %add3A_2206 : i32 to index
        %get3A_2208 = arith.constant 0 : index
        %get3A_2209 = tpu.vector_load %arg10[%get3A_2207, %get3A_2208] {strides = array<i32>} : memref<162x16xf32, #tpu.memory_space<vmem>>, vector<1x16xf32>,
        %get3A_2210 = vector.shape_cast %get3A_2209 : vector<1x16xf32> to vector<16xf32>
        %mul3A_2211 = vector.broadcast %squeeze3A_309 : f32 to vector<16xf32>
        %mul3A_2212 = arith.mulf %get3A_2210, %mul3A_2211 : vector<16xf32>
        %add3A_2213 = arith.constant 0 : i32
        %add3A_2214 = arith.addi %squeeze3A_131, %add3A_2213 : i32
        %get3A_2215 = arith.index_cast %add3A_2214 : i32 to index
        %get3A_2216 = arith.constant 0 : index
        %get3A_2217 = tpu.vector_load %arg10[%get3A_2215, %get3A_2216] {strides = array<i32>} : memref<162x16xf32, #tpu.memory_space<vmem>>, vector<1x16xf32>,
        %get3A_2218 = vector.shape_cast %get3A_2217 : vector<1x16xf32> to vector<16xf32>
        %mul3A_2219 = vector.broadcast %squeeze3A_311 : f32 to vector<16xf32>
        %mul3A_2220 = arith.mulf %get3A_2218, %mul3A_2219 : vector<16xf32>
        %add3A_2221 = arith.addf %mul3A_2212, %mul3A_2220 : vector<16xf32>
        %add3A_2222 = arith.constant 0 : i32
        %add3A_2223 = arith.addi %squeeze3A_133, %add3A_2222 : i32
        %get3A_2224 = arith.index_cast %add3A_2223 : i32 to index
        %get3A_2225 = arith.constant 0 : index
        %get3A_2226 = tpu.vector_load %arg10[%get3A_2224, %get3A_2225] {strides = array<i32>} : memref<162x16xf32, #tpu.memory_space<vmem>>, vector<1x16xf32>,
        %get3A_2227 = vector.shape_cast %get3A_2226 : vector<1x16xf32> to vector<16xf32>
        %mul3A_2228 = vector.broadcast %squeeze3A_313 : f32 to vector<16xf32>
        %mul3A_2229 = arith.mulf %get3A_2227, %mul3A_2228 : vector<16xf32>
        %add3A_2230 = arith.addf %add3A_2221, %mul3A_2229 : vector<16xf32>
        %add3A_2231 = arith.constant 0 : i32
        %add3A_2232 = arith.addi %squeeze3A_135, %add3A_2231 : i32
        %get3A_2233 = arith.index_cast %add3A_2232 : i32 to index
        %get3A_2234 = arith.constant 0 : index
        %get3A_2235 = tpu.vector_load %arg10[%get3A_2233, %get3A_2234] {strides = array<i32>} : memref<162x16xf32, #tpu.memory_space<vmem>>, vector<1x16xf32>,
        %get3A_2236 = vector.shape_cast %get3A_2235 : vector<1x16xf32> to vector<16xf32>
        %mul3A_2237 = vector.broadcast %squeeze3A_315 : f32 to vector<16xf32>
        %mul3A_2238 = arith.mulf %get3A_2236, %mul3A_2237 : vector<16xf32>
        %add3A_2239 = arith.addf %add3A_2230, %mul3A_2238 : vector<16xf32>
        %add3A_2240 = arith.constant 0 : i32
        %add3A_2241 = arith.addi %squeeze3A_137, %add3A_2240 : i32
        %get3A_2242 = arith.index_cast %add3A_2241 : i32 to index
        %get3A_2243 = arith.constant 0 : index
        %get3A_2244 = tpu.vector_load %arg10[%get3A_2242, %get3A_2243] {strides = array<i32>} : memref<162x16xf32, #tpu.memory_space<vmem>>, vector<1x16xf32>,
        %get3A_2245 = vector.shape_cast %get3A_2244 : vector<1x16xf32> to vector<16xf32>
        %mul3A_2246 = vector.broadcast %squeeze3A_317 : f32 to vector<16xf32>
        %mul3A_2247 = arith.mulf %get3A_2245, %mul3A_2246 : vector<16xf32>
        %add3A_2248 = arith.addf %add3A_2239, %mul3A_2247 : vector<16xf32>
        %add3A_2249 = arith.constant 0 : i32
        %add3A_2250 = arith.addi %squeeze3A_139, %add3A_2249 : i32
        %get3A_2251 = arith.index_cast %add3A_2250 : i32 to index
        %get3A_2252 = arith.constant 0 : index
        %get3A_2253 = tpu.vector_load %arg10[%get3A_2251, %get3A_2252] {strides = array<i32>} : memref<162x16xf32, #tpu.memory_space<vmem>>, vector<1x16xf32>,
        %get3A_2254 = vector.shape_cast %get3A_2253 : vector<1x16xf32> to vector<16xf32>
        %mul3A_2255 = vector.broadcast %squeeze3A_319 : f32 to vector<16xf32>
        %mul3A_2256 = arith.mulf %get3A_2254, %mul3A_2255 : vector<16xf32>
        %add3A_2257 = arith.addf %add3A_2248, %mul3A_2256 : vector<16xf32>
        %add3A_2258 = arith.constant 0 : i32
        %add3A_2259 = arith.addi %squeeze3A_141, %add3A_2258 : i32
        %get3A_2260 = arith.index_cast %add3A_2259 : i32 to index
        %get3A_2261 = arith.constant 0 : index
        %get3A_2262 = tpu.vector_load %arg10[%get3A_2260, %get3A_2261] {strides = array<i32>} : memref<162x16xf32, #tpu.memory_space<vmem>>, vector<1x16xf32>,
        %get3A_2263 = vector.shape_cast %get3A_2262 : vector<1x16xf32> to vector<16xf32>
        %mul3A_2264 = vector.broadcast %squeeze3A_321 : f32 to vector<16xf32>
        %mul3A_2265 = arith.mulf %get3A_2263, %mul3A_2264 : vector<16xf32>
        %add3A_2266 = arith.addf %add3A_2257, %mul3A_2265 : vector<16xf32>
        %add3A_2267 = arith.constant 0 : i32
        %add3A_2268 = arith.addi %squeeze3A_143, %add3A_2267 : i32
        %get3A_2269 = arith.index_cast %add3A_2268 : i32 to index
        %get3A_2270 = arith.constant 0 : index
        %get3A_2271 = tpu.vector_load %arg10[%get3A_2269, %get3A_2270] {strides = array<i32>} : memref<162x16xf32, #tpu.memory_space<vmem>>, vector<1x16xf32>,
        %get3A_2272 = vector.shape_cast %get3A_2271 : vector<1x16xf32> to vector<16xf32>
        %mul3A_2273 = vector.broadcast %squeeze3A_323 : f32 to vector<16xf32>
        %mul3A_2274 = arith.mulf %get3A_2272, %mul3A_2273 : vector<16xf32>
        %add3A_2275 = arith.addf %add3A_2266, %mul3A_2274 : vector<16xf32>
        %add3A_2276 = arith.constant 0 : i32
        %add3A_2277 = arith.addi %squeeze3A_145, %add3A_2276 : i32
        %get3A_2278 = arith.index_cast %add3A_2277 : i32 to index
        %get3A_2279 = arith.constant 0 : index
        %get3A_2280 = tpu.vector_load %arg10[%get3A_2278, %get3A_2279] {strides = array<i32>} : memref<162x16xf32, #tpu.memory_space<vmem>>, vector<1x16xf32>,
        %get3A_2281 = vector.shape_cast %get3A_2280 : vector<1x16xf32> to vector<16xf32>
        %mul3A_2282 = vector.broadcast %squeeze3A_325 : f32 to vector<16xf32>
        %mul3A_2283 = arith.mulf %get3A_2281, %mul3A_2282 : vector<16xf32>
        %add3A_2284 = arith.addf %add3A_2275, %mul3A_2283 : vector<16xf32>
        %add3A_2285 = arith.constant 0 : i32
        %add3A_2286 = arith.addi %squeeze3A_147, %add3A_2285 : i32
        %get3A_2287 = arith.index_cast %add3A_2286 : i32 to index
        %get3A_2288 = arith.constant 0 : index
        %get3A_2289 = tpu.vector_load %arg10[%get3A_2287, %get3A_2288] {strides = array<i32>} : memref<162x16xf32, #tpu.memory_space<vmem>>, vector<1x16xf32>,
        %get3A_2290 = vector.shape_cast %get3A_2289 : vector<1x16xf32> to vector<16xf32>
        %mul3A_2291 = vector.broadcast %squeeze3A_327 : f32 to vector<16xf32>
        %mul3A_2292 = arith.mulf %get3A_2290, %mul3A_2291 : vector<16xf32>
        %add3A_2293 = arith.addf %add3A_2284, %mul3A_2292 : vector<16xf32>
        %add3A_2294 = arith.constant 0 : i32
        %add3A_2295 = arith.addi %squeeze3A_149, %add3A_2294 : i32
        %get3A_2296 = arith.index_cast %add3A_2295 : i32 to index
        %get3A_2297 = arith.constant 0 : index
        %get3A_2298 = tpu.vector_load %arg10[%get3A_2296, %get3A_2297] {strides = array<i32>} : memref<162x16xf32, #tpu.memory_space<vmem>>, vector<1x16xf32>,
        %get3A_2299 = vector.shape_cast %get3A_2298 : vector<1x16xf32> to vector<16xf32>
        %mul3A_2300 = vector.broadcast %squeeze3A_329 : f32 to vector<16xf32>
        %mul3A_2301 = arith.mulf %get3A_2299, %mul3A_2300 : vector<16xf32>
        %add3A_2302 = arith.addf %add3A_2293, %mul3A_2301 : vector<16xf32>
        %add3A_2303 = arith.constant 0 : i32
        %add3A_2304 = arith.addi %squeeze3A_151, %add3A_2303 : i32
        %get3A_2305 = arith.index_cast %add3A_2304 : i32 to index
        %get3A_2306 = arith.constant 0 : index
        %get3A_2307 = tpu.vector_load %arg10[%get3A_2305, %get3A_2306] {strides = array<i32>} : memref<162x16xf32, #tpu.memory_space<vmem>>, vector<1x16xf32>,
        %get3A_2308 = vector.shape_cast %get3A_2307 : vector<1x16xf32> to vector<16xf32>
        %mul3A_2309 = vector.broadcast %squeeze3A_331 : f32 to vector<16xf32>
        %mul3A_2310 = arith.mulf %get3A_2308, %mul3A_2309 : vector<16xf32>
        %add3A_2311 = arith.addf %add3A_2302, %mul3A_2310 : vector<16xf32>
        %swap3A_2312 = arith.constant 5 : i32
        %swap3A_2313 = arith.index_cast %scan3A_411 : i32 to index
        %swap3A_2314 = arith.index_cast %swap3A_2312 : i32 to index
        %swap3A_2315 = arith.constant 0 : index
        %swap3A_2316 = tpu.vector_load %arg9[%swap3A_2313, %swap3A_2314, %swap3A_2315] {strides = array<i32>} : memref<128x9x32xf32, #tpu.memory_space<vmem>>, vector<1x1x16xf32>,
        %swap3A_2317 = vector.shape_cast %swap3A_2316 : vector<1x1x16xf32> to vector<16xf32>
        %swap3A_2318 = vector.shape_cast %add3A_2311 : vector<16xf32> to vector<1x1x16xf32>
        tpu.vector_store %arg9[%swap3A_2313, %swap3A_2314, %swap3A_2315], %swap3A_2318 {strides = array<i32>} : memref<128x9x32xf32, #tpu.memory_space<vmem>>, vector<1x1x16xf32>,
        %add3A_2319 = arith.constant 0 : i32
        %add3A_2320 = arith.addi %squeeze3A_153, %add3A_2319 : i32
        %get3A_2321 = arith.index_cast %add3A_2320 : i32 to index
        %get3A_2322 = arith.constant 0 : index
        %get3A_2323 = tpu.vector_load %arg10[%get3A_2321, %get3A_2322] {strides = array<i32>} : memref<162x16xf32, #tpu.memory_space<vmem>>, vector<1x16xf32>,
        %get3A_2324 = vector.shape_cast %get3A_2323 : vector<1x16xf32> to vector<16xf32>
        %mul3A_2325 = vector.broadcast %squeeze3A_333 : f32 to vector<16xf32>
        %mul3A_2326 = arith.mulf %get3A_2324, %mul3A_2325 : vector<16xf32>
        %add3A_2327 = arith.constant 0 : i32
        %add3A_2328 = arith.addi %squeeze3A_155, %add3A_2327 : i32
        %get3A_2329 = arith.index_cast %add3A_2328 : i32 to index
        %get3A_2330 = arith.constant 0 : index
        %get3A_2331 = tpu.vector_load %arg10[%get3A_2329, %get3A_2330] {strides = array<i32>} : memref<162x16xf32, #tpu.memory_space<vmem>>, vector<1x16xf32>,
        %get3A_2332 = vector.shape_cast %get3A_2331 : vector<1x16xf32> to vector<16xf32>
        %mul3A_2333 = vector.broadcast %squeeze3A_335 : f32 to vector<16xf32>
        %mul3A_2334 = arith.mulf %get3A_2332, %mul3A_2333 : vector<16xf32>
        %add3A_2335 = arith.addf %mul3A_2326, %mul3A_2334 : vector<16xf32>
        %add3A_2336 = arith.constant 0 : i32
        %add3A_2337 = arith.addi %squeeze3A_157, %add3A_2336 : i32
        %get3A_2338 = arith.index_cast %add3A_2337 : i32 to index
        %get3A_2339 = arith.constant 0 : index
        %get3A_2340 = tpu.vector_load %arg10[%get3A_2338, %get3A_2339] {strides = array<i32>} : memref<162x16xf32, #tpu.memory_space<vmem>>, vector<1x16xf32>,
        %get3A_2341 = vector.shape_cast %get3A_2340 : vector<1x16xf32> to vector<16xf32>
        %mul3A_2342 = vector.broadcast %squeeze3A_337 : f32 to vector<16xf32>
        %mul3A_2343 = arith.mulf %get3A_2341, %mul3A_2342 : vector<16xf32>
        %add3A_2344 = arith.addf %add3A_2335, %mul3A_2343 : vector<16xf32>
        %add3A_2345 = arith.constant 0 : i32
        %add3A_2346 = arith.addi %squeeze3A_159, %add3A_2345 : i32
        %get3A_2347 = arith.index_cast %add3A_2346 : i32 to index
        %get3A_2348 = arith.constant 0 : index
        %get3A_2349 = tpu.vector_load %arg10[%get3A_2347, %get3A_2348] {strides = array<i32>} : memref<162x16xf32, #tpu.memory_space<vmem>>, vector<1x16xf32>,
        %get3A_2350 = vector.shape_cast %get3A_2349 : vector<1x16xf32> to vector<16xf32>
        %mul3A_2351 = vector.broadcast %squeeze3A_339 : f32 to vector<16xf32>
        %mul3A_2352 = arith.mulf %get3A_2350, %mul3A_2351 : vector<16xf32>
        %add3A_2353 = arith.addf %add3A_2344, %mul3A_2352 : vector<16xf32>
        %add3A_2354 = arith.constant 0 : i32
        %add3A_2355 = arith.addi %squeeze3A_161, %add3A_2354 : i32
        %get3A_2356 = arith.index_cast %add3A_2355 : i32 to index
        %get3A_2357 = arith.constant 0 : index
        %get3A_2358 = tpu.vector_load %arg10[%get3A_2356, %get3A_2357] {strides = array<i32>} : memref<162x16xf32, #tpu.memory_space<vmem>>, vector<1x16xf32>,
        %get3A_2359 = vector.shape_cast %get3A_2358 : vector<1x16xf32> to vector<16xf32>
        %mul3A_2360 = vector.broadcast %squeeze3A_341 : f32 to vector<16xf32>
        %mul3A_2361 = arith.mulf %get3A_2359, %mul3A_2360 : vector<16xf32>
        %add3A_2362 = arith.addf %add3A_2353, %mul3A_2361 : vector<16xf32>
        %add3A_2363 = arith.constant 0 : i32
        %add3A_2364 = arith.addi %squeeze3A_163, %add3A_2363 : i32
        %get3A_2365 = arith.index_cast %add3A_2364 : i32 to index
        %get3A_2366 = arith.constant 0 : index
        %get3A_2367 = tpu.vector_load %arg10[%get3A_2365, %get3A_2366] {strides = array<i32>} : memref<162x16xf32, #tpu.memory_space<vmem>>, vector<1x16xf32>,
        %get3A_2368 = vector.shape_cast %get3A_2367 : vector<1x16xf32> to vector<16xf32>
        %mul3A_2369 = vector.broadcast %squeeze3A_343 : f32 to vector<16xf32>
        %mul3A_2370 = arith.mulf %get3A_2368, %mul3A_2369 : vector<16xf32>
        %add3A_2371 = arith.addf %add3A_2362, %mul3A_2370 : vector<16xf32>
        %add3A_2372 = arith.constant 0 : i32
        %add3A_2373 = arith.addi %squeeze3A_165, %add3A_2372 : i32
        %get3A_2374 = arith.index_cast %add3A_2373 : i32 to index
        %get3A_2375 = arith.constant 0 : index
        %get3A_2376 = tpu.vector_load %arg10[%get3A_2374, %get3A_2375] {strides = array<i32>} : memref<162x16xf32, #tpu.memory_space<vmem>>, vector<1x16xf32>,
        %get3A_2377 = vector.shape_cast %get3A_2376 : vector<1x16xf32> to vector<16xf32>
        %mul3A_2378 = vector.broadcast %squeeze3A_345 : f32 to vector<16xf32>
        %mul3A_2379 = arith.mulf %get3A_2377, %mul3A_2378 : vector<16xf32>
        %add3A_2380 = arith.addf %add3A_2371, %mul3A_2379 : vector<16xf32>
        %add3A_2381 = arith.constant 0 : i32
        %add3A_2382 = arith.addi %squeeze3A_167, %add3A_2381 : i32
        %get3A_2383 = arith.index_cast %add3A_2382 : i32 to index
        %get3A_2384 = arith.constant 0 : index
        %get3A_2385 = tpu.vector_load %arg10[%get3A_2383, %get3A_2384] {strides = array<i32>} : memref<162x16xf32, #tpu.memory_space<vmem>>, vector<1x16xf32>,
        %get3A_2386 = vector.shape_cast %get3A_2385 : vector<1x16xf32> to vector<16xf32>
        %mul3A_2387 = vector.broadcast %squeeze3A_347 : f32 to vector<16xf32>
        %mul3A_2388 = arith.mulf %get3A_2386, %mul3A_2387 : vector<16xf32>
        %add3A_2389 = arith.addf %add3A_2380, %mul3A_2388 : vector<16xf32>
        %add3A_2390 = arith.constant 0 : i32
        %add3A_2391 = arith.addi %squeeze3A_169, %add3A_2390 : i32
        %get3A_2392 = arith.index_cast %add3A_2391 : i32 to index
        %get3A_2393 = arith.constant 0 : index
        %get3A_2394 = tpu.vector_load %arg10[%get3A_2392, %get3A_2393] {strides = array<i32>} : memref<162x16xf32, #tpu.memory_space<vmem>>, vector<1x16xf32>,
        %get3A_2395 = vector.shape_cast %get3A_2394 : vector<1x16xf32> to vector<16xf32>
        %mul3A_2396 = vector.broadcast %squeeze3A_349 : f32 to vector<16xf32>
        %mul3A_2397 = arith.mulf %get3A_2395, %mul3A_2396 : vector<16xf32>
        %add3A_2398 = arith.addf %add3A_2389, %mul3A_2397 : vector<16xf32>
        %add3A_2399 = arith.constant 0 : i32
        %add3A_2400 = arith.addi %squeeze3A_171, %add3A_2399 : i32
        %get3A_2401 = arith.index_cast %add3A_2400 : i32 to index
        %get3A_2402 = arith.constant 0 : index
        %get3A_2403 = tpu.vector_load %arg10[%get3A_2401, %get3A_2402] {strides = array<i32>} : memref<162x16xf32, #tpu.memory_space<vmem>>, vector<1x16xf32>,
        %get3A_2404 = vector.shape_cast %get3A_2403 : vector<1x16xf32> to vector<16xf32>
        %mul3A_2405 = vector.broadcast %squeeze3A_351 : f32 to vector<16xf32>
        %mul3A_2406 = arith.mulf %get3A_2404, %mul3A_2405 : vector<16xf32>
        %add3A_2407 = arith.addf %add3A_2398, %mul3A_2406 : vector<16xf32>
        %swap3A_2408 = arith.constant 6 : i32
        %swap3A_2409 = arith.index_cast %scan3A_411 : i32 to index
        %swap3A_2410 = arith.index_cast %swap3A_2408 : i32 to index
        %swap3A_2411 = arith.constant 0 : index
        %swap3A_2412 = tpu.vector_load %arg9[%swap3A_2409, %swap3A_2410, %swap3A_2411] {strides = array<i32>} : memref<128x9x32xf32, #tpu.memory_space<vmem>>, vector<1x1x16xf32>,
        %swap3A_2413 = vector.shape_cast %swap3A_2412 : vector<1x1x16xf32> to vector<16xf32>
        %swap3A_2414 = vector.shape_cast %add3A_2407 : vector<16xf32> to vector<1x1x16xf32>
        tpu.vector_store %arg9[%swap3A_2409, %swap3A_2410, %swap3A_2411], %swap3A_2414 {strides = array<i32>} : memref<128x9x32xf32, #tpu.memory_space<vmem>>, vector<1x1x16xf32>,
        %add3A_2415 = arith.constant 0 : i32
        %add3A_2416 = arith.addi %squeeze3A_173, %add3A_2415 : i32
        %get3A_2417 = arith.index_cast %add3A_2416 : i32 to index
        %get3A_2418 = arith.constant 0 : index
        %get3A_2419 = tpu.vector_load %arg10[%get3A_2417, %get3A_2418] {strides = array<i32>} : memref<162x16xf32, #tpu.memory_space<vmem>>, vector<1x16xf32>,
        %get3A_2420 = vector.shape_cast %get3A_2419 : vector<1x16xf32> to vector<16xf32>
        %mul3A_2421 = vector.broadcast %squeeze3A_353 : f32 to vector<16xf32>
        %mul3A_2422 = arith.mulf %get3A_2420, %mul3A_2421 : vector<16xf32>
        %add3A_2423 = arith.constant 0 : i32
        %add3A_2424 = arith.addi %squeeze3A_175, %add3A_2423 : i32
        %get3A_2425 = arith.index_cast %add3A_2424 : i32 to index
        %get3A_2426 = arith.constant 0 : index
        %get3A_2427 = tpu.vector_load %arg10[%get3A_2425, %get3A_2426] {strides = array<i32>} : memref<162x16xf32, #tpu.memory_space<vmem>>, vector<1x16xf32>,
        %get3A_2428 = vector.shape_cast %get3A_2427 : vector<1x16xf32> to vector<16xf32>
        %mul3A_2429 = vector.broadcast %squeeze3A_355 : f32 to vector<16xf32>
        %mul3A_2430 = arith.mulf %get3A_2428, %mul3A_2429 : vector<16xf32>
        %add3A_2431 = arith.addf %mul3A_2422, %mul3A_2430 : vector<16xf32>
        %add3A_2432 = arith.constant 0 : i32
        %add3A_2433 = arith.addi %squeeze3A_177, %add3A_2432 : i32
        %get3A_2434 = arith.index_cast %add3A_2433 : i32 to index
        %get3A_2435 = arith.constant 0 : index
        %get3A_2436 = tpu.vector_load %arg10[%get3A_2434, %get3A_2435] {strides = array<i32>} : memref<162x16xf32, #tpu.memory_space<vmem>>, vector<1x16xf32>,
        %get3A_2437 = vector.shape_cast %get3A_2436 : vector<1x16xf32> to vector<16xf32>
        %mul3A_2438 = vector.broadcast %squeeze3A_357 : f32 to vector<16xf32>
        %mul3A_2439 = arith.mulf %get3A_2437, %mul3A_2438 : vector<16xf32>
        %add3A_2440 = arith.addf %add3A_2431, %mul3A_2439 : vector<16xf32>
        %add3A_2441 = arith.constant 0 : i32
        %add3A_2442 = arith.addi %squeeze3A_179, %add3A_2441 : i32
        %get3A_2443 = arith.index_cast %add3A_2442 : i32 to index
        %get3A_2444 = arith.constant 0 : index
        %get3A_2445 = tpu.vector_load %arg10[%get3A_2443, %get3A_2444] {strides = array<i32>} : memref<162x16xf32, #tpu.memory_space<vmem>>, vector<1x16xf32>,
        %get3A_2446 = vector.shape_cast %get3A_2445 : vector<1x16xf32> to vector<16xf32>
        %mul3A_2447 = vector.broadcast %squeeze3A_359 : f32 to vector<16xf32>
        %mul3A_2448 = arith.mulf %get3A_2446, %mul3A_2447 : vector<16xf32>
        %add3A_2449 = arith.addf %add3A_2440, %mul3A_2448 : vector<16xf32>
        %add3A_2450 = arith.constant 0 : i32
        %add3A_2451 = arith.addi %squeeze3A_181, %add3A_2450 : i32
        %get3A_2452 = arith.index_cast %add3A_2451 : i32 to index
        %get3A_2453 = arith.constant 0 : index
        %get3A_2454 = tpu.vector_load %arg10[%get3A_2452, %get3A_2453] {strides = array<i32>} : memref<162x16xf32, #tpu.memory_space<vmem>>, vector<1x16xf32>,
        %get3A_2455 = vector.shape_cast %get3A_2454 : vector<1x16xf32> to vector<16xf32>
        %mul3A_2456 = vector.broadcast %squeeze3A_361 : f32 to vector<16xf32>
        %mul3A_2457 = arith.mulf %get3A_2455, %mul3A_2456 : vector<16xf32>
        %add3A_2458 = arith.addf %add3A_2449, %mul3A_2457 : vector<16xf32>
        %add3A_2459 = arith.constant 0 : i32
        %add3A_2460 = arith.addi %squeeze3A_183, %add3A_2459 : i32
        %get3A_2461 = arith.index_cast %add3A_2460 : i32 to index
        %get3A_2462 = arith.constant 0 : index
        %get3A_2463 = tpu.vector_load %arg10[%get3A_2461, %get3A_2462] {strides = array<i32>} : memref<162x16xf32, #tpu.memory_space<vmem>>, vector<1x16xf32>,
        %get3A_2464 = vector.shape_cast %get3A_2463 : vector<1x16xf32> to vector<16xf32>
        %mul3A_2465 = vector.broadcast %squeeze3A_363 : f32 to vector<16xf32>
        %mul3A_2466 = arith.mulf %get3A_2464, %mul3A_2465 : vector<16xf32>
        %add3A_2467 = arith.addf %add3A_2458, %mul3A_2466 : vector<16xf32>
        %add3A_2468 = arith.constant 0 : i32
        %add3A_2469 = arith.addi %squeeze3A_185, %add3A_2468 : i32
        %get3A_2470 = arith.index_cast %add3A_2469 : i32 to index
        %get3A_2471 = arith.constant 0 : index
        %get3A_2472 = tpu.vector_load %arg10[%get3A_2470, %get3A_2471] {strides = array<i32>} : memref<162x16xf32, #tpu.memory_space<vmem>>, vector<1x16xf32>,
        %get3A_2473 = vector.shape_cast %get3A_2472 : vector<1x16xf32> to vector<16xf32>
        %mul3A_2474 = vector.broadcast %squeeze3A_365 : f32 to vector<16xf32>
        %mul3A_2475 = arith.mulf %get3A_2473, %mul3A_2474 : vector<16xf32>
        %add3A_2476 = arith.addf %add3A_2467, %mul3A_2475 : vector<16xf32>
        %add3A_2477 = arith.constant 0 : i32
        %add3A_2478 = arith.addi %squeeze3A_187, %add3A_2477 : i32
        %get3A_2479 = arith.index_cast %add3A_2478 : i32 to index
        %get3A_2480 = arith.constant 0 : index
        %get3A_2481 = tpu.vector_load %arg10[%get3A_2479, %get3A_2480] {strides = array<i32>} : memref<162x16xf32, #tpu.memory_space<vmem>>, vector<1x16xf32>,
        %get3A_2482 = vector.shape_cast %get3A_2481 : vector<1x16xf32> to vector<16xf32>
        %mul3A_2483 = vector.broadcast %squeeze3A_367 : f32 to vector<16xf32>
        %mul3A_2484 = arith.mulf %get3A_2482, %mul3A_2483 : vector<16xf32>
        %add3A_2485 = arith.addf %add3A_2476, %mul3A_2484 : vector<16xf32>
        %add3A_2486 = arith.constant 0 : i32
        %add3A_2487 = arith.addi %squeeze3A_189, %add3A_2486 : i32
        %get3A_2488 = arith.index_cast %add3A_2487 : i32 to index
        %get3A_2489 = arith.constant 0 : index
        %get3A_2490 = tpu.vector_load %arg10[%get3A_2488, %get3A_2489] {strides = array<i32>} : memref<162x16xf32, #tpu.memory_space<vmem>>, vector<1x16xf32>,
        %get3A_2491 = vector.shape_cast %get3A_2490 : vector<1x16xf32> to vector<16xf32>
        %mul3A_2492 = vector.broadcast %squeeze3A_369 : f32 to vector<16xf32>
        %mul3A_2493 = arith.mulf %get3A_2491, %mul3A_2492 : vector<16xf32>
        %add3A_2494 = arith.addf %add3A_2485, %mul3A_2493 : vector<16xf32>
        %add3A_2495 = arith.constant 0 : i32
        %add3A_2496 = arith.addi %squeeze3A_191, %add3A_2495 : i32
        %get3A_2497 = arith.index_cast %add3A_2496 : i32 to index
        %get3A_2498 = arith.constant 0 : index
        %get3A_2499 = tpu.vector_load %arg10[%get3A_2497, %get3A_2498] {strides = array<i32>} : memref<162x16xf32, #tpu.memory_space<vmem>>, vector<1x16xf32>,
        %get3A_2500 = vector.shape_cast %get3A_2499 : vector<1x16xf32> to vector<16xf32>
        %mul3A_2501 = vector.broadcast %squeeze3A_371 : f32 to vector<16xf32>
        %mul3A_2502 = arith.mulf %get3A_2500, %mul3A_2501 : vector<16xf32>
        %add3A_2503 = arith.addf %add3A_2494, %mul3A_2502 : vector<16xf32>
        %add3A_2504 = arith.constant 0 : i32
        %add3A_2505 = arith.addi %squeeze3A_193, %add3A_2504 : i32
        %get3A_2506 = arith.index_cast %add3A_2505 : i32 to index
        %get3A_2507 = arith.constant 0 : index
        %get3A_2508 = tpu.vector_load %arg10[%get3A_2506, %get3A_2507] {strides = array<i32>} : memref<162x16xf32, #tpu.memory_space<vmem>>, vector<1x16xf32>,
        %get3A_2509 = vector.shape_cast %get3A_2508 : vector<1x16xf32> to vector<16xf32>
        %mul3A_2510 = vector.broadcast %squeeze3A_373 : f32 to vector<16xf32>
        %mul3A_2511 = arith.mulf %get3A_2509, %mul3A_2510 : vector<16xf32>
        %add3A_2512 = arith.addf %add3A_2503, %mul3A_2511 : vector<16xf32>
        %add3A_2513 = arith.constant 0 : i32
        %add3A_2514 = arith.addi %squeeze3A_195, %add3A_2513 : i32
        %get3A_2515 = arith.index_cast %add3A_2514 : i32 to index
        %get3A_2516 = arith.constant 0 : index
        %get3A_2517 = tpu.vector_load %arg10[%get3A_2515, %get3A_2516] {strides = array<i32>} : memref<162x16xf32, #tpu.memory_space<vmem>>, vector<1x16xf32>,
        %get3A_2518 = vector.shape_cast %get3A_2517 : vector<1x16xf32> to vector<16xf32>
        %mul3A_2519 = vector.broadcast %squeeze3A_375 : f32 to vector<16xf32>
        %mul3A_2520 = arith.mulf %get3A_2518, %mul3A_2519 : vector<16xf32>
        %add3A_2521 = arith.addf %add3A_2512, %mul3A_2520 : vector<16xf32>
        %swap3A_2522 = arith.constant 7 : i32
        %swap3A_2523 = arith.index_cast %scan3A_411 : i32 to index
        %swap3A_2524 = arith.index_cast %swap3A_2522 : i32 to index
        %swap3A_2525 = arith.constant 0 : index
        %swap3A_2526 = tpu.vector_load %arg9[%swap3A_2523, %swap3A_2524, %swap3A_2525] {strides = array<i32>} : memref<128x9x32xf32, #tpu.memory_space<vmem>>, vector<1x1x16xf32>,
        %swap3A_2527 = vector.shape_cast %swap3A_2526 : vector<1x1x16xf32> to vector<16xf32>
        %swap3A_2528 = vector.shape_cast %add3A_2521 : vector<16xf32> to vector<1x1x16xf32>
        tpu.vector_store %arg9[%swap3A_2523, %swap3A_2524, %swap3A_2525], %swap3A_2528 {strides = array<i32>} : memref<128x9x32xf32, #tpu.memory_space<vmem>>, vector<1x1x16xf32>,
        %add3A_2529 = arith.constant 0 : i32
        %add3A_2530 = arith.addi %squeeze3A_197, %add3A_2529 : i32
        %get3A_2531 = arith.index_cast %add3A_2530 : i32 to index
        %get3A_2532 = arith.constant 0 : index
        %get3A_2533 = tpu.vector_load %arg10[%get3A_2531, %get3A_2532] {strides = array<i32>} : memref<162x16xf32, #tpu.memory_space<vmem>>, vector<1x16xf32>,
        %get3A_2534 = vector.shape_cast %get3A_2533 : vector<1x16xf32> to vector<16xf32>
        %mul3A_2535 = vector.broadcast %squeeze3A_377 : f32 to vector<16xf32>
        %mul3A_2536 = arith.mulf %get3A_2534, %mul3A_2535 : vector<16xf32>
        %add3A_2537 = arith.constant 0 : i32
        %add3A_2538 = arith.addi %squeeze3A_199, %add3A_2537 : i32
        %get3A_2539 = arith.index_cast %add3A_2538 : i32 to index
        %get3A_2540 = arith.constant 0 : index
        %get3A_2541 = tpu.vector_load %arg10[%get3A_2539, %get3A_2540] {strides = array<i32>} : memref<162x16xf32, #tpu.memory_space<vmem>>, vector<1x16xf32>,
        %get3A_2542 = vector.shape_cast %get3A_2541 : vector<1x16xf32> to vector<16xf32>
        %mul3A_2543 = vector.broadcast %squeeze3A_379 : f32 to vector<16xf32>
        %mul3A_2544 = arith.mulf %get3A_2542, %mul3A_2543 : vector<16xf32>
        %add3A_2545 = arith.addf %mul3A_2536, %mul3A_2544 : vector<16xf32>
        %add3A_2546 = arith.constant 0 : i32
        %add3A_2547 = arith.addi %squeeze3A_201, %add3A_2546 : i32
        %get3A_2548 = arith.index_cast %add3A_2547 : i32 to index
        %get3A_2549 = arith.constant 0 : index
        %get3A_2550 = tpu.vector_load %arg10[%get3A_2548, %get3A_2549] {strides = array<i32>} : memref<162x16xf32, #tpu.memory_space<vmem>>, vector<1x16xf32>,
        %get3A_2551 = vector.shape_cast %get3A_2550 : vector<1x16xf32> to vector<16xf32>
        %mul3A_2552 = vector.broadcast %squeeze3A_381 : f32 to vector<16xf32>
        %mul3A_2553 = arith.mulf %get3A_2551, %mul3A_2552 : vector<16xf32>
        %add3A_2554 = arith.addf %add3A_2545, %mul3A_2553 : vector<16xf32>
        %add3A_2555 = arith.constant 0 : i32
        %add3A_2556 = arith.addi %squeeze3A_203, %add3A_2555 : i32
        %get3A_2557 = arith.index_cast %add3A_2556 : i32 to index
        %get3A_2558 = arith.constant 0 : index
        %get3A_2559 = tpu.vector_load %arg10[%get3A_2557, %get3A_2558] {strides = array<i32>} : memref<162x16xf32, #tpu.memory_space<vmem>>, vector<1x16xf32>,
        %get3A_2560 = vector.shape_cast %get3A_2559 : vector<1x16xf32> to vector<16xf32>
        %mul3A_2561 = vector.broadcast %squeeze3A_383 : f32 to vector<16xf32>
        %mul3A_2562 = arith.mulf %get3A_2560, %mul3A_2561 : vector<16xf32>
        %add3A_2563 = arith.addf %add3A_2554, %mul3A_2562 : vector<16xf32>
        %add3A_2564 = arith.constant 0 : i32
        %add3A_2565 = arith.addi %squeeze3A_205, %add3A_2564 : i32
        %get3A_2566 = arith.index_cast %add3A_2565 : i32 to index
        %get3A_2567 = arith.constant 0 : index
        %get3A_2568 = tpu.vector_load %arg10[%get3A_2566, %get3A_2567] {strides = array<i32>} : memref<162x16xf32, #tpu.memory_space<vmem>>, vector<1x16xf32>,
        %get3A_2569 = vector.shape_cast %get3A_2568 : vector<1x16xf32> to vector<16xf32>
        %mul3A_2570 = vector.broadcast %squeeze3A_385 : f32 to vector<16xf32>
        %mul3A_2571 = arith.mulf %get3A_2569, %mul3A_2570 : vector<16xf32>
        %add3A_2572 = arith.addf %add3A_2563, %mul3A_2571 : vector<16xf32>
        %add3A_2573 = arith.constant 0 : i32
        %add3A_2574 = arith.addi %squeeze3A_207, %add3A_2573 : i32
        %get3A_2575 = arith.index_cast %add3A_2574 : i32 to index
        %get3A_2576 = arith.constant 0 : index
        %get3A_2577 = tpu.vector_load %arg10[%get3A_2575, %get3A_2576] {strides = array<i32>} : memref<162x16xf32, #tpu.memory_space<vmem>>, vector<1x16xf32>,
        %get3A_2578 = vector.shape_cast %get3A_2577 : vector<1x16xf32> to vector<16xf32>
        %mul3A_2579 = vector.broadcast %squeeze3A_387 : f32 to vector<16xf32>
        %mul3A_2580 = arith.mulf %get3A_2578, %mul3A_2579 : vector<16xf32>
        %add3A_2581 = arith.addf %add3A_2572, %mul3A_2580 : vector<16xf32>
        %add3A_2582 = arith.constant 0 : i32
        %add3A_2583 = arith.addi %squeeze3A_209, %add3A_2582 : i32
        %get3A_2584 = arith.index_cast %add3A_2583 : i32 to index
        %get3A_2585 = arith.constant 0 : index
        %get3A_2586 = tpu.vector_load %arg10[%get3A_2584, %get3A_2585] {strides = array<i32>} : memref<162x16xf32, #tpu.memory_space<vmem>>, vector<1x16xf32>,
        %get3A_2587 = vector.shape_cast %get3A_2586 : vector<1x16xf32> to vector<16xf32>
        %mul3A_2588 = vector.broadcast %squeeze3A_389 : f32 to vector<16xf32>
        %mul3A_2589 = arith.mulf %get3A_2587, %mul3A_2588 : vector<16xf32>
        %add3A_2590 = arith.addf %add3A_2581, %mul3A_2589 : vector<16xf32>
        %add3A_2591 = arith.constant 0 : i32
        %add3A_2592 = arith.addi %squeeze3A_211, %add3A_2591 : i32
        %get3A_2593 = arith.index_cast %add3A_2592 : i32 to index
        %get3A_2594 = arith.constant 0 : index
        %get3A_2595 = tpu.vector_load %arg10[%get3A_2593, %get3A_2594] {strides = array<i32>} : memref<162x16xf32, #tpu.memory_space<vmem>>, vector<1x16xf32>,
        %get3A_2596 = vector.shape_cast %get3A_2595 : vector<1x16xf32> to vector<16xf32>
        %mul3A_2597 = vector.broadcast %squeeze3A_391 : f32 to vector<16xf32>
        %mul3A_2598 = arith.mulf %get3A_2596, %mul3A_2597 : vector<16xf32>
        %add3A_2599 = arith.addf %add3A_2590, %mul3A_2598 : vector<16xf32>
        %add3A_2600 = arith.constant 0 : i32
        %add3A_2601 = arith.addi %squeeze3A_213, %add3A_2600 : i32
        %get3A_2602 = arith.index_cast %add3A_2601 : i32 to index
        %get3A_2603 = arith.constant 0 : index
        %get3A_2604 = tpu.vector_load %arg10[%get3A_2602, %get3A_2603] {strides = array<i32>} : memref<162x16xf32, #tpu.memory_space<vmem>>, vector<1x16xf32>,
        %get3A_2605 = vector.shape_cast %get3A_2604 : vector<1x16xf32> to vector<16xf32>
        %mul3A_2606 = vector.broadcast %squeeze3A_393 : f32 to vector<16xf32>
        %mul3A_2607 = arith.mulf %get3A_2605, %mul3A_2606 : vector<16xf32>
        %add3A_2608 = arith.addf %add3A_2599, %mul3A_2607 : vector<16xf32>
        %add3A_2609 = arith.constant 0 : i32
        %add3A_2610 = arith.addi %squeeze3A_215, %add3A_2609 : i32
        %get3A_2611 = arith.index_cast %add3A_2610 : i32 to index
        %get3A_2612 = arith.constant 0 : index
        %get3A_2613 = tpu.vector_load %arg10[%get3A_2611, %get3A_2612] {strides = array<i32>} : memref<162x16xf32, #tpu.memory_space<vmem>>, vector<1x16xf32>,
        %get3A_2614 = vector.shape_cast %get3A_2613 : vector<1x16xf32> to vector<16xf32>
        %mul3A_2615 = vector.broadcast %squeeze3A_395 : f32 to vector<16xf32>
        %mul3A_2616 = arith.mulf %get3A_2614, %mul3A_2615 : vector<16xf32>
        %add3A_2617 = arith.addf %add3A_2608, %mul3A_2616 : vector<16xf32>
        %swap3A_2618 = arith.constant 8 : i32
        %swap3A_2619 = arith.index_cast %scan3A_411 : i32 to index
        %swap3A_2620 = arith.index_cast %swap3A_2618 : i32 to index
        %swap3A_2621 = arith.constant 0 : index
        %swap3A_2622 = tpu.vector_load %arg9[%swap3A_2619, %swap3A_2620, %swap3A_2621] {strides = array<i32>} : memref<128x9x32xf32, #tpu.memory_space<vmem>>, vector<1x1x16xf32>,
        %swap3A_2623 = vector.shape_cast %swap3A_2622 : vector<1x1x16xf32> to vector<16xf32>
        %swap3A_2624 = vector.shape_cast %add3A_2617 : vector<16xf32> to vector<1x1x16xf32>
        tpu.vector_store %arg9[%swap3A_2619, %swap3A_2620, %swap3A_2621], %swap3A_2624 {strides = array<i32>} : memref<128x9x32xf32, #tpu.memory_space<vmem>>, vector<1x1x16xf32>,
        %add3A_2625 = arith.constant 1 : i32
        %add3A_2626 = arith.addi %squeeze3A, %add3A_2625 : i32
        %get3A_2627 = arith.index_cast %add3A_2626 : i32 to index
        %get3A_2628 = arith.constant 0 : index
        %get3A_2629 = tpu.vector_load %arg10[%get3A_2627, %get3A_2628] {strides = array<i32>} : memref<162x16xf32, #tpu.memory_space<vmem>>, vector<1x16xf32>,
        %get3A_2630 = vector.shape_cast %get3A_2629 : vector<1x16xf32> to vector<16xf32>
        %mul3A_2631 = vector.broadcast %squeeze3A_217 : f32 to vector<16xf32>
        %mul3A_2632 = arith.mulf %get3A_2630, %mul3A_2631 : vector<16xf32>
        %add3A_2633 = arith.constant 1 : i32
        %add3A_2634 = arith.addi %squeeze3A_39, %add3A_2633 : i32
        %get3A_2635 = arith.index_cast %add3A_2634 : i32 to index
        %get3A_2636 = arith.constant 0 : index
        %get3A_2637 = tpu.vector_load %arg10[%get3A_2635, %get3A_2636] {strides = array<i32>} : memref<162x16xf32, #tpu.memory_space<vmem>>, vector<1x16xf32>,
        %get3A_2638 = vector.shape_cast %get3A_2637 : vector<1x16xf32> to vector<16xf32>
        %mul3A_2639 = vector.broadcast %squeeze3A_219 : f32 to vector<16xf32>
        %mul3A_2640 = arith.mulf %get3A_2638, %mul3A_2639 : vector<16xf32>
        %add3A_2641 = arith.addf %mul3A_2632, %mul3A_2640 : vector<16xf32>
        %add3A_2642 = arith.constant 1 : i32
        %add3A_2643 = arith.addi %squeeze3A_41, %add3A_2642 : i32
        %get3A_2644 = arith.index_cast %add3A_2643 : i32 to index
        %get3A_2645 = arith.constant 0 : index
        %get3A_2646 = tpu.vector_load %arg10[%get3A_2644, %get3A_2645] {strides = array<i32>} : memref<162x16xf32, #tpu.memory_space<vmem>>, vector<1x16xf32>,
        %get3A_2647 = vector.shape_cast %get3A_2646 : vector<1x16xf32> to vector<16xf32>
        %mul3A_2648 = vector.broadcast %squeeze3A_221 : f32 to vector<16xf32>
        %mul3A_2649 = arith.mulf %get3A_2647, %mul3A_2648 : vector<16xf32>
        %add3A_2650 = arith.addf %add3A_2641, %mul3A_2649 : vector<16xf32>
        %add3A_2651 = arith.constant 1 : i32
        %add3A_2652 = arith.addi %squeeze3A_43, %add3A_2651 : i32
        %get3A_2653 = arith.index_cast %add3A_2652 : i32 to index
        %get3A_2654 = arith.constant 0 : index
        %get3A_2655 = tpu.vector_load %arg10[%get3A_2653, %get3A_2654] {strides = array<i32>} : memref<162x16xf32, #tpu.memory_space<vmem>>, vector<1x16xf32>,
        %get3A_2656 = vector.shape_cast %get3A_2655 : vector<1x16xf32> to vector<16xf32>
        %mul3A_2657 = vector.broadcast %squeeze3A_223 : f32 to vector<16xf32>
        %mul3A_2658 = arith.mulf %get3A_2656, %mul3A_2657 : vector<16xf32>
        %add3A_2659 = arith.addf %add3A_2650, %mul3A_2658 : vector<16xf32>
        %add3A_2660 = arith.constant 1 : i32
        %add3A_2661 = arith.addi %squeeze3A_45, %add3A_2660 : i32
        %get3A_2662 = arith.index_cast %add3A_2661 : i32 to index
        %get3A_2663 = arith.constant 0 : index
        %get3A_2664 = tpu.vector_load %arg10[%get3A_2662, %get3A_2663] {strides = array<i32>} : memref<162x16xf32, #tpu.memory_space<vmem>>, vector<1x16xf32>,
        %get3A_2665 = vector.shape_cast %get3A_2664 : vector<1x16xf32> to vector<16xf32>
        %mul3A_2666 = vector.broadcast %squeeze3A_225 : f32 to vector<16xf32>
        %mul3A_2667 = arith.mulf %get3A_2665, %mul3A_2666 : vector<16xf32>
        %add3A_2668 = arith.addf %add3A_2659, %mul3A_2667 : vector<16xf32>
        %add3A_2669 = arith.constant 1 : i32
        %add3A_2670 = arith.addi %squeeze3A_47, %add3A_2669 : i32
        %get3A_2671 = arith.index_cast %add3A_2670 : i32 to index
        %get3A_2672 = arith.constant 0 : index
        %get3A_2673 = tpu.vector_load %arg10[%get3A_2671, %get3A_2672] {strides = array<i32>} : memref<162x16xf32, #tpu.memory_space<vmem>>, vector<1x16xf32>,
        %get3A_2674 = vector.shape_cast %get3A_2673 : vector<1x16xf32> to vector<16xf32>
        %mul3A_2675 = vector.broadcast %squeeze3A_227 : f32 to vector<16xf32>
        %mul3A_2676 = arith.mulf %get3A_2674, %mul3A_2675 : vector<16xf32>
        %add3A_2677 = arith.addf %add3A_2668, %mul3A_2676 : vector<16xf32>
        %swap3A_2678 = arith.constant 0 : i32
        %swap3A_2679 = arith.index_cast %scan3A_411 : i32 to index
        %swap3A_2680 = arith.index_cast %swap3A_2678 : i32 to index
        %swap3A_2681 = arith.constant 16 : index
        %swap3A_2682 = tpu.vector_load %arg9[%swap3A_2679, %swap3A_2680, %swap3A_2681] {strides = array<i32>} : memref<128x9x32xf32, #tpu.memory_space<vmem>>, vector<1x1x16xf32>,
        %swap3A_2683 = vector.shape_cast %swap3A_2682 : vector<1x1x16xf32> to vector<16xf32>
        %swap3A_2684 = vector.shape_cast %add3A_2677 : vector<16xf32> to vector<1x1x16xf32>
        tpu.vector_store %arg9[%swap3A_2679, %swap3A_2680, %swap3A_2681], %swap3A_2684 {strides = array<i32>} : memref<128x9x32xf32, #tpu.memory_space<vmem>>, vector<1x1x16xf32>,
        %add3A_2685 = arith.constant 1 : i32
        %add3A_2686 = arith.addi %squeeze3A_49, %add3A_2685 : i32
        %get3A_2687 = arith.index_cast %add3A_2686 : i32 to index
        %get3A_2688 = arith.constant 0 : index
        %get3A_2689 = tpu.vector_load %arg10[%get3A_2687, %get3A_2688] {strides = array<i32>} : memref<162x16xf32, #tpu.memory_space<vmem>>, vector<1x16xf32>,
        %get3A_2690 = vector.shape_cast %get3A_2689 : vector<1x16xf32> to vector<16xf32>
        %mul3A_2691 = vector.broadcast %squeeze3A_229 : f32 to vector<16xf32>
        %mul3A_2692 = arith.mulf %get3A_2690, %mul3A_2691 : vector<16xf32>
        %add3A_2693 = arith.constant 1 : i32
        %add3A_2694 = arith.addi %squeeze3A_51, %add3A_2693 : i32
        %get3A_2695 = arith.index_cast %add3A_2694 : i32 to index
        %get3A_2696 = arith.constant 0 : index
        %get3A_2697 = tpu.vector_load %arg10[%get3A_2695, %get3A_2696] {strides = array<i32>} : memref<162x16xf32, #tpu.memory_space<vmem>>, vector<1x16xf32>,
        %get3A_2698 = vector.shape_cast %get3A_2697 : vector<1x16xf32> to vector<16xf32>
        %mul3A_2699 = vector.broadcast %squeeze3A_231 : f32 to vector<16xf32>
        %mul3A_2700 = arith.mulf %get3A_2698, %mul3A_2699 : vector<16xf32>
        %add3A_2701 = arith.addf %mul3A_2692, %mul3A_2700 : vector<16xf32>
        %add3A_2702 = arith.constant 1 : i32
        %add3A_2703 = arith.addi %squeeze3A_53, %add3A_2702 : i32
        %get3A_2704 = arith.index_cast %add3A_2703 : i32 to index
        %get3A_2705 = arith.constant 0 : index
        %get3A_2706 = tpu.vector_load %arg10[%get3A_2704, %get3A_2705] {strides = array<i32>} : memref<162x16xf32, #tpu.memory_space<vmem>>, vector<1x16xf32>,
        %get3A_2707 = vector.shape_cast %get3A_2706 : vector<1x16xf32> to vector<16xf32>
        %mul3A_2708 = vector.broadcast %squeeze3A_233 : f32 to vector<16xf32>
        %mul3A_2709 = arith.mulf %get3A_2707, %mul3A_2708 : vector<16xf32>
        %add3A_2710 = arith.addf %add3A_2701, %mul3A_2709 : vector<16xf32>
        %add3A_2711 = arith.constant 1 : i32
        %add3A_2712 = arith.addi %squeeze3A_55, %add3A_2711 : i32
        %get3A_2713 = arith.index_cast %add3A_2712 : i32 to index
        %get3A_2714 = arith.constant 0 : index
        %get3A_2715 = tpu.vector_load %arg10[%get3A_2713, %get3A_2714] {strides = array<i32>} : memref<162x16xf32, #tpu.memory_space<vmem>>, vector<1x16xf32>,
        %get3A_2716 = vector.shape_cast %get3A_2715 : vector<1x16xf32> to vector<16xf32>
        %mul3A_2717 = vector.broadcast %squeeze3A_235 : f32 to vector<16xf32>
        %mul3A_2718 = arith.mulf %get3A_2716, %mul3A_2717 : vector<16xf32>
        %add3A_2719 = arith.addf %add3A_2710, %mul3A_2718 : vector<16xf32>
        %add3A_2720 = arith.constant 1 : i32
        %add3A_2721 = arith.addi %squeeze3A_57, %add3A_2720 : i32
        %get3A_2722 = arith.index_cast %add3A_2721 : i32 to index
        %get3A_2723 = arith.constant 0 : index
        %get3A_2724 = tpu.vector_load %arg10[%get3A_2722, %get3A_2723] {strides = array<i32>} : memref<162x16xf32, #tpu.memory_space<vmem>>, vector<1x16xf32>,
        %get3A_2725 = vector.shape_cast %get3A_2724 : vector<1x16xf32> to vector<16xf32>
        %mul3A_2726 = vector.broadcast %squeeze3A_237 : f32 to vector<16xf32>
        %mul3A_2727 = arith.mulf %get3A_2725, %mul3A_2726 : vector<16xf32>
        %add3A_2728 = arith.addf %add3A_2719, %mul3A_2727 : vector<16xf32>
        %add3A_2729 = arith.constant 1 : i32
        %add3A_2730 = arith.addi %squeeze3A_59, %add3A_2729 : i32
        %get3A_2731 = arith.index_cast %add3A_2730 : i32 to index
        %get3A_2732 = arith.constant 0 : index
        %get3A_2733 = tpu.vector_load %arg10[%get3A_2731, %get3A_2732] {strides = array<i32>} : memref<162x16xf32, #tpu.memory_space<vmem>>, vector<1x16xf32>,
        %get3A_2734 = vector.shape_cast %get3A_2733 : vector<1x16xf32> to vector<16xf32>
        %mul3A_2735 = vector.broadcast %squeeze3A_239 : f32 to vector<16xf32>
        %mul3A_2736 = arith.mulf %get3A_2734, %mul3A_2735 : vector<16xf32>
        %add3A_2737 = arith.addf %add3A_2728, %mul3A_2736 : vector<16xf32>
        %add3A_2738 = arith.constant 1 : i32
        %add3A_2739 = arith.addi %squeeze3A_61, %add3A_2738 : i32
        %get3A_2740 = arith.index_cast %add3A_2739 : i32 to index
        %get3A_2741 = arith.constant 0 : index
        %get3A_2742 = tpu.vector_load %arg10[%get3A_2740, %get3A_2741] {strides = array<i32>} : memref<162x16xf32, #tpu.memory_space<vmem>>, vector<1x16xf32>,
        %get3A_2743 = vector.shape_cast %get3A_2742 : vector<1x16xf32> to vector<16xf32>
        %mul3A_2744 = vector.broadcast %squeeze3A_241 : f32 to vector<16xf32>
        %mul3A_2745 = arith.mulf %get3A_2743, %mul3A_2744 : vector<16xf32>
        %add3A_2746 = arith.addf %add3A_2737, %mul3A_2745 : vector<16xf32>
        %add3A_2747 = arith.constant 1 : i32
        %add3A_2748 = arith.addi %squeeze3A_63, %add3A_2747 : i32
        %get3A_2749 = arith.index_cast %add3A_2748 : i32 to index
        %get3A_2750 = arith.constant 0 : index
        %get3A_2751 = tpu.vector_load %arg10[%get3A_2749, %get3A_2750] {strides = array<i32>} : memref<162x16xf32, #tpu.memory_space<vmem>>, vector<1x16xf32>,
        %get3A_2752 = vector.shape_cast %get3A_2751 : vector<1x16xf32> to vector<16xf32>
        %mul3A_2753 = vector.broadcast %squeeze3A_243 : f32 to vector<16xf32>
        %mul3A_2754 = arith.mulf %get3A_2752, %mul3A_2753 : vector<16xf32>
        %add3A_2755 = arith.addf %add3A_2746, %mul3A_2754 : vector<16xf32>
        %swap3A_2756 = arith.constant 1 : i32
        %swap3A_2757 = arith.index_cast %scan3A_411 : i32 to index
        %swap3A_2758 = arith.index_cast %swap3A_2756 : i32 to index
        %swap3A_2759 = arith.constant 16 : index
        %swap3A_2760 = tpu.vector_load %arg9[%swap3A_2757, %swap3A_2758, %swap3A_2759] {strides = array<i32>} : memref<128x9x32xf32, #tpu.memory_space<vmem>>, vector<1x1x16xf32>,
        %swap3A_2761 = vector.shape_cast %swap3A_2760 : vector<1x1x16xf32> to vector<16xf32>
        %swap3A_2762 = vector.shape_cast %add3A_2755 : vector<16xf32> to vector<1x1x16xf32>
        tpu.vector_store %arg9[%swap3A_2757, %swap3A_2758, %swap3A_2759], %swap3A_2762 {strides = array<i32>} : memref<128x9x32xf32, #tpu.memory_space<vmem>>, vector<1x1x16xf32>,
        %add3A_2763 = arith.constant 1 : i32
        %add3A_2764 = arith.addi %squeeze3A_65, %add3A_2763 : i32
        %get3A_2765 = arith.index_cast %add3A_2764 : i32 to index
        %get3A_2766 = arith.constant 0 : index
        %get3A_2767 = tpu.vector_load %arg10[%get3A_2765, %get3A_2766] {strides = array<i32>} : memref<162x16xf32, #tpu.memory_space<vmem>>, vector<1x16xf32>,
        %get3A_2768 = vector.shape_cast %get3A_2767 : vector<1x16xf32> to vector<16xf32>
        %mul3A_2769 = vector.broadcast %squeeze3A_245 : f32 to vector<16xf32>
        %mul3A_2770 = arith.mulf %get3A_2768, %mul3A_2769 : vector<16xf32>
        %add3A_2771 = arith.constant 1 : i32
        %add3A_2772 = arith.addi %squeeze3A_67, %add3A_2771 : i32
        %get3A_2773 = arith.index_cast %add3A_2772 : i32 to index
        %get3A_2774 = arith.constant 0 : index
        %get3A_2775 = tpu.vector_load %arg10[%get3A_2773, %get3A_2774] {strides = array<i32>} : memref<162x16xf32, #tpu.memory_space<vmem>>, vector<1x16xf32>,
        %get3A_2776 = vector.shape_cast %get3A_2775 : vector<1x16xf32> to vector<16xf32>
        %mul3A_2777 = vector.broadcast %squeeze3A_247 : f32 to vector<16xf32>
        %mul3A_2778 = arith.mulf %get3A_2776, %mul3A_2777 : vector<16xf32>
        %add3A_2779 = arith.addf %mul3A_2770, %mul3A_2778 : vector<16xf32>
        %add3A_2780 = arith.constant 1 : i32
        %add3A_2781 = arith.addi %squeeze3A_69, %add3A_2780 : i32
        %get3A_2782 = arith.index_cast %add3A_2781 : i32 to index
        %get3A_2783 = arith.constant 0 : index
        %get3A_2784 = tpu.vector_load %arg10[%get3A_2782, %get3A_2783] {strides = array<i32>} : memref<162x16xf32, #tpu.memory_space<vmem>>, vector<1x16xf32>,
        %get3A_2785 = vector.shape_cast %get3A_2784 : vector<1x16xf32> to vector<16xf32>
        %mul3A_2786 = vector.broadcast %squeeze3A_249 : f32 to vector<16xf32>
        %mul3A_2787 = arith.mulf %get3A_2785, %mul3A_2786 : vector<16xf32>
        %add3A_2788 = arith.addf %add3A_2779, %mul3A_2787 : vector<16xf32>
        %add3A_2789 = arith.constant 1 : i32
        %add3A_2790 = arith.addi %squeeze3A_71, %add3A_2789 : i32
        %get3A_2791 = arith.index_cast %add3A_2790 : i32 to index
        %get3A_2792 = arith.constant 0 : index
        %get3A_2793 = tpu.vector_load %arg10[%get3A_2791, %get3A_2792] {strides = array<i32>} : memref<162x16xf32, #tpu.memory_space<vmem>>, vector<1x16xf32>,
        %get3A_2794 = vector.shape_cast %get3A_2793 : vector<1x16xf32> to vector<16xf32>
        %mul3A_2795 = vector.broadcast %squeeze3A_251 : f32 to vector<16xf32>
        %mul3A_2796 = arith.mulf %get3A_2794, %mul3A_2795 : vector<16xf32>
        %add3A_2797 = arith.addf %add3A_2788, %mul3A_2796 : vector<16xf32>
        %add3A_2798 = arith.constant 1 : i32
        %add3A_2799 = arith.addi %squeeze3A_73, %add3A_2798 : i32
        %get3A_2800 = arith.index_cast %add3A_2799 : i32 to index
        %get3A_2801 = arith.constant 0 : index
        %get3A_2802 = tpu.vector_load %arg10[%get3A_2800, %get3A_2801] {strides = array<i32>} : memref<162x16xf32, #tpu.memory_space<vmem>>, vector<1x16xf32>,
        %get3A_2803 = vector.shape_cast %get3A_2802 : vector<1x16xf32> to vector<16xf32>
        %mul3A_2804 = vector.broadcast %squeeze3A_253 : f32 to vector<16xf32>
        %mul3A_2805 = arith.mulf %get3A_2803, %mul3A_2804 : vector<16xf32>
        %add3A_2806 = arith.addf %add3A_2797, %mul3A_2805 : vector<16xf32>
        %add3A_2807 = arith.constant 1 : i32
        %add3A_2808 = arith.addi %squeeze3A_75, %add3A_2807 : i32
        %get3A_2809 = arith.index_cast %add3A_2808 : i32 to index
        %get3A_2810 = arith.constant 0 : index
        %get3A_2811 = tpu.vector_load %arg10[%get3A_2809, %get3A_2810] {strides = array<i32>} : memref<162x16xf32, #tpu.memory_space<vmem>>, vector<1x16xf32>,
        %get3A_2812 = vector.shape_cast %get3A_2811 : vector<1x16xf32> to vector<16xf32>
        %mul3A_2813 = vector.broadcast %squeeze3A_255 : f32 to vector<16xf32>
        %mul3A_2814 = arith.mulf %get3A_2812, %mul3A_2813 : vector<16xf32>
        %add3A_2815 = arith.addf %add3A_2806, %mul3A_2814 : vector<16xf32>
        %add3A_2816 = arith.constant 1 : i32
        %add3A_2817 = arith.addi %squeeze3A_77, %add3A_2816 : i32
        %get3A_2818 = arith.index_cast %add3A_2817 : i32 to index
        %get3A_2819 = arith.constant 0 : index
        %get3A_2820 = tpu.vector_load %arg10[%get3A_2818, %get3A_2819] {strides = array<i32>} : memref<162x16xf32, #tpu.memory_space<vmem>>, vector<1x16xf32>,
        %get3A_2821 = vector.shape_cast %get3A_2820 : vector<1x16xf32> to vector<16xf32>
        %mul3A_2822 = vector.broadcast %squeeze3A_257 : f32 to vector<16xf32>
        %mul3A_2823 = arith.mulf %get3A_2821, %mul3A_2822 : vector<16xf32>
        %add3A_2824 = arith.addf %add3A_2815, %mul3A_2823 : vector<16xf32>
        %add3A_2825 = arith.constant 1 : i32
        %add3A_2826 = arith.addi %squeeze3A_79, %add3A_2825 : i32
        %get3A_2827 = arith.index_cast %add3A_2826 : i32 to index
        %get3A_2828 = arith.constant 0 : index
        %get3A_2829 = tpu.vector_load %arg10[%get3A_2827, %get3A_2828] {strides = array<i32>} : memref<162x16xf32, #tpu.memory_space<vmem>>, vector<1x16xf32>,
        %get3A_2830 = vector.shape_cast %get3A_2829 : vector<1x16xf32> to vector<16xf32>
        %mul3A_2831 = vector.broadcast %squeeze3A_259 : f32 to vector<16xf32>
        %mul3A_2832 = arith.mulf %get3A_2830, %mul3A_2831 : vector<16xf32>
        %add3A_2833 = arith.addf %add3A_2824, %mul3A_2832 : vector<16xf32>
        %add3A_2834 = arith.constant 1 : i32
        %add3A_2835 = arith.addi %squeeze3A_81, %add3A_2834 : i32
        %get3A_2836 = arith.index_cast %add3A_2835 : i32 to index
        %get3A_2837 = arith.constant 0 : index
        %get3A_2838 = tpu.vector_load %arg10[%get3A_2836, %get3A_2837] {strides = array<i32>} : memref<162x16xf32, #tpu.memory_space<vmem>>, vector<1x16xf32>,
        %get3A_2839 = vector.shape_cast %get3A_2838 : vector<1x16xf32> to vector<16xf32>
        %mul3A_2840 = vector.broadcast %squeeze3A_261 : f32 to vector<16xf32>
        %mul3A_2841 = arith.mulf %get3A_2839, %mul3A_2840 : vector<16xf32>
        %add3A_2842 = arith.addf %add3A_2833, %mul3A_2841 : vector<16xf32>
        %add3A_2843 = arith.constant 1 : i32
        %add3A_2844 = arith.addi %squeeze3A_83, %add3A_2843 : i32
        %get3A_2845 = arith.index_cast %add3A_2844 : i32 to index
        %get3A_2846 = arith.constant 0 : index
        %get3A_2847 = tpu.vector_load %arg10[%get3A_2845, %get3A_2846] {strides = array<i32>} : memref<162x16xf32, #tpu.memory_space<vmem>>, vector<1x16xf32>,
        %get3A_2848 = vector.shape_cast %get3A_2847 : vector<1x16xf32> to vector<16xf32>
        %mul3A_2849 = vector.broadcast %squeeze3A_263 : f32 to vector<16xf32>
        %mul3A_2850 = arith.mulf %get3A_2848, %mul3A_2849 : vector<16xf32>
        %add3A_2851 = arith.addf %add3A_2842, %mul3A_2850 : vector<16xf32>
        %swap3A_2852 = arith.constant 2 : i32
        %swap3A_2853 = arith.index_cast %scan3A_411 : i32 to index
        %swap3A_2854 = arith.index_cast %swap3A_2852 : i32 to index
        %swap3A_2855 = arith.constant 16 : index
        %swap3A_2856 = tpu.vector_load %arg9[%swap3A_2853, %swap3A_2854, %swap3A_2855] {strides = array<i32>} : memref<128x9x32xf32, #tpu.memory_space<vmem>>, vector<1x1x16xf32>,
        %swap3A_2857 = vector.shape_cast %swap3A_2856 : vector<1x1x16xf32> to vector<16xf32>
        %swap3A_2858 = vector.shape_cast %add3A_2851 : vector<16xf32> to vector<1x1x16xf32>
        tpu.vector_store %arg9[%swap3A_2853, %swap3A_2854, %swap3A_2855], %swap3A_2858 {strides = array<i32>} : memref<128x9x32xf32, #tpu.memory_space<vmem>>, vector<1x1x16xf32>,
        %add3A_2859 = arith.constant 1 : i32
        %add3A_2860 = arith.addi %squeeze3A_85, %add3A_2859 : i32
        %get3A_2861 = arith.index_cast %add3A_2860 : i32 to index
        %get3A_2862 = arith.constant 0 : index
        %get3A_2863 = tpu.vector_load %arg10[%get3A_2861, %get3A_2862] {strides = array<i32>} : memref<162x16xf32, #tpu.memory_space<vmem>>, vector<1x16xf32>,
        %get3A_2864 = vector.shape_cast %get3A_2863 : vector<1x16xf32> to vector<16xf32>
        %mul3A_2865 = vector.broadcast %squeeze3A_265 : f32 to vector<16xf32>
        %mul3A_2866 = arith.mulf %get3A_2864, %mul3A_2865 : vector<16xf32>
        %add3A_2867 = arith.constant 1 : i32
        %add3A_2868 = arith.addi %squeeze3A_87, %add3A_2867 : i32
        %get3A_2869 = arith.index_cast %add3A_2868 : i32 to index
        %get3A_2870 = arith.constant 0 : index
        %get3A_2871 = tpu.vector_load %arg10[%get3A_2869, %get3A_2870] {strides = array<i32>} : memref<162x16xf32, #tpu.memory_space<vmem>>, vector<1x16xf32>,
        %get3A_2872 = vector.shape_cast %get3A_2871 : vector<1x16xf32> to vector<16xf32>
        %mul3A_2873 = vector.broadcast %squeeze3A_267 : f32 to vector<16xf32>
        %mul3A_2874 = arith.mulf %get3A_2872, %mul3A_2873 : vector<16xf32>
        %add3A_2875 = arith.addf %mul3A_2866, %mul3A_2874 : vector<16xf32>
        %add3A_2876 = arith.constant 1 : i32
        %add3A_2877 = arith.addi %squeeze3A_89, %add3A_2876 : i32
        %get3A_2878 = arith.index_cast %add3A_2877 : i32 to index
        %get3A_2879 = arith.constant 0 : index
        %get3A_2880 = tpu.vector_load %arg10[%get3A_2878, %get3A_2879] {strides = array<i32>} : memref<162x16xf32, #tpu.memory_space<vmem>>, vector<1x16xf32>,
        %get3A_2881 = vector.shape_cast %get3A_2880 : vector<1x16xf32> to vector<16xf32>
        %mul3A_2882 = vector.broadcast %squeeze3A_269 : f32 to vector<16xf32>
        %mul3A_2883 = arith.mulf %get3A_2881, %mul3A_2882 : vector<16xf32>
        %add3A_2884 = arith.addf %add3A_2875, %mul3A_2883 : vector<16xf32>
        %add3A_2885 = arith.constant 1 : i32
        %add3A_2886 = arith.addi %squeeze3A_91, %add3A_2885 : i32
        %get3A_2887 = arith.index_cast %add3A_2886 : i32 to index
        %get3A_2888 = arith.constant 0 : index
        %get3A_2889 = tpu.vector_load %arg10[%get3A_2887, %get3A_2888] {strides = array<i32>} : memref<162x16xf32, #tpu.memory_space<vmem>>, vector<1x16xf32>,
        %get3A_2890 = vector.shape_cast %get3A_2889 : vector<1x16xf32> to vector<16xf32>
        %mul3A_2891 = vector.broadcast %squeeze3A_271 : f32 to vector<16xf32>
        %mul3A_2892 = arith.mulf %get3A_2890, %mul3A_2891 : vector<16xf32>
        %add3A_2893 = arith.addf %add3A_2884, %mul3A_2892 : vector<16xf32>
        %add3A_2894 = arith.constant 1 : i32
        %add3A_2895 = arith.addi %squeeze3A_93, %add3A_2894 : i32
        %get3A_2896 = arith.index_cast %add3A_2895 : i32 to index
        %get3A_2897 = arith.constant 0 : index
        %get3A_2898 = tpu.vector_load %arg10[%get3A_2896, %get3A_2897] {strides = array<i32>} : memref<162x16xf32, #tpu.memory_space<vmem>>, vector<1x16xf32>,
        %get3A_2899 = vector.shape_cast %get3A_2898 : vector<1x16xf32> to vector<16xf32>
        %mul3A_2900 = vector.broadcast %squeeze3A_273 : f32 to vector<16xf32>
        %mul3A_2901 = arith.mulf %get3A_2899, %mul3A_2900 : vector<16xf32>
        %add3A_2902 = arith.addf %add3A_2893, %mul3A_2901 : vector<16xf32>
        %add3A_2903 = arith.constant 1 : i32
        %add3A_2904 = arith.addi %squeeze3A_95, %add3A_2903 : i32
        %get3A_2905 = arith.index_cast %add3A_2904 : i32 to index
        %get3A_2906 = arith.constant 0 : index
        %get3A_2907 = tpu.vector_load %arg10[%get3A_2905, %get3A_2906] {strides = array<i32>} : memref<162x16xf32, #tpu.memory_space<vmem>>, vector<1x16xf32>,
        %get3A_2908 = vector.shape_cast %get3A_2907 : vector<1x16xf32> to vector<16xf32>
        %mul3A_2909 = vector.broadcast %squeeze3A_275 : f32 to vector<16xf32>
        %mul3A_2910 = arith.mulf %get3A_2908, %mul3A_2909 : vector<16xf32>
        %add3A_2911 = arith.addf %add3A_2902, %mul3A_2910 : vector<16xf32>
        %add3A_2912 = arith.constant 1 : i32
        %add3A_2913 = arith.addi %squeeze3A_97, %add3A_2912 : i32
        %get3A_2914 = arith.index_cast %add3A_2913 : i32 to index
        %get3A_2915 = arith.constant 0 : index
        %get3A_2916 = tpu.vector_load %arg10[%get3A_2914, %get3A_2915] {strides = array<i32>} : memref<162x16xf32, #tpu.memory_space<vmem>>, vector<1x16xf32>,
        %get3A_2917 = vector.shape_cast %get3A_2916 : vector<1x16xf32> to vector<16xf32>
        %mul3A_2918 = vector.broadcast %squeeze3A_277 : f32 to vector<16xf32>
        %mul3A_2919 = arith.mulf %get3A_2917, %mul3A_2918 : vector<16xf32>
        %add3A_2920 = arith.addf %add3A_2911, %mul3A_2919 : vector<16xf32>
        %add3A_2921 = arith.constant 1 : i32
        %add3A_2922 = arith.addi %squeeze3A_99, %add3A_2921 : i32
        %get3A_2923 = arith.index_cast %add3A_2922 : i32 to index
        %get3A_2924 = arith.constant 0 : index
        %get3A_2925 = tpu.vector_load %arg10[%get3A_2923, %get3A_2924] {strides = array<i32>} : memref<162x16xf32, #tpu.memory_space<vmem>>, vector<1x16xf32>,
        %get3A_2926 = vector.shape_cast %get3A_2925 : vector<1x16xf32> to vector<16xf32>
        %mul3A_2927 = vector.broadcast %squeeze3A_279 : f32 to vector<16xf32>
        %mul3A_2928 = arith.mulf %get3A_2926, %mul3A_2927 : vector<16xf32>
        %add3A_2929 = arith.addf %add3A_2920, %mul3A_2928 : vector<16xf32>
        %add3A_2930 = arith.constant 1 : i32
        %add3A_2931 = arith.addi %squeeze3A_101, %add3A_2930 : i32
        %get3A_2932 = arith.index_cast %add3A_2931 : i32 to index
        %get3A_2933 = arith.constant 0 : index
        %get3A_2934 = tpu.vector_load %arg10[%get3A_2932, %get3A_2933] {strides = array<i32>} : memref<162x16xf32, #tpu.memory_space<vmem>>, vector<1x16xf32>,
        %get3A_2935 = vector.shape_cast %get3A_2934 : vector<1x16xf32> to vector<16xf32>
        %mul3A_2936 = vector.broadcast %squeeze3A_281 : f32 to vector<16xf32>
        %mul3A_2937 = arith.mulf %get3A_2935, %mul3A_2936 : vector<16xf32>
        %add3A_2938 = arith.addf %add3A_2929, %mul3A_2937 : vector<16xf32>
        %add3A_2939 = arith.constant 1 : i32
        %add3A_2940 = arith.addi %squeeze3A_103, %add3A_2939 : i32
        %get3A_2941 = arith.index_cast %add3A_2940 : i32 to index
        %get3A_2942 = arith.constant 0 : index
        %get3A_2943 = tpu.vector_load %arg10[%get3A_2941, %get3A_2942] {strides = array<i32>} : memref<162x16xf32, #tpu.memory_space<vmem>>, vector<1x16xf32>,
        %get3A_2944 = vector.shape_cast %get3A_2943 : vector<1x16xf32> to vector<16xf32>
        %mul3A_2945 = vector.broadcast %squeeze3A_283 : f32 to vector<16xf32>
        %mul3A_2946 = arith.mulf %get3A_2944, %mul3A_2945 : vector<16xf32>
        %add3A_2947 = arith.addf %add3A_2938, %mul3A_2946 : vector<16xf32>
        %add3A_2948 = arith.constant 1 : i32
        %add3A_2949 = arith.addi %squeeze3A_105, %add3A_2948 : i32
        %get3A_2950 = arith.index_cast %add3A_2949 : i32 to index
        %get3A_2951 = arith.constant 0 : index
        %get3A_2952 = tpu.vector_load %arg10[%get3A_2950, %get3A_2951] {strides = array<i32>} : memref<162x16xf32, #tpu.memory_space<vmem>>, vector<1x16xf32>,
        %get3A_2953 = vector.shape_cast %get3A_2952 : vector<1x16xf32> to vector<16xf32>
        %mul3A_2954 = vector.broadcast %squeeze3A_285 : f32 to vector<16xf32>
        %mul3A_2955 = arith.mulf %get3A_2953, %mul3A_2954 : vector<16xf32>
        %add3A_2956 = arith.addf %add3A_2947, %mul3A_2955 : vector<16xf32>
        %add3A_2957 = arith.constant 1 : i32
        %add3A_2958 = arith.addi %squeeze3A_107, %add3A_2957 : i32
        %get3A_2959 = arith.index_cast %add3A_2958 : i32 to index
        %get3A_2960 = arith.constant 0 : index
        %get3A_2961 = tpu.vector_load %arg10[%get3A_2959, %get3A_2960] {strides = array<i32>} : memref<162x16xf32, #tpu.memory_space<vmem>>, vector<1x16xf32>,
        %get3A_2962 = vector.shape_cast %get3A_2961 : vector<1x16xf32> to vector<16xf32>
        %mul3A_2963 = vector.broadcast %squeeze3A_287 : f32 to vector<16xf32>
        %mul3A_2964 = arith.mulf %get3A_2962, %mul3A_2963 : vector<16xf32>
        %add3A_2965 = arith.addf %add3A_2956, %mul3A_2964 : vector<16xf32>
        %swap3A_2966 = arith.constant 3 : i32
        %swap3A_2967 = arith.index_cast %scan3A_411 : i32 to index
        %swap3A_2968 = arith.index_cast %swap3A_2966 : i32 to index
        %swap3A_2969 = arith.constant 16 : index
        %swap3A_2970 = tpu.vector_load %arg9[%swap3A_2967, %swap3A_2968, %swap3A_2969] {strides = array<i32>} : memref<128x9x32xf32, #tpu.memory_space<vmem>>, vector<1x1x16xf32>,
        %swap3A_2971 = vector.shape_cast %swap3A_2970 : vector<1x1x16xf32> to vector<16xf32>
        %swap3A_2972 = vector.shape_cast %add3A_2965 : vector<16xf32> to vector<1x1x16xf32>
        tpu.vector_store %arg9[%swap3A_2967, %swap3A_2968, %swap3A_2969], %swap3A_2972 {strides = array<i32>} : memref<128x9x32xf32, #tpu.memory_space<vmem>>, vector<1x1x16xf32>,
        %add3A_2973 = arith.constant 1 : i32
        %add3A_2974 = arith.addi %squeeze3A_109, %add3A_2973 : i32
        %get3A_2975 = arith.index_cast %add3A_2974 : i32 to index
        %get3A_2976 = arith.constant 0 : index
        %get3A_2977 = tpu.vector_load %arg10[%get3A_2975, %get3A_2976] {strides = array<i32>} : memref<162x16xf32, #tpu.memory_space<vmem>>, vector<1x16xf32>,
        %get3A_2978 = vector.shape_cast %get3A_2977 : vector<1x16xf32> to vector<16xf32>
        %mul3A_2979 = vector.broadcast %squeeze3A_289 : f32 to vector<16xf32>
        %mul3A_2980 = arith.mulf %get3A_2978, %mul3A_2979 : vector<16xf32>
        %add3A_2981 = arith.constant 1 : i32
        %add3A_2982 = arith.addi %squeeze3A_111, %add3A_2981 : i32
        %get3A_2983 = arith.index_cast %add3A_2982 : i32 to index
        %get3A_2984 = arith.constant 0 : index
        %get3A_2985 = tpu.vector_load %arg10[%get3A_2983, %get3A_2984] {strides = array<i32>} : memref<162x16xf32, #tpu.memory_space<vmem>>, vector<1x16xf32>,
        %get3A_2986 = vector.shape_cast %get3A_2985 : vector<1x16xf32> to vector<16xf32>
        %mul3A_2987 = vector.broadcast %squeeze3A_291 : f32 to vector<16xf32>
        %mul3A_2988 = arith.mulf %get3A_2986, %mul3A_2987 : vector<16xf32>
        %add3A_2989 = arith.addf %mul3A_2980, %mul3A_2988 : vector<16xf32>
        %add3A_2990 = arith.constant 1 : i32
        %add3A_2991 = arith.addi %squeeze3A_113, %add3A_2990 : i32
        %get3A_2992 = arith.index_cast %add3A_2991 : i32 to index
        %get3A_2993 = arith.constant 0 : index
        %get3A_2994 = tpu.vector_load %arg10[%get3A_2992, %get3A_2993] {strides = array<i32>} : memref<162x16xf32, #tpu.memory_space<vmem>>, vector<1x16xf32>,
        %get3A_2995 = vector.shape_cast %get3A_2994 : vector<1x16xf32> to vector<16xf32>
        %mul3A_2996 = vector.broadcast %squeeze3A_293 : f32 to vector<16xf32>
        %mul3A_2997 = arith.mulf %get3A_2995, %mul3A_2996 : vector<16xf32>
        %add3A_2998 = arith.addf %add3A_2989, %mul3A_2997 : vector<16xf32>
        %add3A_2999 = arith.constant 1 : i32
        %add3A_3000 = arith.addi %squeeze3A_115, %add3A_2999 : i32
        %get3A_3001 = arith.index_cast %add3A_3000 : i32 to index
        %get3A_3002 = arith.constant 0 : index
        %get3A_3003 = tpu.vector_load %arg10[%get3A_3001, %get3A_3002] {strides = array<i32>} : memref<162x16xf32, #tpu.memory_space<vmem>>, vector<1x16xf32>,
        %get3A_3004 = vector.shape_cast %get3A_3003 : vector<1x16xf32> to vector<16xf32>
        %mul3A_3005 = vector.broadcast %squeeze3A_295 : f32 to vector<16xf32>
        %mul3A_3006 = arith.mulf %get3A_3004, %mul3A_3005 : vector<16xf32>
        %add3A_3007 = arith.addf %add3A_2998, %mul3A_3006 : vector<16xf32>
        %add3A_3008 = arith.constant 1 : i32
        %add3A_3009 = arith.addi %squeeze3A_117, %add3A_3008 : i32
        %get3A_3010 = arith.index_cast %add3A_3009 : i32 to index
        %get3A_3011 = arith.constant 0 : index
        %get3A_3012 = tpu.vector_load %arg10[%get3A_3010, %get3A_3011] {strides = array<i32>} : memref<162x16xf32, #tpu.memory_space<vmem>>, vector<1x16xf32>,
        %get3A_3013 = vector.shape_cast %get3A_3012 : vector<1x16xf32> to vector<16xf32>
        %mul3A_3014 = vector.broadcast %squeeze3A_297 : f32 to vector<16xf32>
        %mul3A_3015 = arith.mulf %get3A_3013, %mul3A_3014 : vector<16xf32>
        %add3A_3016 = arith.addf %add3A_3007, %mul3A_3015 : vector<16xf32>
        %add3A_3017 = arith.constant 1 : i32
        %add3A_3018 = arith.addi %squeeze3A_119, %add3A_3017 : i32
        %get3A_3019 = arith.index_cast %add3A_3018 : i32 to index
        %get3A_3020 = arith.constant 0 : index
        %get3A_3021 = tpu.vector_load %arg10[%get3A_3019, %get3A_3020] {strides = array<i32>} : memref<162x16xf32, #tpu.memory_space<vmem>>, vector<1x16xf32>,
        %get3A_3022 = vector.shape_cast %get3A_3021 : vector<1x16xf32> to vector<16xf32>
        %mul3A_3023 = vector.broadcast %squeeze3A_299 : f32 to vector<16xf32>
        %mul3A_3024 = arith.mulf %get3A_3022, %mul3A_3023 : vector<16xf32>
        %add3A_3025 = arith.addf %add3A_3016, %mul3A_3024 : vector<16xf32>
        %add3A_3026 = arith.constant 1 : i32
        %add3A_3027 = arith.addi %squeeze3A_121, %add3A_3026 : i32
        %get3A_3028 = arith.index_cast %add3A_3027 : i32 to index
        %get3A_3029 = arith.constant 0 : index
        %get3A_3030 = tpu.vector_load %arg10[%get3A_3028, %get3A_3029] {strides = array<i32>} : memref<162x16xf32, #tpu.memory_space<vmem>>, vector<1x16xf32>,
        %get3A_3031 = vector.shape_cast %get3A_3030 : vector<1x16xf32> to vector<16xf32>
        %mul3A_3032 = vector.broadcast %squeeze3A_301 : f32 to vector<16xf32>
        %mul3A_3033 = arith.mulf %get3A_3031, %mul3A_3032 : vector<16xf32>
        %add3A_3034 = arith.addf %add3A_3025, %mul3A_3033 : vector<16xf32>
        %add3A_3035 = arith.constant 1 : i32
        %add3A_3036 = arith.addi %squeeze3A_123, %add3A_3035 : i32
        %get3A_3037 = arith.index_cast %add3A_3036 : i32 to index
        %get3A_3038 = arith.constant 0 : index
        %get3A_3039 = tpu.vector_load %arg10[%get3A_3037, %get3A_3038] {strides = array<i32>} : memref<162x16xf32, #tpu.memory_space<vmem>>, vector<1x16xf32>,
        %get3A_3040 = vector.shape_cast %get3A_3039 : vector<1x16xf32> to vector<16xf32>
        %mul3A_3041 = vector.broadcast %squeeze3A_303 : f32 to vector<16xf32>
        %mul3A_3042 = arith.mulf %get3A_3040, %mul3A_3041 : vector<16xf32>
        %add3A_3043 = arith.addf %add3A_3034, %mul3A_3042 : vector<16xf32>
        %add3A_3044 = arith.constant 1 : i32
        %add3A_3045 = arith.addi %squeeze3A_125, %add3A_3044 : i32
        %get3A_3046 = arith.index_cast %add3A_3045 : i32 to index
        %get3A_3047 = arith.constant 0 : index
        %get3A_3048 = tpu.vector_load %arg10[%get3A_3046, %get3A_3047] {strides = array<i32>} : memref<162x16xf32, #tpu.memory_space<vmem>>, vector<1x16xf32>,
        %get3A_3049 = vector.shape_cast %get3A_3048 : vector<1x16xf32> to vector<16xf32>
        %mul3A_3050 = vector.broadcast %squeeze3A_305 : f32 to vector<16xf32>
        %mul3A_3051 = arith.mulf %get3A_3049, %mul3A_3050 : vector<16xf32>
        %add3A_3052 = arith.addf %add3A_3043, %mul3A_3051 : vector<16xf32>
        %add3A_3053 = arith.constant 1 : i32
        %add3A_3054 = arith.addi %squeeze3A_127, %add3A_3053 : i32
        %get3A_3055 = arith.index_cast %add3A_3054 : i32 to index
        %get3A_3056 = arith.constant 0 : index
        %get3A_3057 = tpu.vector_load %arg10[%get3A_3055, %get3A_3056] {strides = array<i32>} : memref<162x16xf32, #tpu.memory_space<vmem>>, vector<1x16xf32>,
        %get3A_3058 = vector.shape_cast %get3A_3057 : vector<1x16xf32> to vector<16xf32>
        %mul3A_3059 = vector.broadcast %squeeze3A_307 : f32 to vector<16xf32>
        %mul3A_3060 = arith.mulf %get3A_3058, %mul3A_3059 : vector<16xf32>
        %add3A_3061 = arith.addf %add3A_3052, %mul3A_3060 : vector<16xf32>
        %swap3A_3062 = arith.constant 4 : i32
        %swap3A_3063 = arith.index_cast %scan3A_411 : i32 to index
        %swap3A_3064 = arith.index_cast %swap3A_3062 : i32 to index
        %swap3A_3065 = arith.constant 16 : index
        %swap3A_3066 = tpu.vector_load %arg9[%swap3A_3063, %swap3A_3064, %swap3A_3065] {strides = array<i32>} : memref<128x9x32xf32, #tpu.memory_space<vmem>>, vector<1x1x16xf32>,
        %swap3A_3067 = vector.shape_cast %swap3A_3066 : vector<1x1x16xf32> to vector<16xf32>
        %swap3A_3068 = vector.shape_cast %add3A_3061 : vector<16xf32> to vector<1x1x16xf32>
        tpu.vector_store %arg9[%swap3A_3063, %swap3A_3064, %swap3A_3065], %swap3A_3068 {strides = array<i32>} : memref<128x9x32xf32, #tpu.memory_space<vmem>>, vector<1x1x16xf32>,
        %add3A_3069 = arith.constant 1 : i32
        %add3A_3070 = arith.addi %squeeze3A_129, %add3A_3069 : i32
        %get3A_3071 = arith.index_cast %add3A_3070 : i32 to index
        %get3A_3072 = arith.constant 0 : index
        %get3A_3073 = tpu.vector_load %arg10[%get3A_3071, %get3A_3072] {strides = array<i32>} : memref<162x16xf32, #tpu.memory_space<vmem>>, vector<1x16xf32>,
        %get3A_3074 = vector.shape_cast %get3A_3073 : vector<1x16xf32> to vector<16xf32>
        %mul3A_3075 = vector.broadcast %squeeze3A_309 : f32 to vector<16xf32>
        %mul3A_3076 = arith.mulf %get3A_3074, %mul3A_3075 : vector<16xf32>
        %add3A_3077 = arith.constant 1 : i32
        %add3A_3078 = arith.addi %squeeze3A_131, %add3A_3077 : i32
        %get3A_3079 = arith.index_cast %add3A_3078 : i32 to index
        %get3A_3080 = arith.constant 0 : index
        %get3A_3081 = tpu.vector_load %arg10[%get3A_3079, %get3A_3080] {strides = array<i32>} : memref<162x16xf32, #tpu.memory_space<vmem>>, vector<1x16xf32>,
        %get3A_3082 = vector.shape_cast %get3A_3081 : vector<1x16xf32> to vector<16xf32>
        %mul3A_3083 = vector.broadcast %squeeze3A_311 : f32 to vector<16xf32>
        %mul3A_3084 = arith.mulf %get3A_3082, %mul3A_3083 : vector<16xf32>
        %add3A_3085 = arith.addf %mul3A_3076, %mul3A_3084 : vector<16xf32>
        %add3A_3086 = arith.constant 1 : i32
        %add3A_3087 = arith.addi %squeeze3A_133, %add3A_3086 : i32
        %get3A_3088 = arith.index_cast %add3A_3087 : i32 to index
        %get3A_3089 = arith.constant 0 : index
        %get3A_3090 = tpu.vector_load %arg10[%get3A_3088, %get3A_3089] {strides = array<i32>} : memref<162x16xf32, #tpu.memory_space<vmem>>, vector<1x16xf32>,
        %get3A_3091 = vector.shape_cast %get3A_3090 : vector<1x16xf32> to vector<16xf32>
        %mul3A_3092 = vector.broadcast %squeeze3A_313 : f32 to vector<16xf32>
        %mul3A_3093 = arith.mulf %get3A_3091, %mul3A_3092 : vector<16xf32>
        %add3A_3094 = arith.addf %add3A_3085, %mul3A_3093 : vector<16xf32>
        %add3A_3095 = arith.constant 1 : i32
        %add3A_3096 = arith.addi %squeeze3A_135, %add3A_3095 : i32
        %get3A_3097 = arith.index_cast %add3A_3096 : i32 to index
        %get3A_3098 = arith.constant 0 : index
        %get3A_3099 = tpu.vector_load %arg10[%get3A_3097, %get3A_3098] {strides = array<i32>} : memref<162x16xf32, #tpu.memory_space<vmem>>, vector<1x16xf32>,
        %get3A_3100 = vector.shape_cast %get3A_3099 : vector<1x16xf32> to vector<16xf32>
        %mul3A_3101 = vector.broadcast %squeeze3A_315 : f32 to vector<16xf32>
        %mul3A_3102 = arith.mulf %get3A_3100, %mul3A_3101 : vector<16xf32>
        %add3A_3103 = arith.addf %add3A_3094, %mul3A_3102 : vector<16xf32>
        %add3A_3104 = arith.constant 1 : i32
        %add3A_3105 = arith.addi %squeeze3A_137, %add3A_3104 : i32
        %get3A_3106 = arith.index_cast %add3A_3105 : i32 to index
        %get3A_3107 = arith.constant 0 : index
        %get3A_3108 = tpu.vector_load %arg10[%get3A_3106, %get3A_3107] {strides = array<i32>} : memref<162x16xf32, #tpu.memory_space<vmem>>, vector<1x16xf32>,
        %get3A_3109 = vector.shape_cast %get3A_3108 : vector<1x16xf32> to vector<16xf32>
        %mul3A_3110 = vector.broadcast %squeeze3A_317 : f32 to vector<16xf32>
        %mul3A_3111 = arith.mulf %get3A_3109, %mul3A_3110 : vector<16xf32>
        %add3A_3112 = arith.addf %add3A_3103, %mul3A_3111 : vector<16xf32>
        %add3A_3113 = arith.constant 1 : i32
        %add3A_3114 = arith.addi %squeeze3A_139, %add3A_3113 : i32
        %get3A_3115 = arith.index_cast %add3A_3114 : i32 to index
        %get3A_3116 = arith.constant 0 : index
        %get3A_3117 = tpu.vector_load %arg10[%get3A_3115, %get3A_3116] {strides = array<i32>} : memref<162x16xf32, #tpu.memory_space<vmem>>, vector<1x16xf32>,
        %get3A_3118 = vector.shape_cast %get3A_3117 : vector<1x16xf32> to vector<16xf32>
        %mul3A_3119 = vector.broadcast %squeeze3A_319 : f32 to vector<16xf32>
        %mul3A_3120 = arith.mulf %get3A_3118, %mul3A_3119 : vector<16xf32>
        %add3A_3121 = arith.addf %add3A_3112, %mul3A_3120 : vector<16xf32>
        %add3A_3122 = arith.constant 1 : i32
        %add3A_3123 = arith.addi %squeeze3A_141, %add3A_3122 : i32
        %get3A_3124 = arith.index_cast %add3A_3123 : i32 to index
        %get3A_3125 = arith.constant 0 : index
        %get3A_3126 = tpu.vector_load %arg10[%get3A_3124, %get3A_3125] {strides = array<i32>} : memref<162x16xf32, #tpu.memory_space<vmem>>, vector<1x16xf32>,
        %get3A_3127 = vector.shape_cast %get3A_3126 : vector<1x16xf32> to vector<16xf32>
        %mul3A_3128 = vector.broadcast %squeeze3A_321 : f32 to vector<16xf32>
        %mul3A_3129 = arith.mulf %get3A_3127, %mul3A_3128 : vector<16xf32>
        %add3A_3130 = arith.addf %add3A_3121, %mul3A_3129 : vector<16xf32>
        %add3A_3131 = arith.constant 1 : i32
        %add3A_3132 = arith.addi %squeeze3A_143, %add3A_3131 : i32
        %get3A_3133 = arith.index_cast %add3A_3132 : i32 to index
        %get3A_3134 = arith.constant 0 : index
        %get3A_3135 = tpu.vector_load %arg10[%get3A_3133, %get3A_3134] {strides = array<i32>} : memref<162x16xf32, #tpu.memory_space<vmem>>, vector<1x16xf32>,
        %get3A_3136 = vector.shape_cast %get3A_3135 : vector<1x16xf32> to vector<16xf32>
        %mul3A_3137 = vector.broadcast %squeeze3A_323 : f32 to vector<16xf32>
        %mul3A_3138 = arith.mulf %get3A_3136, %mul3A_3137 : vector<16xf32>
        %add3A_3139 = arith.addf %add3A_3130, %mul3A_3138 : vector<16xf32>
        %add3A_3140 = arith.constant 1 : i32
        %add3A_3141 = arith.addi %squeeze3A_145, %add3A_3140 : i32
        %get3A_3142 = arith.index_cast %add3A_3141 : i32 to index
        %get3A_3143 = arith.constant 0 : index
        %get3A_3144 = tpu.vector_load %arg10[%get3A_3142, %get3A_3143] {strides = array<i32>} : memref<162x16xf32, #tpu.memory_space<vmem>>, vector<1x16xf32>,
        %get3A_3145 = vector.shape_cast %get3A_3144 : vector<1x16xf32> to vector<16xf32>
        %mul3A_3146 = vector.broadcast %squeeze3A_325 : f32 to vector<16xf32>
        %mul3A_3147 = arith.mulf %get3A_3145, %mul3A_3146 : vector<16xf32>
        %add3A_3148 = arith.addf %add3A_3139, %mul3A_3147 : vector<16xf32>
        %add3A_3149 = arith.constant 1 : i32
        %add3A_3150 = arith.addi %squeeze3A_147, %add3A_3149 : i32
        %get3A_3151 = arith.index_cast %add3A_3150 : i32 to index
        %get3A_3152 = arith.constant 0 : index
        %get3A_3153 = tpu.vector_load %arg10[%get3A_3151, %get3A_3152] {strides = array<i32>} : memref<162x16xf32, #tpu.memory_space<vmem>>, vector<1x16xf32>,
        %get3A_3154 = vector.shape_cast %get3A_3153 : vector<1x16xf32> to vector<16xf32>
        %mul3A_3155 = vector.broadcast %squeeze3A_327 : f32 to vector<16xf32>
        %mul3A_3156 = arith.mulf %get3A_3154, %mul3A_3155 : vector<16xf32>
        %add3A_3157 = arith.addf %add3A_3148, %mul3A_3156 : vector<16xf32>
        %add3A_3158 = arith.constant 1 : i32
        %add3A_3159 = arith.addi %squeeze3A_149, %add3A_3158 : i32
        %get3A_3160 = arith.index_cast %add3A_3159 : i32 to index
        %get3A_3161 = arith.constant 0 : index
        %get3A_3162 = tpu.vector_load %arg10[%get3A_3160, %get3A_3161] {strides = array<i32>} : memref<162x16xf32, #tpu.memory_space<vmem>>, vector<1x16xf32>,
        %get3A_3163 = vector.shape_cast %get3A_3162 : vector<1x16xf32> to vector<16xf32>
        %mul3A_3164 = vector.broadcast %squeeze3A_329 : f32 to vector<16xf32>
        %mul3A_3165 = arith.mulf %get3A_3163, %mul3A_3164 : vector<16xf32>
        %add3A_3166 = arith.addf %add3A_3157, %mul3A_3165 : vector<16xf32>
        %add3A_3167 = arith.constant 1 : i32
        %add3A_3168 = arith.addi %squeeze3A_151, %add3A_3167 : i32
        %get3A_3169 = arith.index_cast %add3A_3168 : i32 to index
        %get3A_3170 = arith.constant 0 : index
        %get3A_3171 = tpu.vector_load %arg10[%get3A_3169, %get3A_3170] {strides = array<i32>} : memref<162x16xf32, #tpu.memory_space<vmem>>, vector<1x16xf32>,
        %get3A_3172 = vector.shape_cast %get3A_3171 : vector<1x16xf32> to vector<16xf32>
        %mul3A_3173 = vector.broadcast %squeeze3A_331 : f32 to vector<16xf32>
        %mul3A_3174 = arith.mulf %get3A_3172, %mul3A_3173 : vector<16xf32>
        %add3A_3175 = arith.addf %add3A_3166, %mul3A_3174 : vector<16xf32>
        %swap3A_3176 = arith.constant 5 : i32
        %swap3A_3177 = arith.index_cast %scan3A_411 : i32 to index
        %swap3A_3178 = arith.index_cast %swap3A_3176 : i32 to index
        %swap3A_3179 = arith.constant 16 : index
        %swap3A_3180 = tpu.vector_load %arg9[%swap3A_3177, %swap3A_3178, %swap3A_3179] {strides = array<i32>} : memref<128x9x32xf32, #tpu.memory_space<vmem>>, vector<1x1x16xf32>,
        %swap3A_3181 = vector.shape_cast %swap3A_3180 : vector<1x1x16xf32> to vector<16xf32>
        %swap3A_3182 = vector.shape_cast %add3A_3175 : vector<16xf32> to vector<1x1x16xf32>
        tpu.vector_store %arg9[%swap3A_3177, %swap3A_3178, %swap3A_3179], %swap3A_3182 {strides = array<i32>} : memref<128x9x32xf32, #tpu.memory_space<vmem>>, vector<1x1x16xf32>,
        %add3A_3183 = arith.constant 1 : i32
        %add3A_3184 = arith.addi %squeeze3A_153, %add3A_3183 : i32
        %get3A_3185 = arith.index_cast %add3A_3184 : i32 to index
        %get3A_3186 = arith.constant 0 : index
        %get3A_3187 = tpu.vector_load %arg10[%get3A_3185, %get3A_3186] {strides = array<i32>} : memref<162x16xf32, #tpu.memory_space<vmem>>, vector<1x16xf32>,
        %get3A_3188 = vector.shape_cast %get3A_3187 : vector<1x16xf32> to vector<16xf32>
        %mul3A_3189 = vector.broadcast %squeeze3A_333 : f32 to vector<16xf32>
        %mul3A_3190 = arith.mulf %get3A_3188, %mul3A_3189 : vector<16xf32>
        %add3A_3191 = arith.constant 1 : i32
        %add3A_3192 = arith.addi %squeeze3A_155, %add3A_3191 : i32
        %get3A_3193 = arith.index_cast %add3A_3192 : i32 to index
        %get3A_3194 = arith.constant 0 : index
        %get3A_3195 = tpu.vector_load %arg10[%get3A_3193, %get3A_3194] {strides = array<i32>} : memref<162x16xf32, #tpu.memory_space<vmem>>, vector<1x16xf32>,
        %get3A_3196 = vector.shape_cast %get3A_3195 : vector<1x16xf32> to vector<16xf32>
        %mul3A_3197 = vector.broadcast %squeeze3A_335 : f32 to vector<16xf32>
        %mul3A_3198 = arith.mulf %get3A_3196, %mul3A_3197 : vector<16xf32>
        %add3A_3199 = arith.addf %mul3A_3190, %mul3A_3198 : vector<16xf32>
        %add3A_3200 = arith.constant 1 : i32
        %add3A_3201 = arith.addi %squeeze3A_157, %add3A_3200 : i32
        %get3A_3202 = arith.index_cast %add3A_3201 : i32 to index
        %get3A_3203 = arith.constant 0 : index
        %get3A_3204 = tpu.vector_load %arg10[%get3A_3202, %get3A_3203] {strides = array<i32>} : memref<162x16xf32, #tpu.memory_space<vmem>>, vector<1x16xf32>,
        %get3A_3205 = vector.shape_cast %get3A_3204 : vector<1x16xf32> to vector<16xf32>
        %mul3A_3206 = vector.broadcast %squeeze3A_337 : f32 to vector<16xf32>
        %mul3A_3207 = arith.mulf %get3A_3205, %mul3A_3206 : vector<16xf32>
        %add3A_3208 = arith.addf %add3A_3199, %mul3A_3207 : vector<16xf32>
        %add3A_3209 = arith.constant 1 : i32
        %add3A_3210 = arith.addi %squeeze3A_159, %add3A_3209 : i32
        %get3A_3211 = arith.index_cast %add3A_3210 : i32 to index
        %get3A_3212 = arith.constant 0 : index
        %get3A_3213 = tpu.vector_load %arg10[%get3A_3211, %get3A_3212] {strides = array<i32>} : memref<162x16xf32, #tpu.memory_space<vmem>>, vector<1x16xf32>,
        %get3A_3214 = vector.shape_cast %get3A_3213 : vector<1x16xf32> to vector<16xf32>
        %mul3A_3215 = vector.broadcast %squeeze3A_339 : f32 to vector<16xf32>
        %mul3A_3216 = arith.mulf %get3A_3214, %mul3A_3215 : vector<16xf32>
        %add3A_3217 = arith.addf %add3A_3208, %mul3A_3216 : vector<16xf32>
        %add3A_3218 = arith.constant 1 : i32
        %add3A_3219 = arith.addi %squeeze3A_161, %add3A_3218 : i32
        %get3A_3220 = arith.index_cast %add3A_3219 : i32 to index
        %get3A_3221 = arith.constant 0 : index
        %get3A_3222 = tpu.vector_load %arg10[%get3A_3220, %get3A_3221] {strides = array<i32>} : memref<162x16xf32, #tpu.memory_space<vmem>>, vector<1x16xf32>,
        %get3A_3223 = vector.shape_cast %get3A_3222 : vector<1x16xf32> to vector<16xf32>
        %mul3A_3224 = vector.broadcast %squeeze3A_341 : f32 to vector<16xf32>
        %mul3A_3225 = arith.mulf %get3A_3223, %mul3A_3224 : vector<16xf32>
        %add3A_3226 = arith.addf %add3A_3217, %mul3A_3225 : vector<16xf32>
        %add3A_3227 = arith.constant 1 : i32
        %add3A_3228 = arith.addi %squeeze3A_163, %add3A_3227 : i32
        %get3A_3229 = arith.index_cast %add3A_3228 : i32 to index
        %get3A_3230 = arith.constant 0 : index
        %get3A_3231 = tpu.vector_load %arg10[%get3A_3229, %get3A_3230] {strides = array<i32>} : memref<162x16xf32, #tpu.memory_space<vmem>>, vector<1x16xf32>,
        %get3A_3232 = vector.shape_cast %get3A_3231 : vector<1x16xf32> to vector<16xf32>
        %mul3A_3233 = vector.broadcast %squeeze3A_343 : f32 to vector<16xf32>
        %mul3A_3234 = arith.mulf %get3A_3232, %mul3A_3233 : vector<16xf32>
        %add3A_3235 = arith.addf %add3A_3226, %mul3A_3234 : vector<16xf32>
        %add3A_3236 = arith.constant 1 : i32
        %add3A_3237 = arith.addi %squeeze3A_165, %add3A_3236 : i32
        %get3A_3238 = arith.index_cast %add3A_3237 : i32 to index
        %get3A_3239 = arith.constant 0 : index
        %get3A_3240 = tpu.vector_load %arg10[%get3A_3238, %get3A_3239] {strides = array<i32>} : memref<162x16xf32, #tpu.memory_space<vmem>>, vector<1x16xf32>,
        %get3A_3241 = vector.shape_cast %get3A_3240 : vector<1x16xf32> to vector<16xf32>
        %mul3A_3242 = vector.broadcast %squeeze3A_345 : f32 to vector<16xf32>
        %mul3A_3243 = arith.mulf %get3A_3241, %mul3A_3242 : vector<16xf32>
        %add3A_3244 = arith.addf %add3A_3235, %mul3A_3243 : vector<16xf32>
        %add3A_3245 = arith.constant 1 : i32
        %add3A_3246 = arith.addi %squeeze3A_167, %add3A_3245 : i32
        %get3A_3247 = arith.index_cast %add3A_3246 : i32 to index
        %get3A_3248 = arith.constant 0 : index
        %get3A_3249 = tpu.vector_load %arg10[%get3A_3247, %get3A_3248] {strides = array<i32>} : memref<162x16xf32, #tpu.memory_space<vmem>>, vector<1x16xf32>,
        %get3A_3250 = vector.shape_cast %get3A_3249 : vector<1x16xf32> to vector<16xf32>
        %mul3A_3251 = vector.broadcast %squeeze3A_347 : f32 to vector<16xf32>
        %mul3A_3252 = arith.mulf %get3A_3250, %mul3A_3251 : vector<16xf32>
        %add3A_3253 = arith.addf %add3A_3244, %mul3A_3252 : vector<16xf32>
        %add3A_3254 = arith.constant 1 : i32
        %add3A_3255 = arith.addi %squeeze3A_169, %add3A_3254 : i32
        %get3A_3256 = arith.index_cast %add3A_3255 : i32 to index
        %get3A_3257 = arith.constant 0 : index
        %get3A_3258 = tpu.vector_load %arg10[%get3A_3256, %get3A_3257] {strides = array<i32>} : memref<162x16xf32, #tpu.memory_space<vmem>>, vector<1x16xf32>,
        %get3A_3259 = vector.shape_cast %get3A_3258 : vector<1x16xf32> to vector<16xf32>
        %mul3A_3260 = vector.broadcast %squeeze3A_349 : f32 to vector<16xf32>
        %mul3A_3261 = arith.mulf %get3A_3259, %mul3A_3260 : vector<16xf32>
        %add3A_3262 = arith.addf %add3A_3253, %mul3A_3261 : vector<16xf32>
        %add3A_3263 = arith.constant 1 : i32
        %add3A_3264 = arith.addi %squeeze3A_171, %add3A_3263 : i32
        %get3A_3265 = arith.index_cast %add3A_3264 : i32 to index
        %get3A_3266 = arith.constant 0 : index
        %get3A_3267 = tpu.vector_load %arg10[%get3A_3265, %get3A_3266] {strides = array<i32>} : memref<162x16xf32, #tpu.memory_space<vmem>>, vector<1x16xf32>,
        %get3A_3268 = vector.shape_cast %get3A_3267 : vector<1x16xf32> to vector<16xf32>
        %mul3A_3269 = vector.broadcast %squeeze3A_351 : f32 to vector<16xf32>
        %mul3A_3270 = arith.mulf %get3A_3268, %mul3A_3269 : vector<16xf32>
        %add3A_3271 = arith.addf %add3A_3262, %mul3A_3270 : vector<16xf32>
        %swap3A_3272 = arith.constant 6 : i32
        %swap3A_3273 = arith.index_cast %scan3A_411 : i32 to index
        %swap3A_3274 = arith.index_cast %swap3A_3272 : i32 to index
        %swap3A_3275 = arith.constant 16 : index
        %swap3A_3276 = tpu.vector_load %arg9[%swap3A_3273, %swap3A_3274, %swap3A_3275] {strides = array<i32>} : memref<128x9x32xf32, #tpu.memory_space<vmem>>, vector<1x1x16xf32>,
        %swap3A_3277 = vector.shape_cast %swap3A_3276 : vector<1x1x16xf32> to vector<16xf32>
        %swap3A_3278 = vector.shape_cast %add3A_3271 : vector<16xf32> to vector<1x1x16xf32>
        tpu.vector_store %arg9[%swap3A_3273, %swap3A_3274, %swap3A_3275], %swap3A_3278 {strides = array<i32>} : memref<128x9x32xf32, #tpu.memory_space<vmem>>, vector<1x1x16xf32>,
        %add3A_3279 = arith.constant 1 : i32
        %add3A_3280 = arith.addi %squeeze3A_173, %add3A_3279 : i32
        %get3A_3281 = arith.index_cast %add3A_3280 : i32 to index
        %get3A_3282 = arith.constant 0 : index
        %get3A_3283 = tpu.vector_load %arg10[%get3A_3281, %get3A_3282] {strides = array<i32>} : memref<162x16xf32, #tpu.memory_space<vmem>>, vector<1x16xf32>,
        %get3A_3284 = vector.shape_cast %get3A_3283 : vector<1x16xf32> to vector<16xf32>
        %mul3A_3285 = vector.broadcast %squeeze3A_353 : f32 to vector<16xf32>
        %mul3A_3286 = arith.mulf %get3A_3284, %mul3A_3285 : vector<16xf32>
        %add3A_3287 = arith.constant 1 : i32
        %add3A_3288 = arith.addi %squeeze3A_175, %add3A_3287 : i32
        %get3A_3289 = arith.index_cast %add3A_3288 : i32 to index
        %get3A_3290 = arith.constant 0 : index
        %get3A_3291 = tpu.vector_load %arg10[%get3A_3289, %get3A_3290] {strides = array<i32>} : memref<162x16xf32, #tpu.memory_space<vmem>>, vector<1x16xf32>,
        %get3A_3292 = vector.shape_cast %get3A_3291 : vector<1x16xf32> to vector<16xf32>
        %mul3A_3293 = vector.broadcast %squeeze3A_355 : f32 to vector<16xf32>
        %mul3A_3294 = arith.mulf %get3A_3292, %mul3A_3293 : vector<16xf32>
        %add3A_3295 = arith.addf %mul3A_3286, %mul3A_3294 : vector<16xf32>
        %add3A_3296 = arith.constant 1 : i32
        %add3A_3297 = arith.addi %squeeze3A_177, %add3A_3296 : i32
        %get3A_3298 = arith.index_cast %add3A_3297 : i32 to index
        %get3A_3299 = arith.constant 0 : index
        %get3A_3300 = tpu.vector_load %arg10[%get3A_3298, %get3A_3299] {strides = array<i32>} : memref<162x16xf32, #tpu.memory_space<vmem>>, vector<1x16xf32>,
        %get3A_3301 = vector.shape_cast %get3A_3300 : vector<1x16xf32> to vector<16xf32>
        %mul3A_3302 = vector.broadcast %squeeze3A_357 : f32 to vector<16xf32>
        %mul3A_3303 = arith.mulf %get3A_3301, %mul3A_3302 : vector<16xf32>
        %add3A_3304 = arith.addf %add3A_3295, %mul3A_3303 : vector<16xf32>
        %add3A_3305 = arith.constant 1 : i32
        %add3A_3306 = arith.addi %squeeze3A_179, %add3A_3305 : i32
        %get3A_3307 = arith.index_cast %add3A_3306 : i32 to index
        %get3A_3308 = arith.constant 0 : index
        %get3A_3309 = tpu.vector_load %arg10[%get3A_3307, %get3A_3308] {strides = array<i32>} : memref<162x16xf32, #tpu.memory_space<vmem>>, vector<1x16xf32>,
        %get3A_3310 = vector.shape_cast %get3A_3309 : vector<1x16xf32> to vector<16xf32>
        %mul3A_3311 = vector.broadcast %squeeze3A_359 : f32 to vector<16xf32>
        %mul3A_3312 = arith.mulf %get3A_3310, %mul3A_3311 : vector<16xf32>
        %add3A_3313 = arith.addf %add3A_3304, %mul3A_3312 : vector<16xf32>
        %add3A_3314 = arith.constant 1 : i32
        %add3A_3315 = arith.addi %squeeze3A_181, %add3A_3314 : i32
        %get3A_3316 = arith.index_cast %add3A_3315 : i32 to index
        %get3A_3317 = arith.constant 0 : index
        %get3A_3318 = tpu.vector_load %arg10[%get3A_3316, %get3A_3317] {strides = array<i32>} : memref<162x16xf32, #tpu.memory_space<vmem>>, vector<1x16xf32>,
        %get3A_3319 = vector.shape_cast %get3A_3318 : vector<1x16xf32> to vector<16xf32>
        %mul3A_3320 = vector.broadcast %squeeze3A_361 : f32 to vector<16xf32>
        %mul3A_3321 = arith.mulf %get3A_3319, %mul3A_3320 : vector<16xf32>
        %add3A_3322 = arith.addf %add3A_3313, %mul3A_3321 : vector<16xf32>
        %add3A_3323 = arith.constant 1 : i32
        %add3A_3324 = arith.addi %squeeze3A_183, %add3A_3323 : i32
        %get3A_3325 = arith.index_cast %add3A_3324 : i32 to index
        %get3A_3326 = arith.constant 0 : index
        %get3A_3327 = tpu.vector_load %arg10[%get3A_3325, %get3A_3326] {strides = array<i32>} : memref<162x16xf32, #tpu.memory_space<vmem>>, vector<1x16xf32>,
        %get3A_3328 = vector.shape_cast %get3A_3327 : vector<1x16xf32> to vector<16xf32>
        %mul3A_3329 = vector.broadcast %squeeze3A_363 : f32 to vector<16xf32>
        %mul3A_3330 = arith.mulf %get3A_3328, %mul3A_3329 : vector<16xf32>
        %add3A_3331 = arith.addf %add3A_3322, %mul3A_3330 : vector<16xf32>
        %add3A_3332 = arith.constant 1 : i32
        %add3A_3333 = arith.addi %squeeze3A_185, %add3A_3332 : i32
        %get3A_3334 = arith.index_cast %add3A_3333 : i32 to index
        %get3A_3335 = arith.constant 0 : index
        %get3A_3336 = tpu.vector_load %arg10[%get3A_3334, %get3A_3335] {strides = array<i32>} : memref<162x16xf32, #tpu.memory_space<vmem>>, vector<1x16xf32>,
        %get3A_3337 = vector.shape_cast %get3A_3336 : vector<1x16xf32> to vector<16xf32>
        %mul3A_3338 = vector.broadcast %squeeze3A_365 : f32 to vector<16xf32>
        %mul3A_3339 = arith.mulf %get3A_3337, %mul3A_3338 : vector<16xf32>
        %add3A_3340 = arith.addf %add3A_3331, %mul3A_3339 : vector<16xf32>
        %add3A_3341 = arith.constant 1 : i32
        %add3A_3342 = arith.addi %squeeze3A_187, %add3A_3341 : i32
        %get3A_3343 = arith.index_cast %add3A_3342 : i32 to index
        %get3A_3344 = arith.constant 0 : index
        %get3A_3345 = tpu.vector_load %arg10[%get3A_3343, %get3A_3344] {strides = array<i32>} : memref<162x16xf32, #tpu.memory_space<vmem>>, vector<1x16xf32>,
        %get3A_3346 = vector.shape_cast %get3A_3345 : vector<1x16xf32> to vector<16xf32>
        %mul3A_3347 = vector.broadcast %squeeze3A_367 : f32 to vector<16xf32>
        %mul3A_3348 = arith.mulf %get3A_3346, %mul3A_3347 : vector<16xf32>
        %add3A_3349 = arith.addf %add3A_3340, %mul3A_3348 : vector<16xf32>
        %add3A_3350 = arith.constant 1 : i32
        %add3A_3351 = arith.addi %squeeze3A_189, %add3A_3350 : i32
        %get3A_3352 = arith.index_cast %add3A_3351 : i32 to index
        %get3A_3353 = arith.constant 0 : index
        %get3A_3354 = tpu.vector_load %arg10[%get3A_3352, %get3A_3353] {strides = array<i32>} : memref<162x16xf32, #tpu.memory_space<vmem>>, vector<1x16xf32>,
        %get3A_3355 = vector.shape_cast %get3A_3354 : vector<1x16xf32> to vector<16xf32>
        %mul3A_3356 = vector.broadcast %squeeze3A_369 : f32 to vector<16xf32>
        %mul3A_3357 = arith.mulf %get3A_3355, %mul3A_3356 : vector<16xf32>
        %add3A_3358 = arith.addf %add3A_3349, %mul3A_3357 : vector<16xf32>
        %add3A_3359 = arith.constant 1 : i32
        %add3A_3360 = arith.addi %squeeze3A_191, %add3A_3359 : i32
        %get3A_3361 = arith.index_cast %add3A_3360 : i32 to index
        %get3A_3362 = arith.constant 0 : index
        %get3A_3363 = tpu.vector_load %arg10[%get3A_3361, %get3A_3362] {strides = array<i32>} : memref<162x16xf32, #tpu.memory_space<vmem>>, vector<1x16xf32>,
        %get3A_3364 = vector.shape_cast %get3A_3363 : vector<1x16xf32> to vector<16xf32>
        %mul3A_3365 = vector.broadcast %squeeze3A_371 : f32 to vector<16xf32>
        %mul3A_3366 = arith.mulf %get3A_3364, %mul3A_3365 : vector<16xf32>
        %add3A_3367 = arith.addf %add3A_3358, %mul3A_3366 : vector<16xf32>
        %add3A_3368 = arith.constant 1 : i32
        %add3A_3369 = arith.addi %squeeze3A_193, %add3A_3368 : i32
        %get3A_3370 = arith.index_cast %add3A_3369 : i32 to index
        %get3A_3371 = arith.constant 0 : index
        %get3A_3372 = tpu.vector_load %arg10[%get3A_3370, %get3A_3371] {strides = array<i32>} : memref<162x16xf32, #tpu.memory_space<vmem>>, vector<1x16xf32>,
        %get3A_3373 = vector.shape_cast %get3A_3372 : vector<1x16xf32> to vector<16xf32>
        %mul3A_3374 = vector.broadcast %squeeze3A_373 : f32 to vector<16xf32>
        %mul3A_3375 = arith.mulf %get3A_3373, %mul3A_3374 : vector<16xf32>
        %add3A_3376 = arith.addf %add3A_3367, %mul3A_3375 : vector<16xf32>
        %add3A_3377 = arith.constant 1 : i32
        %add3A_3378 = arith.addi %squeeze3A_195, %add3A_3377 : i32
        %get3A_3379 = arith.index_cast %add3A_3378 : i32 to index
        %get3A_3380 = arith.constant 0 : index
        %get3A_3381 = tpu.vector_load %arg10[%get3A_3379, %get3A_3380] {strides = array<i32>} : memref<162x16xf32, #tpu.memory_space<vmem>>, vector<1x16xf32>,
        %get3A_3382 = vector.shape_cast %get3A_3381 : vector<1x16xf32> to vector<16xf32>
        %mul3A_3383 = vector.broadcast %squeeze3A_375 : f32 to vector<16xf32>
        %mul3A_3384 = arith.mulf %get3A_3382, %mul3A_3383 : vector<16xf32>
        %add3A_3385 = arith.addf %add3A_3376, %mul3A_3384 : vector<16xf32>
        %swap3A_3386 = arith.constant 7 : i32
        %swap3A_3387 = arith.index_cast %scan3A_411 : i32 to index
        %swap3A_3388 = arith.index_cast %swap3A_3386 : i32 to index
        %swap3A_3389 = arith.constant 16 : index
        %swap3A_3390 = tpu.vector_load %arg9[%swap3A_3387, %swap3A_3388, %swap3A_3389] {strides = array<i32>} : memref<128x9x32xf32, #tpu.memory_space<vmem>>, vector<1x1x16xf32>,
        %swap3A_3391 = vector.shape_cast %swap3A_3390 : vector<1x1x16xf32> to vector<16xf32>
        %swap3A_3392 = vector.shape_cast %add3A_3385 : vector<16xf32> to vector<1x1x16xf32>
        tpu.vector_store %arg9[%swap3A_3387, %swap3A_3388, %swap3A_3389], %swap3A_3392 {strides = array<i32>} : memref<128x9x32xf32, #tpu.memory_space<vmem>>, vector<1x1x16xf32>,
        %add3A_3393 = arith.constant 1 : i32
        %add3A_3394 = arith.addi %squeeze3A_197, %add3A_3393 : i32
        %get3A_3395 = arith.index_cast %add3A_3394 : i32 to index
        %get3A_3396 = arith.constant 0 : index
        %get3A_3397 = tpu.vector_load %arg10[%get3A_3395, %get3A_3396] {strides = array<i32>} : memref<162x16xf32, #tpu.memory_space<vmem>>, vector<1x16xf32>,
        %get3A_3398 = vector.shape_cast %get3A_3397 : vector<1x16xf32> to vector<16xf32>
        %mul3A_3399 = vector.broadcast %squeeze3A_377 : f32 to vector<16xf32>
        %mul3A_3400 = arith.mulf %get3A_3398, %mul3A_3399 : vector<16xf32>
        %add3A_3401 = arith.constant 1 : i32
        %add3A_3402 = arith.addi %squeeze3A_199, %add3A_3401 : i32
        %get3A_3403 = arith.index_cast %add3A_3402 : i32 to index
        %get3A_3404 = arith.constant 0 : index
        %get3A_3405 = tpu.vector_load %arg10[%get3A_3403, %get3A_3404] {strides = array<i32>} : memref<162x16xf32, #tpu.memory_space<vmem>>, vector<1x16xf32>,
        %get3A_3406 = vector.shape_cast %get3A_3405 : vector<1x16xf32> to vector<16xf32>
        %mul3A_3407 = vector.broadcast %squeeze3A_379 : f32 to vector<16xf32>
        %mul3A_3408 = arith.mulf %get3A_3406, %mul3A_3407 : vector<16xf32>
        %add3A_3409 = arith.addf %mul3A_3400, %mul3A_3408 : vector<16xf32>
        %add3A_3410 = arith.constant 1 : i32
        %add3A_3411 = arith.addi %squeeze3A_201, %add3A_3410 : i32
        %get3A_3412 = arith.index_cast %add3A_3411 : i32 to index
        %get3A_3413 = arith.constant 0 : index
        %get3A_3414 = tpu.vector_load %arg10[%get3A_3412, %get3A_3413] {strides = array<i32>} : memref<162x16xf32, #tpu.memory_space<vmem>>, vector<1x16xf32>,
        %get3A_3415 = vector.shape_cast %get3A_3414 : vector<1x16xf32> to vector<16xf32>
        %mul3A_3416 = vector.broadcast %squeeze3A_381 : f32 to vector<16xf32>
        %mul3A_3417 = arith.mulf %get3A_3415, %mul3A_3416 : vector<16xf32>
        %add3A_3418 = arith.addf %add3A_3409, %mul3A_3417 : vector<16xf32>
        %add3A_3419 = arith.constant 1 : i32
        %add3A_3420 = arith.addi %squeeze3A_203, %add3A_3419 : i32
        %get3A_3421 = arith.index_cast %add3A_3420 : i32 to index
        %get3A_3422 = arith.constant 0 : index
        %get3A_3423 = tpu.vector_load %arg10[%get3A_3421, %get3A_3422] {strides = array<i32>} : memref<162x16xf32, #tpu.memory_space<vmem>>, vector<1x16xf32>,
        %get3A_3424 = vector.shape_cast %get3A_3423 : vector<1x16xf32> to vector<16xf32>
        %mul3A_3425 = vector.broadcast %squeeze3A_383 : f32 to vector<16xf32>
        %mul3A_3426 = arith.mulf %get3A_3424, %mul3A_3425 : vector<16xf32>
        %add3A_3427 = arith.addf %add3A_3418, %mul3A_3426 : vector<16xf32>
        %add3A_3428 = arith.constant 1 : i32
        %add3A_3429 = arith.addi %squeeze3A_205, %add3A_3428 : i32
        %get3A_3430 = arith.index_cast %add3A_3429 : i32 to index
        %get3A_3431 = arith.constant 0 : index
        %get3A_3432 = tpu.vector_load %arg10[%get3A_3430, %get3A_3431] {strides = array<i32>} : memref<162x16xf32, #tpu.memory_space<vmem>>, vector<1x16xf32>,
        %get3A_3433 = vector.shape_cast %get3A_3432 : vector<1x16xf32> to vector<16xf32>
        %mul3A_3434 = vector.broadcast %squeeze3A_385 : f32 to vector<16xf32>
        %mul3A_3435 = arith.mulf %get3A_3433, %mul3A_3434 : vector<16xf32>
        %add3A_3436 = arith.addf %add3A_3427, %mul3A_3435 : vector<16xf32>
        %add3A_3437 = arith.constant 1 : i32
        %add3A_3438 = arith.addi %squeeze3A_207, %add3A_3437 : i32
        %get3A_3439 = arith.index_cast %add3A_3438 : i32 to index
        %get3A_3440 = arith.constant 0 : index
        %get3A_3441 = tpu.vector_load %arg10[%get3A_3439, %get3A_3440] {strides = array<i32>} : memref<162x16xf32, #tpu.memory_space<vmem>>, vector<1x16xf32>,
        %get3A_3442 = vector.shape_cast %get3A_3441 : vector<1x16xf32> to vector<16xf32>
        %mul3A_3443 = vector.broadcast %squeeze3A_387 : f32 to vector<16xf32>
        %mul3A_3444 = arith.mulf %get3A_3442, %mul3A_3443 : vector<16xf32>
        %add3A_3445 = arith.addf %add3A_3436, %mul3A_3444 : vector<16xf32>
        %add3A_3446 = arith.constant 1 : i32
        %add3A_3447 = arith.addi %squeeze3A_209, %add3A_3446 : i32
        %get3A_3448 = arith.index_cast %add3A_3447 : i32 to index
        %get3A_3449 = arith.constant 0 : index
        %get3A_3450 = tpu.vector_load %arg10[%get3A_3448, %get3A_3449] {strides = array<i32>} : memref<162x16xf32, #tpu.memory_space<vmem>>, vector<1x16xf32>,
        %get3A_3451 = vector.shape_cast %get3A_3450 : vector<1x16xf32> to vector<16xf32>
        %mul3A_3452 = vector.broadcast %squeeze3A_389 : f32 to vector<16xf32>
        %mul3A_3453 = arith.mulf %get3A_3451, %mul3A_3452 : vector<16xf32>
        %add3A_3454 = arith.addf %add3A_3445, %mul3A_3453 : vector<16xf32>
        %add3A_3455 = arith.constant 1 : i32
        %add3A_3456 = arith.addi %squeeze3A_211, %add3A_3455 : i32
        %get3A_3457 = arith.index_cast %add3A_3456 : i32 to index
        %get3A_3458 = arith.constant 0 : index
        %get3A_3459 = tpu.vector_load %arg10[%get3A_3457, %get3A_3458] {strides = array<i32>} : memref<162x16xf32, #tpu.memory_space<vmem>>, vector<1x16xf32>,
        %get3A_3460 = vector.shape_cast %get3A_3459 : vector<1x16xf32> to vector<16xf32>
        %mul3A_3461 = vector.broadcast %squeeze3A_391 : f32 to vector<16xf32>
        %mul3A_3462 = arith.mulf %get3A_3460, %mul3A_3461 : vector<16xf32>
        %add3A_3463 = arith.addf %add3A_3454, %mul3A_3462 : vector<16xf32>
        %add3A_3464 = arith.constant 1 : i32
        %add3A_3465 = arith.addi %squeeze3A_213, %add3A_3464 : i32
        %get3A_3466 = arith.index_cast %add3A_3465 : i32 to index
        %get3A_3467 = arith.constant 0 : index
        %get3A_3468 = tpu.vector_load %arg10[%get3A_3466, %get3A_3467] {strides = array<i32>} : memref<162x16xf32, #tpu.memory_space<vmem>>, vector<1x16xf32>,
        %get3A_3469 = vector.shape_cast %get3A_3468 : vector<1x16xf32> to vector<16xf32>
        %mul3A_3470 = vector.broadcast %squeeze3A_393 : f32 to vector<16xf32>
        %mul3A_3471 = arith.mulf %get3A_3469, %mul3A_3470 : vector<16xf32>
        %add3A_3472 = arith.addf %add3A_3463, %mul3A_3471 : vector<16xf32>
        %add3A_3473 = arith.constant 1 : i32
        %add3A_3474 = arith.addi %squeeze3A_215, %add3A_3473 : i32
        %get3A_3475 = arith.index_cast %add3A_3474 : i32 to index
        %get3A_3476 = arith.constant 0 : index
        %get3A_3477 = tpu.vector_load %arg10[%get3A_3475, %get3A_3476] {strides = array<i32>} : memref<162x16xf32, #tpu.memory_space<vmem>>, vector<1x16xf32>,
        %get3A_3478 = vector.shape_cast %get3A_3477 : vector<1x16xf32> to vector<16xf32>
        %mul3A_3479 = vector.broadcast %squeeze3A_395 : f32 to vector<16xf32>
        %mul3A_3480 = arith.mulf %get3A_3478, %mul3A_3479 : vector<16xf32>
        %add3A_3481 = arith.addf %add3A_3472, %mul3A_3480 : vector<16xf32>
        %swap3A_3482 = arith.constant 8 : i32
        %swap3A_3483 = arith.index_cast %scan3A_411 : i32 to index
        %swap3A_3484 = arith.index_cast %swap3A_3482 : i32 to index
        %swap3A_3485 = arith.constant 16 : index
        %swap3A_3486 = tpu.vector_load %arg9[%swap3A_3483, %swap3A_3484, %swap3A_3485] {strides = array<i32>} : memref<128x9x32xf32, #tpu.memory_space<vmem>>, vector<1x1x16xf32>,
        %swap3A_3487 = vector.shape_cast %swap3A_3486 : vector<1x1x16xf32> to vector<16xf32>
        %swap3A_3488 = vector.shape_cast %add3A_3481 : vector<16xf32> to vector<1x1x16xf32>
        tpu.vector_store %arg9[%swap3A_3483, %swap3A_3484, %swap3A_3485], %swap3A_3488 {strides = array<i32>} : memref<128x9x32xf32, #tpu.memory_space<vmem>>, vector<1x1x16xf32>,
      }
      %scan3A_410 = arith.constant 128 : i32
      "tpu.region"() ({
        %run_scoped3A = tpu.sem_alloc : memref<!tpu.dma_semaphore, #tpu.memory_space<semaphore_mem>>
        %dma_start3A = arith.constant 0 : i32
        %dma_start3A_411 = arith.constant 0 : i32
        %dma_start3A_412 = tpu.memref_slice %arg6[%add3A_404, %dma_start3A, %dma_start3A_411] : memref<16384x9x32xf32, #tpu.memory_space<hbm>> -> memref<128x9x32xf32, #tpu.memory_space<hbm>>
        %dma_start3A_413 = arith.constant 0 : i32
        %dma_start3A_414 = arith.constant 0 : i32
        %dma_start3A_415 = tpu.memref_slice %arg6[%add3A_404, %dma_start3A_413, %dma_start3A_414] : memref<16384x9x32xf32, #tpu.memory_space<hbm>> -> memref<128x9x32xf32, #tpu.memory_space<hbm>>
        tpu.enqueue_dma source(%arg9 : memref<128x9x32xf32, #tpu.memory_space<vmem>>) target(%dma_start3A_415 : memref<128x9x32xf32, #tpu.memory_space<hbm>>) target_semaphore(%run_scoped3A : memref<!tpu.dma_semaphore, #tpu.memory_space<semaphore_mem>>)
        %dma_wait3A = arith.constant 0 : i32
        %dma_wait3A_416 = arith.constant 0 : i32
        %dma_wait3A_417 = tpu.memref_slice %arg6[%add3A_404, %dma_wait3A, %dma_wait3A_416] : memref<16384x9x32xf32, #tpu.memory_space<hbm>> -> memref<128x9x32xf32, #tpu.memory_space<hbm>>
        %dma_wait3A_418 = arith.constant 0 : i32
        %dma_wait3A_419 = arith.constant 0 : i32
        %dma_wait3A_420 = tpu.memref_slice %arg6[%add3A_404, %dma_wait3A_418, %dma_wait3A_419] : memref<16384x9x32xf32, #tpu.memory_space<hbm>> -> memref<128x9x32xf32, #tpu.memory_space<hbm>>
        tpu.wait_dma2 semaphore(%run_scoped3A : memref<!tpu.dma_semaphore, #tpu.memory_space<semaphore_mem>>) src(%arg9 : memref<128x9x32xf32, #tpu.memory_space<vmem>>) dst(%dma_wait3A_420 : memref<128x9x32xf32, #tpu.memory_space<hbm>>)
        tpu.yield
      }) : () -> ()
    }
    %scan3A_400 = arith.constant 4 : i32
    return
  }
}

</mosaic_0001>

<sc_bundles>
// kernel: _run.3.cloned.1.call-start
scs
__scs_entry_jumppad:
0x0: {  	(pc) =	sbr.rel $0x88, $3  }
0x1: {  	(tag) =	ssettag $0x0;
	lr =	simm.s32 $0x1  }
0x2: {  	[smem:$0x3F9D] =	sst lr;
	_ =	strace $0xD0000000  }
0x3: {  	_ = 	snop  }
0x4: {  	_ = 	snop  }
0x5: {  	_ = 	snop  }
0x6: {  	_ = 	snop  }
0x7: {  	_ = 	snop  }
__scs_overlays_trampoline_lowered:
0x8: {  	[smem:$0x3FAC] =	sst s0  }
0x9: {  	[smem:$0x3FAD] =	sst s1  }
0xa: {  	[smem:$0x3FAE] =	sst s2  }
0xb: {  	[smem:$0x3FAF] =	sst s3  }
0xc: {  	[smem:$0x3FB0] =	sst s4  }
0xd: {  	[smem:$0x3FB1] =	sst s5  }
0xe: {  	[smem:$0x3FB2] =	sst s6  }
0xf: {  	[smem:$0x3FB3] =	sst s7  }
0x10: {  	[smem:$0x3FB4] =	sst s8  }
0x11: {  	[smem:$0x3FB5] =	sst s9;
	s0 =	simm.s32 @!p0 $0x0  }
0x12: {  	s1 =	sld [smem:$0x3F9B];
	s0 =	simm.s32 @p0 $0x1  }
0x13: {  	[smem:$0x3FB6] =	sst s0;
	s0 =	simm.s32 @!p1 $0x0  }
0x14: {  	s2 =	sld [smem:$0x3F9A];
	s0 =	simm.s32 @p1 $0x1  }
0x15: {  	[smem:$0x3FB7] =	sst s0;
	s0 =	simm.s32 @!p2 $0x0  }
0x16: {  	s3 =	sld [smem:$0x3FDB];
	s0 =	simm.s32 @p2 $0x1  }
0x17: {  	s4 =	simm.s32 $0x1BF5;
	[smem:$0x3FB9] =	sst s0  }
0x18: {  	s0 =	sld [smem:$0x3F9C];
	_ =	swait.ge [sflag:s4], $0x0  }
0x19: {  	s7 =	sld [smem:$0x3F9D]  }
0x1a: {  	s8 =	sadd.s32 $0xFFFFE003, lr  }
0x1b: {  	s9 =	sadd.s32 $0xFFFFFEF7, lr;
	s5 =	simm.s32 $0xFFFFFFFF;
	p2 =	slt.u32 s8, $0xFFFFF086  }
0x1c: {  	p1 =	slt.u32 s9, $0xF7A;
	s5 =	simm.s32 @!p2 $0x0  }
0x1d: {  	s5 =	simm.s32 @p1 $0x1;
	p0 =	seq.s32 s7, s2  }
0x1e: {  	s7 =	smul.u32 @!p0 $0xF7A, s2;
	p2 =	seq.s32 @!p0 s5, $0x0  }
0x1f: {  	s9 =	smul.u32 $0xF7A, s1;
	s8 =	simm.s32 @!p0 $0x1BF5;
	p2 =	por !p2, p0  }
0x20: {  	[sflag:s8] =	ssyncset.s32 @!p0 $0xFFFFF086;
	s6 =	sadd.s32 @!p0 s3, s7;
	s7 =	simm.s32 @!p0 $0x108  }
0x21: {  	s3 =	sadd.s32 s3, s9;
	s6 =	sadd.s32 @!p0 $0x88, s6;
	s7 =	simm.s32 @p2 $0x1082  }
0x22: {  	[simem:s7], [sflag:s8] =	dma.local @!p0 [hbm:s6], $0xF7A  }
0x23: {  	s9 =	sor.u32 $0xD0000000, s2;
	s6 =	simm.s32 $0x108;
	_ =	swait.ge @!p0 [sflag:s8], $0x0  }
0x24: {  	s3 =	sadd.s32 $0x88, s3;
	s6 =	simm.s32 @!p1 $0x1082;
	[sflag:s4] =	ssyncset.s32 $0xFFFFF086  }
0x25: {  	[simem:s6], [sflag:s4] =	dma.local [hbm:s3], $0xF7A  }
0x26: {  	[smem:$0x3F9D] =	sst s1;
	(tag) =	ssettag s2;
	_ =	strace s9  }
0x27: {  	s1 =	sld [smem:$0x3FAD]  }
0x28: {  	s2 =	sld [smem:$0x3FAE]  }
0x29: {  	s4 =	sld [smem:$0x3FB0]  }
0x2a: {  	p0 =	seq.s32 s5, $0x0;
	s5 =	sld [smem:$0x3FB1]  }
0x2b: {  	s6 =	sld [smem:$0x3FB2]  }
0x2c: {  	s7 =	sld [smem:$0x3FB3]  }
0x2d: {  	s3 =	simm.s32 $0x108;
	s8 =	sld [smem:$0x3FB4]  }
0x2e: {  	s3 =	simm.s32 @!p0 $0x1082;
	s9 =	sld [smem:$0x3FB5]  }
0x2f: {  	lr =	sadd.s32 s0, s3;
	s0 =	sld [smem:$0x3FAC]  }
0x30: {  	s3 =	sld [smem:$0x3FAF]  }
0x31: {  	[smem:$0x3FB8] =	sst s10  }
0x32: {  	s10 =	sld [smem:$0x3FB6];
	_ =	sdelay $0x3  }
0x33: {  	p0 =	seq.s32 s10, $0x1;
	s10 =	sld [smem:$0x3FB8];
	_ =	sdelay $0x3  }
0x34: {  	[smem:$0x3FB8] =	sst s10  }
0x35: {  	s10 =	sld [smem:$0x3FB7];
	_ =	sdelay $0x3  }
0x36: {  	p1 =	seq.s32 s10, $0x1;
	s10 =	sld [smem:$0x3FB8];
	_ =	sdelay $0x3  }
0x37: {  	[smem:$0x3FB8] =	sst s10  }
0x38: {  	s10 =	sld [smem:$0x3FB9]  }
0x39: {  	_ = 	snop;
	(pc) =	sbr.ind lr, $3  }
0x3a: {  	_ = 	snop  }
0x3b: {  	_ = 	snop  }
0x3c: {  	p2 =	seq.s32 s10, $0x1;
	s10 =	sld [smem:$0x3FB8]  }
0x3d: {  	_ =	shalt  }
0x3e: {  	_ =	shalt  }
0x3f: {  	_ =	shalt  }
0x40: {  	_ =	shalt  }
0x41: {  	_ =	shalt  }
0x42: {  	_ =	shalt  }
0x43: {  	_ =	shalt  }
0x44: {  	_ =	shalt  }
0x45: {  	_ =	shalt  }
0x46: {  	_ =	shalt  }
0x47: {  	_ =	shalt  }
0x48: {  	_ =	shalt  }
0x49: {  	_ =	shalt  }
0x4a: {  	_ =	shalt  }
0x4b: {  	_ =	shalt  }
0x4c: {  	_ =	shalt  }
0x4d: {  	_ =	shalt  }
0x4e: {  	_ =	shalt  }
0x4f: {  	_ =	shalt  }
0x50: {  	_ =	shalt  }
0x51: {  	_ =	shalt  }
0x52: {  	_ =	shalt  }
0x53: {  	_ =	shalt  }
0x54: {  	_ =	shalt  }
0x55: {  	_ =	shalt  }
0x56: {  	_ =	shalt  }
0x57: {  	_ =	shalt  }
0x58: {  	_ =	shalt  }
0x59: {  	_ =	shalt  }
0x5a: {  	_ =	shalt  }
0x5b: {  	_ =	shalt  }
0x5c: {  	_ =	shalt  }
0x5d: {  	_ =	shalt  }
0x5e: {  	_ =	shalt  }
0x5f: {  	_ =	shalt  }
0x60: {  	_ =	shalt  }
0x61: {  	_ =	shalt  }
0x62: {  	_ =	shalt  }
0x63: {  	_ =	shalt  }
0x64: {  	_ =	shalt  }
0x65: {  	_ =	shalt  }
0x66: {  	_ =	shalt  }
0x67: {  	_ =	shalt  }
0x68: {  	_ =	shalt  }
0x69: {  	_ =	shalt  }
0x6a: {  	_ =	shalt  }
0x6b: {  	_ =	shalt  }
0x6c: {  	_ =	shalt  }
0x6d: {  	_ =	shalt  }
0x6e: {  	_ =	shalt  }
0x6f: {  	_ =	shalt  }
0x70: {  	_ =	shalt  }
0x71: {  	_ =	shalt  }
0x72: {  	_ =	shalt  }
0x73: {  	_ =	shalt  }
0x74: {  	_ =	shalt  }
0x75: {  	_ =	shalt  }
0x76: {  	_ =	shalt  }
0x77: {  	_ =	shalt  }
0x78: {  	_ =	shalt  }
0x79: {  	_ =	shalt  }
0x7a: {  	_ =	shalt  }
0x7b: {  	_ =	shalt  }
0x7c: {  	_ =	shalt  }
0x7d: {  	_ =	shalt  }
0x7e: {  	_ =	shalt  }
0x7f: {  	_ =	shalt  }
0x80: {  	_ =	shalt  }
0x81: {  	_ =	shalt  }
0x82: {  	_ =	shalt  }
0x83: {  	_ =	shalt  }
0x84: {  	_ =	shalt  }
0x85: {  	_ =	shalt  }
0x86: {  	_ =	shalt  }
0x87: {  	_ =	shalt  }
.Lfunc_end0:
.L_simem_size_0:
called_computation_lowered:
.L_overlay_start_0:
0x88: {  	s2 =	sld [smem:$0x3FD9]  }
0x89: {  	s3 =	sld [smem:$0x3FFE];
	_ =	sdelay $0x1  }
0x8a: {  	s1 =	srdreg.scid  }
0x8b: {  	s0 =	sand.u32 $0x1, s1  }
0x8c: {  	s17 =	sshll.u32 s0, $0xA;
	s2 =	sadd.s32 s3, s2  }
0x8d: {  	s2 =	sadd.s32 s2, s17  }
0x8e: {  	[smem:$0x3FC4] =	sst s2  }
0x8f: {  	_ = 	snop  }
0x90: {  	s2 =	sld [smem:$0x3FC7]  }
0x91: {  	s18 =	sld [smem:$0x3FC6]  }
0x92: {  	s4 =	sld [smem:$0x3FD0];
	(tm) =	ssettm $0x1  }
0x93: {  	s5 =	sld [smem:$0x3FFB];
	_ =	sdelay $0x3  }
0x94: {  	_ =	strace s5  }
0x95: {  	s5 =	sld [smem:$0x3FFC];
	_ =	sdelay $0x3  }
0x96: {  	_ =	strace s5  }
0x97: {  	s5 =	sld [smem:$0x3FFD];
	_ =	sdelay $0x3  }
0x98: {  	_ =	strace s5  }
0x99: {  	_ =	strace $0x8FFFFFFF  }
0x9a: {  	s19 =	sld [smem:$0x3FDB];
	_ =	sdelay $0x1  }
0x9b: {  	s6 =	simm.s32 $_scs_section_size  }
0x9c: {  	s7 =	simm.s32 $_size__tile_overlayer_lowered;
	s8 =	simm.s32 $_tile_overlayer_lowered  }
0x9d: {  	s22 =	simm.s32 $0x1BFF;
	s21 =	sshll.u32 s8, $0x1;
	s5 =	sadd.s32 s6, s19  }
0x9e: {  	s9 =	simm.s32 $0x0;
	s20 =	sshll.u32 s7, $0x1;
	s7 =	sadd.s32 s21, s5  }
0x9f: {  	[timem:s9], [sflag:s22] =	dma.local [hbm:s7], s20  }
0xa0: {  	_ =	swait.ge [sflag:s22], s20  }
0xa1: {  	s6 =	ssub.s32 $0x0, s20;
	[sflag:s22] =	ssyncset.done $0x0  }
0xa2: {  	[sflag:s22] =	ssyncadd.s32 s6;
	_ =	sdelay $0x1  }
0xa3: {  	s23 =	simm.s32 $0x1B8B  }
0xa4: {  	_ =	swait.ge [sflag:s23], $0x1  }
0xa5: {  	[sflag:s23] =	ssyncset.done $0x0  }
0xa6: {  	s25 =	simm.s32 $0x1B8E;
	s24 =	sld [smem:$0x3FFE];
	[sflag:s23] =	ssyncadd.s32 $0xFFFFFFFF  }
0xa7: {  	s26 =	simm.s32 $execute0_lowered;
	[smem:$0x3FD2] =	sst s25  }
0xa8: {  	s7 =	sshll.u32 s26, $0x1;
	_ =	strace $0x80000046;
	[dreg:$0x1] =	wrdreg $0xFFFFFFFF  }
0xa9: {  	s28 =	simm.s32 $_size_execute0_lowered;
	s5 =	sadd.s32 s5, s7;
	[dreg:$0x0] =	wrdreg $0x0  }
0xaa: {  	s7 =	sshll.u32 s28, $0x1;
	[dreg:$0x2] =	wrdreg s5  }
0xab: {  	[dreg:$0x3] =	wrdreg s7  }
0xac: {  	[dreg:$0x4] =	wrdreg $0xC0  }
0xad: {  	_ =	task [dreg:s9], $0x5FFFF  }
0xae: {  	[dreg:$0x1] =	wrdreg $0xFFFFFFFF  }
0xaf: {  	[dreg:$0x0] =	wrdreg $0x60  }
0xb0: {  	[dreg:$0x2] =	wrdreg s4  }
0xb1: {  	[dreg:$0x3] =	wrdreg s24  }
0xb2: {  	[dreg:$0x4] =	wrdreg s2  }
0xb3: {  	[dreg:$0x5] =	wrdreg s18  }
0xb4: {  	[dreg:$0x6] =	wrdreg $0x9  }
0xb5: {  	_ =	task.clear_ibuf [dreg:s9], $0x7FFFF;
	_ =	strace $0x90000046  }
0xb6: {  	s29 =	simm.s32 $0x9;
	_ =	strace $0x80000048  }
0xb7: {  	_ =	swait.ge [sflag:s29], $0x1  }
0xb8: {  	[sflag:s29] =	ssyncadd.s32 $0xFFFFFFFF  }
0xb9: {  	_ =	strace $0x90000048  }
0xba: {  	_ =	sfence  }
0xbb: {  	s30 =	sld [smem:$0x0];
	_ =	sdelay $0x2  }
0xbc: {  	s31 =	sshll.u32 s1, $0xD;
	s1 =	sshrl.u32 s1, $0x2  }
0xbd: {  	s3 =	sand.u32 $0x4000, s31;
	s1 =	sadd.s32 s1, s30  }
0xbe: {  	s0 =	sor.u32 s3, s0;
	s1 =	sshll.u32 s1, $0x11  }
0xbf: {  	s0 =	sor.u32 s1, s0  }
0xc0: {  	s0 =	sadd.s32 $0x8F2B, s0  }
0xc1: {  	[sflag:s0] =	ssyncadd.remote.s32 $0x1  }
0xc2: {  	_ =	sfence.sel $0xFFFF  }
0xc3: {  	[dreg:$0x0] =	wrdreg $0xFFFFFFFF;
	(pc) =	sbr.abs _section_cstart, $3  }
0xc4: {  	[dreg:$0x1] =	wrdreg $0xFFFFFFFF  }
0xc5: {  	_ =	task.clear_ibuf [dreg:s9], $0x2FFFF;
	_ =	strace $0x9FFFFFFF  }
0xc6: {  	(tm) =	ssettm $0x7FFFFFFF  }
0xc7: {  	_ =	shalt  }
tec
execute0_lowered:
.L_overlay_start_1:
0x0: {  	(tag) =	ssettag $0x1  }
0x1: {  	s0 =	rddreg [dreg:$0x1];
	s2 =	simm.s32 $0x0;
	s1 =	srdreg.scid  }
0x2: {  	s4 =	stileid.u32;
	[smem:$0x7FF] =	sst s2  }
0x3: {  	s1 =	sand.u32 $0x1, s1;
	s3 =	sadd.s32 $0x401800, s0;
	s29 =	sshll.u32 s4, $0xA  }
0x4: {  	s0 =	sadd.s32 $0x1800, s0;
	_ =	strace $0x80000047;
	s26 =	ssub.s32 $0x2, s1  }
0x5: {  	[dreg:$0x5] =	wrdreg s3;
	s1 =	sshll.u32 s1, $0x9;
	s28 =	sshrl.u32 s26, $0x1  }
0x6: {  	[dreg:$0x6] =	wrdreg s0;
	s30 =	sor.u32 s1, s29;
	s2 =	ssub.s32 s26, s28  }
0x7: {  	[dreg:$0x7] =	wrdreg s30;
	s31 =	smax.u32 s2, $0x1  }
0x8: {  	s7 =	simm.s32 $0x1;
	s1 =	simm.s32 $0x0;
	[dreg:$0x8] =	wrdreg s31  }
.LBB2_1:
0x9: {  	[dreg:$0x9] =	wrdreg s1  }
0xa: {  	s0 =	rddreg [dreg:$0x2];
	s10 =	simm.s32 $0x0;
	s2 =	simm.s32 $0x1BA20  }
0xb: {  	[tilespmem:s2], [sflag:$0x1] =	stream.linear.gather [hbm4b:s0+s10], $0x60, $0x38;
	[tilespmem:$0x1BAE0] =	vst v63  }
0xc: {  	_ =	swait.ge [sflag:s7], $0x60  }
0xd: {  	[sflag:s7] =	ssyncset.done $0x0  }
0xe: {  	[sflag:s7] =	ssyncadd.s32 $0xFFFFFFA0  }
0xf: {  	s12 =	simm.s32 $0x1BA80;
	s11 =	rddreg [dreg:$0x3]  }
0x10: {  	[tilespmem:s12], [sflag:$0x1] =	stream.linear.gather [hbm4b:s11+s10], $0x60, $0x38;
	[tilespmem:$0x1BAE0] =	vst v63  }
0x11: {  	_ =	swait.ge [sflag:s7], $0x60  }
0x12: {  	[sflag:s7] =	ssyncset.done $0x0  }
0x13: {  	[sflag:s7] =	ssyncadd.s32 $0xFFFFFFA0  }
0x14: {  	v0 =	vld [tilespmem:$0x1BA20];
	_ =	sdelay $0x4  }
0x15: {  	v0 =	vshll.u32 v0, $0x6  }
0x16: {  	v0 =	vshra.s32 v0, $0x2  }
0x17: {  	(v2sf) =	vpush v0, $0x0  }
0x18: {  	(v2sf) =	vpush v0, $0x1  }
0x19: {  	(v2sf) =	vpush v0, $0x2  }
0x1a: {  	(v2sf) =	vpush v0, $0x3  }
0x1b: {  	(v2sf) =	vpush v0, $0x4  }
0x1c: {  	(v2sf) =	vpush v0, $0x5  }
0x1d: {  	(v2sf) =	vpush v0, $0x6  }
0x1e: {  	(v2sf) =	vpush v0, $0x7  }
0x1f: {  	(v2sf) =	vpush v0, $0x8  }
0x20: {  	v1 =	vld [tilespmem:$0x1BA30];
	(v2sf) =	vpush v0, $0x9  }
0x21: {  	(v2sf) =	vpush v0, $0xA  }
0x22: {  	(v2sf) =	vpush v0, $0xB  }
0x23: {  	(v2sf) =	vpush v0, $0xC  }
0x24: {  	(v2sf) =	vpush v0, $0xD  }
0x25: {  	v1 =	vshll.u32 v1, $0x6;
	(v2sf) =	vpush v0, $0xE  }
0x26: {  	s13 =	spop (v2sf);
	(v2sf) =	vpush v0, $0xF;
	v0 =	vshra.s32 v1, $0x2  }
0x27: {  	s14 =	spop (v2sf);
	(v2sf) =	vpush v0, $0x0  }
0x28: {  	s15 =	spop (v2sf);
	(v2sf) =	vpush v0, $0x1  }
0x29: {  	s16 =	spop (v2sf);
	(v2sf) =	vpush v0, $0x2  }
0x2a: {  	s17 =	spop (v2sf);
	(v2sf) =	vpush v0, $0x3  }
0x2b: {  	s18 =	spop (v2sf);
	(v2sf) =	vpush v0, $0x4  }
0x2c: {  	s19 =	spop (v2sf);
	(v2sf) =	vpush v0, $0x5  }
0x2d: {  	s20 =	spop (v2sf);
	(v2sf) =	vpush v0, $0x6  }
0x2e: {  	s21 =	spop (v2sf);
	(v2sf) =	vpush v0, $0x7  }
0x2f: {  	s22 =	spop (v2sf);
	(v2sf) =	vpush v0, $0x8  }
0x30: {  	v1 =	vld [tilespmem:$0x1BA40];
	s23 =	spop (v2sf);
	(v2sf) =	vpush v0, $0x9  }
0x31: {  	s24 =	spop (v2sf);
	(v2sf) =	vpush v0, $0xA  }
0x32: {  	s25 =	spop (v2sf);
	(v2sf) =	vpush v0, $0xB  }
0x33: {  	s26 =	spop (v2sf);
	(v2sf) =	vpush v0, $0xC  }
0x34: {  	s28 =	spop (v2sf);
	(v2sf) =	vpush v0, $0xD  }
0x35: {  	v1 =	vshll.u32 v1, $0x6;
	s29 =	spop (v2sf);
	(v2sf) =	vpush v0, $0xE  }
0x36: {  	s1 =	spop (v2sf);
	(v2sf) =	vpush v0, $0xF;
	v0 =	vshra.s32 v1, $0x2  }
0x37: {  	s2 =	spop (v2sf);
	(v2sf) =	vpush v0, $0x0  }
0x38: {  	s3 =	spop (v2sf);
	(v2sf) =	vpush v0, $0x1  }
0x39: {  	s4 =	spop (v2sf);
	(v2sf) =	vpush v0, $0x2  }
0x3a: {  	s5 =	spop (v2sf);
	(v2sf) =	vpush v0, $0x3  }
0x3b: {  	[dreg:$0xb] =	wrdreg s21;
	s21 =	spop (v2sf);
	(v2sf) =	vpush v0, $0x4  }
0x3c: {  	s10 =	spop (v2sf);
	(v2sf) =	vpush v0, $0x5  }
0x3d: {  	[dreg:$0xd] =	wrdreg s13;
	s13 =	spop (v2sf);
	(v2sf) =	vpush v0, $0x6  }
0x3e: {  	s9 =	spop (v2sf);
	(v2sf) =	vpush v0, $0x7  }
0x3f: {  	(v2sf) =	vpush v0, $0x8  }
0x40: {  	[dreg:$0xe] =	wrdreg s14;
	v1 =	vld [tilespmem:$0x1BA50];
	s14 =	spop (v2sf);
	(v2sf) =	vpush v0, $0x9  }
0x41: {  	[dreg:$0xf] =	wrdreg s15;
	s15 =	spop (v2sf);
	(v2sf) =	vpush v0, $0xA  }
0x42: {  	[dreg:$0x12] =	wrdreg s18;
	s18 =	spop (v2sf);
	(v2sf) =	vpush v0, $0xB  }
0x43: {  	[dreg:$0x11] =	wrdreg s17;
	s17 =	spop (v2sf);
	(v2sf) =	vpush v0, $0xC  }
0x44: {  	[dreg:$0x13] =	wrdreg s19;
	s19 =	spop (v2sf);
	(v2sf) =	vpush v0, $0xD  }
0x45: {  	[dreg:$0x1c] =	wrdreg s5;
	v1 =	vshll.u32 v1, $0x6;
	s5 =	spop (v2sf);
	(v2sf) =	vpush v0, $0xE  }
0x46: {  	[dreg:$0xa] =	wrdreg s20;
	s20 =	spop (v2sf);
	(v2sf) =	vpush v0, $0xF;
	v0 =	vshra.s32 v1, $0x2;
	v1 =	vld [tilespmem:$0x1BA80]  }
0x47: {  	_ =	sdelay $0x3  }
0x48: {  	v2 =	vbroadcast v1, $0x0;
	_ =	sdelay $0x1  }
0x49: {  	[tilespmem:$0x1FB30] =	vst v2;
	v2 =	vbroadcast v1, $0x1;
	_ =	sdelay $0x1  }
0x4a: {  	v15 =	vld [tilespmem:$0x1BAC0];
	s12 =	spop (v2sf);
	(v2sf) =	vpush v0, $0x0;
	[tilespmem:$0x1FB40] =	vst v2;
	v2 =	vbroadcast v1, $0x2  }
0x4b: {  	[dreg:$0x15] =	wrdreg s1;
	s1 =	spop (v2sf);
	(v2sf) =	vpush v0, $0x1  }
0x4c: {  	v3 =	vld [tilespmem:$0x1BA90];
	[smem:$0x7C2] =	sst s25;
	s25 =	spop (v2sf);
	(v2sf) =	vpush v0, $0x2;
	[tilespmem:$0x1FB50] =	vst v2;
	v2 =	vbroadcast v1, $0x3  }
0x4d: {  	[dreg:$0x19] =	wrdreg s2;
	s2 =	spop (v2sf);
	(v2sf) =	vpush v0, $0x3  }
0x4e: {  	[dreg:$0xc] =	wrdreg s22;
	s22 =	spop (v2sf);
	(v2sf) =	vpush v0, $0x4;
	[tilespmem:$0x1FB60] =	vst v2;
	v2 =	vbroadcast v1, $0x4  }
0x4f: {  	v26 =	vbroadcast v15, $0x6;
	s0 =	spop (v2sf);
	(v2sf) =	vpush v0, $0x5  }
0x50: {  	[dreg:$0x1b] =	wrdreg s3;
	s3 =	spop (v2sf);
	(v2sf) =	vpush v0, $0x6;
	[tilespmem:$0x1FB70] =	vst v2;
	v2 =	vbroadcast v1, $0x5  }
0x51: {  	v33 =	vbroadcast v3, $0x2;
	[tilespmem:$0x1FD20] =	vst v26;
	s30 =	spop (v2sf);
	(v2sf) =	vpush v0, $0x7  }
0x52: {  	s31 =	spop (v2sf);
	(v2sf) =	vpush v0, $0x8;
	[tilespmem:$0x1FB80] =	vst v2;
	v2 =	vbroadcast v1, $0x6  }
0x53: {  	v4 =	vld [tilespmem:$0x1BA60];
	v35 =	vbroadcast v3, $0x9;
	[tilespmem:$0x1FE60] =	vst v33;
	[dreg:$0x10] =	wrdreg s16;
	s6 =	spop (v2sf);
	(v2sf) =	vpush v0, $0x9  }
0x54: {  	[smem:$0x7C0] =	sst s23;
	s8 =	spop (v2sf);
	(v2sf) =	vpush v0, $0xA;
	[tilespmem:$0x1FB90] =	vst v2;
	v2 =	vbroadcast v1, $0x7  }
0x55: {  	v26 =	vbroadcast v15, $0x7;
	[tilespmem:$0x1FE70] =	vst v35;
	[smem:$0x7C1] =	sst s24;
	s11 =	spop (v2sf);
	(v2sf) =	vpush v0, $0xB  }
0x56: {  	[smem:$0x7C3] =	sst s26;
	s16 =	spop (v2sf);
	(v2sf) =	vpush v0, $0xC;
	[tilespmem:$0x1FBA0] =	vst v2;
	v2 =	vbroadcast v1, $0x8  }
0x57: {  	v46 =	vbroadcast v3, $0x6;
	[tilespmem:$0x1FD30] =	vst v26;
	[smem:$0x7C4] =	sst s28;
	s23 =	spop (v2sf);
	(v2sf) =	vpush v0, $0xD  }
0x58: {  	v26 =	vbroadcast v15, $0x8;
	[smem:$0x7C5] =	sst s29;
	s24 =	spop (v2sf);
	(v2sf) =	vpush v0, $0xE;
	[tilespmem:$0x1FBB0] =	vst v2;
	v2 =	vshll.u32 v4, $0x6  }
0x59: {  	[tilespmem:$0x1FE80] =	vst v46;
	[smem:$0x7C6] =	sst s4;
	s26 =	spop (v2sf);
	(v2sf) =	vpush v0, $0xF;
	v0 =	vshra.s32 v2, $0x2;
	v2 =	vbroadcast v1, $0xA  }
0x5a: {  	[tilespmem:$0x1FD40] =	vst v26;
	v26 =	vbroadcast v15, $0x9;
	[smem:$0x7FC] =	sst s21  }
0x5b: {  	v32 =	vbroadcast v3, $0x5;
	[smem:$0x7FB] =	sst s10;
	[tilespmem:$0x1FBD0] =	vst v2;
	v2 =	vbroadcast v1, $0xB  }
0x5c: {  	v47 =	vbroadcast v3, $0x7;
	v31 =	vbroadcast v3, $0xC;
	[tilespmem:$0x1FD50] =	vst v26;
	[smem:$0x7FA] =	sst s13  }
0x5d: {  	v26 =	vbroadcast v15, $0xA;
	[smem:$0x7F9] =	sst s9;
	[tilespmem:$0x1FBE0] =	vst v2;
	v2 =	vbroadcast v1, $0xC  }
0x5e: {  	[tilespmem:$0x1FE90] =	vst v31;
	[smem:$0x7F8] =	sst s14;
	v63 =	vbroadcast v1, $0x9;
	v39 =	vbroadcast v1, $0xE  }
0x5f: {  	[dreg:$0x1d] =	wrdreg s15;
	[tilespmem:$0x1FBF0] =	vst v2;
	v2 =	vbroadcast v1, $0xD;
	v1 =	vbroadcast v1, $0xF  }
0x60: {  	v48 =	vbroadcast v3, $0x8;
	[tilespmem:$0x1FD60] =	vst v26;
	v26 =	vbroadcast v15, $0xB;
	[dreg:$0x18] =	wrdreg s18  }
0x61: {  	v44 =	vbroadcast v3, $0xA;
	[dreg:$0x16] =	wrdreg s17;
	[tilespmem:$0x1FC10] =	vst v1;
	v1 =	vbroadcast v3, $0x1  }
0x62: {  	v49 =	vbroadcast v3, $0xB;
	v51 =	vbroadcast v3, $0xD;
	[tilespmem:$0x1FD70] =	vst v26;
	[dreg:$0x14] =	wrdreg s19;
	s28 =	spop (v2sf);
	(v2sf) =	vpush v0, $0x0  }
0x63: {  	v53 =	vbroadcast v3, $0xE;
	[smem:$0x7FD] =	sst s5;
	s29 =	spop (v2sf);
	(v2sf) =	vpush v0, $0x1;
	[tilespmem:$0x1FC20] =	vst v1;
	v1 =	vbroadcast v3, $0x3  }
0x64: {  	v54 =	vbroadcast v3, $0xF;
	v26 =	vbroadcast v15, $0xC;
	[dreg:$0x17] =	wrdreg s1;
	s4 =	spop (v2sf);
	(v2sf) =	vpush v0, $0x2;
	[tilespmem:$0x1FC00] =	vst v2  }
0x65: {  	[smem:$0x7C7] =	sst s6;
	s6 =	spop (v2sf);
	(v2sf) =	vpush v0, $0x3;
	v2 =	vbroadcast v3, $0x0;
	[tilespmem:$0x1FC30] =	vst v1;
	v1 =	vbroadcast v3, $0x4;
	v3 =	vld [tilespmem:$0x1BAB0]  }
0x66: {  	[tilespmem:$0x1FD80] =	vst v26;
	v26 =	vbroadcast v15, $0xD;
	[smem:$0x7C8] =	sst s8;
	s8 =	spop (v2sf);
	(v2sf) =	vpush v0, $0x4  }
0x67: {  	v59 =	vbroadcast v15, $0xF;
	[tilespmem:$0x1FEA0] =	vst v32;
	[smem:$0x7C9] =	sst s11;
	s11 =	spop (v2sf);
	(v2sf) =	vpush v0, $0x5  }
0x68: {  	[tilespmem:$0x1FD90] =	vst v26;
	v26 =	vbroadcast v15, $0xE;
	[smem:$0x7CA] =	sst s16;
	s16 =	spop (v2sf);
	(v2sf) =	vpush v0, $0x6  }
0x69: {  	[tilespmem:$0x1FFA0] =	vst v59;
	[smem:$0x7CB] =	sst s23;
	s23 =	spop (v2sf);
	(v2sf) =	vpush v0, $0x7  }
0x6a: {  	[tilespmem:$0x1FDA0] =	vst v26;
	[smem:$0x7CC] =	sst s24;
	s24 =	spop (v2sf);
	(v2sf) =	vpush v0, $0x8;
	v25 =	vbroadcast v3, $0x7  }
0x6b: {  	[tilespmem:$0x1FBC0] =	vst v63;
	[smem:$0x7CD] =	sst s26;
	s26 =	spop (v2sf);
	(v2sf) =	vpush v0, $0x9  }
0x6c: {  	[smem:$0x7CE] =	sst s28;
	s28 =	spop (v2sf);
	(v2sf) =	vpush v0, $0xA;
	[tilespmem:$0x1FC50] =	vst v25;
	v25 =	vbroadcast v3, $0x8  }
0x6d: {  	[tilespmem:$0x1FE50] =	vst v39;
	[smem:$0x7CF] =	sst s29;
	s29 =	spop (v2sf);
	(v2sf) =	vpush v0, $0xB  }
0x6e: {  	[smem:$0x7D0] =	sst s4;
	s4 =	spop (v2sf);
	(v2sf) =	vpush v0, $0xC;
	[tilespmem:$0x1FC60] =	vst v25;
	v25 =	vbroadcast v3, $0x9  }
0x6f: {  	[smem:$0x7D1] =	sst s6;
	s6 =	spop (v2sf);
	[tilespmem:$0x1FEB0] =	vst v2;
	(v2sf) =	vpush v0, $0xD  }
0x70: {  	[smem:$0x7D2] =	sst s8;
	s8 =	spop (v2sf);
	(v2sf) =	vpush v0, $0xE;
	[tilespmem:$0x1FC70] =	vst v25;
	v25 =	vbroadcast v3, $0xA  }
0x71: {  	[smem:$0x7D3] =	sst s11;
	s11 =	spop (v2sf);
	[tilespmem:$0x1FC40] =	vst v1;
	(v2sf) =	vpush v0, $0xF;
	v0 =	vbroadcast v3, $0xF  }
0x72: {  	[dreg:$0x1a] =	wrdreg s2;
	v1 =	vld [tilespmem:$0x1BAA0];
	v20 =	vbroadcast v3, $0x0;
	[tilespmem:$0x1FC80] =	vst v25;
	v25 =	vbroadcast v3, $0xB  }
0x73: {  	[dreg:$0x1e] =	wrdreg s0;
	v55 =	vbroadcast v3, $0x1;
	v56 =	vbroadcast v3, $0x3;
	[tilespmem:$0x1FED0] =	vst v0  }
0x74: {  	[dreg:$0x1f] =	wrdreg s3;
	v22 =	vbroadcast v3, $0x2;
	[tilespmem:$0x1FC90] =	vst v25;
	v25 =	vbroadcast v3, $0xD  }
0x75: {  	[smem:$0x7D4] =	sst s16;
	v24 =	vbroadcast v3, $0x4;
	v14 =	vbroadcast v3, $0x5;
	[tilespmem:$0x1FEE0] =	vst v56  }
0x76: {  	[smem:$0x7D5] =	sst s23;
	v63 =	vbroadcast v3, $0x6;
	[tilespmem:$0x1FCA0] =	vst v25;
	v25 =	vbroadcast v3, $0xE  }
0x77: {  	[smem:$0x7D6] =	sst s24;
	v37 =	vbroadcast v1, $0x0;
	v43 =	vbroadcast v1, $0x1;
	[tilespmem:$0x1FEF0] =	vst v55  }
0x78: {  	v11 =	vld [tilespmem:$0x1BA70];
	[smem:$0x7D7] =	sst s26;
	v40 =	vbroadcast v1, $0x2;
	[tilespmem:$0x1FCB0] =	vst v25;
	v25 =	vbroadcast v15, $0x0  }
0x79: {  	[smem:$0x7D8] =	sst s28;
	v34 =	vbroadcast v1, $0x3;
	v42 =	vbroadcast v1, $0x4;
	[tilespmem:$0x1FF00] =	vst v14  }
0x7a: {  	[smem:$0x7D9] =	sst s29;
	v41 =	vbroadcast v1, $0x5;
	[tilespmem:$0x1FCC0] =	vst v25;
	v25 =	vbroadcast v15, $0x1  }
0x7b: {  	[smem:$0x7DA] =	sst s4;
	v38 =	vbroadcast v1, $0x6;
	v50 =	vbroadcast v1, $0x7;
	[tilespmem:$0x1FF10] =	vst v63  }
0x7c: {  	[smem:$0x7DB] =	sst s6;
	v52 =	vbroadcast v1, $0x8;
	[tilespmem:$0x1FCD0] =	vst v25;
	v25 =	vbroadcast v15, $0x2  }
0x7d: {  	v12 =	vshll.u32 v11, $0x6;
	[smem:$0x7DC] =	sst s8;
	v58 =	vbroadcast v1, $0x9;
	v45 =	vbroadcast v1, $0xA;
	[tilespmem:$0x1FF30] =	vst v24  }
0x7e: {  	v21 =	vshra.s32 v12, $0x2;
	[smem:$0x7DD] =	sst s11;
	s16 =	spop (v2sf);
	v60 =	vbroadcast v1, $0xB;
	[tilespmem:$0x1FCE0] =	vst v25;
	v25 =	vbroadcast v15, $0x3  }
0x7f: {  	[smem:$0x7DE] =	sst s16;
	(v2sf) =	vpush v21, $0x0;
	s23 =	spop (v2sf);
	v61 =	vbroadcast v1, $0xC;
	v18 =	vbroadcast v1, $0xD;
	[tilespmem:$0x1FF40] =	vst v22  }
0x80: {  	[smem:$0x7DF] =	sst s23;
	(v2sf) =	vpush v21, $0x1;
	s24 =	spop (v2sf);
	v62 =	vbroadcast v1, $0xE;
	[tilespmem:$0x1FCF0] =	vst v25;
	v25 =	vbroadcast v15, $0x4  }
0x81: {  	[smem:$0x7E0] =	sst s24;
	(v2sf) =	vpush v21, $0x2;
	s26 =	spop (v2sf);
	v12 =	vbroadcast v1, $0xF;
	v1 =	vbroadcast v3, $0xC;
	[tilespmem:$0x1FF50] =	vst v20  }
0x82: {  	[smem:$0x7E1] =	sst s26;
	(v2sf) =	vpush v21, $0x3;
	s28 =	spop (v2sf);
	[tilespmem:$0x1FD00] =	vst v25;
	v25 =	vbroadcast v15, $0x5  }
0x83: {  	[smem:$0x7E2] =	sst s28;
	(v2sf) =	vpush v21, $0x4;
	s29 =	spop (v2sf);
	[tilespmem:$0x1FEC0] =	vst v1  }
0x84: {  	[smem:$0x7E3] =	sst s29;
	(v2sf) =	vpush v21, $0x5;
	s4 =	spop (v2sf);
	[tilespmem:$0x1FD10] =	vst v25;
	v25 =	vld [tilespmem:$0x1BAD0]  }
0x85: {  	[tilespmem:$0x1FF20] =	vst v12;
	[smem:$0x7E4] =	sst s4;
	(v2sf) =	vpush v21, $0x6;
	s6 =	spop (v2sf)  }
0x86: {  	[tilespmem:$0x1FF60] =	vst v58;
	[smem:$0x7E5] =	sst s6;
	(v2sf) =	vpush v21, $0x7;
	s8 =	spop (v2sf)  }
0x87: {  	[tilespmem:$0x1FF70] =	vst v50;
	[smem:$0x7E6] =	sst s8;
	(v2sf) =	vpush v21, $0x8;
	s11 =	spop (v2sf)  }
0x88: {  	[tilespmem:$0x1FF80] =	vst v38;
	[smem:$0x7E7] =	sst s11;
	(v2sf) =	vpush v21, $0x9;
	s16 =	spop (v2sf)  }
0x89: {  	[tilespmem:$0x1FF90] =	vst v45;
	[smem:$0x7E8] =	sst s16;
	s23 =	spop (v2sf);
	v26 =	vbroadcast v25, $0x0  }
0x8a: {  	[tilespmem:$0x1FFB0] =	vst v62;
	[smem:$0x7E9] =	sst s23;
	s24 =	spop (v2sf)  }
0x8b: {  	[smem:$0x7EA] =	sst s24;
	s26 =	spop (v2sf);
	[tilespmem:$0x1FDB0] =	vst v26;
	v26 =	vbroadcast v25, $0x1  }
0x8c: {  	[tilespmem:$0x1FFC0] =	vst v18;
	[smem:$0x7EB] =	sst s26;
	s28 =	spop (v2sf)  }
0x8d: {  	[smem:$0x7EC] =	sst s28;
	s29 =	spop (v2sf);
	[tilespmem:$0x1FDC0] =	vst v26;
	v26 =	vbroadcast v25, $0x2  }
0x8e: {  	[tilespmem:$0x1FFD0] =	vst v61;
	[smem:$0x7ED] =	sst s29;
	s4 =	spop (v2sf)  }
0x8f: {  	[smem:$0x7EE] =	sst s4;
	s6 =	spop (v2sf);
	[tilespmem:$0x1FDD0] =	vst v26;
	v26 =	vbroadcast v25, $0x3  }
0x90: {  	[tilespmem:$0x1FFE0] =	vst v60;
	[smem:$0x7EF] =	sst s6;
	s8 =	spop (v2sf)  }
0x91: {  	[smem:$0x7F0] =	sst s8;
	s11 =	spop (v2sf);
	[tilespmem:$0x1FDE0] =	vst v26;
	v26 =	vbroadcast v25, $0x4  }
0x92: {  	[tilespmem:$0x1FFF0] =	vst v41;
	[smem:$0x7F1] =	sst s11;
	s16 =	spop (v2sf);
	v30 =	vbroadcast v25, $0x7  }
0x93: {  	[smem:$0x7F2] =	sst s16;
	s23 =	spop (v2sf);
	[tilespmem:$0x1FDF0] =	vst v26;
	v26 =	vbroadcast v25, $0x5  }
0x94: {  	[smem:$0x7F3] =	sst s23;
	s24 =	spop (v2sf);
	v28 =	vbroadcast v25, $0x8;
	[tilespmem:$0x1FE20] =	vst v30  }
0x95: {  	[smem:$0x7F4] =	sst s24;
	s26 =	spop (v2sf);
	[tilespmem:$0x1FE00] =	vst v26;
	v26 =	vbroadcast v25, $0x6  }
0x96: {  	[smem:$0x7F5] =	sst s26;
	s28 =	spop (v2sf);
	[tilespmem:$0x1FE30] =	vst v28;
	v25 =	vbroadcast v25, $0x9  }
0x97: {  	[smem:$0x7F6] =	sst s28;
	s29 =	spop (v2sf);
	[tilespmem:$0x1FE10] =	vst v26  }
0x98: {  	s8 =	simm.s32 $0x0;
	[smem:$0x7F7] =	sst s29;
	[tilespmem:$0x1FE40] =	vst v25  }
.LBB2_2:
0x99: {  	s7 =	sshll.u32 s8, $0x7;
	s21 =	rddreg [dreg:$0x7]  }
0x9a: {  	s7 =	sadd.s32 s21, s7  }
0x9b: {  	s16 =	smul.u32 $0x24, s7  }
0x9c: {  	s11 =	simm.s32 $0x1;
	s23 =	rddreg [dreg:$0x0]  }
0x9d: {  	[smem:$0x7BE] =	sst s8;
	s28 =	simm.s32 $0x0;
	s24 =	sadd.s32 s23, s16  }
0x9e: {  	[tilespmem:s28], [sflag:$0x1] =	stream.linear.gather [hbm4b:s24+s28], $0x9000, $0x38;
	[tilespmem:$0x1BAE0] =	vst v63  }
0x9f: {  	_ =	swait.ge [sflag:s11], $0x9000  }
0xa0: {  	s29 =	simm.s32 $0x9000;
	[sflag:s11] =	ssyncset.done $0x0;
	s26 =	rddreg [dreg:$0x5]  }
0xa1: {  	[smem:$0x7BF] =	sst s16;
	[sflag:s11] =	ssyncadd.s32 $0xFFFF7000;
	s8 =	sadd.s32 s26, s16  }
0xa2: {  	[tilespmem:s29], [sflag:$0x1] =	stream.linear.gather [hbm4b:s8+s28], $0x9000, $0x38;
	[tilespmem:$0x1BAE0] =	vst v63  }
0xa3: {  	_ =	swait.ge [sflag:s11], $0x9000  }
0xa4: {  	[sflag:s11] =	ssyncset.done $0x0  }
0xa5: {  	[sflag:s11] =	ssyncadd.s32 $0xFFFF7000  }
.LBB2_3:
0xa6: {  	s8 =	sshra.s32 s28, $0x2  }
0xa7: {  	v33 =	vld [tilespmem:s8+$0x9000]  }
0xa8: {  	v7 =	vmov v34;
	v34 =	vld [tilespmem:s8+$0x9020]  }
0xa9: {  	v35 =	vld [tilespmem:s8+$0x0]  }
0xaa: {  	v31 =	vld [tilespmem:s8+$0x9040]  }
0xab: {  	v32 =	vld [tilespmem:s8+$0x9060]  }
0xac: {  	v30 =	vld [tilespmem:s8+$0x9080]  }
0xad: {  	v29 =	vld [tilespmem:s8+$0x90A0]  }
0xae: {  	v28 =	vld [tilespmem:s8+$0x90C0];
	v36 =	vmul.f32 v35, v33  }
0xaf: {  	v39 =	vmovc v53;
	v53 =	vmov v60;
	v60 =	vmov v51;
	v26 =	vld [tilespmem:s8+$0x90E0];
	v51 =	vmul.f32 v35, v34  }
0xb0: {  	v21 =	vmov v55;
	v27 =	vld [tilespmem:s8+$0x9100];
	v55 =	vmul.f32 v35, v31;
	[tilespmem:$0x1B000] =	vst v36  }
0xb1: {  	v23 =	vmov v56;
	v56 =	vmul.f32 v35, v32;
	[tilespmem:$0x1B020] =	vst v51  }
0xb2: {  	v57 =	vmul.f32 v35, v30;
	[tilespmem:$0x1B040] =	vst v55  }
0xb3: {  	v3 =	vmov v58;
	v58 =	vmul.f32 v35, v29;
	[tilespmem:$0x1B060] =	vst v56  }
0xb4: {  	v5 =	vmov v61;
	v61 =	vmul.f32 v35, v28;
	[tilespmem:$0x1B080] =	vst v57  }
0xb5: {  	v4 =	vmov v62;
	v62 =	vmul.f32 v35, v26;
	[tilespmem:$0x1B0A0] =	vst v58  }
0xb6: {  	v35 =	vmul.f32 v35, v27;
	[tilespmem:$0x1B0C0] =	vst v61  }
0xb7: {  	[tilespmem:$0x1B0E0] =	vst v62  }
0xb8: {  	[tilespmem:$0x1B100] =	vst v35  }
0xb9: {  	v35 =	vld [tilespmem:s8+$0x20];
	_ =	sdelay $0x4  }
0xba: {  	v10 =	vmov v38;
	v38 =	vmov v63;
	v63 =	vmul.f32 v35, v33  }
0xbb: {  	v6 =	vmov v40;
	v40 =	vmul.f32 v35, v34  }
0xbc: {  	v25 =	vmov v45;
	v45 =	vmul.f32 v35, v31;
	[tilespmem:$0x1B120] =	vst v63  }
0xbd: {  	v46 =	vmul.f32 v35, v32;
	[tilespmem:$0x1B140] =	vst v40  }
0xbe: {  	v11 =	vmov v50;
	v50 =	vmul.f32 v35, v30;
	[tilespmem:$0x1B160] =	vst v45  }
0xbf: {  	v51 =	vmul.f32 v35, v29;
	[tilespmem:$0x1B180] =	vst v46  }
0xc0: {  	v55 =	vmul.f32 v35, v28;
	[tilespmem:$0x1B1A0] =	vst v50  }
0xc1: {  	v56 =	vmul.f32 v35, v26;
	[tilespmem:$0x1B1C0] =	vst v51  }
0xc2: {  	v35 =	vmul.f32 v35, v27;
	[tilespmem:$0x1B1E0] =	vst v55  }
0xc3: {  	[tilespmem:$0x1B200] =	vst v56  }
0xc4: {  	[tilespmem:$0x1B220] =	vst v35  }
0xc5: {  	v35 =	vld [tilespmem:s8+$0x40];
	_ =	sdelay $0x4  }
0xc6: {  	v57 =	vmul.f32 v35, v33  }
0xc7: {  	v58 =	vmul.f32 v35, v34  }
0xc8: {  	v61 =	vmul.f32 v35, v31;
	[tilespmem:$0x1B240] =	vst v57  }
0xc9: {  	v62 =	vmul.f32 v35, v32;
	[tilespmem:$0x1B260] =	vst v58  }
0xca: {  	v63 =	vmul.f32 v35, v30;
	[tilespmem:$0x1B280] =	vst v61  }
0xcb: {  	v40 =	vmul.f32 v35, v29;
	[tilespmem:$0x1B2A0] =	vst v62  }
0xcc: {  	v45 =	vmul.f32 v35, v28;
	[tilespmem:$0x1B2C0] =	vst v63  }
0xcd: {  	v46 =	vmul.f32 v35, v26;
	[tilespmem:$0x1B2E0] =	vst v40  }
0xce: {  	v35 =	vmul.f32 v35, v27;
	[tilespmem:$0x1B300] =	vst v45  }
0xcf: {  	[tilespmem:$0x1B320] =	vst v46  }
0xd0: {  	[tilespmem:$0x1B340] =	vst v35  }
0xd1: {  	v35 =	vld [tilespmem:s8+$0x60];
	_ =	sdelay $0x4  }
0xd2: {  	v50 =	vmul.f32 v35, v33  }
0xd3: {  	v51 =	vmul.f32 v35, v34  }
0xd4: {  	v55 =	vmul.f32 v35, v31;
	[tilespmem:$0x1B360] =	vst v50  }
0xd5: {  	v56 =	vmul.f32 v35, v32;
	[tilespmem:$0x1B380] =	vst v51  }
0xd6: {  	v57 =	vmul.f32 v35, v30;
	[tilespmem:$0x1B3A0] =	vst v55  }
0xd7: {  	v58 =	vmul.f32 v35, v29;
	[tilespmem:$0x1B3C0] =	vst v56  }
0xd8: {  	v61 =	vmul.f32 v35, v28;
	[tilespmem:$0x1B3E0] =	vst v57  }
0xd9: {  	v62 =	vmul.f32 v35, v26;
	[tilespmem:$0x1B400] =	vst v58  }
0xda: {  	v35 =	vmul.f32 v35, v27;
	[tilespmem:$0x1B420] =	vst v61  }
0xdb: {  	[tilespmem:$0x1B440] =	vst v62  }
0xdc: {  	[tilespmem:$0x1B460] =	vst v35  }
0xdd: {  	v35 =	vld [tilespmem:s8+$0x80];
	_ =	sdelay $0x4  }
0xde: {  	v63 =	vmul.f32 v35, v33  }
0xdf: {  	v40 =	vmul.f32 v35, v34  }
0xe0: {  	v45 =	vmul.f32 v35, v31;
	[tilespmem:$0x1B480] =	vst v63  }
0xe1: {  	v46 =	vmul.f32 v35, v32;
	[tilespmem:$0x1B4A0] =	vst v40  }
0xe2: {  	v50 =	vmul.f32 v35, v30;
	[tilespmem:$0x1B4C0] =	vst v45  }
0xe3: {  	v51 =	vmul.f32 v35, v29;
	[tilespmem:$0x1B4E0] =	vst v46  }
0xe4: {  	v55 =	vmul.f32 v35, v28;
	[tilespmem:$0x1B500] =	vst v50  }
0xe5: {  	v56 =	vmul.f32 v35, v26;
	[tilespmem:$0x1B520] =	vst v51  }
0xe6: {  	v35 =	vmul.f32 v35, v27;
	[tilespmem:$0x1B540] =	vst v55  }
0xe7: {  	[tilespmem:$0x1B560] =	vst v56  }
0xe8: {  	[tilespmem:$0x1B580] =	vst v35  }
0xe9: {  	v35 =	vld [tilespmem:s8+$0xA0];
	_ =	sdelay $0x4  }
0xea: {  	v57 =	vmul.f32 v35, v33  }
0xeb: {  	v58 =	vmul.f32 v35, v34  }
0xec: {  	v61 =	vmul.f32 v35, v31;
	[tilespmem:$0x1B5A0] =	vst v57  }
0xed: {  	v62 =	vmul.f32 v35, v32;
	[tilespmem:$0x1B5C0] =	vst v58  }
0xee: {  	v63 =	vmul.f32 v35, v30;
	[tilespmem:$0x1B5E0] =	vst v61  }
0xef: {  	v40 =	vmul.f32 v35, v29;
	[tilespmem:$0x1B600] =	vst v62  }
0xf0: {  	v45 =	vmul.f32 v35, v28;
	[tilespmem:$0x1B620] =	vst v63  }
0xf1: {  	v46 =	vmul.f32 v35, v26;
	[tilespmem:$0x1B640] =	vst v40  }
0xf2: {  	v35 =	vmul.f32 v35, v27;
	[tilespmem:$0x1B660] =	vst v45  }
0xf3: {  	[tilespmem:$0x1B680] =	vst v46  }
0xf4: {  	[tilespmem:$0x1B6A0] =	vst v35  }
0xf5: {  	v35 =	vld [tilespmem:s8+$0xC0];
	_ =	sdelay $0x4  }
0xf6: {  	v50 =	vmul.f32 v35, v33  }
0xf7: {  	v51 =	vmul.f32 v35, v34  }
0xf8: {  	v55 =	vmul.f32 v35, v31;
	[tilespmem:$0x1B6C0] =	vst v50  }
0xf9: {  	v56 =	vmul.f32 v35, v32;
	[tilespmem:$0x1B6E0] =	vst v51  }
0xfa: {  	v57 =	vmul.f32 v35, v30;
	[tilespmem:$0x1B700] =	vst v55  }
0xfb: {  	v58 =	vmul.f32 v35, v29;
	[tilespmem:$0x1B720] =	vst v56  }
0xfc: {  	v61 =	vmul.f32 v35, v28;
	[tilespmem:$0x1B740] =	vst v57  }
0xfd: {  	v62 =	vmul.f32 v35, v26;
	[tilespmem:$0x1B760] =	vst v58  }
0xfe: {  	v35 =	vmul.f32 v35, v27;
	[tilespmem:$0x1B780] =	vst v61  }
0xff: {  	[tilespmem:$0x1B7A0] =	vst v62  }
0x100: {  	[tilespmem:$0x1B7C0] =	vst v35  }
0x101: {  	v35 =	vld [tilespmem:s8+$0xE0];
	_ =	sdelay $0x4  }
0x102: {  	v63 =	vmul.f32 v35, v33  }
0x103: {  	v40 =	vmul.f32 v35, v34  }
0x104: {  	v45 =	vmul.f32 v35, v31;
	[tilespmem:$0x1B7E0] =	vst v63  }
0x105: {  	v46 =	vmul.f32 v35, v32;
	[tilespmem:$0x1B800] =	vst v40  }
0x106: {  	v50 =	vmul.f32 v35, v30;
	[tilespmem:$0x1B820] =	vst v45  }
0x107: {  	v51 =	vmul.f32 v35, v29;
	[tilespmem:$0x1B840] =	vst v46  }
0x108: {  	v55 =	vmul.f32 v35, v28;
	[tilespmem:$0x1B860] =	vst v50  }
0x109: {  	v56 =	vmul.f32 v35, v26;
	[tilespmem:$0x1B880] =	vst v51  }
0x10a: {  	v35 =	vmul.f32 v35, v27;
	[tilespmem:$0x1B8A0] =	vst v55  }
0x10b: {  	[tilespmem:$0x1B8C0] =	vst v56  }
0x10c: {  	[tilespmem:$0x1B8E0] =	vst v35  }
0x10d: {  	v35 =	vld [tilespmem:s8+$0x100];
	_ =	sdelay $0x4  }
0x10e: {  	v33 =	vmul.f32 v35, v33  }
0x10f: {  	v34 =	vmul.f32 v35, v34  }
0x110: {  	v31 =	vmul.f32 v35, v31;
	[tilespmem:$0x1B900] =	vst v33  }
0x111: {  	v32 =	vmul.f32 v35, v32;
	[tilespmem:$0x1B920] =	vst v34  }
0x112: {  	v30 =	vmul.f32 v35, v30;
	[tilespmem:$0x1B940] =	vst v31  }
0x113: {  	v29 =	vmul.f32 v35, v29;
	[tilespmem:$0x1B960] =	vst v32  }
0x114: {  	v28 =	vmul.f32 v35, v28;
	[tilespmem:$0x1B980] =	vst v30  }
0x115: {  	v26 =	vmul.f32 v35, v26;
	[tilespmem:$0x1B9A0] =	vst v29  }
0x116: {  	v27 =	vmul.f32 v35, v27;
	[tilespmem:$0x1B9C0] =	vst v28  }
0x117: {  	[tilespmem:$0x1B9E0] =	vst v26  }
0x118: {  	[tilespmem:$0x1BA00] =	vst v27  }
0x119: {  	v33 =	vld [tilespmem:s8+$0x9010]  }
0x11a: {  	v34 =	vld [tilespmem:s8+$0x9030]  }
0x11b: {  	v57 =	vld [tilespmem:s8+$0x10]  }
0x11c: {  	v31 =	vld [tilespmem:s8+$0x9050]  }
0x11d: {  	v32 =	vld [tilespmem:s8+$0x9070]  }
0x11e: {  	v30 =	vld [tilespmem:s8+$0x9090]  }
0x11f: {  	v29 =	vld [tilespmem:s8+$0x90B0]  }
0x120: {  	v28 =	vld [tilespmem:s8+$0x90D0];
	v58 =	vmul.f32 v57, v33  }
0x121: {  	v26 =	vld [tilespmem:s8+$0x90F0];
	v61 =	vmul.f32 v57, v34  }
0x122: {  	v27 =	vld [tilespmem:s8+$0x9110];
	v62 =	vmul.f32 v57, v31;
	[tilespmem:$0x1B010] =	vst v58  }
0x123: {  	v63 =	vmul.f32 v57, v32;
	[tilespmem:$0x1B030] =	vst v61  }
0x124: {  	v40 =	vmul.f32 v57, v30;
	[tilespmem:$0x1B050] =	vst v62  }
0x125: {  	v45 =	vmul.f32 v57, v29;
	[tilespmem:$0x1B070] =	vst v63  }
0x126: {  	v46 =	vmul.f32 v57, v28;
	[tilespmem:$0x1B090] =	vst v40  }
0x127: {  	v50 =	vmul.f32 v57, v26;
	[tilespmem:$0x1B0B0] =	vst v45  }
0x128: {  	v35 =	vmul.f32 v57, v27;
	[tilespmem:$0x1B0D0] =	vst v46  }
0x129: {  	[tilespmem:$0x1B0F0] =	vst v50  }
0x12a: {  	[tilespmem:$0x1B110] =	vst v35  }
0x12b: {  	v35 =	vld [tilespmem:s8+$0x30];
	_ =	sdelay $0x4  }
0x12c: {  	v51 =	vmul.f32 v35, v33  }
0x12d: {  	v55 =	vmul.f32 v35, v34  }
0x12e: {  	v56 =	vmul.f32 v35, v31;
	[tilespmem:$0x1B130] =	vst v51  }
0x12f: {  	v57 =	vmul.f32 v35, v32;
	[tilespmem:$0x1B150] =	vst v55  }
0x130: {  	v58 =	vmul.f32 v35, v30;
	[tilespmem:$0x1B170] =	vst v56  }
0x131: {  	v61 =	vmul.f32 v35, v29;
	[tilespmem:$0x1B190] =	vst v57  }
0x132: {  	v62 =	vmul.f32 v35, v28;
	[tilespmem:$0x1B1B0] =	vst v58  }
0x133: {  	v63 =	vmul.f32 v35, v26;
	[tilespmem:$0x1B1D0] =	vst v61  }
0x134: {  	v35 =	vmul.f32 v35, v27;
	[tilespmem:$0x1B1F0] =	vst v62  }
0x135: {  	[tilespmem:$0x1B210] =	vst v63  }
0x136: {  	[tilespmem:$0x1B230] =	vst v35  }
0x137: {  	v35 =	vld [tilespmem:s8+$0x50];
	_ =	sdelay $0x4  }
0x138: {  	v40 =	vmul.f32 v35, v33  }
0x139: {  	v45 =	vmul.f32 v35, v34  }
0x13a: {  	v46 =	vmul.f32 v35, v31;
	[tilespmem:$0x1B250] =	vst v40  }
0x13b: {  	v50 =	vmul.f32 v35, v32;
	[tilespmem:$0x1B270] =	vst v45  }
0x13c: {  	v51 =	vmul.f32 v35, v30;
	[tilespmem:$0x1B290] =	vst v46  }
0x13d: {  	v55 =	vmul.f32 v35, v29;
	[tilespmem:$0x1B2B0] =	vst v50  }
0x13e: {  	v56 =	vmul.f32 v35, v28;
	[tilespmem:$0x1B2D0] =	vst v51  }
0x13f: {  	v57 =	vmul.f32 v35, v26;
	[tilespmem:$0x1B2F0] =	vst v55  }
0x140: {  	v35 =	vmul.f32 v35, v27;
	[tilespmem:$0x1B310] =	vst v56  }
0x141: {  	[smem:$0x7BD] =	sst s28;
	[tilespmem:$0x1B330] =	vst v57  }
0x142: {  	[tilespmem:$0x1B350] =	vst v35  }
0x143: {  	v35 =	vld [tilespmem:s8+$0x70];
	_ =	sdelay $0x4  }
0x144: {  	v58 =	vmul.f32 v35, v33  }
0x145: {  	v61 =	vmul.f32 v35, v34  }
0x146: {  	v62 =	vmul.f32 v35, v31;
	[tilespmem:$0x1B370] =	vst v58  }
0x147: {  	v63 =	vmul.f32 v35, v32;
	[tilespmem:$0x1B390] =	vst v61  }
0x148: {  	v40 =	vmul.f32 v35, v30;
	[tilespmem:$0x1B3B0] =	vst v62  }
0x149: {  	v45 =	vmul.f32 v35, v29;
	[tilespmem:$0x1B3D0] =	vst v63  }
0x14a: {  	v46 =	vmul.f32 v35, v28;
	[tilespmem:$0x1B3F0] =	vst v40  }
0x14b: {  	v50 =	vmul.f32 v35, v26;
	[tilespmem:$0x1B410] =	vst v45  }
0x14c: {  	v35 =	vmul.f32 v35, v27;
	[tilespmem:$0x1B430] =	vst v46  }
0x14d: {  	[tilespmem:$0x1B450] =	vst v50  }
0x14e: {  	[tilespmem:$0x1B470] =	vst v35  }
0x14f: {  	v35 =	vld [tilespmem:s8+$0x90];
	_ =	sdelay $0x4  }
0x150: {  	v51 =	vmul.f32 v35, v33  }
0x151: {  	v55 =	vmul.f32 v35, v34  }
0x152: {  	v56 =	vmul.f32 v35, v31;
	[tilespmem:$0x1B490] =	vst v51  }
0x153: {  	v57 =	vmul.f32 v35, v32;
	[tilespmem:$0x1B4B0] =	vst v55  }
0x154: {  	v58 =	vmul.f32 v35, v30;
	[tilespmem:$0x1B4D0] =	vst v56  }
0x155: {  	v61 =	vmul.f32 v35, v29;
	[tilespmem:$0x1B4F0] =	vst v57  }
0x156: {  	v62 =	vmul.f32 v35, v28;
	[tilespmem:$0x1B510] =	vst v58  }
0x157: {  	v63 =	vmul.f32 v35, v26;
	[tilespmem:$0x1B530] =	vst v61  }
0x158: {  	v35 =	vmul.f32 v35, v27;
	[tilespmem:$0x1B550] =	vst v62  }
0x159: {  	[tilespmem:$0x1B570] =	vst v63  }
0x15a: {  	[tilespmem:$0x1B590] =	vst v35  }
0x15b: {  	v35 =	vld [tilespmem:s8+$0xB0];
	_ =	sdelay $0x4  }
0x15c: {  	v40 =	vmul.f32 v35, v33  }
0x15d: {  	v45 =	vmul.f32 v35, v34  }
0x15e: {  	v46 =	vmul.f32 v35, v31;
	[tilespmem:$0x1B5B0] =	vst v40  }
0x15f: {  	v50 =	vmul.f32 v35, v32;
	[tilespmem:$0x1B5D0] =	vst v45  }
0x160: {  	v51 =	vmul.f32 v35, v30;
	[tilespmem:$0x1B5F0] =	vst v46  }
0x161: {  	v55 =	vmul.f32 v35, v29;
	[tilespmem:$0x1B610] =	vst v50  }
0x162: {  	v56 =	vmul.f32 v35, v28;
	[tilespmem:$0x1B630] =	vst v51  }
0x163: {  	v57 =	vmul.f32 v35, v26;
	[tilespmem:$0x1B650] =	vst v55  }
0x164: {  	v35 =	vmul.f32 v35, v27;
	[tilespmem:$0x1B670] =	vst v56  }
0x165: {  	[tilespmem:$0x1B690] =	vst v57  }
0x166: {  	[tilespmem:$0x1B6B0] =	vst v35  }
0x167: {  	v35 =	vld [tilespmem:s8+$0xD0];
	_ =	sdelay $0x4  }
0x168: {  	v58 =	vmul.f32 v35, v33  }
0x169: {  	v61 =	vmul.f32 v35, v34  }
0x16a: {  	v62 =	vmul.f32 v35, v31;
	[tilespmem:$0x1B6D0] =	vst v58  }
0x16b: {  	v63 =	vmul.f32 v35, v32;
	[tilespmem:$0x1B6F0] =	vst v61  }
0x16c: {  	v40 =	vmul.f32 v35, v30;
	[tilespmem:$0x1B710] =	vst v62  }
0x16d: {  	v45 =	vmul.f32 v35, v29;
	[tilespmem:$0x1B730] =	vst v63  }
0x16e: {  	v46 =	vmul.f32 v35, v28;
	[tilespmem:$0x1B750] =	vst v40  }
0x16f: {  	v50 =	vmul.f32 v35, v26;
	[tilespmem:$0x1B770] =	vst v45  }
0x170: {  	v35 =	vmul.f32 v35, v27;
	[tilespmem:$0x1B790] =	vst v46  }
0x171: {  	[tilespmem:$0x1B7B0] =	vst v50  }
0x172: {  	[tilespmem:$0x1B7D0] =	vst v35  }
0x173: {  	v35 =	vld [tilespmem:s8+$0xF0];
	_ =	sdelay $0x4  }
0x174: {  	v51 =	vmul.f32 v35, v33  }
0x175: {  	v55 =	vmul.f32 v35, v34  }
0x176: {  	v56 =	vmul.f32 v35, v31;
	[tilespmem:$0x1B7F0] =	vst v51  }
0x177: {  	v57 =	vmul.f32 v35, v32;
	[tilespmem:$0x1B810] =	vst v55  }
0x178: {  	v58 =	vmul.f32 v35, v30;
	[tilespmem:$0x1B830] =	vst v56  }
0x179: {  	v61 =	vmul.f32 v35, v29;
	[tilespmem:$0x1B850] =	vst v57  }
0x17a: {  	v62 =	vmul.f32 v35, v28;
	[tilespmem:$0x1B870] =	vst v58  }
0x17b: {  	v63 =	vmul.f32 v35, v26;
	[tilespmem:$0x1B890] =	vst v61  }
0x17c: {  	v35 =	vmul.f32 v35, v27;
	[tilespmem:$0x1B8B0] =	vst v62  }
0x17d: {  	[tilespmem:$0x1B8D0] =	vst v63  }
0x17e: {  	[tilespmem:$0x1B8F0] =	vst v35  }
0x17f: {  	v35 =	vld [tilespmem:s8+$0x110];
	_ =	sdelay $0x4  }
0x180: {  	v33 =	vmul.f32 v35, v33  }
0x181: {  	v34 =	vmul.f32 v35, v34  }
0x182: {  	v31 =	vmul.f32 v35, v31;
	[tilespmem:$0x1B910] =	vst v33  }
0x183: {  	v32 =	vmul.f32 v35, v32;
	[tilespmem:$0x1B930] =	vst v34  }
0x184: {  	v30 =	vmul.f32 v35, v30;
	[tilespmem:$0x1B950] =	vst v31  }
0x185: {  	v29 =	vmul.f32 v35, v29;
	[tilespmem:$0x1B970] =	vst v32  }
0x186: {  	v28 =	vmul.f32 v35, v28;
	[tilespmem:$0x1B990] =	vst v30  }
0x187: {  	v26 =	vmul.f32 v35, v26;
	[tilespmem:$0x1B9B0] =	vst v29  }
0x188: {  	v27 =	vmul.f32 v35, v27;
	[tilespmem:$0x1B9D0] =	vst v28  }
0x189: {  	v34 =	vld [tilespmem:$0x1FB30];
	[tilespmem:$0x1B9F0] =	vst v26  }
0x18a: {  	s17 =	rddreg [dreg:$0xd];
	v33 =	vld [tilespmem:$0x1FB40];
	[tilespmem:$0x1BA10] =	vst v27  }
0x18b: {  	s18 =	rddreg [dreg:$0xe];
	v26 =	vld [tilespmem:s17+$0x1B000]  }
0x18c: {  	v27 =	vld [tilespmem:s18+$0x1B000]  }
0x18d: {  	s19 =	rddreg [dreg:$0xf];
	v40 =	vld [tilespmem:$0x1FB50]  }
0x18e: {  	v28 =	vld [tilespmem:s19+$0x1B000]  }
0x18f: {  	v9 =	vmov v20;
	v20 =	vmov v43;
	s7 =	smov.u32 s20;
	v43 =	vld [tilespmem:$0x1FB60];
	s20 =	rddreg [dreg:$0x10]  }
0x190: {  	v8 =	vmov v42;
	v42 =	vmov v0;
	v2 =	vmov v22;
	v29 =	vld [tilespmem:s20+$0x1B000]  }
0x191: {  	v22 =	vmovc v6;
	v6 =	vmovc v5;
	v5 =	vmov v42;
	v42 =	vld [tilespmem:$0x1FB70];
	s21 =	rddreg [dreg:$0x11];
	v26 =	vmul.f32 v26, v34;
	v27 =	vmul.f32 v27, v33  }
0x192: {  	v30 =	vld [tilespmem:s21+$0x1B000]  }
0x193: {  	s16 =	smov.u32 s22;
	s22 =	rddreg [dreg:$0x12];
	v46 =	vld [tilespmem:$0x1FB80];
	v26 =	vadd.f32 v27, v26;
	v27 =	vmul.f32 v28, v40  }
0x194: {  	v28 =	vld [tilespmem:s22+$0x1B000]  }
0x195: {  	v26 =	vadd.f32 v27, v26;
	v27 =	vmul.f32 v29, v43;
	_ =	sdelay $0x1  }
0x196: {  	v26 =	vadd.f32 v27, v26;
	v27 =	vmul.f32 v30, v42;
	_ =	sdelay $0x1  }
0x197: {  	v26 =	vadd.f32 v27, v26;
	v27 =	vmul.f32 v28, v46  }
0x198: {  	v0 =	vmov v1;
	v1 =	vmov v12  }
0x199: {  	v26 =	vadd.f32 v27, v26  }
0x19a: {  	v16 =	vmov v37;
	v37 =	vld [tilespmem:$0x1FB90]  }
0x19b: {  	v36 =	vmov v1;
	v1 =	vmov v38;
	v38 =	vld [tilespmem:$0x1FBA0];
	s23 =	rddreg [dreg:$0x13];
	[tilespmem:s8+$0x12000] =	vst v26  }
0x19c: {  	s5 =	rddreg [dreg:$0xa];
	v26 =	vld [tilespmem:s23+$0x1B000]  }
0x19d: {  	v27 =	vld [tilespmem:s5+$0x1B000]  }
0x19e: {  	s29 =	rddreg [dreg:$0xb];
	v58 =	vmov v49;
	v49 =	vld [tilespmem:$0x1FBB0]  }
0x19f: {  	s4 =	sld [smem:$0x7C0];
	v28 =	vld [tilespmem:s29+$0x1B000]  }
0x1a0: {  	s24 =	rddreg [dreg:$0xc];
	v61 =	vmov v39;
	v39 =	vld [tilespmem:$0x1FBC0]  }
0x1a1: {  	v29 =	vld [tilespmem:s24+$0x1B000]  }
0x1a2: {  	v13 =	vmov v41;
	v41 =	vld [tilespmem:$0x1FBD0];
	s26 =	sld [smem:$0x7C1];
	v26 =	vmul.f32 v26, v37;
	v27 =	vmul.f32 v27, v38  }
0x1a3: {  	v30 =	vld [tilespmem:s4+$0x1B000]  }
0x1a4: {  	s3 =	sld [smem:$0x7C2];
	v57 =	vmovc v3;
	v3 =	vmov v2;
	v2 =	vld [tilespmem:$0x1FBE0];
	v26 =	vadd.f32 v27, v26;
	v27 =	vmul.f32 v28, v49  }
0x1a5: {  	v28 =	vld [tilespmem:s26+$0x1B000]  }
0x1a6: {  	s0 =	sld [smem:$0x7C3];
	v50 =	vld [tilespmem:$0x1FBF0];
	v26 =	vadd.f32 v27, v26;
	v27 =	vmul.f32 v29, v39  }
0x1a7: {  	v29 =	vld [tilespmem:s3+$0x1B000]  }
0x1a8: {  	v12 =	vmov v44;
	v44 =	vld [tilespmem:$0x1FC00];
	v26 =	vadd.f32 v27, v26;
	v27 =	vmul.f32 v30, v41  }
0x1a9: {  	v30 =	vld [tilespmem:s0+$0x1B000]  }
0x1aa: {  	v26 =	vadd.f32 v27, v26;
	v27 =	vmul.f32 v28, v2;
	_ =	sdelay $0x1  }
0x1ab: {  	v26 =	vadd.f32 v27, v26;
	v27 =	vmul.f32 v29, v50;
	_ =	sdelay $0x1  }
0x1ac: {  	v26 =	vadd.f32 v27, v26;
	v27 =	vmul.f32 v30, v44;
	_ =	sdelay $0x1  }
0x1ad: {  	s9 =	sld [smem:$0x7C4];
	v26 =	vadd.f32 v27, v26  }
0x1ae: {  	s2 =	sld [smem:$0x7C5];
	v31 =	vld [tilespmem:$0x1FE50]  }
0x1af: {  	v32 =	vld [tilespmem:$0x1FC10];
	[tilespmem:s8+$0x12020] =	vst v26  }
0x1b0: {  	v26 =	vld [tilespmem:s9+$0x1B000]  }
0x1b1: {  	v27 =	vld [tilespmem:s2+$0x1B000]  }
0x1b2: {  	v15 =	vmov v14;
	v14 =	vmov v54;
	v54 =	vmov v47;
	v47 =	vld [tilespmem:$0x1FEB0];
	s10 =	rddreg [dreg:$0x15]  }
0x1b3: {  	v28 =	vld [tilespmem:s10+$0x1B000]  }
0x1b4: {  	s13 =	rddreg [dreg:$0x19];
	v55 =	vmov v48;
	v48 =	vld [tilespmem:$0x1FC20]  }
0x1b5: {  	s15 =	sld [smem:$0x7C6];
	v29 =	vld [tilespmem:s13+$0x1B000]  }
0x1b6: {  	s14 =	rddreg [dreg:$0x1b];
	v35 =	vld [tilespmem:$0x1FE60];
	v26 =	vmul.f32 v26, v31;
	v27 =	vmul.f32 v27, v32  }
0x1b7: {  	v30 =	vld [tilespmem:s14+$0x1B000]  }
0x1b8: {  	v45 =	vld [tilespmem:$0x1FC30];
	v26 =	vadd.f32 v27, v26;
	v27 =	vmul.f32 v28, v47  }
0x1b9: {  	s1 =	rddreg [dreg:$0x1c];
	v28 =	vld [tilespmem:s15+$0x1B000]  }
0x1ba: {  	s6 =	sld [smem:$0x7FC];
	v51 =	vld [tilespmem:$0x1FC40];
	v26 =	vadd.f32 v27, v26;
	v27 =	vmul.f32 v29, v48  }
0x1bb: {  	v29 =	vld [tilespmem:s1+$0x1B000]  }
0x1bc: {  	s11 =	sld [smem:$0x7FB];
	v62 =	vmov v52;
	v52 =	vld [tilespmem:$0x1FEA0];
	v26 =	vadd.f32 v27, v26;
	v27 =	vmul.f32 v30, v35  }
0x1bd: {  	v30 =	vld [tilespmem:s6+$0x1B000]  }
0x1be: {  	v19 =	vmovc v24;
	v24 =	vmovc v7;
	v7 =	vmov v53;
	v53 =	vld [tilespmem:$0x1FE80];
	s6 =	sld [smem:$0x7FA];
	v26 =	vadd.f32 v27, v26;
	v27 =	vmul.f32 v28, v45  }
0x1bf: {  	v28 =	vld [tilespmem:s11+$0x1B000]  }
0x1c0: {  	v26 =	vadd.f32 v27, v26;
	v27 =	vmul.f32 v29, v51  }
0x1c1: {  	v29 =	vld [tilespmem:s6+$0x1B000]  }
0x1c2: {  	v26 =	vadd.f32 v27, v26;
	v27 =	vmul.f32 v30, v52;
	_ =	sdelay $0x1  }
0x1c3: {  	v26 =	vadd.f32 v27, v26;
	v27 =	vmul.f32 v28, v53;
	_ =	sdelay $0x1  }
0x1c4: {  	v26 =	vadd.f32 v27, v26;
	v27 =	vmul.f32 v29, v54;
	_ =	sdelay $0x1  }
0x1c5: {  	s1 =	sld [smem:$0x7F9];
	v26 =	vadd.f32 v27, v26  }
0x1c6: {  	s5 =	sld [smem:$0x7F8]  }
0x1c7: {  	v56 =	vld [tilespmem:$0x1FE70];
	[tilespmem:s8+$0x12040] =	vst v26  }
0x1c8: {  	v26 =	vld [tilespmem:s1+$0x1B000]  }
0x1c9: {  	v27 =	vld [tilespmem:s5+$0x1B000]  }
0x1ca: {  	s6 =	rddreg [dreg:$0x1d]  }
0x1cb: {  	v28 =	vld [tilespmem:s6+$0x1B000]  }
0x1cc: {  	s1 =	rddreg [dreg:$0x18]  }
0x1cd: {  	v29 =	vld [tilespmem:s1+$0x1B000]  }
0x1ce: {  	v63 =	vmovc v8;
	v8 =	vmovc v25;
	v25 =	vmov v59;
	v59 =	vld [tilespmem:$0x1FE90];
	s5 =	rddreg [dreg:$0x16];
	v26 =	vmul.f32 v26, v55;
	v27 =	vmul.f32 v27, v56  }
0x1cf: {  	s6 =	rddreg [dreg:$0x14];
	v30 =	vld [tilespmem:s5+$0x1B000]  }
0x1d0: {  	s1 =	sld [smem:$0x7FD];
	v26 =	vadd.f32 v27, v26;
	v27 =	vmul.f32 v28, v12  }
0x1d1: {  	v28 =	vld [tilespmem:s6+$0x1B000]  }
0x1d2: {  	v26 =	vadd.f32 v27, v26;
	v27 =	vmul.f32 v29, v58  }
0x1d3: {  	v29 =	vld [tilespmem:s1+$0x1B000]  }
0x1d4: {  	v26 =	vadd.f32 v27, v26;
	v27 =	vmul.f32 v30, v59  }
0x1d5: {  	v30 =	vld [tilespmem:s7+$0x1B000]  }
0x1d6: {  	v26 =	vadd.f32 v27, v26;
	v27 =	vmul.f32 v28, v60  }
0x1d7: {  	v28 =	vld [tilespmem:s12+$0x1B000]  }
0x1d8: {  	s6 =	rddreg [dreg:$0x17];
	v26 =	vadd.f32 v27, v26;
	v27 =	vmul.f32 v29, v61  }
0x1d9: {  	v29 =	vld [tilespmem:s6+$0x1B000]  }
0x1da: {  	v26 =	vadd.f32 v27, v26;
	v27 =	vmul.f32 v30, v14  }
0x1db: {  	v30 =	vld [tilespmem:s25+$0x1B000]  }
0x1dc: {  	s1 =	rddreg [dreg:$0x1a];
	v26 =	vadd.f32 v27, v26;
	v27 =	vmul.f32 v28, v16  }
0x1dd: {  	v28 =	vld [tilespmem:s1+$0x1B000]  }
0x1de: {  	v26 =	vadd.f32 v27, v26;
	v27 =	vmul.f32 v29, v20;
	_ =	sdelay $0x1  }
0x1df: {  	v26 =	vadd.f32 v27, v26;
	v27 =	vmul.f32 v30, v22;
	_ =	sdelay $0x1  }
0x1e0: {  	v26 =	vadd.f32 v27, v26;
	v27 =	vmul.f32 v28, v24;
	_ =	sdelay $0x1  }
0x1e1: {  	v26 =	vadd.f32 v27, v26;
	_ =	sdelay $0x1  }
0x1e2: {  	[tilespmem:s8+$0x12060] =	vst v26  }
0x1e3: {  	s5 =	rddreg [dreg:$0x1e];
	v26 =	vld [tilespmem:s16+$0x1B000]  }
0x1e4: {  	v27 =	vld [tilespmem:s5+$0x1B000]  }
0x1e5: {  	s6 =	rddreg [dreg:$0x1f]  }
0x1e6: {  	v28 =	vld [tilespmem:s6+$0x1B000];
	_ =	sdelay $0x1  }
0x1e7: {  	v29 =	vld [tilespmem:s30+$0x1B000]  }
0x1e8: {  	s11 =	sld [smem:$0x7C7];
	v26 =	vmul.f32 v26, v63;
	v27 =	vmul.f32 v27, v13  }
0x1e9: {  	v30 =	vld [tilespmem:s31+$0x1B000]  }
0x1ea: {  	s1 =	sld [smem:$0x7C8];
	v26 =	vadd.f32 v27, v26;
	v27 =	vmul.f32 v28, v10  }
0x1eb: {  	v28 =	vld [tilespmem:s11+$0x1B000]  }
0x1ec: {  	s5 =	sld [smem:$0x7C9];
	v26 =	vadd.f32 v27, v26;
	v27 =	vmul.f32 v29, v11  }
0x1ed: {  	v29 =	vld [tilespmem:s1+$0x1B000]  }
0x1ee: {  	s11 =	sld [smem:$0x7CA];
	v26 =	vadd.f32 v27, v26;
	v27 =	vmul.f32 v30, v62  }
0x1ef: {  	v10 =	vld [tilespmem:s5+$0x1B000]  }
0x1f0: {  	s1 =	sld [smem:$0x7CB];
	v26 =	vadd.f32 v27, v26;
	v27 =	vmul.f32 v28, v57  }
0x1f1: {  	v11 =	vld [tilespmem:s11+$0x1B000]  }
0x1f2: {  	v26 =	vadd.f32 v27, v26;
	v27 =	vmul.f32 v29, v8  }
0x1f3: {  	v57 =	vld [tilespmem:s1+$0x1B000]  }
0x1f4: {  	v26 =	vadd.f32 v27, v26;
	v27 =	vmul.f32 v10, v7;
	_ =	sdelay $0x1  }
0x1f5: {  	v26 =	vadd.f32 v27, v26;
	v27 =	vmul.f32 v11, v6  }
0x1f6: {  	v17 =	vmov v18  }
0x1f7: {  	v26 =	vadd.f32 v27, v26;
	v27 =	vmul.f32 v57, v17;
	_ =	sdelay $0x1  }
0x1f8: {  	s5 =	sld [smem:$0x7CC];
	v26 =	vadd.f32 v27, v26  }
0x1f9: {  	s11 =	sld [smem:$0x7CD]  }
0x1fa: {  	[tilespmem:s8+$0x12080] =	vst v26  }
0x1fb: {  	s1 =	sld [smem:$0x7CE];
	v26 =	vld [tilespmem:s5+$0x1B000]  }
0x1fc: {  	v27 =	vld [tilespmem:s11+$0x1B000]  }
0x1fd: {  	s5 =	sld [smem:$0x7CF]  }
0x1fe: {  	v8 =	vld [tilespmem:s1+$0x1B000]  }
0x1ff: {  	s11 =	sld [smem:$0x7D0]  }
0x200: {  	v10 =	vld [tilespmem:s5+$0x1B000]  }
0x201: {  	s1 =	sld [smem:$0x7D1];
	v26 =	vmul.f32 v26, v4;
	v27 =	vmul.f32 v27, v36  }
0x202: {  	v11 =	vld [tilespmem:s11+$0x1B000]  }
0x203: {  	s5 =	sld [smem:$0x7D2];
	v26 =	vadd.f32 v27, v26;
	v27 =	vmul.f32 v8, v9  }
0x204: {  	v36 =	vld [tilespmem:s1+$0x1B000]  }
0x205: {  	s11 =	sld [smem:$0x7D3];
	v26 =	vadd.f32 v27, v26;
	v27 =	vmul.f32 v10, v21  }
0x206: {  	v57 =	vld [tilespmem:s5+$0x1B000]  }
0x207: {  	s1 =	sld [smem:$0x7D4];
	v26 =	vadd.f32 v27, v26;
	v27 =	vmul.f32 v11, v3  }
0x208: {  	v4 =	vld [tilespmem:s11+$0x1B000]  }
0x209: {  	s5 =	sld [smem:$0x7D5];
	v26 =	vadd.f32 v27, v26;
	v27 =	vmul.f32 v36, v23  }
0x20a: {  	v6 =	vld [tilespmem:s1+$0x1B000]  }
0x20b: {  	s11 =	sld [smem:$0x7D6];
	v26 =	vadd.f32 v27, v26;
	v27 =	vmul.f32 v57, v19  }
0x20c: {  	v7 =	vld [tilespmem:s5+$0x1B000]  }
0x20d: {  	s1 =	sld [smem:$0x7D7];
	v36 =	vld [tilespmem:$0x1FC50];
	v26 =	vadd.f32 v27, v26;
	v27 =	vmul.f32 v4, v15  }
0x20e: {  	v8 =	vld [tilespmem:s11+$0x1B000]  }
0x20f: {  	v26 =	vadd.f32 v27, v26;
	v27 =	vmul.f32 v6, v1;
	v1 =	vld [tilespmem:$0x1FC60]  }
0x210: {  	v9 =	vld [tilespmem:s1+$0x1B000]  }
0x211: {  	v23 =	vld [tilespmem:$0x1FC70]  }
0x212: {  	v26 =	vadd.f32 v27, v26;
	v27 =	vmul.f32 v7, v36;
	_ =	sdelay $0x1  }
0x213: {  	v26 =	vadd.f32 v27, v26;
	v27 =	vmul.f32 v8, v1;
	_ =	sdelay $0x1  }
0x214: {  	v26 =	vadd.f32 v27, v26;
	v27 =	vmul.f32 v9, v23;
	_ =	sdelay $0x1  }
0x215: {  	s5 =	sld [smem:$0x7D8];
	v26 =	vadd.f32 v27, v26  }
0x216: {  	s11 =	sld [smem:$0x7D9];
	v21 =	vld [tilespmem:$0x1FC80]  }
0x217: {  	v15 =	vld [tilespmem:$0x1FC90];
	[tilespmem:s8+$0x120A0] =	vst v26  }
0x218: {  	s1 =	sld [smem:$0x7DA];
	v26 =	vld [tilespmem:s5+$0x1B000]  }
0x219: {  	v27 =	vld [tilespmem:s11+$0x1B000]  }
0x21a: {  	s5 =	sld [smem:$0x7DB]  }
0x21b: {  	v10 =	vld [tilespmem:s1+$0x1B000]  }
0x21c: {  	v3 =	vld [tilespmem:$0x1FCA0];
	s11 =	sld [smem:$0x7DC]  }
0x21d: {  	v11 =	vld [tilespmem:s5+$0x1B000]  }
0x21e: {  	v4 =	vld [tilespmem:$0x1FCB0];
	s1 =	sld [smem:$0x7DD];
	v26 =	vmul.f32 v26, v21;
	v27 =	vmul.f32 v27, v15  }
0x21f: {  	v57 =	vld [tilespmem:s11+$0x1B000]  }
0x220: {  	v26 =	vadd.f32 v27, v26;
	v27 =	vmul.f32 v10, v0  }
0x221: {  	v8 =	vld [tilespmem:s1+$0x1B000]  }
0x222: {  	s5 =	sld [smem:$0x7DE];
	v26 =	vadd.f32 v27, v26;
	v27 =	vmul.f32 v11, v3;
	_ =	sdelay $0x1  }
0x223: {  	v26 =	vadd.f32 v27, v26;
	v27 =	vmul.f32 v57, v4  }
0x224: {  	s11 =	sld [smem:$0x7DF];
	v9 =	vld [tilespmem:s5+$0x1B000]  }
0x225: {  	v26 =	vadd.f32 v27, v26;
	v27 =	vmul.f32 v8, v5;
	v5 =	vld [tilespmem:$0x1FCC0]  }
0x226: {  	v6 =	vld [tilespmem:$0x1FCD0];
	s1 =	sld [smem:$0x7E0]  }
0x227: {  	s5 =	sld [smem:$0x7E1];
	v10 =	vld [tilespmem:s11+$0x1B000]  }
0x228: {  	v7 =	vld [tilespmem:$0x1FCE0]  }
0x229: {  	v11 =	vld [tilespmem:s1+$0x1B000]  }
0x22a: {  	v57 =	vld [tilespmem:s5+$0x1B000];
	v26 =	vadd.f32 v27, v26;
	v27 =	vmul.f32 v9, v5  }
0x22b: {  	v8 =	vld [tilespmem:$0x1FCF0]  }
0x22c: {  	v26 =	vadd.f32 v27, v26;
	v27 =	vmul.f32 v10, v6;
	_ =	sdelay $0x1  }
0x22d: {  	v26 =	vadd.f32 v27, v26;
	v27 =	vmul.f32 v11, v7;
	_ =	sdelay $0x1  }
0x22e: {  	v26 =	vadd.f32 v27, v26;
	v27 =	vmul.f32 v57, v8;
	_ =	sdelay $0x1  }
0x22f: {  	s11 =	sld [smem:$0x7E2];
	v26 =	vadd.f32 v27, v26  }
0x230: {  	s1 =	sld [smem:$0x7E3];
	v9 =	vld [tilespmem:$0x1FD00]  }
0x231: {  	v10 =	vld [tilespmem:$0x1FD10];
	[tilespmem:s8+$0x120C0] =	vst v26  }
0x232: {  	s5 =	sld [smem:$0x7E4];
	v26 =	vld [tilespmem:s11+$0x1B000]  }
0x233: {  	v27 =	vld [tilespmem:s1+$0x1B000]  }
0x234: {  	v11 =	vld [tilespmem:$0x1FD20];
	s11 =	sld [smem:$0x7E5]  }
0x235: {  	v28 =	vld [tilespmem:s5+$0x1B000]  }
0x236: {  	v13 =	vld [tilespmem:$0x1FD30];
	s1 =	sld [smem:$0x7E6]  }
0x237: {  	v57 =	vld [tilespmem:s11+$0x1B000]  }
0x238: {  	v18 =	vmov v16;
	v16 =	vld [tilespmem:$0x1FD40];
	s5 =	sld [smem:$0x7E7];
	v26 =	vmul.f32 v26, v9;
	v27 =	vmul.f32 v27, v10  }
0x239: {  	v30 =	vld [tilespmem:s1+$0x1B000]  }
0x23a: {  	v17 =	vld [tilespmem:$0x1FD50];
	s11 =	sld [smem:$0x7E8];
	v26 =	vadd.f32 v27, v26;
	v27 =	vmul.f32 v28, v11  }
0x23b: {  	v28 =	vld [tilespmem:s5+$0x1B000]  }
0x23c: {  	v19 =	vld [tilespmem:$0x1FD60];
	v26 =	vadd.f32 v27, v26;
	v27 =	vmul.f32 v57, v13  }
0x23d: {  	v57 =	vld [tilespmem:s11+$0x1B000]  }
0x23e: {  	s1 =	sld [smem:$0x7E9];
	v26 =	vadd.f32 v27, v26;
	v27 =	vmul.f32 v30, v16;
	_ =	sdelay $0x1  }
0x23f: {  	v26 =	vadd.f32 v27, v26;
	v27 =	vmul.f32 v28, v17  }
0x240: {  	s5 =	sld [smem:$0x7EA];
	v30 =	vld [tilespmem:s1+$0x1B000]  }
0x241: {  	v26 =	vadd.f32 v27, v26;
	v27 =	vmul.f32 v57, v19;
	v57 =	vld [tilespmem:$0x1FD70]  }
0x242: {  	v0 =	vld [tilespmem:$0x1FD80]  }
0x243: {  	v28 =	vld [tilespmem:s5+$0x1B000]  }
0x244: {  	s11 =	sld [smem:$0x7EB];
	_ =	sdelay $0x1  }
0x245: {  	v26 =	vadd.f32 v27, v26;
	v27 =	vmul.f32 v30, v57  }
0x246: {  	v29 =	vld [tilespmem:s11+$0x1B000]  }
0x247: {  	v26 =	vadd.f32 v27, v26;
	v27 =	vmul.f32 v28, v0;
	v0 =	vld [tilespmem:$0x1FD90]  }
0x248: {  	s1 =	sld [smem:$0x7EC];
	_ =	sdelay $0x2  }
0x249: {  	s5 =	sld [smem:$0x7ED];
	v30 =	vld [tilespmem:s1+$0x1B000]  }
0x24a: {  	v26 =	vadd.f32 v27, v26;
	v27 =	vmul.f32 v29, v0;
	v0 =	vld [tilespmem:$0x1FDA0];
	_ =	sdelay $0x1  }
0x24b: {  	v28 =	vld [tilespmem:s5+$0x1B000];
	_ =	sdelay $0x2  }
0x24c: {  	v26 =	vadd.f32 v27, v26;
	v27 =	vmul.f32 v30, v0;
	_ =	sdelay $0x1  }
0x24d: {  	v26 =	vadd.f32 v27, v26;
	v27 =	vmul.f32 v28, v25;
	_ =	sdelay $0x1  }
0x24e: {  	s11 =	sld [smem:$0x7EE];
	v26 =	vadd.f32 v27, v26;
	_ =	sdelay $0x1  }
0x24f: {  	v0 =	vld [tilespmem:$0x1FDB0];
	[tilespmem:s8+$0x120E0] =	vst v26  }
0x250: {  	v26 =	vld [tilespmem:s11+$0x1B000]  }
0x251: {  	s1 =	sld [smem:$0x7EF];
	_ =	sdelay $0x2  }
0x252: {  	v27 =	vld [tilespmem:s1+$0x1B000]  }
0x253: {  	v26 =	vmul.f32 v26, v0;
	v0 =	vld [tilespmem:$0x1FDC0]  }
0x254: {  	s5 =	sld [smem:$0x7F0];
	_ =	sdelay $0x2  }
0x255: {  	v28 =	vld [tilespmem:s5+$0x1B000]  }
0x256: {  	v27 =	vmul.f32 v27, v0;
	v0 =	vld [tilespmem:$0x1FDD0]  }
0x257: {  	s11 =	sld [smem:$0x7F1];
	_ =	sdelay $0x2  }
0x258: {  	v29 =	vld [tilespmem:s11+$0x1B000]  }
0x259: {  	v26 =	vadd.f32 v27, v26;
	v27 =	vmul.f32 v28, v0;
	v0 =	vld [tilespmem:$0x1FDE0]  }
0x25a: {  	s1 =	sld [smem:$0x7F2];
	_ =	sdelay $0x2  }
0x25b: {  	v30 =	vld [tilespmem:s1+$0x1B000]  }
0x25c: {  	v26 =	vadd.f32 v27, v26;
	v27 =	vmul.f32 v29, v0;
	v0 =	vld [tilespmem:$0x1FDF0]  }
0x25d: {  	s5 =	sld [smem:$0x7F3];
	_ =	sdelay $0x2  }
0x25e: {  	v28 =	vld [tilespmem:s5+$0x1B000]  }
0x25f: {  	v26 =	vadd.f32 v27, v26;
	v27 =	vmul.f32 v30, v0;
	v0 =	vld [tilespmem:$0x1FE00]  }
0x260: {  	s11 =	sld [smem:$0x7F4];
	_ =	sdelay $0x2  }
0x261: {  	s1 =	sld [smem:$0x7F5];
	v29 =	vld [tilespmem:s11+$0x1B000]  }
0x262: {  	v26 =	vadd.f32 v27, v26;
	v27 =	vmul.f32 v28, v0;
	v0 =	vld [tilespmem:$0x1FE10]  }
0x263: {  	v25 =	vld [tilespmem:$0x1FE20]  }
0x264: {  	v30 =	vld [tilespmem:s1+$0x1B000]  }
0x265: {  	s5 =	sld [smem:$0x7F6];
	_ =	sdelay $0x1  }
0x266: {  	v26 =	vadd.f32 v27, v26;
	v27 =	vmul.f32 v29, v0  }
0x267: {  	v28 =	vld [tilespmem:s5+$0x1B000]  }
0x268: {  	v26 =	vadd.f32 v27, v26;
	v27 =	vmul.f32 v30, v25;
	v25 =	vld [tilespmem:$0x1FE30]  }
0x269: {  	s11 =	sld [smem:$0x7F7];
	_ =	sdelay $0x2  }
0x26a: {  	v29 =	vld [tilespmem:s11+$0x1B000]  }
0x26b: {  	v26 =	vadd.f32 v27, v26;
	v27 =	vmul.f32 v28, v25;
	v25 =	vld [tilespmem:$0x1FE40];
	_ =	sdelay $0x4  }
0x26c: {  	v26 =	vadd.f32 v27, v26;
	v27 =	vmul.f32 v29, v25;
	_ =	sdelay $0x1  }
0x26d: {  	v26 =	vadd.f32 v27, v26;
	_ =	sdelay $0x1  }
0x26e: {  	[tilespmem:s8+$0x12100] =	vst v26  }
0x26f: {  	v26 =	vld [tilespmem:s17+$0x1B010]  }
0x270: {  	v27 =	vld [tilespmem:s18+$0x1B010];
	_ =	sdelay $0x1  }
0x271: {  	v28 =	vld [tilespmem:s19+$0x1B010];
	_ =	sdelay $0x1  }
0x272: {  	v29 =	vld [tilespmem:s20+$0x1B010]  }
0x273: {  	v26 =	vmul.f32 v26, v34;
	v27 =	vmul.f32 v27, v33  }
0x274: {  	v34 =	vld [tilespmem:s21+$0x1B010]  }
0x275: {  	v26 =	vadd.f32 v27, v26;
	v27 =	vmul.f32 v28, v40  }
0x276: {  	v40 =	vld [tilespmem:s22+$0x1B010]  }
0x277: {  	v26 =	vadd.f32 v27, v26;
	v27 =	vmul.f32 v29, v43;
	_ =	sdelay $0x1  }
0x278: {  	v26 =	vadd.f32 v27, v26;
	v27 =	vmul.f32 v34, v42;
	_ =	sdelay $0x1  }
0x279: {  	v26 =	vadd.f32 v27, v26;
	v27 =	vmul.f32 v40, v46;
	_ =	sdelay $0x1  }
0x27a: {  	v26 =	vadd.f32 v27, v26;
	_ =	sdelay $0x1  }
0x27b: {  	[tilespmem:s8+$0x12010] =	vst v26  }
0x27c: {  	s5 =	rddreg [dreg:$0xa];
	v26 =	vld [tilespmem:s23+$0x1B010]  }
0x27d: {  	v27 =	vld [tilespmem:s5+$0x1B010];
	_ =	sdelay $0x1  }
0x27e: {  	v33 =	vld [tilespmem:s29+$0x1B010];
	_ =	sdelay $0x1  }
0x27f: {  	v34 =	vld [tilespmem:s24+$0x1B010]  }
0x280: {  	s11 =	smov.u32 s4;
	v26 =	vmul.f32 v26, v37;
	v27 =	vmul.f32 v27, v38  }
0x281: {  	v38 =	vld [tilespmem:s11+$0x1B010]  }
0x282: {  	v26 =	vadd.f32 v27, v26;
	v27 =	vmul.f32 v33, v49  }
0x283: {  	v40 =	vld [tilespmem:s26+$0x1B010]  }
0x284: {  	v26 =	vadd.f32 v27, v26;
	v27 =	vmul.f32 v34, v39  }
0x285: {  	v42 =	vld [tilespmem:s3+$0x1B010]  }
0x286: {  	v26 =	vadd.f32 v27, v26;
	v27 =	vmul.f32 v38, v41  }
0x287: {  	v43 =	vld [tilespmem:s0+$0x1B010]  }
0x288: {  	v26 =	vadd.f32 v27, v26;
	v27 =	vmul.f32 v40, v2;
	_ =	sdelay $0x1  }
0x289: {  	v26 =	vadd.f32 v27, v26;
	v27 =	vmul.f32 v42, v50;
	_ =	sdelay $0x1  }
0x28a: {  	v26 =	vadd.f32 v27, v26;
	v27 =	vmul.f32 v43, v44;
	_ =	sdelay $0x1  }
0x28b: {  	v26 =	vadd.f32 v27, v26;
	_ =	sdelay $0x1  }
0x28c: {  	s21 =	smov.u32 s9;
	[tilespmem:s8+$0x12030] =	vst v26  }
0x28d: {  	s22 =	smov.u32 s2;
	v26 =	vld [tilespmem:s21+$0x1B010]  }
0x28e: {  	v27 =	vld [tilespmem:s22+$0x1B010]  }
0x28f: {  	s1 =	smov.u32 s10  }
0x290: {  	v46 =	vld [tilespmem:s1+$0x1B010]  }
0x291: {  	s2 =	smov.u32 s13  }
0x292: {  	v49 =	vld [tilespmem:s2+$0x1B010]  }
0x293: {  	s10 =	smov.u32 s14;
	v26 =	vmul.f32 v26, v31;
	v27 =	vmul.f32 v27, v32  }
0x294: {  	v50 =	vld [tilespmem:s10+$0x1B010]  }
0x295: {  	s6 =	smov.u32 s12;
	s12 =	smov.u32 s15;
	v26 =	vadd.f32 v27, v26;
	v27 =	vmul.f32 v46, v47  }
0x296: {  	s14 =	sld [smem:$0x7FC];
	v33 =	vld [tilespmem:s12+$0x1B010]  }
0x297: {  	s13 =	rddreg [dreg:$0x1c];
	v26 =	vadd.f32 v27, v26;
	v27 =	vmul.f32 v49, v48  }
0x298: {  	v34 =	vld [tilespmem:s13+$0x1B010]  }
0x299: {  	s15 =	sld [smem:$0x7FB];
	v26 =	vadd.f32 v27, v26;
	v27 =	vmul.f32 v50, v35  }
0x29a: {  	v35 =	vld [tilespmem:s14+$0x1B010]  }
0x29b: {  	s9 =	sld [smem:$0x7FA];
	v26 =	vadd.f32 v27, v26;
	v27 =	vmul.f32 v33, v45  }
0x29c: {  	v37 =	vld [tilespmem:s15+$0x1B010]  }
0x29d: {  	v26 =	vadd.f32 v27, v26;
	v27 =	vmul.f32 v34, v51  }
0x29e: {  	v38 =	vld [tilespmem:s9+$0x1B010]  }
0x29f: {  	v26 =	vadd.f32 v27, v26;
	v27 =	vmul.f32 v35, v52;
	_ =	sdelay $0x1  }
0x2a0: {  	v26 =	vadd.f32 v27, v26;
	v27 =	vmul.f32 v37, v53;
	_ =	sdelay $0x1  }
0x2a1: {  	v26 =	vadd.f32 v27, v26;
	v27 =	vmul.f32 v38, v54;
	_ =	sdelay $0x1  }
0x2a2: {  	s23 =	sld [smem:$0x7F9];
	v26 =	vadd.f32 v27, v26  }
0x2a3: {  	s20 =	sld [smem:$0x7F8]  }
0x2a4: {  	[tilespmem:s8+$0x12050] =	vst v26  }
0x2a5: {  	v26 =	vld [tilespmem:s23+$0x1B010]  }
0x2a6: {  	v27 =	vld [tilespmem:s20+$0x1B010]  }
0x2a7: {  	s18 =	rddreg [dreg:$0x1d]  }
0x2a8: {  	v39 =	vld [tilespmem:s18+$0x1B010]  }
0x2a9: {  	s17 =	rddreg [dreg:$0x18]  }
0x2aa: {  	v40 =	vld [tilespmem:s17+$0x1B010]  }
0x2ab: {  	s19 =	rddreg [dreg:$0x16];
	v26 =	vmul.f32 v26, v55;
	v27 =	vmul.f32 v27, v56  }
0x2ac: {  	s4 =	smov.u32 s25;
	s25 =	rddreg [dreg:$0x14];
	v41 =	vld [tilespmem:s19+$0x1B010]  }
0x2ad: {  	s5 =	sld [smem:$0x7FD];
	v26 =	vadd.f32 v27, v26;
	v27 =	vmul.f32 v39, v12  }
0x2ae: {  	v42 =	vld [tilespmem:s25+$0x1B010]  }
0x2af: {  	v26 =	vadd.f32 v27, v26;
	v27 =	vmul.f32 v40, v58  }
0x2b0: {  	v43 =	vld [tilespmem:s5+$0x1B010]  }
0x2b1: {  	v26 =	vadd.f32 v27, v26;
	v27 =	vmul.f32 v41, v59  }
0x2b2: {  	v45 =	vld [tilespmem:s7+$0x1B010]  }
0x2b3: {  	v26 =	vadd.f32 v27, v26;
	v27 =	vmul.f32 v42, v60  }
0x2b4: {  	v46 =	vld [tilespmem:s6+$0x1B010]  }
0x2b5: {  	s0 =	rddreg [dreg:$0x17];
	v26 =	vadd.f32 v27, v26;
	v27 =	vmul.f32 v43, v61  }
0x2b6: {  	v50 =	vld [tilespmem:s0+$0x1B010]  }
0x2b7: {  	v26 =	vadd.f32 v27, v26;
	v27 =	vmul.f32 v45, v14  }
0x2b8: {  	v49 =	vmov v58;
	v58 =	vld [tilespmem:s4+$0x1B010]  }
0x2b9: {  	s3 =	rddreg [dreg:$0x1a];
	v26 =	vadd.f32 v27, v26;
	v27 =	vmul.f32 v46, v18  }
0x2ba: {  	v59 =	vld [tilespmem:s3+$0x1B010]  }
0x2bb: {  	v26 =	vadd.f32 v27, v26;
	v27 =	vmul.f32 v50, v20;
	_ =	sdelay $0x1  }
0x2bc: {  	v26 =	vadd.f32 v27, v26;
	v27 =	vmul.f32 v58, v22;
	_ =	sdelay $0x1  }
0x2bd: {  	v26 =	vadd.f32 v27, v26;
	v27 =	vmul.f32 v59, v24;
	_ =	sdelay $0x1  }
0x2be: {  	v26 =	vadd.f32 v27, v26;
	_ =	sdelay $0x1  }
0x2bf: {  	v0 =	vld [tilespmem:$0x1FFF0];
	s11 =	rddreg [dreg:$0x1e];
	[tilespmem:s8+$0x12070] =	vst v26  }
0x2c0: {  	v27 =	vld [tilespmem:s11+$0x1B010];
	_ =	sdelay $0x2  }
0x2c1: {  	s13 =	rddreg [dreg:$0x1f];
	v26 =	vld [tilespmem:s16+$0x1B010]  }
0x2c2: {  	v51 =	vmov v60;
	v60 =	vld [tilespmem:s13+$0x1B010]  }
0x2c3: {  	v41 =	vmov v0;
	v27 =	vmul.f32 v27, v0;
	v0 =	vld [tilespmem:$0x1FF80];
	_ =	sdelay $0x2  }
0x2c4: {  	v26 =	vmul.f32 v26, v63  }
0x2c5: {  	v53 =	vmov v61;
	v61 =	vld [tilespmem:s30+$0x1B010]  }
0x2c6: {  	v26 =	vadd.f32 v27, v26;
	v38 =	vmov v0;
	v27 =	vmul.f32 v60, v0;
	v0 =	vld [tilespmem:$0x1FF70]  }
0x2c7: {  	s21 =	sld [smem:$0x7C7];
	_ =	sdelay $0x1  }
0x2c8: {  	v33 =	vld [tilespmem:s31+$0x1B010]  }
0x2c9: {  	v35 =	vld [tilespmem:s21+$0x1B010]  }
0x2ca: {  	v26 =	vadd.f32 v27, v26;
	v50 =	vmov v0;
	v27 =	vmul.f32 v61, v0;
	v0 =	vld [tilespmem:$0x1FF60]  }
0x2cb: {  	s23 =	sld [smem:$0x7C8];
	_ =	sdelay $0x1  }
0x2cc: {  	v26 =	vadd.f32 v27, v26;
	v27 =	vmul.f32 v33, v62  }
0x2cd: {  	v39 =	vld [tilespmem:s23+$0x1B010]  }
0x2ce: {  	v26 =	vadd.f32 v27, v26;
	v58 =	vmov v0;
	v27 =	vmul.f32 v35, v0;
	v0 =	vld [tilespmem:$0x1FF90]  }
0x2cf: {  	s24 =	sld [smem:$0x7C9];
	_ =	sdelay $0x2  }
0x2d0: {  	v48 =	vmov v55;
	v55 =	vld [tilespmem:s24+$0x1B010]  }
0x2d1: {  	v26 =	vadd.f32 v27, v26;
	v45 =	vmov v0;
	v27 =	vmul.f32 v39, v0;
	v0 =	vld [tilespmem:$0x1FFE0]  }
0x2d2: {  	s26 =	sld [smem:$0x7CA];
	_ =	sdelay $0x2  }
0x2d3: {  	v33 =	vld [tilespmem:s26+$0x1B010]  }
0x2d4: {  	v26 =	vadd.f32 v27, v26;
	v60 =	vmov v0;
	v27 =	vmul.f32 v55, v0;
	v0 =	vld [tilespmem:$0x1FFD0]  }
0x2d5: {  	s29 =	sld [smem:$0x7CB];
	_ =	sdelay $0x2  }
0x2d6: {  	v35 =	vld [tilespmem:s29+$0x1B010]  }
0x2d7: {  	v26 =	vadd.f32 v27, v26;
	v61 =	vmov v0;
	v27 =	vmul.f32 v33, v0;
	v0 =	vld [tilespmem:$0x1FFC0];
	_ =	sdelay $0x4  }
0x2d8: {  	v26 =	vadd.f32 v27, v26;
	v27 =	vmul.f32 v35, v0;
	_ =	sdelay $0x1  }
0x2d9: {  	s0 =	sld [smem:$0x7CC];
	v26 =	vadd.f32 v27, v26;
	_ =	sdelay $0x1  }
0x2da: {  	v37 =	vmov v18;
	v18 =	vmov v0;
	v0 =	vld [tilespmem:$0x1FFB0];
	[tilespmem:s8+$0x12090] =	vst v26  }
0x2db: {  	v26 =	vld [tilespmem:s0+$0x1B010]  }
0x2dc: {  	s1 =	sld [smem:$0x7CD];
	_ =	sdelay $0x2  }
0x2dd: {  	v27 =	vld [tilespmem:s1+$0x1B010]  }
0x2de: {  	v52 =	vmov v62;
	v62 =	vmov v0;
	v26 =	vmul.f32 v26, v0;
	v0 =	vld [tilespmem:$0x1FF20]  }
0x2df: {  	s2 =	sld [smem:$0x7CE];
	_ =	sdelay $0x2  }
0x2e0: {  	v39 =	vld [tilespmem:s2+$0x1B010]  }
0x2e1: {  	v44 =	vmov v12;
	v12 =	vmov v0;
	v27 =	vmul.f32 v27, v0;
	v0 =	vld [tilespmem:$0x1FF50]  }
0x2e2: {  	s3 =	sld [smem:$0x7CF];
	_ =	sdelay $0x2  }
0x2e3: {  	v46 =	vld [tilespmem:s3+$0x1B010]  }
0x2e4: {  	v43 =	vmovc v20;
	v26 =	vadd.f32 v27, v26;
	v20 =	vmov v0;
	v27 =	vmul.f32 v39, v0;
	v0 =	vld [tilespmem:$0x1FEF0]  }
0x2e5: {  	s5 =	sld [smem:$0x7D0];
	_ =	sdelay $0x2  }
0x2e6: {  	v59 =	vld [tilespmem:s5+$0x1B010]  }
0x2e7: {  	v26 =	vadd.f32 v27, v26;
	v55 =	vmov v0;
	v27 =	vmul.f32 v46, v0;
	v0 =	vld [tilespmem:$0x1FF40]  }
0x2e8: {  	s12 =	smov.u32 s6;
	s6 =	sld [smem:$0x7D1];
	_ =	sdelay $0x2  }
0x2e9: {  	v42 =	vmov v63;
	v63 =	vld [tilespmem:s6+$0x1B010]  }
0x2ea: {  	v40 =	vmovc v22;
	v26 =	vadd.f32 v27, v26;
	v22 =	vmov v0;
	v27 =	vmul.f32 v59, v0;
	v0 =	vld [tilespmem:$0x1FEE0]  }
0x2eb: {  	s20 =	smov.u32 s7;
	s7 =	sld [smem:$0x7D2];
	_ =	sdelay $0x2  }
0x2ec: {  	v33 =	vld [tilespmem:s7+$0x1B010]  }
0x2ed: {  	v26 =	vadd.f32 v27, v26;
	v56 =	vmov v0;
	v27 =	vmul.f32 v63, v0;
	v0 =	vld [tilespmem:$0x1FF30]  }
0x2ee: {  	s9 =	sld [smem:$0x7D3];
	_ =	sdelay $0x2  }
0x2ef: {  	v35 =	vld [tilespmem:s9+$0x1B010]  }
0x2f0: {  	v34 =	vmovc v24;
	v26 =	vadd.f32 v27, v26;
	v24 =	vmov v0;
	v27 =	vmul.f32 v33, v0;
	v0 =	vld [tilespmem:$0x1FF00]  }
0x2f1: {  	s10 =	sld [smem:$0x7D4];
	_ =	sdelay $0x2  }
0x2f2: {  	s11 =	sld [smem:$0x7D5];
	v39 =	vld [tilespmem:s10+$0x1B010]  }
0x2f3: {  	v47 =	vmovc v54;
	v54 =	vmovc v14;
	v26 =	vadd.f32 v27, v26;
	v14 =	vmov v0;
	v27 =	vmul.f32 v35, v0;
	v0 =	vld [tilespmem:$0x1FF10]  }
0x2f4: {  	s13 =	sld [smem:$0x7D6]  }
0x2f5: {  	v46 =	vld [tilespmem:s11+$0x1B010]  }
0x2f6: {  	s14 =	sld [smem:$0x7D7]  }
0x2f7: {  	v59 =	vld [tilespmem:s13+$0x1B010]  }
0x2f8: {  	v26 =	vadd.f32 v27, v26;
	v27 =	vmul.f32 v39, v0  }
0x2f9: {  	v32 =	vld [tilespmem:s14+$0x1B010]  }
0x2fa: {  	v26 =	vadd.f32 v27, v26;
	v27 =	vmul.f32 v46, v36;
	_ =	sdelay $0x1  }
0x2fb: {  	v26 =	vadd.f32 v27, v26;
	v27 =	vmul.f32 v59, v1;
	_ =	sdelay $0x1  }
0x2fc: {  	v26 =	vadd.f32 v27, v26;
	v27 =	vmul.f32 v32, v23;
	_ =	sdelay $0x1  }
0x2fd: {  	s15 =	sld [smem:$0x7D8];
	v26 =	vadd.f32 v27, v26  }
0x2fe: {  	s22 =	smov.u32 s16;
	s16 =	sld [smem:$0x7D9]  }
0x2ff: {  	[tilespmem:s8+$0x120B0] =	vst v26  }
0x300: {  	s17 =	sld [smem:$0x7DA];
	v26 =	vld [tilespmem:s15+$0x1B010]  }
0x301: {  	v27 =	vld [tilespmem:s16+$0x1B010]  }
0x302: {  	s18 =	sld [smem:$0x7DB];
	v63 =	vmov v0;
	v0 =	vld [tilespmem:$0x1FEC0]  }
0x303: {  	v33 =	vld [tilespmem:s17+$0x1B010];
	_ =	sdelay $0x1  }
0x304: {  	s19 =	sld [smem:$0x7DC];
	v35 =	vld [tilespmem:s18+$0x1B010]  }
0x305: {  	s21 =	sld [smem:$0x7DD];
	v26 =	vmul.f32 v26, v21;
	v27 =	vmul.f32 v27, v15;
	_ =	sdelay $0x1  }
0x306: {  	v36 =	vld [tilespmem:s19+$0x1B010];
	v26 =	vadd.f32 v27, v26;
	v27 =	vmul.f32 v33, v0  }
0x307: {  	s23 =	sld [smem:$0x7DE];
	v39 =	vld [tilespmem:s21+$0x1B010]  }
0x308: {  	v26 =	vadd.f32 v27, v26;
	v27 =	vmul.f32 v35, v3;
	v3 =	vld [tilespmem:$0x1FED0]  }
0x309: {  	s24 =	sld [smem:$0x7DF]  }
0x30a: {  	v46 =	vld [tilespmem:s23+$0x1B010]  }
0x30b: {  	s26 =	sld [smem:$0x7E0];
	v26 =	vadd.f32 v27, v26;
	v27 =	vmul.f32 v36, v4  }
0x30c: {  	v59 =	vld [tilespmem:s24+$0x1B010]  }
0x30d: {  	s29 =	sld [smem:$0x7E1];
	v26 =	vadd.f32 v27, v26;
	v27 =	vmul.f32 v39, v3  }
0x30e: {  	v33 =	vld [tilespmem:s26+$0x1B010]  }
0x30f: {  	v26 =	vadd.f32 v27, v26;
	v27 =	vmul.f32 v46, v5  }
0x310: {  	v35 =	vld [tilespmem:s29+$0x1B010]  }
0x311: {  	v26 =	vadd.f32 v27, v26;
	v27 =	vmul.f32 v59, v6;
	_ =	sdelay $0x1  }
0x312: {  	v26 =	vadd.f32 v27, v26;
	v27 =	vmul.f32 v33, v7;
	_ =	sdelay $0x1  }
0x313: {  	v26 =	vadd.f32 v27, v26;
	v27 =	vmul.f32 v35, v8;
	_ =	sdelay $0x1  }
0x314: {  	s0 =	sld [smem:$0x7E2];
	v26 =	vadd.f32 v27, v26  }
0x315: {  	s1 =	sld [smem:$0x7E3]  }
0x316: {  	[tilespmem:s8+$0x120D0] =	vst v26  }
0x317: {  	s2 =	sld [smem:$0x7E4];
	v26 =	vld [tilespmem:s0+$0x1B010]  }
0x318: {  	v27 =	vld [tilespmem:s1+$0x1B010]  }
0x319: {  	s3 =	sld [smem:$0x7E5]  }
0x31a: {  	v36 =	vld [tilespmem:s2+$0x1B010]  }
0x31b: {  	s5 =	sld [smem:$0x7E6]  }
0x31c: {  	v39 =	vld [tilespmem:s3+$0x1B010]  }
0x31d: {  	s6 =	sld [smem:$0x7E7];
	v26 =	vmul.f32 v26, v9;
	v27 =	vmul.f32 v27, v10  }
0x31e: {  	v46 =	vld [tilespmem:s5+$0x1B010]  }
0x31f: {  	s7 =	sld [smem:$0x7E8];
	v26 =	vadd.f32 v27, v26;
	v27 =	vmul.f32 v36, v11  }
0x320: {  	v59 =	vld [tilespmem:s6+$0x1B010]  }
0x321: {  	s9 =	sld [smem:$0x7E9];
	v26 =	vadd.f32 v27, v26;
	v27 =	vmul.f32 v39, v13  }
0x322: {  	v4 =	vld [tilespmem:s7+$0x1B010]  }
0x323: {  	s10 =	sld [smem:$0x7EA];
	v26 =	vadd.f32 v27, v26;
	v27 =	vmul.f32 v46, v16  }
0x324: {  	v5 =	vld [tilespmem:s9+$0x1B010]  }
0x325: {  	v1 =	vmovc v0;
	v0 =	vmov v3;
	v3 =	vld [tilespmem:$0x1FD80];
	v26 =	vadd.f32 v27, v26;
	v27 =	vmul.f32 v59, v17  }
0x326: {  	v6 =	vld [tilespmem:s10+$0x1B010]  }
0x327: {  	s11 =	sld [smem:$0x7EB];
	v26 =	vadd.f32 v27, v26;
	v27 =	vmul.f32 v4, v19;
	_ =	sdelay $0x1  }
0x328: {  	v26 =	vadd.f32 v27, v26;
	v27 =	vmul.f32 v5, v57  }
0x329: {  	v7 =	vld [tilespmem:s11+$0x1B010]  }
0x32a: {  	v26 =	vadd.f32 v27, v26;
	v27 =	vmul.f32 v6, v3;
	v3 =	vld [tilespmem:$0x1FD90]  }
0x32b: {  	s13 =	sld [smem:$0x7EC];
	_ =	sdelay $0x2  }
0x32c: {  	v8 =	vld [tilespmem:s13+$0x1B010]  }
0x32d: {  	v26 =	vadd.f32 v27, v26;
	v27 =	vmul.f32 v7, v3;
	v3 =	vld [tilespmem:$0x1FDA0]  }
0x32e: {  	s14 =	sld [smem:$0x7ED];
	_ =	sdelay $0x2  }
0x32f: {  	v9 =	vld [tilespmem:s14+$0x1B010]  }
0x330: {  	v26 =	vadd.f32 v27, v26;
	v27 =	vmul.f32 v8, v3;
	v3 =	vld [tilespmem:$0x1FFA0];
	_ =	sdelay $0x4  }
0x331: {  	v26 =	vadd.f32 v27, v26;
	v27 =	vmul.f32 v9, v3;
	_ =	sdelay $0x1  }
0x332: {  	s15 =	sld [smem:$0x7EE];
	v26 =	vadd.f32 v27, v26;
	_ =	sdelay $0x1  }
0x333: {  	v59 =	vmov v3;
	v3 =	vld [tilespmem:$0x1FDB0];
	[tilespmem:s8+$0x120F0] =	vst v26  }
0x334: {  	v26 =	vld [tilespmem:s15+$0x1B010]  }
0x335: {  	s16 =	sld [smem:$0x7EF];
	_ =	sdelay $0x2  }
0x336: {  	v27 =	vld [tilespmem:s16+$0x1B010]  }
0x337: {  	v26 =	vmul.f32 v26, v3;
	v3 =	vld [tilespmem:$0x1FDC0]  }
0x338: {  	s17 =	sld [smem:$0x7F0];
	_ =	sdelay $0x2  }
0x339: {  	v10 =	vld [tilespmem:s17+$0x1B010]  }
0x33a: {  	v27 =	vmul.f32 v27, v3;
	v3 =	vld [tilespmem:$0x1FDD0]  }
0x33b: {  	s18 =	sld [smem:$0x7F1];
	_ =	sdelay $0x2  }
0x33c: {  	v11 =	vld [tilespmem:s18+$0x1B010]  }
0x33d: {  	v26 =	vadd.f32 v27, v26;
	v27 =	vmul.f32 v10, v3;
	v3 =	vld [tilespmem:$0x1FDE0]  }
0x33e: {  	s19 =	sld [smem:$0x7F2];
	_ =	sdelay $0x2  }
0x33f: {  	v33 =	vld [tilespmem:s19+$0x1B010]  }
0x340: {  	v26 =	vadd.f32 v27, v26;
	v27 =	vmul.f32 v11, v3;
	v3 =	vld [tilespmem:$0x1FDF0]  }
0x341: {  	s21 =	sld [smem:$0x7F3];
	_ =	sdelay $0x2  }
0x342: {  	v35 =	vld [tilespmem:s21+$0x1B010]  }
0x343: {  	v26 =	vadd.f32 v27, v26;
	v27 =	vmul.f32 v33, v3;
	v3 =	vld [tilespmem:$0x1FE00]  }
0x344: {  	s23 =	sld [smem:$0x7F4];
	_ =	sdelay $0x2  }
0x345: {  	s24 =	sld [smem:$0x7F5];
	v36 =	vld [tilespmem:s23+$0x1B010]  }
0x346: {  	v26 =	vadd.f32 v27, v26;
	v27 =	vmul.f32 v35, v3;
	v3 =	vld [tilespmem:$0x1FE10]  }
0x347: {  	v25 =	vld [tilespmem:$0x1FE20]  }
0x348: {  	v39 =	vld [tilespmem:s24+$0x1B010]  }
0x349: {  	s26 =	sld [smem:$0x7F6];
	_ =	sdelay $0x1  }
0x34a: {  	v26 =	vadd.f32 v27, v26;
	v27 =	vmul.f32 v36, v3  }
0x34b: {  	v46 =	vld [tilespmem:s26+$0x1B010]  }
0x34c: {  	v26 =	vadd.f32 v27, v26;
	v27 =	vmul.f32 v39, v25;
	v25 =	vld [tilespmem:$0x1FE30]  }
0x34d: {  	s29 =	sld [smem:$0x7F7];
	_ =	sdelay $0x2  }
0x34e: {  	v57 =	vld [tilespmem:s29+$0x1B010]  }
0x34f: {  	v26 =	vadd.f32 v27, v26;
	v27 =	vmul.f32 v46, v25;
	v25 =	vld [tilespmem:$0x1FE40]  }
0x350: {  	s28 =	sld [smem:$0x7BD];
	_ =	sdelay $0x2  }
0x351: {  	p0 =	sne.s32 s28, $0x23B80  }
.Ltmp0:
0x352: {  	v26 =	vadd.f32 v27, v26;
	v27 =	vmul.f32 v57, v25;
	(pc) =	sbr.rel @p0 .LBB2_3-.Ltmp0, $3  }
0x353: {  	_ = 	snop  }
0x354: {  	v26 =	vadd.f32 v27, v26;
	_ =	sdelay $0x1  }
0x355: {  	s28 =	sadd.s32 $0x480, s28;
	s25 =	smov.u32 s4;
	[tilespmem:s8+$0x12110] =	vst v26  }
0x356: {  	s8 =	sld [smem:$0x7BF];
	_ =	sdelay $0x1  }
0x357: {  	s7 =	rddreg [dreg:$0x6]  }
0x358: {  	s28 =	simm.s32 $0x0;
	s11 =	simm.s32 $0x12000;
	s7 =	sadd.s32 s7, s8  }
0x359: {  	[hbm4b:s7+s28] =	stream.linear.scatter [tilespmem:s11], [sflag:$0x1], $0x9000, $0x38;
	[tilespmem:$0x1BAE0] =	vst v63  }
0x35a: {  	s7 =	simm.s32 $0x1  }
0x35b: {  	_ =	swait.ge [sflag:s7], $0x9000  }
0x35c: {  	s29 =	sld [smem:$0x7BE];
	_ =	sdelay $0x2  }
0x35d: {  	s8 =	sadd.s32 $0x1, s29  }
0x35e: {  	p0 =	sne.s32 s8, $0x4  }
.Ltmp1:
0x35f: {  	_ = 	snop;
	(pc) =	sbr.rel @p0 .LBB2_2-.Ltmp1, $3  }
0x360: {  	_ =	sdelay $0x1  }
0x361: {  	[sflag:s7] =	ssyncset.done $0x0  }
0x362: {  	[sflag:s7] =	ssyncadd.s32 $0xFFFF7000  }
0x363: {  	s1 =	rddreg [dreg:$0x9]  }
0x364: {  	s0 =	rddreg [dreg:$0x8];
	s1 =	sadd.s32 $0x1, s1  }
0x365: {  	p0 =	sne.s32 s1, s0  }
.Ltmp2:
0x366: {  	_ = 	snop;
	(pc) =	sbr.rel @p0 .LBB2_1-.Ltmp2, $1  }
0x367: {  	_ =	sdelay $0x3  }
0x368: {  	_ =	sfence.sel $0x180000  }
0x369: {  	[bflag:$0x0] =	sbarrier.arrive $0xFFFF  }
0x36a: {  	_ =	strace $0x90000047  }
0x36b: {  	s0 =	stileid.u32;
	[bflag:$0x2] =	sbarrier.arrive $0xFFFF  }
0x36c: {  	p0 =	sne.s32 s0, $0x0;
	s0 =	rddreg [dreg:$0x4]  }
0x36d: {  	s0 =	sadd.s32 @!p0 $0x100000, s0  }
0x36e: {  	[sflag:s0] =	ssyncadd.tile.s32 @!p0 $0x1;
	_ =	shalt  }
.Lfunc_end2:
_tile_overlayer_lowered:
.L_overlay_start_2:
0x36f: {  	(tag) =	ssettag $0x2  }
0x370: {  	s0 =	rddreg [dreg:$0x0];
	s2 =	stileid.u32  }
0x371: {  	s1 =	rddreg [dreg:$0x1];
	p0 =	sne.s32 s2, $0x0  }
0x372: {  	s3 =	rddreg [dreg:$0x2];
	[bflag:$0x3] =	sbarrier.arrive $0xFFFF;
	s2 =	simm.s32 @!p0 $0x1C01  }
0x373: {  	[timem:s3], [sflag:s2] =	dma.local @!p0 [hbm:s0], s1  }
0x374: {  	s0 =	simm.s32 @!p0 $0x1  }
0x375: {  	_ =	swait.ge @!p0 [sflag:s0], s1  }
0x376: {  	s1 =	ssub.s32 @!p0 $0x0, s1;
	[sflag:s0] =	ssyncset.done @!p0 $0x0  }
0x377: {  	[sflag:s0] =	ssyncadd.s32 @!p0 s1  }
0x378: {  	[bflag:$0x3] =	sbarrier.arrive $0xFFFF  }
0x379: {  	_ =	shalt  }

</sc_bundles>
